<compile_context>
chip_gen: v7x
topology: tpu7x:2x2x1
jax: 0.10.2.dev20260603
libtpu: 0.0.44.dev20260713+nightly
codegen_flags: <defaults>
</compile_context>

<pallas_src>
import functools

import jax
import jax.numpy as jnp
from jax.experimental import pallas as pl
from jax.experimental.pallas import tpu as pltpu
from jax.experimental.pallas import tpu_sc as plsc

_K = 256
_T = 512
_HOP = 128
_B = 8
_NEG = float("-inf")

def _encode_body(frames_ref, w_ref, bnd_ref, codes_ref):
    feats = jnp.dot(frames_ref[...], w_ref[...],
                    preferred_element_type=jnp.float32)
    cnt = jnp.sum((bnd_ref[...] < feats).astype(jnp.int32), axis=1, keepdims=True)
    codes_ref[...] = jnp.broadcast_to(cnt, codes_ref.shape)


def _scan_body(codes_ref, prior0_ref, prior1_ref, lik_ref,
               bps_ref, t0_ref, t1_ref,
               scores_smem, x0_smem, x1_smem, a_scr, p1_scr):
    t = pl.program_id(0)
    lane128 = jax.lax.broadcasted_iota(jnp.int32, (1, 128), 1)
    laneK = jax.lax.broadcasted_iota(jnp.int32, (1, _K), 1)

    def emit(winners, row):
        accb = jnp.zeros((1, 128), jnp.int32)
        acci = jnp.zeros((1, 128), jnp.int32)
        accj = jnp.zeros((1, 128), jnp.int32)
        for k, (_, b_, i_, j_) in enumerate(winners):
            accb = jnp.where(lane128 == k, b_, accb)
            acci = jnp.where(lane128 == k, i_, acci)
            accj = jnp.where(lane128 == k, j_, accj)
        bps_ref[pl.ds(row, 1), :] = accb
        t0_ref[pl.ds(row, 1), :] = acci
        t1_ref[pl.ds(row, 1), :] = accj
        for k, (v_, b_, i_, j_) in enumerate(winners):
            scores_smem[k] = v_
            x0_smem[k] = i_
            x1_smem[k] = j_

    @pl.when(t == 0)
    def _init():
        p0row = prior0_ref[0:1, :]
        p1row = prior1_ref[0:1, :]
        p0col = jnp.transpose(p0row)
        tmp = (p0col + p1row) + lik_ref[0]
        rowmax = jnp.transpose(jnp.max(tmp, axis=1, keepdims=True))
        winners = []
        for k in range(_B):
            m = jnp.max(rowmax)
            i_ = jnp.min(jnp.where(rowmax == m, laneK, _K))
            lrow = lik_ref[0, pl.ds(i_, 1), :]
            p0s = jnp.sum(jnp.where(laneK == i_, p0row, 0.0))
            rowv = (p0s + p1row) + lrow
            for (_, _, pi, pj) in winners:
                rowv = jnp.where((pi == i_) & (laneK == pj), _NEG, rowv)
            mv = jnp.max(rowv)
            j_ = jnp.min(jnp.where(rowv == mv, laneK, _K))
            nm = jnp.max(jnp.where(laneK == j_, _NEG, rowv))
            rowmax = jnp.where(laneK == i_, nm, rowmax)
            winners.append((mv, k, i_, j_))
        emit(winners, 0)

    @pl.when(t > 0)
    def _step():
        s = [scores_smem[b] for b in range(_B)]
        p1rows = []
        for b in range(_B):
            p0r = prior0_ref[pl.ds(x0_smem[b], 1), :]
            p1r = prior1_ref[pl.ds(x1_smem[b], 1), :]
            a_scr[pl.ds(b, 1), :] = s[b] + p0r
            p1_scr[pl.ds(b, 1), :] = p1r
            p1rows.append(p1r)
        A = a_scr[...]
        AT = jnp.transpose(A)
        L = lik_ref[0]
        rmcols = []
        for b in range(_B):
            tmp = (AT[:, b:b + 1] + p1rows[b]) + L
            rmcols.append(jnp.max(tmp, axis=1, keepdims=True))
        rowmax0 = jnp.transpose(jnp.concatenate(rmcols, axis=1))
        brow = jax.lax.broadcasted_iota(jnp.int32, (_B, _K), 0)
        icol = jax.lax.broadcasted_iota(jnp.int32, (_B, _K), 1)
        flat = brow * _K + icol

        def vmax2(x):
            return jnp.max(jnp.max(x, axis=1, keepdims=True),
                           axis=0, keepdims=True)

        def vmin2(x):
            return jnp.min(jnp.min(x, axis=1, keepdims=True),
                           axis=0, keepdims=True)

        def gather_row(ridx):
            b_ = ridx // _K
            i_ = ridx % _K
            arow = a_scr[pl.ds(b_, 1), :]
            base = jnp.sum(jnp.where(laneK == i_, arow, 0.0))
            p1r = p1_scr[pl.ds(b_, 1), :]
            lrow = lik_ref[0, pl.ds(i_, 1), :]
            return (base + p1r) + lrow

        rm = rowmax0
        ms = []
        for k in range(_B):
            m = vmax2(rm)
            ms.append(m)
            rm = jnp.where(rm == m, _NEG, rm)
        fidxs = [vmin2(jnp.where(rowmax0 == ms[k], flat, _B * _K))
                 for k in range(_B)]
        c1 = sum(jnp.sum(jnp.where(rowmax0 == ms[k], 1.0, 0.0))
                 for k in range(_B))

        rows = []
        rowflats = []
        for k in range(_B):
            ridx = jnp.sum(fidxs[k])
            rows.append(gather_row(ridx))
            rowflats.append(jnp.broadcast_to(ridx * _K, (1, _K)) + laneK)
        RR = jnp.concatenate(rows, axis=0)
        FF = jnp.concatenate(rowflats, axis=0)

        rr = RR
        m3 = []
        for k in range(_B):
            m = vmax2(rr)
            m3.append(m)
            rr = jnp.where(rr == m, _NEG, rr)
        f3 = [vmin2(jnp.where(RR == m3[k], FF, _B * _K * _K))
              for k in range(_B)]
        c3 = sum(jnp.sum(jnp.where(RR == m3[k], 1.0, 0.0))
                 for k in range(_B))

        winners = []
        for k in range(_B):
            v_ = jnp.sum(m3[k])
            f_ = jnp.sum(f3[k])
            b_ = f_ // (_K * _K)
            i_ = (f_ // _K) % _K
            j_ = f_ % _K
            winners.append((v_, b_, i_, j_))
        emit(winners, t)

        @pl.when((c1 != 8.0) | (c3 != 8.0))
        def _slow():
            rowmax = rowmax0
            rowsel = []
            for k in range(_B):
                m = vmax2(rowmax)
                fidx = vmin2(jnp.where(rowmax == m, flat, _B * _K))
                rowmax = jnp.where(flat == fidx, _NEG, rowmax)
                rowsel.append(fidx)
            rows2 = []
            rowflats2 = []
            for k in range(_B):
                ridx = jnp.sum(rowsel[k])
                rows2.append(gather_row(ridx))
                rowflats2.append(
                    jnp.broadcast_to(ridx * _K, (1, _K)) + laneK)
            RR2 = jnp.concatenate(rows2, axis=0)
            FF2 = jnp.concatenate(rowflats2, axis=0)
            wins_v = []
            wins_f = []
            for k in range(_B):
                m = vmax2(RR2)
                fidx = vmin2(jnp.where(RR2 == m, FF2, _B * _K * _K))
                RR2 = jnp.where(FF2 == fidx, _NEG, RR2)
                wins_v.append(m)
                wins_f.append(fidx)
            winners2 = []
            for k in range(_B):
                v_ = jnp.sum(wins_v[k])
                f_ = jnp.sum(wins_f[k])
                b_ = f_ // (_K * _K)
                i_ = (f_ // _K) % _K
                j_ = f_ % _K
                winners2.append((v_, b_, i_, j_))
            emit(winners2, t)


def _run_encode(mixture, w_enc, boundaries):
    frames = mixture.reshape(_T, _HOP)
    w2 = w_enc.reshape(_HOP, 1)
    bnd = jnp.concatenate(
        [boundaries, jnp.full((1,), jnp.inf, jnp.float32)]).reshape(1, _K)
    codes2d = pl.pallas_call(
        _encode_body,
        out_shape=jax.ShapeDtypeStruct((_T, 128), jnp.int32),
    )(frames, w2, bnd)
    return codes2d[:, 0]


def _run_scan(codes, prior0, prior1, lik):
    return pl.pallas_call(
        _scan_body,
        grid_spec=pltpu.PrefetchScalarGridSpec(
            num_scalar_prefetch=1,
            grid=(_T,),
            in_specs=[
                pl.BlockSpec((_K, _K), lambda t, c: (0, 0)),
                pl.BlockSpec((_K, _K), lambda t, c: (0, 0)),
                pl.BlockSpec((1, _K, _K), lambda t, c: (c[t], 0, 0)),
            ],
            out_specs=[
                pl.BlockSpec((_T, 128), lambda t, c: (0, 0)),
                pl.BlockSpec((_T, 128), lambda t, c: (0, 0)),
                pl.BlockSpec((_T, 128), lambda t, c: (0, 0)),
            ],
            scratch_shapes=[
                pltpu.SMEM((_B,), jnp.float32),
                pltpu.SMEM((_B,), jnp.int32),
                pltpu.SMEM((_B,), jnp.int32),
                pltpu.VMEM((_B, _K), jnp.float32),
                pltpu.VMEM((_B, _K), jnp.float32),
            ],
        ),
        out_shape=[jax.ShapeDtypeStruct((_T, 128), jnp.int32)] * 3,
    )(codes, prior0, prior1, lik)


def _sc_mesh():
    return plsc.VectorSubcoreMesh(core_axis_name="c", subcore_axis_name="s")


def _run_backtrack_sc(bps, t0s, t1s):
    bp = bps[:, :_B].reshape(-1)
    t0 = t0s[:, :_B].reshape(-1)
    t1 = t1s[:, :_B].reshape(-1)
    n = _B * _T
    npad = n + 16

    @functools.partial(
        pl.kernel, mesh=_sc_mesh(),
        out_type=[jax.ShapeDtypeStruct((16 * _T,), jnp.int32)] * 2,
        scratch_types=[pltpu.VMEM((npad,), jnp.int32)] * 3
        + [pltpu.VMEM((16 * _T,), jnp.int32)] * 2,
    )
    def bt(bp_hbm, t0_hbm, t1_hbm, x0_hbm, x1_hbm, bpv, t0v, t1v, x0v, x1v):
        wid = jax.lax.axis_index("s") * 2 + jax.lax.axis_index("c")

        @pl.when(wid == 0)
        def _():
            pltpu.sync_copy(bp_hbm, bpv.at[pl.ds(0, n)])
            pltpu.sync_copy(t0_hbm, t0v.at[pl.ds(0, n)])
            pltpu.sync_copy(t1_hbm, t1v.at[pl.ds(0, n)])
            lane = jax.lax.iota(jnp.int32, 16)
            msk = lane < _B
            beam0 = jnp.where(msk, lane, 0)

            def body(m, beam):
                r = (_T - 1) - m
                row0 = t0v[pl.ds(r * _B, 16)]
                row1 = t1v[pl.ds(r * _B, 16)]
                rowb = bpv[pl.ds(r * _B, 16)]
                x0v[pl.ds(r * 16, 16)] = row0.at[beam].get(
                    mode="promise_in_bounds")
                x1v[pl.ds(r * 16, 16)] = row1.at[beam].get(
                    mode="promise_in_bounds")
                nb = rowb.at[beam].get(mode="promise_in_bounds")
                return jnp.where(msk, nb, 0)

            jax.lax.fori_loop(0, _T, body, beam0, unroll=8)
            pltpu.sync_copy(x0v, x0_hbm)
            pltpu.sync_copy(x1v, x1_hbm)

    x0f, x1f = bt(bp, t0, t1)
    x0s = x0f.reshape(_T, 16)[:, :_B].T
    x1s = x1f.reshape(_T, 16)[:, :_B].T
    return x0s, x1s


def _run_decode_sc(x0s, x1s, decode_table):
    toks = jnp.concatenate([x0s.reshape(-1), x1s.reshape(-1)])
    n = toks.shape[0]
    nw = 32
    bpw = n // nw

    @functools.partial(
        pl.kernel, mesh=_sc_mesh(),
        out_type=jax.ShapeDtypeStruct((n, _HOP), jnp.float32),
        scratch_types=[
            pltpu.VMEM((bpw,), jnp.int32),
            pltpu.VMEM((bpw, _HOP), jnp.float32),
            pltpu.SemaphoreType.DMA,
        ],
    )
    def dec(tok_hbm, table_hbm, out_hbm, idx_v, rows_v, sem):
        wid = jax.lax.axis_index("s") * 2 + jax.lax.axis_index("c")
        base = wid * bpw
        pltpu.sync_copy(tok_hbm.at[pl.ds(base, bpw)], idx_v)
        pltpu.async_copy(table_hbm.at[idx_v], rows_v, sem).wait()
        pltpu.sync_copy(rows_v, out_hbm.at[pl.ds(base, bpw)])

    dec_out = dec(toks, decode_table)
    half = n // 2
    d0 = dec_out[:half].reshape(_B, _T * _HOP)
    d1 = dec_out[half:].reshape(_B, _T * _HOP)
    return (d0, d1)


def kernel(mixture, w_enc, boundaries, prior0, prior1, lik, decode_table):
    codes = _run_encode(mixture, w_enc, boundaries)
    bps, t0s, t1s = _run_scan(codes, prior0, prior1, lik)
    x0s, x1s = _run_backtrack_sc(bps, t0s, t1s)
    return _run_decode_sc(x0s, x1s, decode_table)

# --- scband reference (transcript-rebuilt; emitter-appended) ---
"""Pipeline reference for scband-beamsearch-separator-23055384445853 (READ-ONLY COPY).

The authoritative reference and input builder live on the scoring server;
editing this copy changes nothing except your own understanding.
"""

import jax, jax.numpy as jnp
import numpy as np

K = 256
T = 512
HOP = 128
B = 8


def setup_inputs(seed: int = 0) -> dict:
    key = jax.random.key(seed)
    ks = jax.random.split(key, 7)
    mixture = jax.random.normal(ks[0], (T * HOP,), dtype=jnp.float32)
    w_enc = jax.random.normal(ks[1], (HOP,), dtype=jnp.float32) / np.sqrt(HOP)
    boundaries = jnp.sort(jax.random.normal(ks[2], (K - 1,), dtype=jnp.float32))
    prior0 = jax.random.normal(ks[3], (K, K), dtype=jnp.float32)
    prior1 = jax.random.normal(ks[4], (K, K), dtype=jnp.float32)
    lik = jax.random.normal(ks[5], (K, K, K), dtype=jnp.float32) * 0.1
    decode_table = jax.random.normal(ks[6], (K, HOP), dtype=jnp.float32)
    return {"mixture": mixture, "w_enc": w_enc, "boundaries": boundaries,
            "prior0": prior0, "prior1": prior1, "lik": lik,
            "decode_table": decode_table}


def reference(mixture, w_enc, boundaries, prior0, prior1, lik, decode_table):
    # encode_fn: frame mixture, project, bucketize into VQ codes
    frames = mixture.reshape(T, HOP)
    feats = frames @ w_enc
    codes = jnp.clip(jnp.searchsorted(boundaries, feats), 0, K - 1).astype(jnp.int32)

    # fast_beamsearch_separation: joint beam search over (x0, x1) token pairs
    init_scores = prior0[0][:, None] + prior1[0][None, :] + lik[codes[0]]
    top_scores, top_idx = jax.lax.top_k(init_scores.reshape(-1), B)
    init_t0 = (top_idx // K).astype(jnp.int32)
    init_t1 = (top_idx % K).astype(jnp.int32)

    def step(carry, m_t):
        scores, x0_prev, x1_prev = carry
        cand = (scores[:, None, None]
                + prior0[x0_prev][:, :, None]
                + prior1[x1_prev][:, None, :]
                + lik[m_t][None, :, :])
        top_s, top_i = jax.lax.top_k(cand.reshape(-1), B)
        beam_idx = (top_i // (K * K)).astype(jnp.int32)
        rem = top_i % (K * K)
        t0 = (rem // K).astype(jnp.int32)
        t1 = (rem % K).astype(jnp.int32)
        return (top_s, t0, t1), (beam_idx, t0, t1)

    (_, _, _), (bps, toks0, toks1) = jax.lax.scan(
        step, (top_scores, init_t0, init_t1), codes[1:])

    # backtrack beam pointers to recover full sequences
    def back(beam, xs):
        bp, t0, t1 = xs
        return bp[beam], (t0[beam], t1[beam])

    beam0, (seq0, seq1) = jax.lax.scan(
        back, jnp.arange(B, dtype=jnp.int32), (bps, toks0, toks1), reverse=True)

    x0 = jnp.concatenate([init_t0[beam0][:, None], seq0.T], axis=1)
    x1 = jnp.concatenate([init_t1[beam0][:, None], seq1.T], axis=1)

    # decode_fn applied per beam: codebook lookup -> waveform [B, 65536]
    decode_x0 = decode_table[x0].reshape(B, T * HOP)
    decode_x1 = decode_table[x1].reshape(B, T * HOP)
    return (decode_x0, decode_x1)

if __name__ == "__main__":
    import jax
    _d = setup_inputs()
    print(jax.jit(kernel)(*tuple(_d.values())))

</pallas_src>

<mosaic_0001>
#map = affine_map<(d0, d1) -> (0)>
#map1 = affine_map<(d0, d1) -> (0, 0)>
module attributes {stable_mosaic.version = 14 : i64} {
  func.func @dec(%arg0: i32, %arg1: i32, %arg2: memref<8192xi32, #tpu.memory_space<hbm>>, %arg3: memref<256x128xf32, #tpu.memory_space<hbm>>, %arg4: memref<8192x128xf32, #tpu.memory_space<hbm>>, %arg5: memref<256xi32, #tpu.memory_space<vmem>>, %arg6: memref<256x128xf32, #tpu.memory_space<vmem>>, %arg7: memref<!tpu.dma_semaphore, #tpu.memory_space<semaphore_mem>>) attributes {dimension_semantics = [#tpu.dimension_semantics<core_parallel>, #tpu.dimension_semantics<subcore_parallel>], iteration_bounds = array<i64: 2, 16>, scalar_prefetch = 0 : i64, scratch_operands = 3 : i64, tpu.core_type = #tpu.core_type<sc_vector_subcore>, window_params = [{transform_indices = #map}, {transform_indices = #map1}, {transform_indices = #map1}]} {
    %mul3A = arith.constant 2 : i32
    %mul3A_0 = arith.muli %arg1, %mul3A : i32
    %add3A = arith.addi %mul3A_0, %arg0 : i32
    %mul3A_1 = arith.constant 256 : i32
    %mul3A_2 = arith.muli %add3A, %mul3A_1 : i32
    "tpu.region"() ({
      %run_scoped3A = tpu.sem_alloc : memref<!tpu.dma_semaphore, #tpu.memory_space<semaphore_mem>>
      %dma_start3A_7 = tpu.memref_slice %arg2[%mul3A_2] : memref<8192xi32, #tpu.memory_space<hbm>> -> memref<256xi32, #tpu.memory_space<hbm>>
      %dma_start3A_8 = tpu.memref_slice %arg2[%mul3A_2] : memref<8192xi32, #tpu.memory_space<hbm>> -> memref<256xi32, #tpu.memory_space<hbm>>
      tpu.enqueue_dma source(%dma_start3A_8 : memref<256xi32, #tpu.memory_space<hbm>>) target(%arg5 : memref<256xi32, #tpu.memory_space<vmem>>) target_semaphore(%run_scoped3A : memref<!tpu.dma_semaphore, #tpu.memory_space<semaphore_mem>>)
      %dma_wait3A_9 = tpu.memref_slice %arg2[%mul3A_2] : memref<8192xi32, #tpu.memory_space<hbm>> -> memref<256xi32, #tpu.memory_space<hbm>>
      %dma_wait3A_10 = tpu.memref_slice %arg2[%mul3A_2] : memref<8192xi32, #tpu.memory_space<hbm>> -> memref<256xi32, #tpu.memory_space<hbm>>
      tpu.wait_dma2 semaphore(%run_scoped3A : memref<!tpu.dma_semaphore, #tpu.memory_space<semaphore_mem>>) src(%dma_wait3A_10 : memref<256xi32, #tpu.memory_space<hbm>>) dst(%arg5 : memref<256xi32, #tpu.memory_space<vmem>>)
      tpu.yield
    }) : () -> ()
    %dma_start3A = arith.constant 0 : i32
    %dma_start3A_3 = arith.constant 0 : i32
    %dma_start3A_4 = tpu.memref_slice %arg3[%dma_start3A, %dma_start3A_3] : memref<256x128xf32, #tpu.memory_space<hbm>> -> memref<256x128xf32, #tpu.memory_space<hbm>>
    tpu.enqueue_indirect_dma source(%dma_start3A_4 : memref<256x128xf32, #tpu.memory_space<hbm>>) target(%arg6 : memref<256x128xf32, #tpu.memory_space<vmem>>) offsets(%arg5 : memref<256xi32, #tpu.memory_space<vmem>>) semaphore(%arg7 : memref<!tpu.dma_semaphore, #tpu.memory_space<semaphore_mem>>)
    %dma_wait3A = arith.constant 0 : i32
    %dma_wait3A_5 = arith.constant 0 : i32
    %dma_wait3A_6 = tpu.memref_slice %arg3[%dma_wait3A, %dma_wait3A_5] : memref<256x128xf32, #tpu.memory_space<hbm>> -> memref<256x128xf32, #tpu.memory_space<hbm>>
    tpu.wait_indirect_dma semaphore(%arg7 : memref<!tpu.dma_semaphore, #tpu.memory_space<semaphore_mem>>) src(%dma_wait3A_6 : memref<256x128xf32, #tpu.memory_space<hbm>>) dst(%arg6 : memref<256x128xf32, #tpu.memory_space<vmem>>)
    "tpu.region"() ({
      %run_scoped3A = tpu.sem_alloc : memref<!tpu.dma_semaphore, #tpu.memory_space<semaphore_mem>>
      %dma_start3A_7 = arith.constant 0 : i32
      %dma_start3A_8 = tpu.memref_slice %arg4[%mul3A_2, %dma_start3A_7] : memref<8192x128xf32, #tpu.memory_space<hbm>> -> memref<256x128xf32, #tpu.memory_space<hbm>>
      %dma_start3A_9 = arith.constant 0 : i32
      %dma_start3A_10 = tpu.memref_slice %arg4[%mul3A_2, %dma_start3A_9] : memref<8192x128xf32, #tpu.memory_space<hbm>> -> memref<256x128xf32, #tpu.memory_space<hbm>>
      tpu.enqueue_dma source(%arg6 : memref<256x128xf32, #tpu.memory_space<vmem>>) target(%dma_start3A_10 : memref<256x128xf32, #tpu.memory_space<hbm>>) target_semaphore(%run_scoped3A : memref<!tpu.dma_semaphore, #tpu.memory_space<semaphore_mem>>)
      %dma_wait3A_11 = arith.constant 0 : i32
      %dma_wait3A_12 = tpu.memref_slice %arg4[%mul3A_2, %dma_wait3A_11] : memref<8192x128xf32, #tpu.memory_space<hbm>> -> memref<256x128xf32, #tpu.memory_space<hbm>>
      %dma_wait3A_13 = arith.constant 0 : i32
      %dma_wait3A_14 = tpu.memref_slice %arg4[%mul3A_2, %dma_wait3A_13] : memref<8192x128xf32, #tpu.memory_space<hbm>> -> memref<256x128xf32, #tpu.memory_space<hbm>>
      tpu.wait_dma2 semaphore(%run_scoped3A : memref<!tpu.dma_semaphore, #tpu.memory_space<semaphore_mem>>) src(%arg6 : memref<256x128xf32, #tpu.memory_space<vmem>>) dst(%dma_wait3A_14 : memref<256x128xf32, #tpu.memory_space<hbm>>)
      tpu.yield
    }) : () -> ()
    return
  }
}

#map = affine_map<(d0, d1) -> (0)>
module attributes {stable_mosaic.version = 14 : i64} {
  func.func @bt(%arg0: i32, %arg1: i32, %arg2: memref<4096xi32, #tpu.memory_space<hbm>>, %arg3: memref<4096xi32, #tpu.memory_space<hbm>>, %arg4: memref<4096xi32, #tpu.memory_space<hbm>>, %arg5: memref<8192xi32, #tpu.memory_space<hbm>>, %arg6: memref<8192xi32, #tpu.memory_space<hbm>>, %arg7: memref<4112xi32, #tpu.memory_space<vmem>>, %arg8: memref<4112xi32, #tpu.memory_space<vmem>>, %arg9: memref<4112xi32, #tpu.memory_space<vmem>>, %arg10: memref<8192xi32, #tpu.memory_space<vmem>>, %arg11: memref<8192xi32, #tpu.memory_space<vmem>>) attributes {dimension_semantics = [#tpu.dimension_semantics<core_parallel>, #tpu.dimension_semantics<subcore_parallel>], iteration_bounds = array<i64: 2, 16>, scalar_prefetch = 0 : i64, scratch_operands = 5 : i64, tpu.core_type = #tpu.core_type<sc_vector_subcore>, window_params = [{transform_indices = #map}, {transform_indices = #map}, {transform_indices = #map}, {transform_indices = #map}, {transform_indices = #map}]} {
    %mul3A = arith.constant 2 : i32
    %mul3A_0 = arith.muli %arg1, %mul3A : i32
    %add3A = arith.addi %mul3A_0, %arg0 : i32
    %eq3A = arith.constant 0 : i32
    %eq3A_1 = arith.cmpi eq, %add3A, %eq3A : i32
    %convert_element_type3A = arith.extui %eq3A_1 : i1 to i32
    %cond3A = arith.constant 0 : i32
    %cond3A_2 = arith.cmpi ne, %convert_element_type3A, %cond3A : i32
    scf.if %cond3A_2 {
      "tpu.region"() ({
        %run_scoped3A = tpu.sem_alloc : memref<!tpu.dma_semaphore, #tpu.memory_space<semaphore_mem>>
        %dma_start3A = arith.constant 0 : i32
        %dma_start3A_10 = tpu.memref_slice %arg7[%dma_start3A] : memref<4112xi32, #tpu.memory_space<vmem>> -> memref<4096xi32, #tpu.memory_space<vmem>>
        %dma_start3A_11 = arith.constant 0 : i32
        %dma_start3A_12 = tpu.memref_slice %arg7[%dma_start3A_11] : memref<4112xi32, #tpu.memory_space<vmem>> -> memref<4096xi32, #tpu.memory_space<vmem>>
        tpu.enqueue_dma source(%arg2 : memref<4096xi32, #tpu.memory_space<hbm>>) target(%dma_start3A_12 : memref<4096xi32, #tpu.memory_space<vmem>>) target_semaphore(%run_scoped3A : memref<!tpu.dma_semaphore, #tpu.memory_space<semaphore_mem>>)
        %dma_wait3A = arith.constant 0 : i32
        %dma_wait3A_13 = tpu.memref_slice %arg7[%dma_wait3A] : memref<4112xi32, #tpu.memory_space<vmem>> -> memref<4096xi32, #tpu.memory_space<vmem>>
        %dma_wait3A_14 = arith.constant 0 : i32
        %dma_wait3A_15 = tpu.memref_slice %arg7[%dma_wait3A_14] : memref<4112xi32, #tpu.memory_space<vmem>> -> memref<4096xi32, #tpu.memory_space<vmem>>
        tpu.wait_dma2 semaphore(%run_scoped3A : memref<!tpu.dma_semaphore, #tpu.memory_space<semaphore_mem>>) src(%arg2 : memref<4096xi32, #tpu.memory_space<hbm>>) dst(%dma_wait3A_15 : memref<4096xi32, #tpu.memory_space<vmem>>)
        tpu.yield
      }) : () -> ()
      "tpu.region"() ({
        %run_scoped3A = tpu.sem_alloc : memref<!tpu.dma_semaphore, #tpu.memory_space<semaphore_mem>>
        %dma_start3A = arith.constant 0 : i32
        %dma_start3A_10 = tpu.memref_slice %arg8[%dma_start3A] : memref<4112xi32, #tpu.memory_space<vmem>> -> memref<4096xi32, #tpu.memory_space<vmem>>
        %dma_start3A_11 = arith.constant 0 : i32
        %dma_start3A_12 = tpu.memref_slice %arg8[%dma_start3A_11] : memref<4112xi32, #tpu.memory_space<vmem>> -> memref<4096xi32, #tpu.memory_space<vmem>>
        tpu.enqueue_dma source(%arg3 : memref<4096xi32, #tpu.memory_space<hbm>>) target(%dma_start3A_12 : memref<4096xi32, #tpu.memory_space<vmem>>) target_semaphore(%run_scoped3A : memref<!tpu.dma_semaphore, #tpu.memory_space<semaphore_mem>>)
        %dma_wait3A = arith.constant 0 : i32
        %dma_wait3A_13 = tpu.memref_slice %arg8[%dma_wait3A] : memref<4112xi32, #tpu.memory_space<vmem>> -> memref<4096xi32, #tpu.memory_space<vmem>>
        %dma_wait3A_14 = arith.constant 0 : i32
        %dma_wait3A_15 = tpu.memref_slice %arg8[%dma_wait3A_14] : memref<4112xi32, #tpu.memory_space<vmem>> -> memref<4096xi32, #tpu.memory_space<vmem>>
        tpu.wait_dma2 semaphore(%run_scoped3A : memref<!tpu.dma_semaphore, #tpu.memory_space<semaphore_mem>>) src(%arg3 : memref<4096xi32, #tpu.memory_space<hbm>>) dst(%dma_wait3A_15 : memref<4096xi32, #tpu.memory_space<vmem>>)
        tpu.yield
      }) : () -> ()
      "tpu.region"() ({
        %run_scoped3A = tpu.sem_alloc : memref<!tpu.dma_semaphore, #tpu.memory_space<semaphore_mem>>
        %dma_start3A = arith.constant 0 : i32
        %dma_start3A_10 = tpu.memref_slice %arg9[%dma_start3A] : memref<4112xi32, #tpu.memory_space<vmem>> -> memref<4096xi32, #tpu.memory_space<vmem>>
        %dma_start3A_11 = arith.constant 0 : i32
        %dma_start3A_12 = tpu.memref_slice %arg9[%dma_start3A_11] : memref<4112xi32, #tpu.memory_space<vmem>> -> memref<4096xi32, #tpu.memory_space<vmem>>
        tpu.enqueue_dma source(%arg4 : memref<4096xi32, #tpu.memory_space<hbm>>) target(%dma_start3A_12 : memref<4096xi32, #tpu.memory_space<vmem>>) target_semaphore(%run_scoped3A : memref<!tpu.dma_semaphore, #tpu.memory_space<semaphore_mem>>)
        %dma_wait3A = arith.constant 0 : i32
        %dma_wait3A_13 = tpu.memref_slice %arg9[%dma_wait3A] : memref<4112xi32, #tpu.memory_space<vmem>> -> memref<4096xi32, #tpu.memory_space<vmem>>
        %dma_wait3A_14 = arith.constant 0 : i32
        %dma_wait3A_15 = tpu.memref_slice %arg9[%dma_wait3A_14] : memref<4112xi32, #tpu.memory_space<vmem>> -> memref<4096xi32, #tpu.memory_space<vmem>>
        tpu.wait_dma2 semaphore(%run_scoped3A : memref<!tpu.dma_semaphore, #tpu.memory_space<semaphore_mem>>) src(%arg4 : memref<4096xi32, #tpu.memory_space<hbm>>) dst(%dma_wait3A_15 : memref<4096xi32, #tpu.memory_space<vmem>>)
        tpu.yield
      }) : () -> ()
      %iota3A = tpu.iota {dimensions = array<i32: 0>} : vector<16xi32>
      %lt3A = arith.constant 8 : i32
      %lt3A_3 = vector.broadcast %lt3A : i32 to vector<16xi32>
      %lt3A_4 = arith.cmpi slt, %iota3A, %lt3A_3 : vector<16xi32>
      %jit3A = arith.constant 0 : i32
      %broadcast_in_dim3A = vector.broadcast %jit3A : i32 to vector<16xi32>
      %select_n3A = arith.select %lt3A_4, %iota3A, %broadcast_in_dim3A : vector<16xi1>, vector<16xi32>
      %scan3A = arith.constant 0 : i32
      %scan3A_5 = arith.constant 512 : i32
      %scan3A_6 = arith.addi %scan3A, %scan3A_5 : i32
      %scan3A_7 = arith.constant 8 : i32
      %scan3A_8 = scf.for %scan3A_10 = %scan3A to %scan3A_6 step %scan3A_7 iter_args(%scan3A_11 = %select_n3A) -> (vector<16xi32>)  : i32 {
        %sub3A = arith.constant 511 : i32
        %sub3A_12 = arith.subi %sub3A, %scan3A_10 : i32
        %mul3A_13 = arith.constant 8 : i32
        %mul3A_14 = arith.muli %sub3A_12, %mul3A_13 : i32
        %get3A = arith.index_cast %mul3A_14 : i32 to index
        %get3A_15 = tpu.vector_load %arg8[%get3A] {strides = array<i32>} : memref<4112xi32, #tpu.memory_space<vmem>>, vector<16xi32>,
        %get3A_16 = vector.shape_cast %get3A_15 : vector<16xi32> to vector<16xi32>
        %mul3A_17 = arith.constant 8 : i32
        %mul3A_18 = arith.muli %sub3A_12, %mul3A_17 : i32
        %get3A_19 = arith.index_cast %mul3A_18 : i32 to index
        %get3A_20 = tpu.vector_load %arg9[%get3A_19] {strides = array<i32>} : memref<4112xi32, #tpu.memory_space<vmem>>, vector<16xi32>,
        %get3A_21 = vector.shape_cast %get3A_20 : vector<16xi32> to vector<16xi32>
        %mul3A_22 = arith.constant 8 : i32
        %mul3A_23 = arith.muli %sub3A_12, %mul3A_22 : i32
        %get3A_24 = arith.index_cast %mul3A_23 : i32 to index
        %get3A_25 = tpu.vector_load %arg7[%get3A_24] {strides = array<i32>} : memref<4112xi32, #tpu.memory_space<vmem>>, vector<16xi32>,
        %get3A_26 = vector.shape_cast %get3A_25 : vector<16xi32> to vector<16xi32>
        %lt3A_27 = arith.constant 0 : i32
        %lt3A_28 = vector.broadcast %lt3A_27 : i32 to vector<16xi32>
        %lt3A_29 = arith.cmpi slt, %scan3A_11, %lt3A_28 : vector<16xi32>
        %add3A_30 = arith.constant 16 : i32
        %add3A_31 = vector.broadcast %add3A_30 : i32 to vector<16xi32>
        %add3A_32 = arith.addi %scan3A_11, %add3A_31 : vector<16xi32>
        %select_n3A_33 = arith.select %lt3A_29, %add3A_32, %scan3A_11 : vector<16xi1>, vector<16xi32>
        %broadcast_in_dim3A_34 = vector.shape_cast %select_n3A_33 : vector<16xi32> to vector<16x1xi32>
        %gather3A = vector.shape_cast %broadcast_in_dim3A_34 : vector<16x1xi32> to vector<16xi32>
        %gather3A_35 = tpu.dynamic_gather %get3A_16[%gather3A] in [0] : vector<16xi32>, vector<16xi32> -> vector<16xi32>
        %mul3A_36 = arith.constant 16 : i32
        %mul3A_37 = arith.muli %sub3A_12, %mul3A_36 : i32
        %swap3A = arith.index_cast %mul3A_37 : i32 to index
        %swap3A_38 = tpu.vector_load %arg10[%swap3A] {strides = array<i32>} : memref<8192xi32, #tpu.memory_space<vmem>>, vector<16xi32>,
        %swap3A_39 = vector.shape_cast %swap3A_38 : vector<16xi32> to vector<16xi32>
        %swap3A_40 = vector.shape_cast %gather3A_35 : vector<16xi32> to vector<16xi32>
        tpu.vector_store %arg10[%swap3A], %swap3A_40 {strides = array<i32>} : memref<8192xi32, #tpu.memory_space<vmem>>, vector<16xi32>,
        %lt3A_41 = arith.constant 0 : i32
        %lt3A_42 = vector.broadcast %lt3A_41 : i32 to vector<16xi32>
        %lt3A_43 = arith.cmpi slt, %scan3A_11, %lt3A_42 : vector<16xi32>
        %add3A_44 = arith.constant 16 : i32
        %add3A_45 = vector.broadcast %add3A_44 : i32 to vector<16xi32>
        %add3A_46 = arith.addi %scan3A_11, %add3A_45 : vector<16xi32>
        %select_n3A_47 = arith.select %lt3A_43, %add3A_46, %scan3A_11 : vector<16xi1>, vector<16xi32>
        %broadcast_in_dim3A_48 = vector.shape_cast %select_n3A_47 : vector<16xi32> to vector<16x1xi32>
        %gather3A_49 = vector.shape_cast %broadcast_in_dim3A_48 : vector<16x1xi32> to vector<16xi32>
        %gather3A_50 = tpu.dynamic_gather %get3A_21[%gather3A_49] in [0] : vector<16xi32>, vector<16xi32> -> vector<16xi32>
        %mul3A_51 = arith.constant 16 : i32
        %mul3A_52 = arith.muli %sub3A_12, %mul3A_51 : i32
        %swap3A_53 = arith.index_cast %mul3A_52 : i32 to index
        %swap3A_54 = tpu.vector_load %arg11[%swap3A_53] {strides = array<i32>} : memref<8192xi32, #tpu.memory_space<vmem>>, vector<16xi32>,
        %swap3A_55 = vector.shape_cast %swap3A_54 : vector<16xi32> to vector<16xi32>
        %swap3A_56 = vector.shape_cast %gather3A_50 : vector<16xi32> to vector<16xi32>
        tpu.vector_store %arg11[%swap3A_53], %swap3A_56 {strides = array<i32>} : memref<8192xi32, #tpu.memory_space<vmem>>, vector<16xi32>,
        %lt3A_57 = arith.constant 0 : i32
        %lt3A_58 = vector.broadcast %lt3A_57 : i32 to vector<16xi32>
        %lt3A_59 = arith.cmpi slt, %scan3A_11, %lt3A_58 : vector<16xi32>
        %add3A_60 = arith.constant 16 : i32
        %add3A_61 = vector.broadcast %add3A_60 : i32 to vector<16xi32>
        %add3A_62 = arith.addi %scan3A_11, %add3A_61 : vector<16xi32>
        %select_n3A_63 = arith.select %lt3A_59, %add3A_62, %scan3A_11 : vector<16xi1>, vector<16xi32>
        %broadcast_in_dim3A_64 = vector.shape_cast %select_n3A_63 : vector<16xi32> to vector<16x1xi32>
        %gather3A_65 = vector.shape_cast %broadcast_in_dim3A_64 : vector<16x1xi32> to vector<16xi32>
        %gather3A_66 = tpu.dynamic_gather %get3A_26[%gather3A_65] in [0] : vector<16xi32>, vector<16xi32> -> vector<16xi32>
        %jit3A_67 = arith.constant 0 : i32
        %broadcast_in_dim3A_68 = vector.broadcast %jit3A_67 : i32 to vector<16xi32>
        %select_n3A_69 = arith.select %lt3A_4, %gather3A_66, %broadcast_in_dim3A_68 : vector<16xi1>, vector<16xi32>
        %scan3A_70 = arith.constant 1 : i32
        %scan3A_71 = arith.addi %scan3A_10, %scan3A_70 : i32
        %sub3A_72 = arith.constant 511 : i32
        %sub3A_73 = arith.subi %sub3A_72, %scan3A_71 : i32
        %mul3A_74 = arith.constant 8 : i32
        %mul3A_75 = arith.muli %sub3A_73, %mul3A_74 : i32
        %get3A_76 = arith.index_cast %mul3A_75 : i32 to index
        %get3A_77 = tpu.vector_load %arg8[%get3A_76] {strides = array<i32>} : memref<4112xi32, #tpu.memory_space<vmem>>, vector<16xi32>,
        %get3A_78 = vector.shape_cast %get3A_77 : vector<16xi32> to vector<16xi32>
        %mul3A_79 = arith.constant 8 : i32
        %mul3A_80 = arith.muli %sub3A_73, %mul3A_79 : i32
        %get3A_81 = arith.index_cast %mul3A_80 : i32 to index
        %get3A_82 = tpu.vector_load %arg9[%get3A_81] {strides = array<i32>} : memref<4112xi32, #tpu.memory_space<vmem>>, vector<16xi32>,
        %get3A_83 = vector.shape_cast %get3A_82 : vector<16xi32> to vector<16xi32>
        %mul3A_84 = arith.constant 8 : i32
        %mul3A_85 = arith.muli %sub3A_73, %mul3A_84 : i32
        %get3A_86 = arith.index_cast %mul3A_85 : i32 to index
        %get3A_87 = tpu.vector_load %arg7[%get3A_86] {strides = array<i32>} : memref<4112xi32, #tpu.memory_space<vmem>>, vector<16xi32>,
        %get3A_88 = vector.shape_cast %get3A_87 : vector<16xi32> to vector<16xi32>
        %lt3A_89 = arith.constant 0 : i32
        %lt3A_90 = vector.broadcast %lt3A_89 : i32 to vector<16xi32>
        %lt3A_91 = arith.cmpi slt, %select_n3A_69, %lt3A_90 : vector<16xi32>
        %add3A_92 = arith.constant 16 : i32
        %add3A_93 = vector.broadcast %add3A_92 : i32 to vector<16xi32>
        %add3A_94 = arith.addi %select_n3A_69, %add3A_93 : vector<16xi32>
        %select_n3A_95 = arith.select %lt3A_91, %add3A_94, %select_n3A_69 : vector<16xi1>, vector<16xi32>
        %broadcast_in_dim3A_96 = vector.shape_cast %select_n3A_95 : vector<16xi32> to vector<16x1xi32>
        %gather3A_97 = vector.shape_cast %broadcast_in_dim3A_96 : vector<16x1xi32> to vector<16xi32>
        %gather3A_98 = tpu.dynamic_gather %get3A_78[%gather3A_97] in [0] : vector<16xi32>, vector<16xi32> -> vector<16xi32>
        %mul3A_99 = arith.constant 16 : i32
        %mul3A_100 = arith.muli %sub3A_73, %mul3A_99 : i32
        %swap3A_101 = arith.index_cast %mul3A_100 : i32 to index
        %swap3A_102 = tpu.vector_load %arg10[%swap3A_101] {strides = array<i32>} : memref<8192xi32, #tpu.memory_space<vmem>>, vector<16xi32>,
        %swap3A_103 = vector.shape_cast %swap3A_102 : vector<16xi32> to vector<16xi32>
        %swap3A_104 = vector.shape_cast %gather3A_98 : vector<16xi32> to vector<16xi32>
        tpu.vector_store %arg10[%swap3A_101], %swap3A_104 {strides = array<i32>} : memref<8192xi32, #tpu.memory_space<vmem>>, vector<16xi32>,
        %lt3A_105 = arith.constant 0 : i32
        %lt3A_106 = vector.broadcast %lt3A_105 : i32 to vector<16xi32>
        %lt3A_107 = arith.cmpi slt, %select_n3A_69, %lt3A_106 : vector<16xi32>
        %add3A_108 = arith.constant 16 : i32
        %add3A_109 = vector.broadcast %add3A_108 : i32 to vector<16xi32>
        %add3A_110 = arith.addi %select_n3A_69, %add3A_109 : vector<16xi32>
        %select_n3A_111 = arith.select %lt3A_107, %add3A_110, %select_n3A_69 : vector<16xi1>, vector<16xi32>
        %broadcast_in_dim3A_112 = vector.shape_cast %select_n3A_111 : vector<16xi32> to vector<16x1xi32>
        %gather3A_113 = vector.shape_cast %broadcast_in_dim3A_112 : vector<16x1xi32> to vector<16xi32>
        %gather3A_114 = tpu.dynamic_gather %get3A_83[%gather3A_113] in [0] : vector<16xi32>, vector<16xi32> -> vector<16xi32>
        %mul3A_115 = arith.constant 16 : i32
        %mul3A_116 = arith.muli %sub3A_73, %mul3A_115 : i32
        %swap3A_117 = arith.index_cast %mul3A_116 : i32 to index
        %swap3A_118 = tpu.vector_load %arg11[%swap3A_117] {strides = array<i32>} : memref<8192xi32, #tpu.memory_space<vmem>>, vector<16xi32>,
        %swap3A_119 = vector.shape_cast %swap3A_118 : vector<16xi32> to vector<16xi32>
        %swap3A_120 = vector.shape_cast %gather3A_114 : vector<16xi32> to vector<16xi32>
        tpu.vector_store %arg11[%swap3A_117], %swap3A_120 {strides = array<i32>} : memref<8192xi32, #tpu.memory_space<vmem>>, vector<16xi32>,
        %lt3A_121 = arith.constant 0 : i32
        %lt3A_122 = vector.broadcast %lt3A_121 : i32 to vector<16xi32>
        %lt3A_123 = arith.cmpi slt, %select_n3A_69, %lt3A_122 : vector<16xi32>
        %add3A_124 = arith.constant 16 : i32
        %add3A_125 = vector.broadcast %add3A_124 : i32 to vector<16xi32>
        %add3A_126 = arith.addi %select_n3A_69, %add3A_125 : vector<16xi32>
        %select_n3A_127 = arith.select %lt3A_123, %add3A_126, %select_n3A_69 : vector<16xi1>, vector<16xi32>
        %broadcast_in_dim3A_128 = vector.shape_cast %select_n3A_127 : vector<16xi32> to vector<16x1xi32>
        %gather3A_129 = vector.shape_cast %broadcast_in_dim3A_128 : vector<16x1xi32> to vector<16xi32>
        %gather3A_130 = tpu.dynamic_gather %get3A_88[%gather3A_129] in [0] : vector<16xi32>, vector<16xi32> -> vector<16xi32>
        %jit3A_131 = arith.constant 0 : i32
        %broadcast_in_dim3A_132 = vector.broadcast %jit3A_131 : i32 to vector<16xi32>
        %select_n3A_133 = arith.select %lt3A_4, %gather3A_130, %broadcast_in_dim3A_132 : vector<16xi1>, vector<16xi32>
        %scan3A_134 = arith.constant 2 : i32
        %scan3A_135 = arith.addi %scan3A_10, %scan3A_134 : i32
        %sub3A_136 = arith.constant 511 : i32
        %sub3A_137 = arith.subi %sub3A_136, %scan3A_135 : i32
        %mul3A_138 = arith.constant 8 : i32
        %mul3A_139 = arith.muli %sub3A_137, %mul3A_138 : i32
        %get3A_140 = arith.index_cast %mul3A_139 : i32 to index
        %get3A_141 = tpu.vector_load %arg8[%get3A_140] {strides = array<i32>} : memref<4112xi32, #tpu.memory_space<vmem>>, vector<16xi32>,
        %get3A_142 = vector.shape_cast %get3A_141 : vector<16xi32> to vector<16xi32>
        %mul3A_143 = arith.constant 8 : i32
        %mul3A_144 = arith.muli %sub3A_137, %mul3A_143 : i32
        %get3A_145 = arith.index_cast %mul3A_144 : i32 to index
        %get3A_146 = tpu.vector_load %arg9[%get3A_145] {strides = array<i32>} : memref<4112xi32, #tpu.memory_space<vmem>>, vector<16xi32>,
        %get3A_147 = vector.shape_cast %get3A_146 : vector<16xi32> to vector<16xi32>
        %mul3A_148 = arith.constant 8 : i32
        %mul3A_149 = arith.muli %sub3A_137, %mul3A_148 : i32
        %get3A_150 = arith.index_cast %mul3A_149 : i32 to index
        %get3A_151 = tpu.vector_load %arg7[%get3A_150] {strides = array<i32>} : memref<4112xi32, #tpu.memory_space<vmem>>, vector<16xi32>,
        %get3A_152 = vector.shape_cast %get3A_151 : vector<16xi32> to vector<16xi32>
        %lt3A_153 = arith.constant 0 : i32
        %lt3A_154 = vector.broadcast %lt3A_153 : i32 to vector<16xi32>
        %lt3A_155 = arith.cmpi slt, %select_n3A_133, %lt3A_154 : vector<16xi32>
        %add3A_156 = arith.constant 16 : i32
        %add3A_157 = vector.broadcast %add3A_156 : i32 to vector<16xi32>
        %add3A_158 = arith.addi %select_n3A_133, %add3A_157 : vector<16xi32>
        %select_n3A_159 = arith.select %lt3A_155, %add3A_158, %select_n3A_133 : vector<16xi1>, vector<16xi32>
        %broadcast_in_dim3A_160 = vector.shape_cast %select_n3A_159 : vector<16xi32> to vector<16x1xi32>
        %gather3A_161 = vector.shape_cast %broadcast_in_dim3A_160 : vector<16x1xi32> to vector<16xi32>
        %gather3A_162 = tpu.dynamic_gather %get3A_142[%gather3A_161] in [0] : vector<16xi32>, vector<16xi32> -> vector<16xi32>
        %mul3A_163 = arith.constant 16 : i32
        %mul3A_164 = arith.muli %sub3A_137, %mul3A_163 : i32
        %swap3A_165 = arith.index_cast %mul3A_164 : i32 to index
        %swap3A_166 = tpu.vector_load %arg10[%swap3A_165] {strides = array<i32>} : memref<8192xi32, #tpu.memory_space<vmem>>, vector<16xi32>,
        %swap3A_167 = vector.shape_cast %swap3A_166 : vector<16xi32> to vector<16xi32>
        %swap3A_168 = vector.shape_cast %gather3A_162 : vector<16xi32> to vector<16xi32>
        tpu.vector_store %arg10[%swap3A_165], %swap3A_168 {strides = array<i32>} : memref<8192xi32, #tpu.memory_space<vmem>>, vector<16xi32>,
        %lt3A_169 = arith.constant 0 : i32
        %lt3A_170 = vector.broadcast %lt3A_169 : i32 to vector<16xi32>
        %lt3A_171 = arith.cmpi slt, %select_n3A_133, %lt3A_170 : vector<16xi32>
        %add3A_172 = arith.constant 16 : i32
        %add3A_173 = vector.broadcast %add3A_172 : i32 to vector<16xi32>
        %add3A_174 = arith.addi %select_n3A_133, %add3A_173 : vector<16xi32>
        %select_n3A_175 = arith.select %lt3A_171, %add3A_174, %select_n3A_133 : vector<16xi1>, vector<16xi32>
        %broadcast_in_dim3A_176 = vector.shape_cast %select_n3A_175 : vector<16xi32> to vector<16x1xi32>
        %gather3A_177 = vector.shape_cast %broadcast_in_dim3A_176 : vector<16x1xi32> to vector<16xi32>
        %gather3A_178 = tpu.dynamic_gather %get3A_147[%gather3A_177] in [0] : vector<16xi32>, vector<16xi32> -> vector<16xi32>
        %mul3A_179 = arith.constant 16 : i32
        %mul3A_180 = arith.muli %sub3A_137, %mul3A_179 : i32
        %swap3A_181 = arith.index_cast %mul3A_180 : i32 to index
        %swap3A_182 = tpu.vector_load %arg11[%swap3A_181] {strides = array<i32>} : memref<8192xi32, #tpu.memory_space<vmem>>, vector<16xi32>,
        %swap3A_183 = vector.shape_cast %swap3A_182 : vector<16xi32> to vector<16xi32>
        %swap3A_184 = vector.shape_cast %gather3A_178 : vector<16xi32> to vector<16xi32>
        tpu.vector_store %arg11[%swap3A_181], %swap3A_184 {strides = array<i32>} : memref<8192xi32, #tpu.memory_space<vmem>>, vector<16xi32>,
        %lt3A_185 = arith.constant 0 : i32
        %lt3A_186 = vector.broadcast %lt3A_185 : i32 to vector<16xi32>
        %lt3A_187 = arith.cmpi slt, %select_n3A_133, %lt3A_186 : vector<16xi32>
        %add3A_188 = arith.constant 16 : i32
        %add3A_189 = vector.broadcast %add3A_188 : i32 to vector<16xi32>
        %add3A_190 = arith.addi %select_n3A_133, %add3A_189 : vector<16xi32>
        %select_n3A_191 = arith.select %lt3A_187, %add3A_190, %select_n3A_133 : vector<16xi1>, vector<16xi32>
        %broadcast_in_dim3A_192 = vector.shape_cast %select_n3A_191 : vector<16xi32> to vector<16x1xi32>
        %gather3A_193 = vector.shape_cast %broadcast_in_dim3A_192 : vector<16x1xi32> to vector<16xi32>
        %gather3A_194 = tpu.dynamic_gather %get3A_152[%gather3A_193] in [0] : vector<16xi32>, vector<16xi32> -> vector<16xi32>
        %jit3A_195 = arith.constant 0 : i32
        %broadcast_in_dim3A_196 = vector.broadcast %jit3A_195 : i32 to vector<16xi32>
        %select_n3A_197 = arith.select %lt3A_4, %gather3A_194, %broadcast_in_dim3A_196 : vector<16xi1>, vector<16xi32>
        %scan3A_198 = arith.constant 3 : i32
        %scan3A_199 = arith.addi %scan3A_10, %scan3A_198 : i32
        %sub3A_200 = arith.constant 511 : i32
        %sub3A_201 = arith.subi %sub3A_200, %scan3A_199 : i32
        %mul3A_202 = arith.constant 8 : i32
        %mul3A_203 = arith.muli %sub3A_201, %mul3A_202 : i32
        %get3A_204 = arith.index_cast %mul3A_203 : i32 to index
        %get3A_205 = tpu.vector_load %arg8[%get3A_204] {strides = array<i32>} : memref<4112xi32, #tpu.memory_space<vmem>>, vector<16xi32>,
        %get3A_206 = vector.shape_cast %get3A_205 : vector<16xi32> to vector<16xi32>
        %mul3A_207 = arith.constant 8 : i32
        %mul3A_208 = arith.muli %sub3A_201, %mul3A_207 : i32
        %get3A_209 = arith.index_cast %mul3A_208 : i32 to index
        %get3A_210 = tpu.vector_load %arg9[%get3A_209] {strides = array<i32>} : memref<4112xi32, #tpu.memory_space<vmem>>, vector<16xi32>,
        %get3A_211 = vector.shape_cast %get3A_210 : vector<16xi32> to vector<16xi32>
        %mul3A_212 = arith.constant 8 : i32
        %mul3A_213 = arith.muli %sub3A_201, %mul3A_212 : i32
        %get3A_214 = arith.index_cast %mul3A_213 : i32 to index
        %get3A_215 = tpu.vector_load %arg7[%get3A_214] {strides = array<i32>} : memref<4112xi32, #tpu.memory_space<vmem>>, vector<16xi32>,
        %get3A_216 = vector.shape_cast %get3A_215 : vector<16xi32> to vector<16xi32>
        %lt3A_217 = arith.constant 0 : i32
        %lt3A_218 = vector.broadcast %lt3A_217 : i32 to vector<16xi32>
        %lt3A_219 = arith.cmpi slt, %select_n3A_197, %lt3A_218 : vector<16xi32>
        %add3A_220 = arith.constant 16 : i32
        %add3A_221 = vector.broadcast %add3A_220 : i32 to vector<16xi32>
        %add3A_222 = arith.addi %select_n3A_197, %add3A_221 : vector<16xi32>
        %select_n3A_223 = arith.select %lt3A_219, %add3A_222, %select_n3A_197 : vector<16xi1>, vector<16xi32>
        %broadcast_in_dim3A_224 = vector.shape_cast %select_n3A_223 : vector<16xi32> to vector<16x1xi32>
        %gather3A_225 = vector.shape_cast %broadcast_in_dim3A_224 : vector<16x1xi32> to vector<16xi32>
        %gather3A_226 = tpu.dynamic_gather %get3A_206[%gather3A_225] in [0] : vector<16xi32>, vector<16xi32> -> vector<16xi32>
        %mul3A_227 = arith.constant 16 : i32
        %mul3A_228 = arith.muli %sub3A_201, %mul3A_227 : i32
        %swap3A_229 = arith.index_cast %mul3A_228 : i32 to index
        %swap3A_230 = tpu.vector_load %arg10[%swap3A_229] {strides = array<i32>} : memref<8192xi32, #tpu.memory_space<vmem>>, vector<16xi32>,
        %swap3A_231 = vector.shape_cast %swap3A_230 : vector<16xi32> to vector<16xi32>
        %swap3A_232 = vector.shape_cast %gather3A_226 : vector<16xi32> to vector<16xi32>
        tpu.vector_store %arg10[%swap3A_229], %swap3A_232 {strides = array<i32>} : memref<8192xi32, #tpu.memory_space<vmem>>, vector<16xi32>,
        %lt3A_233 = arith.constant 0 : i32
        %lt3A_234 = vector.broadcast %lt3A_233 : i32 to vector<16xi32>
        %lt3A_235 = arith.cmpi slt, %select_n3A_197, %lt3A_234 : vector<16xi32>
        %add3A_236 = arith.constant 16 : i32
        %add3A_237 = vector.broadcast %add3A_236 : i32 to vector<16xi32>
        %add3A_238 = arith.addi %select_n3A_197, %add3A_237 : vector<16xi32>
        %select_n3A_239 = arith.select %lt3A_235, %add3A_238, %select_n3A_197 : vector<16xi1>, vector<16xi32>
        %broadcast_in_dim3A_240 = vector.shape_cast %select_n3A_239 : vector<16xi32> to vector<16x1xi32>
        %gather3A_241 = vector.shape_cast %broadcast_in_dim3A_240 : vector<16x1xi32> to vector<16xi32>
        %gather3A_242 = tpu.dynamic_gather %get3A_211[%gather3A_241] in [0] : vector<16xi32>, vector<16xi32> -> vector<16xi32>
        %mul3A_243 = arith.constant 16 : i32
        %mul3A_244 = arith.muli %sub3A_201, %mul3A_243 : i32
        %swap3A_245 = arith.index_cast %mul3A_244 : i32 to index
        %swap3A_246 = tpu.vector_load %arg11[%swap3A_245] {strides = array<i32>} : memref<8192xi32, #tpu.memory_space<vmem>>, vector<16xi32>,
        %swap3A_247 = vector.shape_cast %swap3A_246 : vector<16xi32> to vector<16xi32>
        %swap3A_248 = vector.shape_cast %gather3A_242 : vector<16xi32> to vector<16xi32>
        tpu.vector_store %arg11[%swap3A_245], %swap3A_248 {strides = array<i32>} : memref<8192xi32, #tpu.memory_space<vmem>>, vector<16xi32>,
        %lt3A_249 = arith.constant 0 : i32
        %lt3A_250 = vector.broadcast %lt3A_249 : i32 to vector<16xi32>
        %lt3A_251 = arith.cmpi slt, %select_n3A_197, %lt3A_250 : vector<16xi32>
        %add3A_252 = arith.constant 16 : i32
        %add3A_253 = vector.broadcast %add3A_252 : i32 to vector<16xi32>
        %add3A_254 = arith.addi %select_n3A_197, %add3A_253 : vector<16xi32>
        %select_n3A_255 = arith.select %lt3A_251, %add3A_254, %select_n3A_197 : vector<16xi1>, vector<16xi32>
        %broadcast_in_dim3A_256 = vector.shape_cast %select_n3A_255 : vector<16xi32> to vector<16x1xi32>
        %gather3A_257 = vector.shape_cast %broadcast_in_dim3A_256 : vector<16x1xi32> to vector<16xi32>
        %gather3A_258 = tpu.dynamic_gather %get3A_216[%gather3A_257] in [0] : vector<16xi32>, vector<16xi32> -> vector<16xi32>
        %jit3A_259 = arith.constant 0 : i32
        %broadcast_in_dim3A_260 = vector.broadcast %jit3A_259 : i32 to vector<16xi32>
        %select_n3A_261 = arith.select %lt3A_4, %gather3A_258, %broadcast_in_dim3A_260 : vector<16xi1>, vector<16xi32>
        %scan3A_262 = arith.constant 4 : i32
        %scan3A_263 = arith.addi %scan3A_10, %scan3A_262 : i32
        %sub3A_264 = arith.constant 511 : i32
        %sub3A_265 = arith.subi %sub3A_264, %scan3A_263 : i32
        %mul3A_266 = arith.constant 8 : i32
        %mul3A_267 = arith.muli %sub3A_265, %mul3A_266 : i32
        %get3A_268 = arith.index_cast %mul3A_267 : i32 to index
        %get3A_269 = tpu.vector_load %arg8[%get3A_268] {strides = array<i32>} : memref<4112xi32, #tpu.memory_space<vmem>>, vector<16xi32>,
        %get3A_270 = vector.shape_cast %get3A_269 : vector<16xi32> to vector<16xi32>
        %mul3A_271 = arith.constant 8 : i32
        %mul3A_272 = arith.muli %sub3A_265, %mul3A_271 : i32
        %get3A_273 = arith.index_cast %mul3A_272 : i32 to index
        %get3A_274 = tpu.vector_load %arg9[%get3A_273] {strides = array<i32>} : memref<4112xi32, #tpu.memory_space<vmem>>, vector<16xi32>,
        %get3A_275 = vector.shape_cast %get3A_274 : vector<16xi32> to vector<16xi32>
        %mul3A_276 = arith.constant 8 : i32
        %mul3A_277 = arith.muli %sub3A_265, %mul3A_276 : i32
        %get3A_278 = arith.index_cast %mul3A_277 : i32 to index
        %get3A_279 = tpu.vector_load %arg7[%get3A_278] {strides = array<i32>} : memref<4112xi32, #tpu.memory_space<vmem>>, vector<16xi32>,
        %get3A_280 = vector.shape_cast %get3A_279 : vector<16xi32> to vector<16xi32>
        %lt3A_281 = arith.constant 0 : i32
        %lt3A_282 = vector.broadcast %lt3A_281 : i32 to vector<16xi32>
        %lt3A_283 = arith.cmpi slt, %select_n3A_261, %lt3A_282 : vector<16xi32>
        %add3A_284 = arith.constant 16 : i32
        %add3A_285 = vector.broadcast %add3A_284 : i32 to vector<16xi32>
        %add3A_286 = arith.addi %select_n3A_261, %add3A_285 : vector<16xi32>
        %select_n3A_287 = arith.select %lt3A_283, %add3A_286, %select_n3A_261 : vector<16xi1>, vector<16xi32>
        %broadcast_in_dim3A_288 = vector.shape_cast %select_n3A_287 : vector<16xi32> to vector<16x1xi32>
        %gather3A_289 = vector.shape_cast %broadcast_in_dim3A_288 : vector<16x1xi32> to vector<16xi32>
        %gather3A_290 = tpu.dynamic_gather %get3A_270[%gather3A_289] in [0] : vector<16xi32>, vector<16xi32> -> vector<16xi32>
        %mul3A_291 = arith.constant 16 : i32
        %mul3A_292 = arith.muli %sub3A_265, %mul3A_291 : i32
        %swap3A_293 = arith.index_cast %mul3A_292 : i32 to index
        %swap3A_294 = tpu.vector_load %arg10[%swap3A_293] {strides = array<i32>} : memref<8192xi32, #tpu.memory_space<vmem>>, vector<16xi32>,
        %swap3A_295 = vector.shape_cast %swap3A_294 : vector<16xi32> to vector<16xi32>
        %swap3A_296 = vector.shape_cast %gather3A_290 : vector<16xi32> to vector<16xi32>
        tpu.vector_store %arg10[%swap3A_293], %swap3A_296 {strides = array<i32>} : memref<8192xi32, #tpu.memory_space<vmem>>, vector<16xi32>,
        %lt3A_297 = arith.constant 0 : i32
        %lt3A_298 = vector.broadcast %lt3A_297 : i32 to vector<16xi32>
        %lt3A_299 = arith.cmpi slt, %select_n3A_261, %lt3A_298 : vector<16xi32>
        %add3A_300 = arith.constant 16 : i32
        %add3A_301 = vector.broadcast %add3A_300 : i32 to vector<16xi32>
        %add3A_302 = arith.addi %select_n3A_261, %add3A_301 : vector<16xi32>
        %select_n3A_303 = arith.select %lt3A_299, %add3A_302, %select_n3A_261 : vector<16xi1>, vector<16xi32>
        %broadcast_in_dim3A_304 = vector.shape_cast %select_n3A_303 : vector<16xi32> to vector<16x1xi32>
        %gather3A_305 = vector.shape_cast %broadcast_in_dim3A_304 : vector<16x1xi32> to vector<16xi32>
        %gather3A_306 = tpu.dynamic_gather %get3A_275[%gather3A_305] in [0] : vector<16xi32>, vector<16xi32> -> vector<16xi32>
        %mul3A_307 = arith.constant 16 : i32
        %mul3A_308 = arith.muli %sub3A_265, %mul3A_307 : i32
        %swap3A_309 = arith.index_cast %mul3A_308 : i32 to index
        %swap3A_310 = tpu.vector_load %arg11[%swap3A_309] {strides = array<i32>} : memref<8192xi32, #tpu.memory_space<vmem>>, vector<16xi32>,
        %swap3A_311 = vector.shape_cast %swap3A_310 : vector<16xi32> to vector<16xi32>
        %swap3A_312 = vector.shape_cast %gather3A_306 : vector<16xi32> to vector<16xi32>
        tpu.vector_store %arg11[%swap3A_309], %swap3A_312 {strides = array<i32>} : memref<8192xi32, #tpu.memory_space<vmem>>, vector<16xi32>,
        %lt3A_313 = arith.constant 0 : i32
        %lt3A_314 = vector.broadcast %lt3A_313 : i32 to vector<16xi32>
        %lt3A_315 = arith.cmpi slt, %select_n3A_261, %lt3A_314 : vector<16xi32>
        %add3A_316 = arith.constant 16 : i32
        %add3A_317 = vector.broadcast %add3A_316 : i32 to vector<16xi32>
        %add3A_318 = arith.addi %select_n3A_261, %add3A_317 : vector<16xi32>
        %select_n3A_319 = arith.select %lt3A_315, %add3A_318, %select_n3A_261 : vector<16xi1>, vector<16xi32>
        %broadcast_in_dim3A_320 = vector.shape_cast %select_n3A_319 : vector<16xi32> to vector<16x1xi32>
        %gather3A_321 = vector.shape_cast %broadcast_in_dim3A_320 : vector<16x1xi32> to vector<16xi32>
        %gather3A_322 = tpu.dynamic_gather %get3A_280[%gather3A_321] in [0] : vector<16xi32>, vector<16xi32> -> vector<16xi32>
        %jit3A_323 = arith.constant 0 : i32
        %broadcast_in_dim3A_324 = vector.broadcast %jit3A_323 : i32 to vector<16xi32>
        %select_n3A_325 = arith.select %lt3A_4, %gather3A_322, %broadcast_in_dim3A_324 : vector<16xi1>, vector<16xi32>
        %scan3A_326 = arith.constant 5 : i32
        %scan3A_327 = arith.addi %scan3A_10, %scan3A_326 : i32
        %sub3A_328 = arith.constant 511 : i32
        %sub3A_329 = arith.subi %sub3A_328, %scan3A_327 : i32
        %mul3A_330 = arith.constant 8 : i32
        %mul3A_331 = arith.muli %sub3A_329, %mul3A_330 : i32
        %get3A_332 = arith.index_cast %mul3A_331 : i32 to index
        %get3A_333 = tpu.vector_load %arg8[%get3A_332] {strides = array<i32>} : memref<4112xi32, #tpu.memory_space<vmem>>, vector<16xi32>,
        %get3A_334 = vector.shape_cast %get3A_333 : vector<16xi32> to vector<16xi32>
        %mul3A_335 = arith.constant 8 : i32
        %mul3A_336 = arith.muli %sub3A_329, %mul3A_335 : i32
        %get3A_337 = arith.index_cast %mul3A_336 : i32 to index
        %get3A_338 = tpu.vector_load %arg9[%get3A_337] {strides = array<i32>} : memref<4112xi32, #tpu.memory_space<vmem>>, vector<16xi32>,
        %get3A_339 = vector.shape_cast %get3A_338 : vector<16xi32> to vector<16xi32>
        %mul3A_340 = arith.constant 8 : i32
        %mul3A_341 = arith.muli %sub3A_329, %mul3A_340 : i32
        %get3A_342 = arith.index_cast %mul3A_341 : i32 to index
        %get3A_343 = tpu.vector_load %arg7[%get3A_342] {strides = array<i32>} : memref<4112xi32, #tpu.memory_space<vmem>>, vector<16xi32>,
        %get3A_344 = vector.shape_cast %get3A_343 : vector<16xi32> to vector<16xi32>
        %lt3A_345 = arith.constant 0 : i32
        %lt3A_346 = vector.broadcast %lt3A_345 : i32 to vector<16xi32>
        %lt3A_347 = arith.cmpi slt, %select_n3A_325, %lt3A_346 : vector<16xi32>
        %add3A_348 = arith.constant 16 : i32
        %add3A_349 = vector.broadcast %add3A_348 : i32 to vector<16xi32>
        %add3A_350 = arith.addi %select_n3A_325, %add3A_349 : vector<16xi32>
        %select_n3A_351 = arith.select %lt3A_347, %add3A_350, %select_n3A_325 : vector<16xi1>, vector<16xi32>
        %broadcast_in_dim3A_352 = vector.shape_cast %select_n3A_351 : vector<16xi32> to vector<16x1xi32>
        %gather3A_353 = vector.shape_cast %broadcast_in_dim3A_352 : vector<16x1xi32> to vector<16xi32>
        %gather3A_354 = tpu.dynamic_gather %get3A_334[%gather3A_353] in [0] : vector<16xi32>, vector<16xi32> -> vector<16xi32>
        %mul3A_355 = arith.constant 16 : i32
        %mul3A_356 = arith.muli %sub3A_329, %mul3A_355 : i32
        %swap3A_357 = arith.index_cast %mul3A_356 : i32 to index
        %swap3A_358 = tpu.vector_load %arg10[%swap3A_357] {strides = array<i32>} : memref<8192xi32, #tpu.memory_space<vmem>>, vector<16xi32>,
        %swap3A_359 = vector.shape_cast %swap3A_358 : vector<16xi32> to vector<16xi32>
        %swap3A_360 = vector.shape_cast %gather3A_354 : vector<16xi32> to vector<16xi32>
        tpu.vector_store %arg10[%swap3A_357], %swap3A_360 {strides = array<i32>} : memref<8192xi32, #tpu.memory_space<vmem>>, vector<16xi32>,
        %lt3A_361 = arith.constant 0 : i32
        %lt3A_362 = vector.broadcast %lt3A_361 : i32 to vector<16xi32>
        %lt3A_363 = arith.cmpi slt, %select_n3A_325, %lt3A_362 : vector<16xi32>
        %add3A_364 = arith.constant 16 : i32
        %add3A_365 = vector.broadcast %add3A_364 : i32 to vector<16xi32>
        %add3A_366 = arith.addi %select_n3A_325, %add3A_365 : vector<16xi32>
        %select_n3A_367 = arith.select %lt3A_363, %add3A_366, %select_n3A_325 : vector<16xi1>, vector<16xi32>
        %broadcast_in_dim3A_368 = vector.shape_cast %select_n3A_367 : vector<16xi32> to vector<16x1xi32>
        %gather3A_369 = vector.shape_cast %broadcast_in_dim3A_368 : vector<16x1xi32> to vector<16xi32>
        %gather3A_370 = tpu.dynamic_gather %get3A_339[%gather3A_369] in [0] : vector<16xi32>, vector<16xi32> -> vector<16xi32>
        %mul3A_371 = arith.constant 16 : i32
        %mul3A_372 = arith.muli %sub3A_329, %mul3A_371 : i32
        %swap3A_373 = arith.index_cast %mul3A_372 : i32 to index
        %swap3A_374 = tpu.vector_load %arg11[%swap3A_373] {strides = array<i32>} : memref<8192xi32, #tpu.memory_space<vmem>>, vector<16xi32>,
        %swap3A_375 = vector.shape_cast %swap3A_374 : vector<16xi32> to vector<16xi32>
        %swap3A_376 = vector.shape_cast %gather3A_370 : vector<16xi32> to vector<16xi32>
        tpu.vector_store %arg11[%swap3A_373], %swap3A_376 {strides = array<i32>} : memref<8192xi32, #tpu.memory_space<vmem>>, vector<16xi32>,
        %lt3A_377 = arith.constant 0 : i32
        %lt3A_378 = vector.broadcast %lt3A_377 : i32 to vector<16xi32>
        %lt3A_379 = arith.cmpi slt, %select_n3A_325, %lt3A_378 : vector<16xi32>
        %add3A_380 = arith.constant 16 : i32
        %add3A_381 = vector.broadcast %add3A_380 : i32 to vector<16xi32>
        %add3A_382 = arith.addi %select_n3A_325, %add3A_381 : vector<16xi32>
        %select_n3A_383 = arith.select %lt3A_379, %add3A_382, %select_n3A_325 : vector<16xi1>, vector<16xi32>
        %broadcast_in_dim3A_384 = vector.shape_cast %select_n3A_383 : vector<16xi32> to vector<16x1xi32>
        %gather3A_385 = vector.shape_cast %broadcast_in_dim3A_384 : vector<16x1xi32> to vector<16xi32>
        %gather3A_386 = tpu.dynamic_gather %get3A_344[%gather3A_385] in [0] : vector<16xi32>, vector<16xi32> -> vector<16xi32>
        %jit3A_387 = arith.constant 0 : i32
        %broadcast_in_dim3A_388 = vector.broadcast %jit3A_387 : i32 to vector<16xi32>
        %select_n3A_389 = arith.select %lt3A_4, %gather3A_386, %broadcast_in_dim3A_388 : vector<16xi1>, vector<16xi32>
        %scan3A_390 = arith.constant 6 : i32
        %scan3A_391 = arith.addi %scan3A_10, %scan3A_390 : i32
        %sub3A_392 = arith.constant 511 : i32
        %sub3A_393 = arith.subi %sub3A_392, %scan3A_391 : i32
        %mul3A_394 = arith.constant 8 : i32
        %mul3A_395 = arith.muli %sub3A_393, %mul3A_394 : i32
        %get3A_396 = arith.index_cast %mul3A_395 : i32 to index
        %get3A_397 = tpu.vector_load %arg8[%get3A_396] {strides = array<i32>} : memref<4112xi32, #tpu.memory_space<vmem>>, vector<16xi32>,
        %get3A_398 = vector.shape_cast %get3A_397 : vector<16xi32> to vector<16xi32>
        %mul3A_399 = arith.constant 8 : i32
        %mul3A_400 = arith.muli %sub3A_393, %mul3A_399 : i32
        %get3A_401 = arith.index_cast %mul3A_400 : i32 to index
        %get3A_402 = tpu.vector_load %arg9[%get3A_401] {strides = array<i32>} : memref<4112xi32, #tpu.memory_space<vmem>>, vector<16xi32>,
        %get3A_403 = vector.shape_cast %get3A_402 : vector<16xi32> to vector<16xi32>
        %mul3A_404 = arith.constant 8 : i32
        %mul3A_405 = arith.muli %sub3A_393, %mul3A_404 : i32
        %get3A_406 = arith.index_cast %mul3A_405 : i32 to index
        %get3A_407 = tpu.vector_load %arg7[%get3A_406] {strides = array<i32>} : memref<4112xi32, #tpu.memory_space<vmem>>, vector<16xi32>,
        %get3A_408 = vector.shape_cast %get3A_407 : vector<16xi32> to vector<16xi32>
        %lt3A_409 = arith.constant 0 : i32
        %lt3A_410 = vector.broadcast %lt3A_409 : i32 to vector<16xi32>
        %lt3A_411 = arith.cmpi slt, %select_n3A_389, %lt3A_410 : vector<16xi32>
        %add3A_412 = arith.constant 16 : i32
        %add3A_413 = vector.broadcast %add3A_412 : i32 to vector<16xi32>
        %add3A_414 = arith.addi %select_n3A_389, %add3A_413 : vector<16xi32>
        %select_n3A_415 = arith.select %lt3A_411, %add3A_414, %select_n3A_389 : vector<16xi1>, vector<16xi32>
        %broadcast_in_dim3A_416 = vector.shape_cast %select_n3A_415 : vector<16xi32> to vector<16x1xi32>
        %gather3A_417 = vector.shape_cast %broadcast_in_dim3A_416 : vector<16x1xi32> to vector<16xi32>
        %gather3A_418 = tpu.dynamic_gather %get3A_398[%gather3A_417] in [0] : vector<16xi32>, vector<16xi32> -> vector<16xi32>
        %mul3A_419 = arith.constant 16 : i32
        %mul3A_420 = arith.muli %sub3A_393, %mul3A_419 : i32
        %swap3A_421 = arith.index_cast %mul3A_420 : i32 to index
        %swap3A_422 = tpu.vector_load %arg10[%swap3A_421] {strides = array<i32>} : memref<8192xi32, #tpu.memory_space<vmem>>, vector<16xi32>,
        %swap3A_423 = vector.shape_cast %swap3A_422 : vector<16xi32> to vector<16xi32>
        %swap3A_424 = vector.shape_cast %gather3A_418 : vector<16xi32> to vector<16xi32>
        tpu.vector_store %arg10[%swap3A_421], %swap3A_424 {strides = array<i32>} : memref<8192xi32, #tpu.memory_space<vmem>>, vector<16xi32>,
        %lt3A_425 = arith.constant 0 : i32
        %lt3A_426 = vector.broadcast %lt3A_425 : i32 to vector<16xi32>
        %lt3A_427 = arith.cmpi slt, %select_n3A_389, %lt3A_426 : vector<16xi32>
        %add3A_428 = arith.constant 16 : i32
        %add3A_429 = vector.broadcast %add3A_428 : i32 to vector<16xi32>
        %add3A_430 = arith.addi %select_n3A_389, %add3A_429 : vector<16xi32>
        %select_n3A_431 = arith.select %lt3A_427, %add3A_430, %select_n3A_389 : vector<16xi1>, vector<16xi32>
        %broadcast_in_dim3A_432 = vector.shape_cast %select_n3A_431 : vector<16xi32> to vector<16x1xi32>
        %gather3A_433 = vector.shape_cast %broadcast_in_dim3A_432 : vector<16x1xi32> to vector<16xi32>
        %gather3A_434 = tpu.dynamic_gather %get3A_403[%gather3A_433] in [0] : vector<16xi32>, vector<16xi32> -> vector<16xi32>
        %mul3A_435 = arith.constant 16 : i32
        %mul3A_436 = arith.muli %sub3A_393, %mul3A_435 : i32
        %swap3A_437 = arith.index_cast %mul3A_436 : i32 to index
        %swap3A_438 = tpu.vector_load %arg11[%swap3A_437] {strides = array<i32>} : memref<8192xi32, #tpu.memory_space<vmem>>, vector<16xi32>,
        %swap3A_439 = vector.shape_cast %swap3A_438 : vector<16xi32> to vector<16xi32>
        %swap3A_440 = vector.shape_cast %gather3A_434 : vector<16xi32> to vector<16xi32>
        tpu.vector_store %arg11[%swap3A_437], %swap3A_440 {strides = array<i32>} : memref<8192xi32, #tpu.memory_space<vmem>>, vector<16xi32>,
        %lt3A_441 = arith.constant 0 : i32
        %lt3A_442 = vector.broadcast %lt3A_441 : i32 to vector<16xi32>
        %lt3A_443 = arith.cmpi slt, %select_n3A_389, %lt3A_442 : vector<16xi32>
        %add3A_444 = arith.constant 16 : i32
        %add3A_445 = vector.broadcast %add3A_444 : i32 to vector<16xi32>
        %add3A_446 = arith.addi %select_n3A_389, %add3A_445 : vector<16xi32>
        %select_n3A_447 = arith.select %lt3A_443, %add3A_446, %select_n3A_389 : vector<16xi1>, vector<16xi32>
        %broadcast_in_dim3A_448 = vector.shape_cast %select_n3A_447 : vector<16xi32> to vector<16x1xi32>
        %gather3A_449 = vector.shape_cast %broadcast_in_dim3A_448 : vector<16x1xi32> to vector<16xi32>
        %gather3A_450 = tpu.dynamic_gather %get3A_408[%gather3A_449] in [0] : vector<16xi32>, vector<16xi32> -> vector<16xi32>
        %jit3A_451 = arith.constant 0 : i32
        %broadcast_in_dim3A_452 = vector.broadcast %jit3A_451 : i32 to vector<16xi32>
        %select_n3A_453 = arith.select %lt3A_4, %gather3A_450, %broadcast_in_dim3A_452 : vector<16xi1>, vector<16xi32>
        %scan3A_454 = arith.constant 7 : i32
        %scan3A_455 = arith.addi %scan3A_10, %scan3A_454 : i32
        %sub3A_456 = arith.constant 511 : i32
        %sub3A_457 = arith.subi %sub3A_456, %scan3A_455 : i32
        %mul3A_458 = arith.constant 8 : i32
        %mul3A_459 = arith.muli %sub3A_457, %mul3A_458 : i32
        %get3A_460 = arith.index_cast %mul3A_459 : i32 to index
        %get3A_461 = tpu.vector_load %arg8[%get3A_460] {strides = array<i32>} : memref<4112xi32, #tpu.memory_space<vmem>>, vector<16xi32>,
        %get3A_462 = vector.shape_cast %get3A_461 : vector<16xi32> to vector<16xi32>
        %mul3A_463 = arith.constant 8 : i32
        %mul3A_464 = arith.muli %sub3A_457, %mul3A_463 : i32
        %get3A_465 = arith.index_cast %mul3A_464 : i32 to index
        %get3A_466 = tpu.vector_load %arg9[%get3A_465] {strides = array<i32>} : memref<4112xi32, #tpu.memory_space<vmem>>, vector<16xi32>,
        %get3A_467 = vector.shape_cast %get3A_466 : vector<16xi32> to vector<16xi32>
        %mul3A_468 = arith.constant 8 : i32
        %mul3A_469 = arith.muli %sub3A_457, %mul3A_468 : i32
        %get3A_470 = arith.index_cast %mul3A_469 : i32 to index
        %get3A_471 = tpu.vector_load %arg7[%get3A_470] {strides = array<i32>} : memref<4112xi32, #tpu.memory_space<vmem>>, vector<16xi32>,
        %get3A_472 = vector.shape_cast %get3A_471 : vector<16xi32> to vector<16xi32>
        %lt3A_473 = arith.constant 0 : i32
        %lt3A_474 = vector.broadcast %lt3A_473 : i32 to vector<16xi32>
        %lt3A_475 = arith.cmpi slt, %select_n3A_453, %lt3A_474 : vector<16xi32>
        %add3A_476 = arith.constant 16 : i32
        %add3A_477 = vector.broadcast %add3A_476 : i32 to vector<16xi32>
        %add3A_478 = arith.addi %select_n3A_453, %add3A_477 : vector<16xi32>
        %select_n3A_479 = arith.select %lt3A_475, %add3A_478, %select_n3A_453 : vector<16xi1>, vector<16xi32>
        %broadcast_in_dim3A_480 = vector.shape_cast %select_n3A_479 : vector<16xi32> to vector<16x1xi32>
        %gather3A_481 = vector.shape_cast %broadcast_in_dim3A_480 : vector<16x1xi32> to vector<16xi32>
        %gather3A_482 = tpu.dynamic_gather %get3A_462[%gather3A_481] in [0] : vector<16xi32>, vector<16xi32> -> vector<16xi32>
        %mul3A_483 = arith.constant 16 : i32
        %mul3A_484 = arith.muli %sub3A_457, %mul3A_483 : i32
        %swap3A_485 = arith.index_cast %mul3A_484 : i32 to index
        %swap3A_486 = tpu.vector_load %arg10[%swap3A_485] {strides = array<i32>} : memref<8192xi32, #tpu.memory_space<vmem>>, vector<16xi32>,
        %swap3A_487 = vector.shape_cast %swap3A_486 : vector<16xi32> to vector<16xi32>
        %swap3A_488 = vector.shape_cast %gather3A_482 : vector<16xi32> to vector<16xi32>
        tpu.vector_store %arg10[%swap3A_485], %swap3A_488 {strides = array<i32>} : memref<8192xi32, #tpu.memory_space<vmem>>, vector<16xi32>,
        %lt3A_489 = arith.constant 0 : i32
        %lt3A_490 = vector.broadcast %lt3A_489 : i32 to vector<16xi32>
        %lt3A_491 = arith.cmpi slt, %select_n3A_453, %lt3A_490 : vector<16xi32>
        %add3A_492 = arith.constant 16 : i32
        %add3A_493 = vector.broadcast %add3A_492 : i32 to vector<16xi32>
        %add3A_494 = arith.addi %select_n3A_453, %add3A_493 : vector<16xi32>
        %select_n3A_495 = arith.select %lt3A_491, %add3A_494, %select_n3A_453 : vector<16xi1>, vector<16xi32>
        %broadcast_in_dim3A_496 = vector.shape_cast %select_n3A_495 : vector<16xi32> to vector<16x1xi32>
        %gather3A_497 = vector.shape_cast %broadcast_in_dim3A_496 : vector<16x1xi32> to vector<16xi32>
        %gather3A_498 = tpu.dynamic_gather %get3A_467[%gather3A_497] in [0] : vector<16xi32>, vector<16xi32> -> vector<16xi32>
        %mul3A_499 = arith.constant 16 : i32
        %mul3A_500 = arith.muli %sub3A_457, %mul3A_499 : i32
        %swap3A_501 = arith.index_cast %mul3A_500 : i32 to index
        %swap3A_502 = tpu.vector_load %arg11[%swap3A_501] {strides = array<i32>} : memref<8192xi32, #tpu.memory_space<vmem>>, vector<16xi32>,
        %swap3A_503 = vector.shape_cast %swap3A_502 : vector<16xi32> to vector<16xi32>
        %swap3A_504 = vector.shape_cast %gather3A_498 : vector<16xi32> to vector<16xi32>
        tpu.vector_store %arg11[%swap3A_501], %swap3A_504 {strides = array<i32>} : memref<8192xi32, #tpu.memory_space<vmem>>, vector<16xi32>,
        %lt3A_505 = arith.constant 0 : i32
        %lt3A_506 = vector.broadcast %lt3A_505 : i32 to vector<16xi32>
        %lt3A_507 = arith.cmpi slt, %select_n3A_453, %lt3A_506 : vector<16xi32>
        %add3A_508 = arith.constant 16 : i32
        %add3A_509 = vector.broadcast %add3A_508 : i32 to vector<16xi32>
        %add3A_510 = arith.addi %select_n3A_453, %add3A_509 : vector<16xi32>
        %select_n3A_511 = arith.select %lt3A_507, %add3A_510, %select_n3A_453 : vector<16xi1>, vector<16xi32>
        %broadcast_in_dim3A_512 = vector.shape_cast %select_n3A_511 : vector<16xi32> to vector<16x1xi32>
        %gather3A_513 = vector.shape_cast %broadcast_in_dim3A_512 : vector<16x1xi32> to vector<16xi32>
        %gather3A_514 = tpu.dynamic_gather %get3A_472[%gather3A_513] in [0] : vector<16xi32>, vector<16xi32> -> vector<16xi32>
        %jit3A_515 = arith.constant 0 : i32
        %broadcast_in_dim3A_516 = vector.broadcast %jit3A_515 : i32 to vector<16xi32>
        %select_n3A_517 = arith.select %lt3A_4, %gather3A_514, %broadcast_in_dim3A_516 : vector<16xi1>, vector<16xi32>
        scf.yield %select_n3A_517 : vector<16xi32>
      }
      %scan3A_9 = arith.constant 512 : i32
      "tpu.region"() ({
        %run_scoped3A = tpu.sem_alloc : memref<!tpu.dma_semaphore, #tpu.memory_space<semaphore_mem>>
        tpu.enqueue_dma source(%arg10 : memref<8192xi32, #tpu.memory_space<vmem>>) target(%arg5 : memref<8192xi32, #tpu.memory_space<hbm>>) target_semaphore(%run_scoped3A : memref<!tpu.dma_semaphore, #tpu.memory_space<semaphore_mem>>)
        tpu.wait_dma2 semaphore(%run_scoped3A : memref<!tpu.dma_semaphore, #tpu.memory_space<semaphore_mem>>) src(%arg10 : memref<8192xi32, #tpu.memory_space<vmem>>) dst(%arg5 : memref<8192xi32, #tpu.memory_space<hbm>>)
        tpu.yield
      }) : () -> ()
      "tpu.region"() ({
        %run_scoped3A = tpu.sem_alloc : memref<!tpu.dma_semaphore, #tpu.memory_space<semaphore_mem>>
        tpu.enqueue_dma source(%arg11 : memref<8192xi32, #tpu.memory_space<vmem>>) target(%arg6 : memref<8192xi32, #tpu.memory_space<hbm>>) target_semaphore(%run_scoped3A : memref<!tpu.dma_semaphore, #tpu.memory_space<semaphore_mem>>)
        tpu.wait_dma2 semaphore(%run_scoped3A : memref<!tpu.dma_semaphore, #tpu.memory_space<semaphore_mem>>) src(%arg11 : memref<8192xi32, #tpu.memory_space<vmem>>) dst(%arg6 : memref<8192xi32, #tpu.memory_space<hbm>>)
        tpu.yield
      }) : () -> ()
    } else {
    }
    return
  }
}

module attributes {stable_mosaic.version = 14 : i64} {
  func.func @_encode_body(%arg0: memref<512x128xf32, #tpu.memory_space<vmem>>, %arg1: memref<128x1xf32, #tpu.memory_space<vmem>>, %arg2: memref<1x256xf32, #tpu.memory_space<vmem>>, %arg3: memref<512x128xi32, #tpu.memory_space<vmem>>) attributes {dimension_semantics = [], scalar_prefetch = 0 : i64, scratch_operands = 0 : i64, tpu.core_type = #tpu.core_type<tc>} {
    %get3A = arith.constant 0 : index
    %get3A_0 = arith.constant 0 : index
    %get3A_1 = vector.load %arg0[%get3A, %get3A_0] : memref<512x128xf32, #tpu.memory_space<vmem>>, vector<512x128xf32>
    %get3A_2 = arith.constant 0 : index
    %get3A_3 = arith.constant 0 : index
    %get3A_4 = vector.load %arg1[%get3A_2, %get3A_3] : memref<128x1xf32, #tpu.memory_space<vmem>>, vector<128x1xf32>
    %dot_general3A = arith.constant dense<0.000000e+00> : vector<512x1xf32>
    %dot_general3A_5 = tpu.matmul %get3A_1, %get3A_4, %dot_general3A {dimension_numbers = #tpu.dot_dimension_numbers<[1], [0], [0], [1], [0, 0, 1, 1], [], []>, transpose_lhs_hint = false} : vector<512x128xf32>, vector<128x1xf32>, vector<512x1xf32> -> vector<512x1xf32>
    %get3A_6 = arith.constant 0 : index
    %get3A_7 = arith.constant 0 : index
    %get3A_8 = vector.load %arg2[%get3A_6, %get3A_7] : memref<1x256xf32, #tpu.memory_space<vmem>>, vector<1x256xf32>
    %lt3A = vector.broadcast %get3A_8 : vector<1x256xf32> to vector<512x256xf32>
    %lt3A_9 = vector.broadcast %dot_general3A_5 : vector<512x1xf32> to vector<512x256xf32>
    %lt3A_10 = arith.cmpf olt, %lt3A, %lt3A_9 : vector<512x256xf32>
    %convert_element_type3A = arith.extui %lt3A_10 : vector<512x256xi1> to vector<512x256xi32>
    %reduce_sum3A = arith.constant dense<0> : vector<512xi32>
    %reduce_sum3A_11 = vector.multi_reduction <add>, %convert_element_type3A, %reduce_sum3A [1] : vector<512x256xi32> to vector<512xi32>
    %broadcast_in_dim3A = vector.shape_cast %reduce_sum3A_11 : vector<512xi32> to vector<512x1xi32>
    %broadcast_in_dim3A_12 = vector.shape_cast %broadcast_in_dim3A : vector<512x1xi32> to vector<512x1xi32>
    %broadcast_in_dim3A_13 = vector.broadcast %broadcast_in_dim3A_12 : vector<512x1xi32> to vector<512x128xi32>
    %swap3A = arith.constant 0 : index
    %swap3A_14 = arith.constant 0 : index
    %swap3A_15 = vector.load %arg3[%swap3A, %swap3A_14] : memref<512x128xi32, #tpu.memory_space<vmem>>, vector<512x128xi32>
    tpu.vector_store %arg3[%swap3A, %swap3A_14], %broadcast_in_dim3A_13 {strides = array<i32>} : memref<512x128xi32, #tpu.memory_space<vmem>>, vector<512x128xi32>,
    return
  }
}

module attributes {stable_mosaic.version = 14 : i64} {
  func.func @_scan_body(%arg0: i32, %arg1: memref<512xi32, #tpu.memory_space<smem>>, %arg2: memref<256x256xf32, #tpu.memory_space<vmem>>, %arg3: memref<256x256xf32, #tpu.memory_space<vmem>>, %arg4: memref<1x256x256xf32, #tpu.memory_space<vmem>>, %arg5: memref<512x128xi32, #tpu.memory_space<vmem>>, %arg6: memref<512x128xi32, #tpu.memory_space<vmem>>, %arg7: memref<512x128xi32, #tpu.memory_space<vmem>>, %arg8: memref<8xf32, #tpu.memory_space<smem>>, %arg9: memref<8xi32, #tpu.memory_space<smem>>, %arg10: memref<8xi32, #tpu.memory_space<smem>>, %arg11: memref<8x256xf32, #tpu.memory_space<vmem>>, %arg12: memref<8x256xf32, #tpu.memory_space<vmem>>) attributes {dimension_semantics = [#tpu.dimension_semantics<arbitrary>], iteration_bounds = array<i64: 512>, scalar_prefetch = 1 : i64, scratch_operands = 5 : i64, tpu.core_type = #tpu.core_type<tc>, window_params = [{pipeline_mode = #tpu.pipeline_mode<synchronous>, transform_indices = @transform_0, window_bounds = array<i64: 256, 256>}, {pipeline_mode = #tpu.pipeline_mode<synchronous>, transform_indices = @transform_1, window_bounds = array<i64: 256, 256>}, {transform_indices = @transform_2, window_bounds = array<i64: 1, 256, 256>}, {pipeline_mode = #tpu.pipeline_mode<synchronous>, transform_indices = @transform_3, window_bounds = array<i64: 512, 128>}, {pipeline_mode = #tpu.pipeline_mode<synchronous>, transform_indices = @transform_4, window_bounds = array<i64: 512, 128>}, {pipeline_mode = #tpu.pipeline_mode<synchronous>, transform_indices = @transform_5, window_bounds = array<i64: 512, 128>}]} {
    %iota3A = tpu.iota {dimensions = array<i32: 1>} : vector<1x128xi32>
    %iota3A_0 = tpu.iota {dimensions = array<i32: 1>} : vector<1x256xi32>
    %eq3A = arith.constant 0 : i32
    %eq3A_1 = arith.cmpi eq, %arg0, %eq3A : i32
    %convert_element_type3A = arith.extui %eq3A_1 : i1 to i32
    %cond3A = arith.constant 0 : i32
    %cond3A_2 = arith.cmpi ne, %convert_element_type3A, %cond3A : i32
    scf.if %cond3A_2 {
      %get3A = arith.constant 0 : index
      %get3A_7 = arith.constant 0 : index
      %get3A_8 = vector.load %arg2[%get3A, %get3A_7] : memref<256x256xf32, #tpu.memory_space<vmem>>, vector<1x256xf32>
      %get3A_9 = arith.constant 0 : index
      %get3A_10 = arith.constant 0 : index
      %get3A_11 = vector.load %arg3[%get3A_9, %get3A_10] : memref<256x256xf32, #tpu.memory_space<vmem>>, vector<1x256xf32>
      %transpose3A = tpu.transpose %get3A_8, [1, 0] : vector<1x256xf32> -> vector<256x1xf32>
      %add3A = vector.broadcast %transpose3A : vector<256x1xf32> to vector<256x256xf32>
      %add3A_12 = vector.broadcast %get3A_11 : vector<1x256xf32> to vector<256x256xf32>
      %add3A_13 = arith.addf %add3A, %add3A_12 : vector<256x256xf32>
      %get3A_14 = arith.constant 0 : index
      %get3A_15 = arith.constant 0 : index
      %get3A_16 = arith.constant 0 : index
      %get3A_17 = vector.load %arg4[%get3A_14, %get3A_15, %get3A_16] : memref<1x256x256xf32, #tpu.memory_space<vmem>>, vector<1x256x256xf32>
      %get3A_18 = vector.shape_cast %get3A_17 : vector<1x256x256xf32> to vector<256x256xf32>
      %add3A_19 = arith.addf %add3A_13, %get3A_18 : vector<256x256xf32>
      %reduce_max3A = arith.constant dense<0xFF800000> : vector<256xf32>
      %reduce_max3A_20 = vector.multi_reduction <maximumf>, %add3A_19, %reduce_max3A [1] : vector<256x256xf32> to vector<256xf32>
      %broadcast_in_dim3A = vector.shape_cast %reduce_max3A_20 : vector<256xf32> to vector<256x1xf32>
      %transpose3A_21 = tpu.transpose %broadcast_in_dim3A, [1, 0] : vector<256x1xf32> -> vector<1x256xf32>
      %reduce_max3A_22 = vector.shape_cast %transpose3A_21 : vector<1x256xf32> to vector<1x1x256xf32>
      %reduce_max3A_23 = arith.constant dense<0xFF800000> : vector<1xf32>
      %reduce_max3A_24 = vector.multi_reduction <maximumf>, %reduce_max3A_22, %reduce_max3A_23 [1, 2] : vector<1x1x256xf32> to vector<1xf32>
      %reduce_max3A_25 = vector.shape_cast %reduce_max3A_24 : vector<1xf32> to vector<1x1x1xf32>
      %reduce_max3A_26 = vector.extract %reduce_max3A_25[0, 0, 0] : f32 from vector<1x1x1xf32>
      %eq3A_27 = vector.broadcast %reduce_max3A_26 : f32 to vector<1x256xf32>
      %eq3A_28 = arith.cmpf oeq, %transpose3A_21, %eq3A_27 : vector<1x256xf32>
      %jit3A = arith.constant 256 : i32
      %broadcast_in_dim3A_29 = vector.broadcast %jit3A : i32 to vector<1x256xi32>
      %select_n3A = arith.select %eq3A_28, %iota3A_0, %broadcast_in_dim3A_29 : vector<1x256xi1>, vector<1x256xi32>
      %reduce_min3A = vector.shape_cast %select_n3A : vector<1x256xi32> to vector<1x1x256xi32>
      %reduce_min3A_30 = arith.constant dense<2147483647> : vector<1xi32>
      %reduce_min3A_31 = vector.multi_reduction <minsi>, %reduce_min3A, %reduce_min3A_30 [1, 2] : vector<1x1x256xi32> to vector<1xi32>
      %reduce_min3A_32 = vector.shape_cast %reduce_min3A_31 : vector<1xi32> to vector<1x1x1xi32>
      %reduce_min3A_33 = vector.extract %reduce_min3A_32[0, 0, 0] : i32 from vector<1x1x1xi32>
      %get3A_34 = arith.constant 0 : index
      %get3A_35 = arith.index_cast %reduce_min3A_33 : i32 to index
      %get3A_36 = arith.constant 0 : index
      %get3A_37 = vector.load %arg4[%get3A_34, %get3A_35, %get3A_36] : memref<1x256x256xf32, #tpu.memory_space<vmem>>, vector<1x1x256xf32>
      %get3A_38 = vector.shape_cast %get3A_37 : vector<1x1x256xf32> to vector<1x256xf32>
      %eq3A_39 = vector.broadcast %reduce_min3A_33 : i32 to vector<1x256xi32>
      %eq3A_40 = arith.cmpi eq, %iota3A_0, %eq3A_39 : vector<1x256xi32>
      %jit3A_41 = arith.constant 0.000000e+00 : f32
      %broadcast_in_dim3A_42 = vector.broadcast %jit3A_41 : f32 to vector<1x256xf32>
      %select_n3A_43 = arith.select %eq3A_40, %get3A_8, %broadcast_in_dim3A_42 : vector<1x256xi1>, vector<1x256xf32>
      %reduce_sum3A = vector.shape_cast %select_n3A_43 : vector<1x256xf32> to vector<1x1x256xf32>
      %reduce_sum3A_44 = arith.constant dense<0.000000e+00> : vector<1xf32>
      %reduce_sum3A_45 = vector.multi_reduction <add>, %reduce_sum3A, %reduce_sum3A_44 [1, 2] : vector<1x1x256xf32> to vector<1xf32>
      %reduce_sum3A_46 = vector.shape_cast %reduce_sum3A_45 : vector<1xf32> to vector<1x1x1xf32>
      %reduce_sum3A_47 = vector.extract %reduce_sum3A_46[0, 0, 0] : f32 from vector<1x1x1xf32>
      %add3A_48 = vector.broadcast %reduce_sum3A_47 : f32 to vector<1x256xf32>
      %add3A_49 = arith.addf %add3A_48, %get3A_11 : vector<1x256xf32>
      %add3A_50 = arith.addf %add3A_49, %get3A_38 : vector<1x256xf32>
      %reduce_max3A_51 = vector.shape_cast %add3A_50 : vector<1x256xf32> to vector<1x1x256xf32>
      %reduce_max3A_52 = arith.constant dense<0xFF800000> : vector<1xf32>
      %reduce_max3A_53 = vector.multi_reduction <maximumf>, %reduce_max3A_51, %reduce_max3A_52 [1, 2] : vector<1x1x256xf32> to vector<1xf32>
      %reduce_max3A_54 = vector.shape_cast %reduce_max3A_53 : vector<1xf32> to vector<1x1x1xf32>
      %reduce_max3A_55 = vector.extract %reduce_max3A_54[0, 0, 0] : f32 from vector<1x1x1xf32>
      %eq3A_56 = vector.broadcast %reduce_max3A_55 : f32 to vector<1x256xf32>
      %eq3A_57 = arith.cmpf oeq, %add3A_50, %eq3A_56 : vector<1x256xf32>
      %jit3A_58 = arith.constant 256 : i32
      %broadcast_in_dim3A_59 = vector.broadcast %jit3A_58 : i32 to vector<1x256xi32>
      %select_n3A_60 = arith.select %eq3A_57, %iota3A_0, %broadcast_in_dim3A_59 : vector<1x256xi1>, vector<1x256xi32>
      %reduce_min3A_61 = vector.shape_cast %select_n3A_60 : vector<1x256xi32> to vector<1x1x256xi32>
      %reduce_min3A_62 = arith.constant dense<2147483647> : vector<1xi32>
      %reduce_min3A_63 = vector.multi_reduction <minsi>, %reduce_min3A_61, %reduce_min3A_62 [1, 2] : vector<1x1x256xi32> to vector<1xi32>
      %reduce_min3A_64 = vector.shape_cast %reduce_min3A_63 : vector<1xi32> to vector<1x1x1xi32>
      %reduce_min3A_65 = vector.extract %reduce_min3A_64[0, 0, 0] : i32 from vector<1x1x1xi32>
      %eq3A_66 = vector.broadcast %reduce_min3A_65 : i32 to vector<1x256xi32>
      %eq3A_67 = arith.cmpi eq, %iota3A_0, %eq3A_66 : vector<1x256xi32>
      %jit3A_68 = arith.constant 0xFF800000 : f32
      %broadcast_in_dim3A_69 = vector.broadcast %jit3A_68 : f32 to vector<1x256xf32>
      %select_n3A_70 = arith.select %eq3A_67, %broadcast_in_dim3A_69, %add3A_50 : vector<1x256xi1>, vector<1x256xf32>
      %reduce_max3A_71 = vector.shape_cast %select_n3A_70 : vector<1x256xf32> to vector<1x1x256xf32>
      %reduce_max3A_72 = arith.constant dense<0xFF800000> : vector<1xf32>
      %reduce_max3A_73 = vector.multi_reduction <maximumf>, %reduce_max3A_71, %reduce_max3A_72 [1, 2] : vector<1x1x256xf32> to vector<1xf32>
      %reduce_max3A_74 = vector.shape_cast %reduce_max3A_73 : vector<1xf32> to vector<1x1x1xf32>
      %reduce_max3A_75 = vector.extract %reduce_max3A_74[0, 0, 0] : f32 from vector<1x1x1xf32>
      %eq3A_76 = vector.broadcast %reduce_min3A_33 : i32 to vector<1x256xi32>
      %eq3A_77 = arith.cmpi eq, %iota3A_0, %eq3A_76 : vector<1x256xi32>
      %broadcast_in_dim3A_78 = vector.broadcast %reduce_max3A_75 : f32 to vector<1x256xf32>
      %select_n3A_79 = arith.select %eq3A_77, %broadcast_in_dim3A_78, %transpose3A_21 : vector<1x256xi1>, vector<1x256xf32>
      %reduce_max3A_80 = vector.shape_cast %select_n3A_79 : vector<1x256xf32> to vector<1x1x256xf32>
      %reduce_max3A_81 = arith.constant dense<0xFF800000> : vector<1xf32>
      %reduce_max3A_82 = vector.multi_reduction <maximumf>, %reduce_max3A_80, %reduce_max3A_81 [1, 2] : vector<1x1x256xf32> to vector<1xf32>
      %reduce_max3A_83 = vector.shape_cast %reduce_max3A_82 : vector<1xf32> to vector<1x1x1xf32>
      %reduce_max3A_84 = vector.extract %reduce_max3A_83[0, 0, 0] : f32 from vector<1x1x1xf32>
      %eq3A_85 = vector.broadcast %reduce_max3A_84 : f32 to vector<1x256xf32>
      %eq3A_86 = arith.cmpf oeq, %select_n3A_79, %eq3A_85 : vector<1x256xf32>
      %jit3A_87 = arith.constant 256 : i32
      %broadcast_in_dim3A_88 = vector.broadcast %jit3A_87 : i32 to vector<1x256xi32>
      %select_n3A_89 = arith.select %eq3A_86, %iota3A_0, %broadcast_in_dim3A_88 : vector<1x256xi1>, vector<1x256xi32>
      %reduce_min3A_90 = vector.shape_cast %select_n3A_89 : vector<1x256xi32> to vector<1x1x256xi32>
      %reduce_min3A_91 = arith.constant dense<2147483647> : vector<1xi32>
      %reduce_min3A_92 = vector.multi_reduction <minsi>, %reduce_min3A_90, %reduce_min3A_91 [1, 2] : vector<1x1x256xi32> to vector<1xi32>
      %reduce_min3A_93 = vector.shape_cast %reduce_min3A_92 : vector<1xi32> to vector<1x1x1xi32>
      %reduce_min3A_94 = vector.extract %reduce_min3A_93[0, 0, 0] : i32 from vector<1x1x1xi32>
      %get3A_95 = arith.constant 0 : index
      %get3A_96 = arith.index_cast %reduce_min3A_94 : i32 to index
      %get3A_97 = arith.constant 0 : index
      %get3A_98 = vector.load %arg4[%get3A_95, %get3A_96, %get3A_97] : memref<1x256x256xf32, #tpu.memory_space<vmem>>, vector<1x1x256xf32>
      %get3A_99 = vector.shape_cast %get3A_98 : vector<1x1x256xf32> to vector<1x256xf32>
      %eq3A_100 = vector.broadcast %reduce_min3A_94 : i32 to vector<1x256xi32>
      %eq3A_101 = arith.cmpi eq, %iota3A_0, %eq3A_100 : vector<1x256xi32>
      %jit3A_102 = arith.constant 0.000000e+00 : f32
      %broadcast_in_dim3A_103 = vector.broadcast %jit3A_102 : f32 to vector<1x256xf32>
      %select_n3A_104 = arith.select %eq3A_101, %get3A_8, %broadcast_in_dim3A_103 : vector<1x256xi1>, vector<1x256xf32>
      %reduce_sum3A_105 = vector.shape_cast %select_n3A_104 : vector<1x256xf32> to vector<1x1x256xf32>
      %reduce_sum3A_106 = arith.constant dense<0.000000e+00> : vector<1xf32>
      %reduce_sum3A_107 = vector.multi_reduction <add>, %reduce_sum3A_105, %reduce_sum3A_106 [1, 2] : vector<1x1x256xf32> to vector<1xf32>
      %reduce_sum3A_108 = vector.shape_cast %reduce_sum3A_107 : vector<1xf32> to vector<1x1x1xf32>
      %reduce_sum3A_109 = vector.extract %reduce_sum3A_108[0, 0, 0] : f32 from vector<1x1x1xf32>
      %add3A_110 = vector.broadcast %reduce_sum3A_109 : f32 to vector<1x256xf32>
      %add3A_111 = arith.addf %add3A_110, %get3A_11 : vector<1x256xf32>
      %add3A_112 = arith.addf %add3A_111, %get3A_99 : vector<1x256xf32>
      %eq3A_113 = arith.cmpi eq, %reduce_min3A_33, %reduce_min3A_94 : i32
      %eq3A_114 = vector.broadcast %reduce_min3A_65 : i32 to vector<1x256xi32>
      %eq3A_115 = arith.cmpi eq, %iota3A_0, %eq3A_114 : vector<1x256xi32>
      %and3A = vector.broadcast %eq3A_113 : i1 to vector<1x256xi1>
      %and3A_116 = arith.andi %and3A, %eq3A_115 : vector<1x256xi1>
      %jit3A_117 = arith.constant 0xFF800000 : f32
      %broadcast_in_dim3A_118 = vector.broadcast %jit3A_117 : f32 to vector<1x256xf32>
      %select_n3A_119 = arith.select %and3A_116, %broadcast_in_dim3A_118, %add3A_112 : vector<1x256xi1>, vector<1x256xf32>
      %reduce_max3A_120 = vector.shape_cast %select_n3A_119 : vector<1x256xf32> to vector<1x1x256xf32>
      %reduce_max3A_121 = arith.constant dense<0xFF800000> : vector<1xf32>
      %reduce_max3A_122 = vector.multi_reduction <maximumf>, %reduce_max3A_120, %reduce_max3A_121 [1, 2] : vector<1x1x256xf32> to vector<1xf32>
      %reduce_max3A_123 = vector.shape_cast %reduce_max3A_122 : vector<1xf32> to vector<1x1x1xf32>
      %reduce_max3A_124 = vector.extract %reduce_max3A_123[0, 0, 0] : f32 from vector<1x1x1xf32>
      %eq3A_125 = vector.broadcast %reduce_max3A_124 : f32 to vector<1x256xf32>
      %eq3A_126 = arith.cmpf oeq, %select_n3A_119, %eq3A_125 : vector<1x256xf32>
      %jit3A_127 = arith.constant 256 : i32
      %broadcast_in_dim3A_128 = vector.broadcast %jit3A_127 : i32 to vector<1x256xi32>
      %select_n3A_129 = arith.select %eq3A_126, %iota3A_0, %broadcast_in_dim3A_128 : vector<1x256xi1>, vector<1x256xi32>
      %reduce_min3A_130 = vector.shape_cast %select_n3A_129 : vector<1x256xi32> to vector<1x1x256xi32>
      %reduce_min3A_131 = arith.constant dense<2147483647> : vector<1xi32>
      %reduce_min3A_132 = vector.multi_reduction <minsi>, %reduce_min3A_130, %reduce_min3A_131 [1, 2] : vector<1x1x256xi32> to vector<1xi32>
      %reduce_min3A_133 = vector.shape_cast %reduce_min3A_132 : vector<1xi32> to vector<1x1x1xi32>
      %reduce_min3A_134 = vector.extract %reduce_min3A_133[0, 0, 0] : i32 from vector<1x1x1xi32>
      %eq3A_135 = vector.broadcast %reduce_min3A_134 : i32 to vector<1x256xi32>
      %eq3A_136 = arith.cmpi eq, %iota3A_0, %eq3A_135 : vector<1x256xi32>
      %jit3A_137 = arith.constant 0xFF800000 : f32
      %broadcast_in_dim3A_138 = vector.broadcast %jit3A_137 : f32 to vector<1x256xf32>
      %select_n3A_139 = arith.select %eq3A_136, %broadcast_in_dim3A_138, %select_n3A_119 : vector<1x256xi1>, vector<1x256xf32>
      %reduce_max3A_140 = vector.shape_cast %select_n3A_139 : vector<1x256xf32> to vector<1x1x256xf32>
      %reduce_max3A_141 = arith.constant dense<0xFF800000> : vector<1xf32>
      %reduce_max3A_142 = vector.multi_reduction <maximumf>, %reduce_max3A_140, %reduce_max3A_141 [1, 2] : vector<1x1x256xf32> to vector<1xf32>
      %reduce_max3A_143 = vector.shape_cast %reduce_max3A_142 : vector<1xf32> to vector<1x1x1xf32>
      %reduce_max3A_144 = vector.extract %reduce_max3A_143[0, 0, 0] : f32 from vector<1x1x1xf32>
      %eq3A_145 = vector.broadcast %reduce_min3A_94 : i32 to vector<1x256xi32>
      %eq3A_146 = arith.cmpi eq, %iota3A_0, %eq3A_145 : vector<1x256xi32>
      %broadcast_in_dim3A_147 = vector.broadcast %reduce_max3A_144 : f32 to vector<1x256xf32>
      %select_n3A_148 = arith.select %eq3A_146, %broadcast_in_dim3A_147, %select_n3A_79 : vector<1x256xi1>, vector<1x256xf32>
      %reduce_max3A_149 = vector.shape_cast %select_n3A_148 : vector<1x256xf32> to vector<1x1x256xf32>
      %reduce_max3A_150 = arith.constant dense<0xFF800000> : vector<1xf32>
      %reduce_max3A_151 = vector.multi_reduction <maximumf>, %reduce_max3A_149, %reduce_max3A_150 [1, 2] : vector<1x1x256xf32> to vector<1xf32>
      %reduce_max3A_152 = vector.shape_cast %reduce_max3A_151 : vector<1xf32> to vector<1x1x1xf32>
      %reduce_max3A_153 = vector.extract %reduce_max3A_152[0, 0, 0] : f32 from vector<1x1x1xf32>
      %eq3A_154 = vector.broadcast %reduce_max3A_153 : f32 to vector<1x256xf32>
      %eq3A_155 = arith.cmpf oeq, %select_n3A_148, %eq3A_154 : vector<1x256xf32>
      %jit3A_156 = arith.constant 256 : i32
      %broadcast_in_dim3A_157 = vector.broadcast %jit3A_156 : i32 to vector<1x256xi32>
      %select_n3A_158 = arith.select %eq3A_155, %iota3A_0, %broadcast_in_dim3A_157 : vector<1x256xi1>, vector<1x256xi32>
      %reduce_min3A_159 = vector.shape_cast %select_n3A_158 : vector<1x256xi32> to vector<1x1x256xi32>
      %reduce_min3A_160 = arith.constant dense<2147483647> : vector<1xi32>
      %reduce_min3A_161 = vector.multi_reduction <minsi>, %reduce_min3A_159, %reduce_min3A_160 [1, 2] : vector<1x1x256xi32> to vector<1xi32>
      %reduce_min3A_162 = vector.shape_cast %reduce_min3A_161 : vector<1xi32> to vector<1x1x1xi32>
      %reduce_min3A_163 = vector.extract %reduce_min3A_162[0, 0, 0] : i32 from vector<1x1x1xi32>
      %get3A_164 = arith.constant 0 : index
      %get3A_165 = arith.index_cast %reduce_min3A_163 : i32 to index
      %get3A_166 = arith.constant 0 : index
      %get3A_167 = vector.load %arg4[%get3A_164, %get3A_165, %get3A_166] : memref<1x256x256xf32, #tpu.memory_space<vmem>>, vector<1x1x256xf32>
      %get3A_168 = vector.shape_cast %get3A_167 : vector<1x1x256xf32> to vector<1x256xf32>
      %eq3A_169 = vector.broadcast %reduce_min3A_163 : i32 to vector<1x256xi32>
      %eq3A_170 = arith.cmpi eq, %iota3A_0, %eq3A_169 : vector<1x256xi32>
      %jit3A_171 = arith.constant 0.000000e+00 : f32
      %broadcast_in_dim3A_172 = vector.broadcast %jit3A_171 : f32 to vector<1x256xf32>
      %select_n3A_173 = arith.select %eq3A_170, %get3A_8, %broadcast_in_dim3A_172 : vector<1x256xi1>, vector<1x256xf32>
      %reduce_sum3A_174 = vector.shape_cast %select_n3A_173 : vector<1x256xf32> to vector<1x1x256xf32>
      %reduce_sum3A_175 = arith.constant dense<0.000000e+00> : vector<1xf32>
      %reduce_sum3A_176 = vector.multi_reduction <add>, %reduce_sum3A_174, %reduce_sum3A_175 [1, 2] : vector<1x1x256xf32> to vector<1xf32>
      %reduce_sum3A_177 = vector.shape_cast %reduce_sum3A_176 : vector<1xf32> to vector<1x1x1xf32>
      %reduce_sum3A_178 = vector.extract %reduce_sum3A_177[0, 0, 0] : f32 from vector<1x1x1xf32>
      %add3A_179 = vector.broadcast %reduce_sum3A_178 : f32 to vector<1x256xf32>
      %add3A_180 = arith.addf %add3A_179, %get3A_11 : vector<1x256xf32>
      %add3A_181 = arith.addf %add3A_180, %get3A_168 : vector<1x256xf32>
      %eq3A_182 = arith.cmpi eq, %reduce_min3A_33, %reduce_min3A_163 : i32
      %eq3A_183 = vector.broadcast %reduce_min3A_65 : i32 to vector<1x256xi32>
      %eq3A_184 = arith.cmpi eq, %iota3A_0, %eq3A_183 : vector<1x256xi32>
      %and3A_185 = vector.broadcast %eq3A_182 : i1 to vector<1x256xi1>
      %and3A_186 = arith.andi %and3A_185, %eq3A_184 : vector<1x256xi1>
      %jit3A_187 = arith.constant 0xFF800000 : f32
      %broadcast_in_dim3A_188 = vector.broadcast %jit3A_187 : f32 to vector<1x256xf32>
      %select_n3A_189 = arith.select %and3A_186, %broadcast_in_dim3A_188, %add3A_181 : vector<1x256xi1>, vector<1x256xf32>
      %eq3A_190 = arith.cmpi eq, %reduce_min3A_94, %reduce_min3A_163 : i32
      %eq3A_191 = vector.broadcast %reduce_min3A_134 : i32 to vector<1x256xi32>
      %eq3A_192 = arith.cmpi eq, %iota3A_0, %eq3A_191 : vector<1x256xi32>
      %and3A_193 = vector.broadcast %eq3A_190 : i1 to vector<1x256xi1>
      %and3A_194 = arith.andi %and3A_193, %eq3A_192 : vector<1x256xi1>
      %jit3A_195 = arith.constant 0xFF800000 : f32
      %broadcast_in_dim3A_196 = vector.broadcast %jit3A_195 : f32 to vector<1x256xf32>
      %select_n3A_197 = arith.select %and3A_194, %broadcast_in_dim3A_196, %select_n3A_189 : vector<1x256xi1>, vector<1x256xf32>
      %reduce_max3A_198 = vector.shape_cast %select_n3A_197 : vector<1x256xf32> to vector<1x1x256xf32>
      %reduce_max3A_199 = arith.constant dense<0xFF800000> : vector<1xf32>
      %reduce_max3A_200 = vector.multi_reduction <maximumf>, %reduce_max3A_198, %reduce_max3A_199 [1, 2] : vector<1x1x256xf32> to vector<1xf32>
      %reduce_max3A_201 = vector.shape_cast %reduce_max3A_200 : vector<1xf32> to vector<1x1x1xf32>
      %reduce_max3A_202 = vector.extract %reduce_max3A_201[0, 0, 0] : f32 from vector<1x1x1xf32>
      %eq3A_203 = vector.broadcast %reduce_max3A_202 : f32 to vector<1x256xf32>
      %eq3A_204 = arith.cmpf oeq, %select_n3A_197, %eq3A_203 : vector<1x256xf32>
      %jit3A_205 = arith.constant 256 : i32
      %broadcast_in_dim3A_206 = vector.broadcast %jit3A_205 : i32 to vector<1x256xi32>
      %select_n3A_207 = arith.select %eq3A_204, %iota3A_0, %broadcast_in_dim3A_206 : vector<1x256xi1>, vector<1x256xi32>
      %reduce_min3A_208 = vector.shape_cast %select_n3A_207 : vector<1x256xi32> to vector<1x1x256xi32>
      %reduce_min3A_209 = arith.constant dense<2147483647> : vector<1xi32>
      %reduce_min3A_210 = vector.multi_reduction <minsi>, %reduce_min3A_208, %reduce_min3A_209 [1, 2] : vector<1x1x256xi32> to vector<1xi32>
      %reduce_min3A_211 = vector.shape_cast %reduce_min3A_210 : vector<1xi32> to vector<1x1x1xi32>
      %reduce_min3A_212 = vector.extract %reduce_min3A_211[0, 0, 0] : i32 from vector<1x1x1xi32>
      %eq3A_213 = vector.broadcast %reduce_min3A_212 : i32 to vector<1x256xi32>
      %eq3A_214 = arith.cmpi eq, %iota3A_0, %eq3A_213 : vector<1x256xi32>
      %jit3A_215 = arith.constant 0xFF800000 : f32
      %broadcast_in_dim3A_216 = vector.broadcast %jit3A_215 : f32 to vector<1x256xf32>
      %select_n3A_217 = arith.select %eq3A_214, %broadcast_in_dim3A_216, %select_n3A_197 : vector<1x256xi1>, vector<1x256xf32>
      %reduce_max3A_218 = vector.shape_cast %select_n3A_217 : vector<1x256xf32> to vector<1x1x256xf32>
      %reduce_max3A_219 = arith.constant dense<0xFF800000> : vector<1xf32>
      %reduce_max3A_220 = vector.multi_reduction <maximumf>, %reduce_max3A_218, %reduce_max3A_219 [1, 2] : vector<1x1x256xf32> to vector<1xf32>
      %reduce_max3A_221 = vector.shape_cast %reduce_max3A_220 : vector<1xf32> to vector<1x1x1xf32>
      %reduce_max3A_222 = vector.extract %reduce_max3A_221[0, 0, 0] : f32 from vector<1x1x1xf32>
      %eq3A_223 = vector.broadcast %reduce_min3A_163 : i32 to vector<1x256xi32>
      %eq3A_224 = arith.cmpi eq, %iota3A_0, %eq3A_223 : vector<1x256xi32>
      %broadcast_in_dim3A_225 = vector.broadcast %reduce_max3A_222 : f32 to vector<1x256xf32>
      %select_n3A_226 = arith.select %eq3A_224, %broadcast_in_dim3A_225, %select_n3A_148 : vector<1x256xi1>, vector<1x256xf32>
      %reduce_max3A_227 = vector.shape_cast %select_n3A_226 : vector<1x256xf32> to vector<1x1x256xf32>
      %reduce_max3A_228 = arith.constant dense<0xFF800000> : vector<1xf32>
      %reduce_max3A_229 = vector.multi_reduction <maximumf>, %reduce_max3A_227, %reduce_max3A_228 [1, 2] : vector<1x1x256xf32> to vector<1xf32>
      %reduce_max3A_230 = vector.shape_cast %reduce_max3A_229 : vector<1xf32> to vector<1x1x1xf32>
      %reduce_max3A_231 = vector.extract %reduce_max3A_230[0, 0, 0] : f32 from vector<1x1x1xf32>
      %eq3A_232 = vector.broadcast %reduce_max3A_231 : f32 to vector<1x256xf32>
      %eq3A_233 = arith.cmpf oeq, %select_n3A_226, %eq3A_232 : vector<1x256xf32>
      %jit3A_234 = arith.constant 256 : i32
      %broadcast_in_dim3A_235 = vector.broadcast %jit3A_234 : i32 to vector<1x256xi32>
      %select_n3A_236 = arith.select %eq3A_233, %iota3A_0, %broadcast_in_dim3A_235 : vector<1x256xi1>, vector<1x256xi32>
      %reduce_min3A_237 = vector.shape_cast %select_n3A_236 : vector<1x256xi32> to vector<1x1x256xi32>
      %reduce_min3A_238 = arith.constant dense<2147483647> : vector<1xi32>
      %reduce_min3A_239 = vector.multi_reduction <minsi>, %reduce_min3A_237, %reduce_min3A_238 [1, 2] : vector<1x1x256xi32> to vector<1xi32>
      %reduce_min3A_240 = vector.shape_cast %reduce_min3A_239 : vector<1xi32> to vector<1x1x1xi32>
      %reduce_min3A_241 = vector.extract %reduce_min3A_240[0, 0, 0] : i32 from vector<1x1x1xi32>
      %get3A_242 = arith.constant 0 : index
      %get3A_243 = arith.index_cast %reduce_min3A_241 : i32 to index
      %get3A_244 = arith.constant 0 : index
      %get3A_245 = vector.load %arg4[%get3A_242, %get3A_243, %get3A_244] : memref<1x256x256xf32, #tpu.memory_space<vmem>>, vector<1x1x256xf32>
      %get3A_246 = vector.shape_cast %get3A_245 : vector<1x1x256xf32> to vector<1x256xf32>
      %eq3A_247 = vector.broadcast %reduce_min3A_241 : i32 to vector<1x256xi32>
      %eq3A_248 = arith.cmpi eq, %iota3A_0, %eq3A_247 : vector<1x256xi32>
      %jit3A_249 = arith.constant 0.000000e+00 : f32
      %broadcast_in_dim3A_250 = vector.broadcast %jit3A_249 : f32 to vector<1x256xf32>
      %select_n3A_251 = arith.select %eq3A_248, %get3A_8, %broadcast_in_dim3A_250 : vector<1x256xi1>, vector<1x256xf32>
      %reduce_sum3A_252 = vector.shape_cast %select_n3A_251 : vector<1x256xf32> to vector<1x1x256xf32>
      %reduce_sum3A_253 = arith.constant dense<0.000000e+00> : vector<1xf32>
      %reduce_sum3A_254 = vector.multi_reduction <add>, %reduce_sum3A_252, %reduce_sum3A_253 [1, 2] : vector<1x1x256xf32> to vector<1xf32>
      %reduce_sum3A_255 = vector.shape_cast %reduce_sum3A_254 : vector<1xf32> to vector<1x1x1xf32>
      %reduce_sum3A_256 = vector.extract %reduce_sum3A_255[0, 0, 0] : f32 from vector<1x1x1xf32>
      %add3A_257 = vector.broadcast %reduce_sum3A_256 : f32 to vector<1x256xf32>
      %add3A_258 = arith.addf %add3A_257, %get3A_11 : vector<1x256xf32>
      %add3A_259 = arith.addf %add3A_258, %get3A_246 : vector<1x256xf32>
      %eq3A_260 = arith.cmpi eq, %reduce_min3A_33, %reduce_min3A_241 : i32
      %eq3A_261 = vector.broadcast %reduce_min3A_65 : i32 to vector<1x256xi32>
      %eq3A_262 = arith.cmpi eq, %iota3A_0, %eq3A_261 : vector<1x256xi32>
      %and3A_263 = vector.broadcast %eq3A_260 : i1 to vector<1x256xi1>
      %and3A_264 = arith.andi %and3A_263, %eq3A_262 : vector<1x256xi1>
      %jit3A_265 = arith.constant 0xFF800000 : f32
      %broadcast_in_dim3A_266 = vector.broadcast %jit3A_265 : f32 to vector<1x256xf32>
      %select_n3A_267 = arith.select %and3A_264, %broadcast_in_dim3A_266, %add3A_259 : vector<1x256xi1>, vector<1x256xf32>
      %eq3A_268 = arith.cmpi eq, %reduce_min3A_94, %reduce_min3A_241 : i32
      %eq3A_269 = vector.broadcast %reduce_min3A_134 : i32 to vector<1x256xi32>
      %eq3A_270 = arith.cmpi eq, %iota3A_0, %eq3A_269 : vector<1x256xi32>
      %and3A_271 = vector.broadcast %eq3A_268 : i1 to vector<1x256xi1>
      %and3A_272 = arith.andi %and3A_271, %eq3A_270 : vector<1x256xi1>
      %jit3A_273 = arith.constant 0xFF800000 : f32
      %broadcast_in_dim3A_274 = vector.broadcast %jit3A_273 : f32 to vector<1x256xf32>
      %select_n3A_275 = arith.select %and3A_272, %broadcast_in_dim3A_274, %select_n3A_267 : vector<1x256xi1>, vector<1x256xf32>
      %eq3A_276 = arith.cmpi eq, %reduce_min3A_163, %reduce_min3A_241 : i32
      %eq3A_277 = vector.broadcast %reduce_min3A_212 : i32 to vector<1x256xi32>
      %eq3A_278 = arith.cmpi eq, %iota3A_0, %eq3A_277 : vector<1x256xi32>
      %and3A_279 = vector.broadcast %eq3A_276 : i1 to vector<1x256xi1>
      %and3A_280 = arith.andi %and3A_279, %eq3A_278 : vector<1x256xi1>
      %jit3A_281 = arith.constant 0xFF800000 : f32
      %broadcast_in_dim3A_282 = vector.broadcast %jit3A_281 : f32 to vector<1x256xf32>
      %select_n3A_283 = arith.select %and3A_280, %broadcast_in_dim3A_282, %select_n3A_275 : vector<1x256xi1>, vector<1x256xf32>
      %reduce_max3A_284 = vector.shape_cast %select_n3A_283 : vector<1x256xf32> to vector<1x1x256xf32>
      %reduce_max3A_285 = arith.constant dense<0xFF800000> : vector<1xf32>
      %reduce_max3A_286 = vector.multi_reduction <maximumf>, %reduce_max3A_284, %reduce_max3A_285 [1, 2] : vector<1x1x256xf32> to vector<1xf32>
      %reduce_max3A_287 = vector.shape_cast %reduce_max3A_286 : vector<1xf32> to vector<1x1x1xf32>
      %reduce_max3A_288 = vector.extract %reduce_max3A_287[0, 0, 0] : f32 from vector<1x1x1xf32>
      %eq3A_289 = vector.broadcast %reduce_max3A_288 : f32 to vector<1x256xf32>
      %eq3A_290 = arith.cmpf oeq, %select_n3A_283, %eq3A_289 : vector<1x256xf32>
      %jit3A_291 = arith.constant 256 : i32
      %broadcast_in_dim3A_292 = vector.broadcast %jit3A_291 : i32 to vector<1x256xi32>
      %select_n3A_293 = arith.select %eq3A_290, %iota3A_0, %broadcast_in_dim3A_292 : vector<1x256xi1>, vector<1x256xi32>
      %reduce_min3A_294 = vector.shape_cast %select_n3A_293 : vector<1x256xi32> to vector<1x1x256xi32>
      %reduce_min3A_295 = arith.constant dense<2147483647> : vector<1xi32>
      %reduce_min3A_296 = vector.multi_reduction <minsi>, %reduce_min3A_294, %reduce_min3A_295 [1, 2] : vector<1x1x256xi32> to vector<1xi32>
      %reduce_min3A_297 = vector.shape_cast %reduce_min3A_296 : vector<1xi32> to vector<1x1x1xi32>
      %reduce_min3A_298 = vector.extract %reduce_min3A_297[0, 0, 0] : i32 from vector<1x1x1xi32>
      %eq3A_299 = vector.broadcast %reduce_min3A_298 : i32 to vector<1x256xi32>
      %eq3A_300 = arith.cmpi eq, %iota3A_0, %eq3A_299 : vector<1x256xi32>
      %jit3A_301 = arith.constant 0xFF800000 : f32
      %broadcast_in_dim3A_302 = vector.broadcast %jit3A_301 : f32 to vector<1x256xf32>
      %select_n3A_303 = arith.select %eq3A_300, %broadcast_in_dim3A_302, %select_n3A_283 : vector<1x256xi1>, vector<1x256xf32>
      %reduce_max3A_304 = vector.shape_cast %select_n3A_303 : vector<1x256xf32> to vector<1x1x256xf32>
      %reduce_max3A_305 = arith.constant dense<0xFF800000> : vector<1xf32>
      %reduce_max3A_306 = vector.multi_reduction <maximumf>, %reduce_max3A_304, %reduce_max3A_305 [1, 2] : vector<1x1x256xf32> to vector<1xf32>
      %reduce_max3A_307 = vector.shape_cast %reduce_max3A_306 : vector<1xf32> to vector<1x1x1xf32>
      %reduce_max3A_308 = vector.extract %reduce_max3A_307[0, 0, 0] : f32 from vector<1x1x1xf32>
      %eq3A_309 = vector.broadcast %reduce_min3A_241 : i32 to vector<1x256xi32>
      %eq3A_310 = arith.cmpi eq, %iota3A_0, %eq3A_309 : vector<1x256xi32>
      %broadcast_in_dim3A_311 = vector.broadcast %reduce_max3A_308 : f32 to vector<1x256xf32>
      %select_n3A_312 = arith.select %eq3A_310, %broadcast_in_dim3A_311, %select_n3A_226 : vector<1x256xi1>, vector<1x256xf32>
      %reduce_max3A_313 = vector.shape_cast %select_n3A_312 : vector<1x256xf32> to vector<1x1x256xf32>
      %reduce_max3A_314 = arith.constant dense<0xFF800000> : vector<1xf32>
      %reduce_max3A_315 = vector.multi_reduction <maximumf>, %reduce_max3A_313, %reduce_max3A_314 [1, 2] : vector<1x1x256xf32> to vector<1xf32>
      %reduce_max3A_316 = vector.shape_cast %reduce_max3A_315 : vector<1xf32> to vector<1x1x1xf32>
      %reduce_max3A_317 = vector.extract %reduce_max3A_316[0, 0, 0] : f32 from vector<1x1x1xf32>
      %eq3A_318 = vector.broadcast %reduce_max3A_317 : f32 to vector<1x256xf32>
      %eq3A_319 = arith.cmpf oeq, %select_n3A_312, %eq3A_318 : vector<1x256xf32>
      %jit3A_320 = arith.constant 256 : i32
      %broadcast_in_dim3A_321 = vector.broadcast %jit3A_320 : i32 to vector<1x256xi32>
      %select_n3A_322 = arith.select %eq3A_319, %iota3A_0, %broadcast_in_dim3A_321 : vector<1x256xi1>, vector<1x256xi32>
      %reduce_min3A_323 = vector.shape_cast %select_n3A_322 : vector<1x256xi32> to vector<1x1x256xi32>
      %reduce_min3A_324 = arith.constant dense<2147483647> : vector<1xi32>
      %reduce_min3A_325 = vector.multi_reduction <minsi>, %reduce_min3A_323, %reduce_min3A_324 [1, 2] : vector<1x1x256xi32> to vector<1xi32>
      %reduce_min3A_326 = vector.shape_cast %reduce_min3A_325 : vector<1xi32> to vector<1x1x1xi32>
      %reduce_min3A_327 = vector.extract %reduce_min3A_326[0, 0, 0] : i32 from vector<1x1x1xi32>
      %get3A_328 = arith.constant 0 : index
      %get3A_329 = arith.index_cast %reduce_min3A_327 : i32 to index
      %get3A_330 = arith.constant 0 : index
      %get3A_331 = vector.load %arg4[%get3A_328, %get3A_329, %get3A_330] : memref<1x256x256xf32, #tpu.memory_space<vmem>>, vector<1x1x256xf32>
      %get3A_332 = vector.shape_cast %get3A_331 : vector<1x1x256xf32> to vector<1x256xf32>
      %eq3A_333 = vector.broadcast %reduce_min3A_327 : i32 to vector<1x256xi32>
      %eq3A_334 = arith.cmpi eq, %iota3A_0, %eq3A_333 : vector<1x256xi32>
      %jit3A_335 = arith.constant 0.000000e+00 : f32
      %broadcast_in_dim3A_336 = vector.broadcast %jit3A_335 : f32 to vector<1x256xf32>
      %select_n3A_337 = arith.select %eq3A_334, %get3A_8, %broadcast_in_dim3A_336 : vector<1x256xi1>, vector<1x256xf32>
      %reduce_sum3A_338 = vector.shape_cast %select_n3A_337 : vector<1x256xf32> to vector<1x1x256xf32>
      %reduce_sum3A_339 = arith.constant dense<0.000000e+00> : vector<1xf32>
      %reduce_sum3A_340 = vector.multi_reduction <add>, %reduce_sum3A_338, %reduce_sum3A_339 [1, 2] : vector<1x1x256xf32> to vector<1xf32>
      %reduce_sum3A_341 = vector.shape_cast %reduce_sum3A_340 : vector<1xf32> to vector<1x1x1xf32>
      %reduce_sum3A_342 = vector.extract %reduce_sum3A_341[0, 0, 0] : f32 from vector<1x1x1xf32>
      %add3A_343 = vector.broadcast %reduce_sum3A_342 : f32 to vector<1x256xf32>
      %add3A_344 = arith.addf %add3A_343, %get3A_11 : vector<1x256xf32>
      %add3A_345 = arith.addf %add3A_344, %get3A_332 : vector<1x256xf32>
      %eq3A_346 = arith.cmpi eq, %reduce_min3A_33, %reduce_min3A_327 : i32
      %eq3A_347 = vector.broadcast %reduce_min3A_65 : i32 to vector<1x256xi32>
      %eq3A_348 = arith.cmpi eq, %iota3A_0, %eq3A_347 : vector<1x256xi32>
      %and3A_349 = vector.broadcast %eq3A_346 : i1 to vector<1x256xi1>
      %and3A_350 = arith.andi %and3A_349, %eq3A_348 : vector<1x256xi1>
      %jit3A_351 = arith.constant 0xFF800000 : f32
      %broadcast_in_dim3A_352 = vector.broadcast %jit3A_351 : f32 to vector<1x256xf32>
      %select_n3A_353 = arith.select %and3A_350, %broadcast_in_dim3A_352, %add3A_345 : vector<1x256xi1>, vector<1x256xf32>
      %eq3A_354 = arith.cmpi eq, %reduce_min3A_94, %reduce_min3A_327 : i32
      %eq3A_355 = vector.broadcast %reduce_min3A_134 : i32 to vector<1x256xi32>
      %eq3A_356 = arith.cmpi eq, %iota3A_0, %eq3A_355 : vector<1x256xi32>
      %and3A_357 = vector.broadcast %eq3A_354 : i1 to vector<1x256xi1>
      %and3A_358 = arith.andi %and3A_357, %eq3A_356 : vector<1x256xi1>
      %jit3A_359 = arith.constant 0xFF800000 : f32
      %broadcast_in_dim3A_360 = vector.broadcast %jit3A_359 : f32 to vector<1x256xf32>
      %select_n3A_361 = arith.select %and3A_358, %broadcast_in_dim3A_360, %select_n3A_353 : vector<1x256xi1>, vector<1x256xf32>
      %eq3A_362 = arith.cmpi eq, %reduce_min3A_163, %reduce_min3A_327 : i32
      %eq3A_363 = vector.broadcast %reduce_min3A_212 : i32 to vector<1x256xi32>
      %eq3A_364 = arith.cmpi eq, %iota3A_0, %eq3A_363 : vector<1x256xi32>
      %and3A_365 = vector.broadcast %eq3A_362 : i1 to vector<1x256xi1>
      %and3A_366 = arith.andi %and3A_365, %eq3A_364 : vector<1x256xi1>
      %jit3A_367 = arith.constant 0xFF800000 : f32
      %broadcast_in_dim3A_368 = vector.broadcast %jit3A_367 : f32 to vector<1x256xf32>
      %select_n3A_369 = arith.select %and3A_366, %broadcast_in_dim3A_368, %select_n3A_361 : vector<1x256xi1>, vector<1x256xf32>
      %eq3A_370 = arith.cmpi eq, %reduce_min3A_241, %reduce_min3A_327 : i32
      %eq3A_371 = vector.broadcast %reduce_min3A_298 : i32 to vector<1x256xi32>
      %eq3A_372 = arith.cmpi eq, %iota3A_0, %eq3A_371 : vector<1x256xi32>
      %and3A_373 = vector.broadcast %eq3A_370 : i1 to vector<1x256xi1>
      %and3A_374 = arith.andi %and3A_373, %eq3A_372 : vector<1x256xi1>
      %jit3A_375 = arith.constant 0xFF800000 : f32
      %broadcast_in_dim3A_376 = vector.broadcast %jit3A_375 : f32 to vector<1x256xf32>
      %select_n3A_377 = arith.select %and3A_374, %broadcast_in_dim3A_376, %select_n3A_369 : vector<1x256xi1>, vector<1x256xf32>
      %reduce_max3A_378 = vector.shape_cast %select_n3A_377 : vector<1x256xf32> to vector<1x1x256xf32>
      %reduce_max3A_379 = arith.constant dense<0xFF800000> : vector<1xf32>
      %reduce_max3A_380 = vector.multi_reduction <maximumf>, %reduce_max3A_378, %reduce_max3A_379 [1, 2] : vector<1x1x256xf32> to vector<1xf32>
      %reduce_max3A_381 = vector.shape_cast %reduce_max3A_380 : vector<1xf32> to vector<1x1x1xf32>
      %reduce_max3A_382 = vector.extract %reduce_max3A_381[0, 0, 0] : f32 from vector<1x1x1xf32>
      %eq3A_383 = vector.broadcast %reduce_max3A_382 : f32 to vector<1x256xf32>
      %eq3A_384 = arith.cmpf oeq, %select_n3A_377, %eq3A_383 : vector<1x256xf32>
      %jit3A_385 = arith.constant 256 : i32
      %broadcast_in_dim3A_386 = vector.broadcast %jit3A_385 : i32 to vector<1x256xi32>
      %select_n3A_387 = arith.select %eq3A_384, %iota3A_0, %broadcast_in_dim3A_386 : vector<1x256xi1>, vector<1x256xi32>
      %reduce_min3A_388 = vector.shape_cast %select_n3A_387 : vector<1x256xi32> to vector<1x1x256xi32>
      %reduce_min3A_389 = arith.constant dense<2147483647> : vector<1xi32>
      %reduce_min3A_390 = vector.multi_reduction <minsi>, %reduce_min3A_388, %reduce_min3A_389 [1, 2] : vector<1x1x256xi32> to vector<1xi32>
      %reduce_min3A_391 = vector.shape_cast %reduce_min3A_390 : vector<1xi32> to vector<1x1x1xi32>
      %reduce_min3A_392 = vector.extract %reduce_min3A_391[0, 0, 0] : i32 from vector<1x1x1xi32>
      %eq3A_393 = vector.broadcast %reduce_min3A_392 : i32 to vector<1x256xi32>
      %eq3A_394 = arith.cmpi eq, %iota3A_0, %eq3A_393 : vector<1x256xi32>
      %jit3A_395 = arith.constant 0xFF800000 : f32
      %broadcast_in_dim3A_396 = vector.broadcast %jit3A_395 : f32 to vector<1x256xf32>
      %select_n3A_397 = arith.select %eq3A_394, %broadcast_in_dim3A_396, %select_n3A_377 : vector<1x256xi1>, vector<1x256xf32>
      %reduce_max3A_398 = vector.shape_cast %select_n3A_397 : vector<1x256xf32> to vector<1x1x256xf32>
      %reduce_max3A_399 = arith.constant dense<0xFF800000> : vector<1xf32>
      %reduce_max3A_400 = vector.multi_reduction <maximumf>, %reduce_max3A_398, %reduce_max3A_399 [1, 2] : vector<1x1x256xf32> to vector<1xf32>
      %reduce_max3A_401 = vector.shape_cast %reduce_max3A_400 : vector<1xf32> to vector<1x1x1xf32>
      %reduce_max3A_402 = vector.extract %reduce_max3A_401[0, 0, 0] : f32 from vector<1x1x1xf32>
      %eq3A_403 = vector.broadcast %reduce_min3A_327 : i32 to vector<1x256xi32>
      %eq3A_404 = arith.cmpi eq, %iota3A_0, %eq3A_403 : vector<1x256xi32>
      %broadcast_in_dim3A_405 = vector.broadcast %reduce_max3A_402 : f32 to vector<1x256xf32>
      %select_n3A_406 = arith.select %eq3A_404, %broadcast_in_dim3A_405, %select_n3A_312 : vector<1x256xi1>, vector<1x256xf32>
      %reduce_max3A_407 = vector.shape_cast %select_n3A_406 : vector<1x256xf32> to vector<1x1x256xf32>
      %reduce_max3A_408 = arith.constant dense<0xFF800000> : vector<1xf32>
      %reduce_max3A_409 = vector.multi_reduction <maximumf>, %reduce_max3A_407, %reduce_max3A_408 [1, 2] : vector<1x1x256xf32> to vector<1xf32>
      %reduce_max3A_410 = vector.shape_cast %reduce_max3A_409 : vector<1xf32> to vector<1x1x1xf32>
      %reduce_max3A_411 = vector.extract %reduce_max3A_410[0, 0, 0] : f32 from vector<1x1x1xf32>
      %eq3A_412 = vector.broadcast %reduce_max3A_411 : f32 to vector<1x256xf32>
      %eq3A_413 = arith.cmpf oeq, %select_n3A_406, %eq3A_412 : vector<1x256xf32>
      %jit3A_414 = arith.constant 256 : i32
      %broadcast_in_dim3A_415 = vector.broadcast %jit3A_414 : i32 to vector<1x256xi32>
      %select_n3A_416 = arith.select %eq3A_413, %iota3A_0, %broadcast_in_dim3A_415 : vector<1x256xi1>, vector<1x256xi32>
      %reduce_min3A_417 = vector.shape_cast %select_n3A_416 : vector<1x256xi32> to vector<1x1x256xi32>
      %reduce_min3A_418 = arith.constant dense<2147483647> : vector<1xi32>
      %reduce_min3A_419 = vector.multi_reduction <minsi>, %reduce_min3A_417, %reduce_min3A_418 [1, 2] : vector<1x1x256xi32> to vector<1xi32>
      %reduce_min3A_420 = vector.shape_cast %reduce_min3A_419 : vector<1xi32> to vector<1x1x1xi32>
      %reduce_min3A_421 = vector.extract %reduce_min3A_420[0, 0, 0] : i32 from vector<1x1x1xi32>
      %get3A_422 = arith.constant 0 : index
      %get3A_423 = arith.index_cast %reduce_min3A_421 : i32 to index
      %get3A_424 = arith.constant 0 : index
      %get3A_425 = vector.load %arg4[%get3A_422, %get3A_423, %get3A_424] : memref<1x256x256xf32, #tpu.memory_space<vmem>>, vector<1x1x256xf32>
      %get3A_426 = vector.shape_cast %get3A_425 : vector<1x1x256xf32> to vector<1x256xf32>
      %eq3A_427 = vector.broadcast %reduce_min3A_421 : i32 to vector<1x256xi32>
      %eq3A_428 = arith.cmpi eq, %iota3A_0, %eq3A_427 : vector<1x256xi32>
      %jit3A_429 = arith.constant 0.000000e+00 : f32
      %broadcast_in_dim3A_430 = vector.broadcast %jit3A_429 : f32 to vector<1x256xf32>
      %select_n3A_431 = arith.select %eq3A_428, %get3A_8, %broadcast_in_dim3A_430 : vector<1x256xi1>, vector<1x256xf32>
      %reduce_sum3A_432 = vector.shape_cast %select_n3A_431 : vector<1x256xf32> to vector<1x1x256xf32>
      %reduce_sum3A_433 = arith.constant dense<0.000000e+00> : vector<1xf32>
      %reduce_sum3A_434 = vector.multi_reduction <add>, %reduce_sum3A_432, %reduce_sum3A_433 [1, 2] : vector<1x1x256xf32> to vector<1xf32>
      %reduce_sum3A_435 = vector.shape_cast %reduce_sum3A_434 : vector<1xf32> to vector<1x1x1xf32>
      %reduce_sum3A_436 = vector.extract %reduce_sum3A_435[0, 0, 0] : f32 from vector<1x1x1xf32>
      %add3A_437 = vector.broadcast %reduce_sum3A_436 : f32 to vector<1x256xf32>
      %add3A_438 = arith.addf %add3A_437, %get3A_11 : vector<1x256xf32>
      %add3A_439 = arith.addf %add3A_438, %get3A_426 : vector<1x256xf32>
      %eq3A_440 = arith.cmpi eq, %reduce_min3A_33, %reduce_min3A_421 : i32
      %eq3A_441 = vector.broadcast %reduce_min3A_65 : i32 to vector<1x256xi32>
      %eq3A_442 = arith.cmpi eq, %iota3A_0, %eq3A_441 : vector<1x256xi32>
      %and3A_443 = vector.broadcast %eq3A_440 : i1 to vector<1x256xi1>
      %and3A_444 = arith.andi %and3A_443, %eq3A_442 : vector<1x256xi1>
      %jit3A_445 = arith.constant 0xFF800000 : f32
      %broadcast_in_dim3A_446 = vector.broadcast %jit3A_445 : f32 to vector<1x256xf32>
      %select_n3A_447 = arith.select %and3A_444, %broadcast_in_dim3A_446, %add3A_439 : vector<1x256xi1>, vector<1x256xf32>
      %eq3A_448 = arith.cmpi eq, %reduce_min3A_94, %reduce_min3A_421 : i32
      %eq3A_449 = vector.broadcast %reduce_min3A_134 : i32 to vector<1x256xi32>
      %eq3A_450 = arith.cmpi eq, %iota3A_0, %eq3A_449 : vector<1x256xi32>
      %and3A_451 = vector.broadcast %eq3A_448 : i1 to vector<1x256xi1>
      %and3A_452 = arith.andi %and3A_451, %eq3A_450 : vector<1x256xi1>
      %jit3A_453 = arith.constant 0xFF800000 : f32
      %broadcast_in_dim3A_454 = vector.broadcast %jit3A_453 : f32 to vector<1x256xf32>
      %select_n3A_455 = arith.select %and3A_452, %broadcast_in_dim3A_454, %select_n3A_447 : vector<1x256xi1>, vector<1x256xf32>
      %eq3A_456 = arith.cmpi eq, %reduce_min3A_163, %reduce_min3A_421 : i32
      %eq3A_457 = vector.broadcast %reduce_min3A_212 : i32 to vector<1x256xi32>
      %eq3A_458 = arith.cmpi eq, %iota3A_0, %eq3A_457 : vector<1x256xi32>
      %and3A_459 = vector.broadcast %eq3A_456 : i1 to vector<1x256xi1>
      %and3A_460 = arith.andi %and3A_459, %eq3A_458 : vector<1x256xi1>
      %jit3A_461 = arith.constant 0xFF800000 : f32
      %broadcast_in_dim3A_462 = vector.broadcast %jit3A_461 : f32 to vector<1x256xf32>
      %select_n3A_463 = arith.select %and3A_460, %broadcast_in_dim3A_462, %select_n3A_455 : vector<1x256xi1>, vector<1x256xf32>
      %eq3A_464 = arith.cmpi eq, %reduce_min3A_241, %reduce_min3A_421 : i32
      %eq3A_465 = vector.broadcast %reduce_min3A_298 : i32 to vector<1x256xi32>
      %eq3A_466 = arith.cmpi eq, %iota3A_0, %eq3A_465 : vector<1x256xi32>
      %and3A_467 = vector.broadcast %eq3A_464 : i1 to vector<1x256xi1>
      %and3A_468 = arith.andi %and3A_467, %eq3A_466 : vector<1x256xi1>
      %jit3A_469 = arith.constant 0xFF800000 : f32
      %broadcast_in_dim3A_470 = vector.broadcast %jit3A_469 : f32 to vector<1x256xf32>
      %select_n3A_471 = arith.select %and3A_468, %broadcast_in_dim3A_470, %select_n3A_463 : vector<1x256xi1>, vector<1x256xf32>
      %eq3A_472 = arith.cmpi eq, %reduce_min3A_327, %reduce_min3A_421 : i32
      %eq3A_473 = vector.broadcast %reduce_min3A_392 : i32 to vector<1x256xi32>
      %eq3A_474 = arith.cmpi eq, %iota3A_0, %eq3A_473 : vector<1x256xi32>
      %and3A_475 = vector.broadcast %eq3A_472 : i1 to vector<1x256xi1>
      %and3A_476 = arith.andi %and3A_475, %eq3A_474 : vector<1x256xi1>
      %jit3A_477 = arith.constant 0xFF800000 : f32
      %broadcast_in_dim3A_478 = vector.broadcast %jit3A_477 : f32 to vector<1x256xf32>
      %select_n3A_479 = arith.select %and3A_476, %broadcast_in_dim3A_478, %select_n3A_471 : vector<1x256xi1>, vector<1x256xf32>
      %reduce_max3A_480 = vector.shape_cast %select_n3A_479 : vector<1x256xf32> to vector<1x1x256xf32>
      %reduce_max3A_481 = arith.constant dense<0xFF800000> : vector<1xf32>
      %reduce_max3A_482 = vector.multi_reduction <maximumf>, %reduce_max3A_480, %reduce_max3A_481 [1, 2] : vector<1x1x256xf32> to vector<1xf32>
      %reduce_max3A_483 = vector.shape_cast %reduce_max3A_482 : vector<1xf32> to vector<1x1x1xf32>
      %reduce_max3A_484 = vector.extract %reduce_max3A_483[0, 0, 0] : f32 from vector<1x1x1xf32>
      %eq3A_485 = vector.broadcast %reduce_max3A_484 : f32 to vector<1x256xf32>
      %eq3A_486 = arith.cmpf oeq, %select_n3A_479, %eq3A_485 : vector<1x256xf32>
      %jit3A_487 = arith.constant 256 : i32
      %broadcast_in_dim3A_488 = vector.broadcast %jit3A_487 : i32 to vector<1x256xi32>
      %select_n3A_489 = arith.select %eq3A_486, %iota3A_0, %broadcast_in_dim3A_488 : vector<1x256xi1>, vector<1x256xi32>
      %reduce_min3A_490 = vector.shape_cast %select_n3A_489 : vector<1x256xi32> to vector<1x1x256xi32>
      %reduce_min3A_491 = arith.constant dense<2147483647> : vector<1xi32>
      %reduce_min3A_492 = vector.multi_reduction <minsi>, %reduce_min3A_490, %reduce_min3A_491 [1, 2] : vector<1x1x256xi32> to vector<1xi32>
      %reduce_min3A_493 = vector.shape_cast %reduce_min3A_492 : vector<1xi32> to vector<1x1x1xi32>
      %reduce_min3A_494 = vector.extract %reduce_min3A_493[0, 0, 0] : i32 from vector<1x1x1xi32>
      %eq3A_495 = vector.broadcast %reduce_min3A_494 : i32 to vector<1x256xi32>
      %eq3A_496 = arith.cmpi eq, %iota3A_0, %eq3A_495 : vector<1x256xi32>
      %jit3A_497 = arith.constant 0xFF800000 : f32
      %broadcast_in_dim3A_498 = vector.broadcast %jit3A_497 : f32 to vector<1x256xf32>
      %select_n3A_499 = arith.select %eq3A_496, %broadcast_in_dim3A_498, %select_n3A_479 : vector<1x256xi1>, vector<1x256xf32>
      %reduce_max3A_500 = vector.shape_cast %select_n3A_499 : vector<1x256xf32> to vector<1x1x256xf32>
      %reduce_max3A_501 = arith.constant dense<0xFF800000> : vector<1xf32>
      %reduce_max3A_502 = vector.multi_reduction <maximumf>, %reduce_max3A_500, %reduce_max3A_501 [1, 2] : vector<1x1x256xf32> to vector<1xf32>
      %reduce_max3A_503 = vector.shape_cast %reduce_max3A_502 : vector<1xf32> to vector<1x1x1xf32>
      %reduce_max3A_504 = vector.extract %reduce_max3A_503[0, 0, 0] : f32 from vector<1x1x1xf32>
      %eq3A_505 = vector.broadcast %reduce_min3A_421 : i32 to vector<1x256xi32>
      %eq3A_506 = arith.cmpi eq, %iota3A_0, %eq3A_505 : vector<1x256xi32>
      %broadcast_in_dim3A_507 = vector.broadcast %reduce_max3A_504 : f32 to vector<1x256xf32>
      %select_n3A_508 = arith.select %eq3A_506, %broadcast_in_dim3A_507, %select_n3A_406 : vector<1x256xi1>, vector<1x256xf32>
      %reduce_max3A_509 = vector.shape_cast %select_n3A_508 : vector<1x256xf32> to vector<1x1x256xf32>
      %reduce_max3A_510 = arith.constant dense<0xFF800000> : vector<1xf32>
      %reduce_max3A_511 = vector.multi_reduction <maximumf>, %reduce_max3A_509, %reduce_max3A_510 [1, 2] : vector<1x1x256xf32> to vector<1xf32>
      %reduce_max3A_512 = vector.shape_cast %reduce_max3A_511 : vector<1xf32> to vector<1x1x1xf32>
      %reduce_max3A_513 = vector.extract %reduce_max3A_512[0, 0, 0] : f32 from vector<1x1x1xf32>
      %eq3A_514 = vector.broadcast %reduce_max3A_513 : f32 to vector<1x256xf32>
      %eq3A_515 = arith.cmpf oeq, %select_n3A_508, %eq3A_514 : vector<1x256xf32>
      %jit3A_516 = arith.constant 256 : i32
      %broadcast_in_dim3A_517 = vector.broadcast %jit3A_516 : i32 to vector<1x256xi32>
      %select_n3A_518 = arith.select %eq3A_515, %iota3A_0, %broadcast_in_dim3A_517 : vector<1x256xi1>, vector<1x256xi32>
      %reduce_min3A_519 = vector.shape_cast %select_n3A_518 : vector<1x256xi32> to vector<1x1x256xi32>
      %reduce_min3A_520 = arith.constant dense<2147483647> : vector<1xi32>
      %reduce_min3A_521 = vector.multi_reduction <minsi>, %reduce_min3A_519, %reduce_min3A_520 [1, 2] : vector<1x1x256xi32> to vector<1xi32>
      %reduce_min3A_522 = vector.shape_cast %reduce_min3A_521 : vector<1xi32> to vector<1x1x1xi32>
      %reduce_min3A_523 = vector.extract %reduce_min3A_522[0, 0, 0] : i32 from vector<1x1x1xi32>
      %get3A_524 = arith.constant 0 : index
      %get3A_525 = arith.index_cast %reduce_min3A_523 : i32 to index
      %get3A_526 = arith.constant 0 : index
      %get3A_527 = vector.load %arg4[%get3A_524, %get3A_525, %get3A_526] : memref<1x256x256xf32, #tpu.memory_space<vmem>>, vector<1x1x256xf32>
      %get3A_528 = vector.shape_cast %get3A_527 : vector<1x1x256xf32> to vector<1x256xf32>
      %eq3A_529 = vector.broadcast %reduce_min3A_523 : i32 to vector<1x256xi32>
      %eq3A_530 = arith.cmpi eq, %iota3A_0, %eq3A_529 : vector<1x256xi32>
      %jit3A_531 = arith.constant 0.000000e+00 : f32
      %broadcast_in_dim3A_532 = vector.broadcast %jit3A_531 : f32 to vector<1x256xf32>
      %select_n3A_533 = arith.select %eq3A_530, %get3A_8, %broadcast_in_dim3A_532 : vector<1x256xi1>, vector<1x256xf32>
      %reduce_sum3A_534 = vector.shape_cast %select_n3A_533 : vector<1x256xf32> to vector<1x1x256xf32>
      %reduce_sum3A_535 = arith.constant dense<0.000000e+00> : vector<1xf32>
      %reduce_sum3A_536 = vector.multi_reduction <add>, %reduce_sum3A_534, %reduce_sum3A_535 [1, 2] : vector<1x1x256xf32> to vector<1xf32>
      %reduce_sum3A_537 = vector.shape_cast %reduce_sum3A_536 : vector<1xf32> to vector<1x1x1xf32>
      %reduce_sum3A_538 = vector.extract %reduce_sum3A_537[0, 0, 0] : f32 from vector<1x1x1xf32>
      %add3A_539 = vector.broadcast %reduce_sum3A_538 : f32 to vector<1x256xf32>
      %add3A_540 = arith.addf %add3A_539, %get3A_11 : vector<1x256xf32>
      %add3A_541 = arith.addf %add3A_540, %get3A_528 : vector<1x256xf32>
      %eq3A_542 = arith.cmpi eq, %reduce_min3A_33, %reduce_min3A_523 : i32
      %eq3A_543 = vector.broadcast %reduce_min3A_65 : i32 to vector<1x256xi32>
      %eq3A_544 = arith.cmpi eq, %iota3A_0, %eq3A_543 : vector<1x256xi32>
      %and3A_545 = vector.broadcast %eq3A_542 : i1 to vector<1x256xi1>
      %and3A_546 = arith.andi %and3A_545, %eq3A_544 : vector<1x256xi1>
      %jit3A_547 = arith.constant 0xFF800000 : f32
      %broadcast_in_dim3A_548 = vector.broadcast %jit3A_547 : f32 to vector<1x256xf32>
      %select_n3A_549 = arith.select %and3A_546, %broadcast_in_dim3A_548, %add3A_541 : vector<1x256xi1>, vector<1x256xf32>
      %eq3A_550 = arith.cmpi eq, %reduce_min3A_94, %reduce_min3A_523 : i32
      %eq3A_551 = vector.broadcast %reduce_min3A_134 : i32 to vector<1x256xi32>
      %eq3A_552 = arith.cmpi eq, %iota3A_0, %eq3A_551 : vector<1x256xi32>
      %and3A_553 = vector.broadcast %eq3A_550 : i1 to vector<1x256xi1>
      %and3A_554 = arith.andi %and3A_553, %eq3A_552 : vector<1x256xi1>
      %jit3A_555 = arith.constant 0xFF800000 : f32
      %broadcast_in_dim3A_556 = vector.broadcast %jit3A_555 : f32 to vector<1x256xf32>
      %select_n3A_557 = arith.select %and3A_554, %broadcast_in_dim3A_556, %select_n3A_549 : vector<1x256xi1>, vector<1x256xf32>
      %eq3A_558 = arith.cmpi eq, %reduce_min3A_163, %reduce_min3A_523 : i32
      %eq3A_559 = vector.broadcast %reduce_min3A_212 : i32 to vector<1x256xi32>
      %eq3A_560 = arith.cmpi eq, %iota3A_0, %eq3A_559 : vector<1x256xi32>
      %and3A_561 = vector.broadcast %eq3A_558 : i1 to vector<1x256xi1>
      %and3A_562 = arith.andi %and3A_561, %eq3A_560 : vector<1x256xi1>
      %jit3A_563 = arith.constant 0xFF800000 : f32
      %broadcast_in_dim3A_564 = vector.broadcast %jit3A_563 : f32 to vector<1x256xf32>
      %select_n3A_565 = arith.select %and3A_562, %broadcast_in_dim3A_564, %select_n3A_557 : vector<1x256xi1>, vector<1x256xf32>
      %eq3A_566 = arith.cmpi eq, %reduce_min3A_241, %reduce_min3A_523 : i32
      %eq3A_567 = vector.broadcast %reduce_min3A_298 : i32 to vector<1x256xi32>
      %eq3A_568 = arith.cmpi eq, %iota3A_0, %eq3A_567 : vector<1x256xi32>
      %and3A_569 = vector.broadcast %eq3A_566 : i1 to vector<1x256xi1>
      %and3A_570 = arith.andi %and3A_569, %eq3A_568 : vector<1x256xi1>
      %jit3A_571 = arith.constant 0xFF800000 : f32
      %broadcast_in_dim3A_572 = vector.broadcast %jit3A_571 : f32 to vector<1x256xf32>
      %select_n3A_573 = arith.select %and3A_570, %broadcast_in_dim3A_572, %select_n3A_565 : vector<1x256xi1>, vector<1x256xf32>
      %eq3A_574 = arith.cmpi eq, %reduce_min3A_327, %reduce_min3A_523 : i32
      %eq3A_575 = vector.broadcast %reduce_min3A_392 : i32 to vector<1x256xi32>
      %eq3A_576 = arith.cmpi eq, %iota3A_0, %eq3A_575 : vector<1x256xi32>
      %and3A_577 = vector.broadcast %eq3A_574 : i1 to vector<1x256xi1>
      %and3A_578 = arith.andi %and3A_577, %eq3A_576 : vector<1x256xi1>
      %jit3A_579 = arith.constant 0xFF800000 : f32
      %broadcast_in_dim3A_580 = vector.broadcast %jit3A_579 : f32 to vector<1x256xf32>
      %select_n3A_581 = arith.select %and3A_578, %broadcast_in_dim3A_580, %select_n3A_573 : vector<1x256xi1>, vector<1x256xf32>
      %eq3A_582 = arith.cmpi eq, %reduce_min3A_421, %reduce_min3A_523 : i32
      %eq3A_583 = vector.broadcast %reduce_min3A_494 : i32 to vector<1x256xi32>
      %eq3A_584 = arith.cmpi eq, %iota3A_0, %eq3A_583 : vector<1x256xi32>
      %and3A_585 = vector.broadcast %eq3A_582 : i1 to vector<1x256xi1>
      %and3A_586 = arith.andi %and3A_585, %eq3A_584 : vector<1x256xi1>
      %jit3A_587 = arith.constant 0xFF800000 : f32
      %broadcast_in_dim3A_588 = vector.broadcast %jit3A_587 : f32 to vector<1x256xf32>
      %select_n3A_589 = arith.select %and3A_586, %broadcast_in_dim3A_588, %select_n3A_581 : vector<1x256xi1>, vector<1x256xf32>
      %reduce_max3A_590 = vector.shape_cast %select_n3A_589 : vector<1x256xf32> to vector<1x1x256xf32>
      %reduce_max3A_591 = arith.constant dense<0xFF800000> : vector<1xf32>
      %reduce_max3A_592 = vector.multi_reduction <maximumf>, %reduce_max3A_590, %reduce_max3A_591 [1, 2] : vector<1x1x256xf32> to vector<1xf32>
      %reduce_max3A_593 = vector.shape_cast %reduce_max3A_592 : vector<1xf32> to vector<1x1x1xf32>
      %reduce_max3A_594 = vector.extract %reduce_max3A_593[0, 0, 0] : f32 from vector<1x1x1xf32>
      %eq3A_595 = vector.broadcast %reduce_max3A_594 : f32 to vector<1x256xf32>
      %eq3A_596 = arith.cmpf oeq, %select_n3A_589, %eq3A_595 : vector<1x256xf32>
      %jit3A_597 = arith.constant 256 : i32
      %broadcast_in_dim3A_598 = vector.broadcast %jit3A_597 : i32 to vector<1x256xi32>
      %select_n3A_599 = arith.select %eq3A_596, %iota3A_0, %broadcast_in_dim3A_598 : vector<1x256xi1>, vector<1x256xi32>
      %reduce_min3A_600 = vector.shape_cast %select_n3A_599 : vector<1x256xi32> to vector<1x1x256xi32>
      %reduce_min3A_601 = arith.constant dense<2147483647> : vector<1xi32>
      %reduce_min3A_602 = vector.multi_reduction <minsi>, %reduce_min3A_600, %reduce_min3A_601 [1, 2] : vector<1x1x256xi32> to vector<1xi32>
      %reduce_min3A_603 = vector.shape_cast %reduce_min3A_602 : vector<1xi32> to vector<1x1x1xi32>
      %reduce_min3A_604 = vector.extract %reduce_min3A_603[0, 0, 0] : i32 from vector<1x1x1xi32>
      %eq3A_605 = vector.broadcast %reduce_min3A_604 : i32 to vector<1x256xi32>
      %eq3A_606 = arith.cmpi eq, %iota3A_0, %eq3A_605 : vector<1x256xi32>
      %jit3A_607 = arith.constant 0xFF800000 : f32
      %broadcast_in_dim3A_608 = vector.broadcast %jit3A_607 : f32 to vector<1x256xf32>
      %select_n3A_609 = arith.select %eq3A_606, %broadcast_in_dim3A_608, %select_n3A_589 : vector<1x256xi1>, vector<1x256xf32>
      %reduce_max3A_610 = vector.shape_cast %select_n3A_609 : vector<1x256xf32> to vector<1x1x256xf32>
      %reduce_max3A_611 = arith.constant dense<0xFF800000> : vector<1xf32>
      %reduce_max3A_612 = vector.multi_reduction <maximumf>, %reduce_max3A_610, %reduce_max3A_611 [1, 2] : vector<1x1x256xf32> to vector<1xf32>
      %reduce_max3A_613 = vector.shape_cast %reduce_max3A_612 : vector<1xf32> to vector<1x1x1xf32>
      %reduce_max3A_614 = vector.extract %reduce_max3A_613[0, 0, 0] : f32 from vector<1x1x1xf32>
      %eq3A_615 = vector.broadcast %reduce_min3A_523 : i32 to vector<1x256xi32>
      %eq3A_616 = arith.cmpi eq, %iota3A_0, %eq3A_615 : vector<1x256xi32>
      %broadcast_in_dim3A_617 = vector.broadcast %reduce_max3A_614 : f32 to vector<1x256xf32>
      %select_n3A_618 = arith.select %eq3A_616, %broadcast_in_dim3A_617, %select_n3A_508 : vector<1x256xi1>, vector<1x256xf32>
      %reduce_max3A_619 = vector.shape_cast %select_n3A_618 : vector<1x256xf32> to vector<1x1x256xf32>
      %reduce_max3A_620 = arith.constant dense<0xFF800000> : vector<1xf32>
      %reduce_max3A_621 = vector.multi_reduction <maximumf>, %reduce_max3A_619, %reduce_max3A_620 [1, 2] : vector<1x1x256xf32> to vector<1xf32>
      %reduce_max3A_622 = vector.shape_cast %reduce_max3A_621 : vector<1xf32> to vector<1x1x1xf32>
      %reduce_max3A_623 = vector.extract %reduce_max3A_622[0, 0, 0] : f32 from vector<1x1x1xf32>
      %eq3A_624 = vector.broadcast %reduce_max3A_623 : f32 to vector<1x256xf32>
      %eq3A_625 = arith.cmpf oeq, %select_n3A_618, %eq3A_624 : vector<1x256xf32>
      %jit3A_626 = arith.constant 256 : i32
      %broadcast_in_dim3A_627 = vector.broadcast %jit3A_626 : i32 to vector<1x256xi32>
      %select_n3A_628 = arith.select %eq3A_625, %iota3A_0, %broadcast_in_dim3A_627 : vector<1x256xi1>, vector<1x256xi32>
      %reduce_min3A_629 = vector.shape_cast %select_n3A_628 : vector<1x256xi32> to vector<1x1x256xi32>
      %reduce_min3A_630 = arith.constant dense<2147483647> : vector<1xi32>
      %reduce_min3A_631 = vector.multi_reduction <minsi>, %reduce_min3A_629, %reduce_min3A_630 [1, 2] : vector<1x1x256xi32> to vector<1xi32>
      %reduce_min3A_632 = vector.shape_cast %reduce_min3A_631 : vector<1xi32> to vector<1x1x1xi32>
      %reduce_min3A_633 = vector.extract %reduce_min3A_632[0, 0, 0] : i32 from vector<1x1x1xi32>
      %get3A_634 = arith.constant 0 : index
      %get3A_635 = arith.index_cast %reduce_min3A_633 : i32 to index
      %get3A_636 = arith.constant 0 : index
      %get3A_637 = vector.load %arg4[%get3A_634, %get3A_635, %get3A_636] : memref<1x256x256xf32, #tpu.memory_space<vmem>>, vector<1x1x256xf32>
      %get3A_638 = vector.shape_cast %get3A_637 : vector<1x1x256xf32> to vector<1x256xf32>
      %eq3A_639 = vector.broadcast %reduce_min3A_633 : i32 to vector<1x256xi32>
      %eq3A_640 = arith.cmpi eq, %iota3A_0, %eq3A_639 : vector<1x256xi32>
      %jit3A_641 = arith.constant 0.000000e+00 : f32
      %broadcast_in_dim3A_642 = vector.broadcast %jit3A_641 : f32 to vector<1x256xf32>
      %select_n3A_643 = arith.select %eq3A_640, %get3A_8, %broadcast_in_dim3A_642 : vector<1x256xi1>, vector<1x256xf32>
      %reduce_sum3A_644 = vector.shape_cast %select_n3A_643 : vector<1x256xf32> to vector<1x1x256xf32>
      %reduce_sum3A_645 = arith.constant dense<0.000000e+00> : vector<1xf32>
      %reduce_sum3A_646 = vector.multi_reduction <add>, %reduce_sum3A_644, %reduce_sum3A_645 [1, 2] : vector<1x1x256xf32> to vector<1xf32>
      %reduce_sum3A_647 = vector.shape_cast %reduce_sum3A_646 : vector<1xf32> to vector<1x1x1xf32>
      %reduce_sum3A_648 = vector.extract %reduce_sum3A_647[0, 0, 0] : f32 from vector<1x1x1xf32>
      %add3A_649 = vector.broadcast %reduce_sum3A_648 : f32 to vector<1x256xf32>
      %add3A_650 = arith.addf %add3A_649, %get3A_11 : vector<1x256xf32>
      %add3A_651 = arith.addf %add3A_650, %get3A_638 : vector<1x256xf32>
      %eq3A_652 = arith.cmpi eq, %reduce_min3A_33, %reduce_min3A_633 : i32
      %eq3A_653 = vector.broadcast %reduce_min3A_65 : i32 to vector<1x256xi32>
      %eq3A_654 = arith.cmpi eq, %iota3A_0, %eq3A_653 : vector<1x256xi32>
      %and3A_655 = vector.broadcast %eq3A_652 : i1 to vector<1x256xi1>
      %and3A_656 = arith.andi %and3A_655, %eq3A_654 : vector<1x256xi1>
      %jit3A_657 = arith.constant 0xFF800000 : f32
      %broadcast_in_dim3A_658 = vector.broadcast %jit3A_657 : f32 to vector<1x256xf32>
      %select_n3A_659 = arith.select %and3A_656, %broadcast_in_dim3A_658, %add3A_651 : vector<1x256xi1>, vector<1x256xf32>
      %eq3A_660 = arith.cmpi eq, %reduce_min3A_94, %reduce_min3A_633 : i32
      %eq3A_661 = vector.broadcast %reduce_min3A_134 : i32 to vector<1x256xi32>
      %eq3A_662 = arith.cmpi eq, %iota3A_0, %eq3A_661 : vector<1x256xi32>
      %and3A_663 = vector.broadcast %eq3A_660 : i1 to vector<1x256xi1>
      %and3A_664 = arith.andi %and3A_663, %eq3A_662 : vector<1x256xi1>
      %jit3A_665 = arith.constant 0xFF800000 : f32
      %broadcast_in_dim3A_666 = vector.broadcast %jit3A_665 : f32 to vector<1x256xf32>
      %select_n3A_667 = arith.select %and3A_664, %broadcast_in_dim3A_666, %select_n3A_659 : vector<1x256xi1>, vector<1x256xf32>
      %eq3A_668 = arith.cmpi eq, %reduce_min3A_163, %reduce_min3A_633 : i32
      %eq3A_669 = vector.broadcast %reduce_min3A_212 : i32 to vector<1x256xi32>
      %eq3A_670 = arith.cmpi eq, %iota3A_0, %eq3A_669 : vector<1x256xi32>
      %and3A_671 = vector.broadcast %eq3A_668 : i1 to vector<1x256xi1>
      %and3A_672 = arith.andi %and3A_671, %eq3A_670 : vector<1x256xi1>
      %jit3A_673 = arith.constant 0xFF800000 : f32
      %broadcast_in_dim3A_674 = vector.broadcast %jit3A_673 : f32 to vector<1x256xf32>
      %select_n3A_675 = arith.select %and3A_672, %broadcast_in_dim3A_674, %select_n3A_667 : vector<1x256xi1>, vector<1x256xf32>
      %eq3A_676 = arith.cmpi eq, %reduce_min3A_241, %reduce_min3A_633 : i32
      %eq3A_677 = vector.broadcast %reduce_min3A_298 : i32 to vector<1x256xi32>
      %eq3A_678 = arith.cmpi eq, %iota3A_0, %eq3A_677 : vector<1x256xi32>
      %and3A_679 = vector.broadcast %eq3A_676 : i1 to vector<1x256xi1>
      %and3A_680 = arith.andi %and3A_679, %eq3A_678 : vector<1x256xi1>
      %jit3A_681 = arith.constant 0xFF800000 : f32
      %broadcast_in_dim3A_682 = vector.broadcast %jit3A_681 : f32 to vector<1x256xf32>
      %select_n3A_683 = arith.select %and3A_680, %broadcast_in_dim3A_682, %select_n3A_675 : vector<1x256xi1>, vector<1x256xf32>
      %eq3A_684 = arith.cmpi eq, %reduce_min3A_327, %reduce_min3A_633 : i32
      %eq3A_685 = vector.broadcast %reduce_min3A_392 : i32 to vector<1x256xi32>
      %eq3A_686 = arith.cmpi eq, %iota3A_0, %eq3A_685 : vector<1x256xi32>
      %and3A_687 = vector.broadcast %eq3A_684 : i1 to vector<1x256xi1>
      %and3A_688 = arith.andi %and3A_687, %eq3A_686 : vector<1x256xi1>
      %jit3A_689 = arith.constant 0xFF800000 : f32
      %broadcast_in_dim3A_690 = vector.broadcast %jit3A_689 : f32 to vector<1x256xf32>
      %select_n3A_691 = arith.select %and3A_688, %broadcast_in_dim3A_690, %select_n3A_683 : vector<1x256xi1>, vector<1x256xf32>
      %eq3A_692 = arith.cmpi eq, %reduce_min3A_421, %reduce_min3A_633 : i32
      %eq3A_693 = vector.broadcast %reduce_min3A_494 : i32 to vector<1x256xi32>
      %eq3A_694 = arith.cmpi eq, %iota3A_0, %eq3A_693 : vector<1x256xi32>
      %and3A_695 = vector.broadcast %eq3A_692 : i1 to vector<1x256xi1>
      %and3A_696 = arith.andi %and3A_695, %eq3A_694 : vector<1x256xi1>
      %jit3A_697 = arith.constant 0xFF800000 : f32
      %broadcast_in_dim3A_698 = vector.broadcast %jit3A_697 : f32 to vector<1x256xf32>
      %select_n3A_699 = arith.select %and3A_696, %broadcast_in_dim3A_698, %select_n3A_691 : vector<1x256xi1>, vector<1x256xf32>
      %eq3A_700 = arith.cmpi eq, %reduce_min3A_523, %reduce_min3A_633 : i32
      %eq3A_701 = vector.broadcast %reduce_min3A_604 : i32 to vector<1x256xi32>
      %eq3A_702 = arith.cmpi eq, %iota3A_0, %eq3A_701 : vector<1x256xi32>
      %and3A_703 = vector.broadcast %eq3A_700 : i1 to vector<1x256xi1>
      %and3A_704 = arith.andi %and3A_703, %eq3A_702 : vector<1x256xi1>
      %jit3A_705 = arith.constant 0xFF800000 : f32
      %broadcast_in_dim3A_706 = vector.broadcast %jit3A_705 : f32 to vector<1x256xf32>
      %select_n3A_707 = arith.select %and3A_704, %broadcast_in_dim3A_706, %select_n3A_699 : vector<1x256xi1>, vector<1x256xf32>
      %reduce_max3A_708 = vector.shape_cast %select_n3A_707 : vector<1x256xf32> to vector<1x1x256xf32>
      %reduce_max3A_709 = arith.constant dense<0xFF800000> : vector<1xf32>
      %reduce_max3A_710 = vector.multi_reduction <maximumf>, %reduce_max3A_708, %reduce_max3A_709 [1, 2] : vector<1x1x256xf32> to vector<1xf32>
      %reduce_max3A_711 = vector.shape_cast %reduce_max3A_710 : vector<1xf32> to vector<1x1x1xf32>
      %reduce_max3A_712 = vector.extract %reduce_max3A_711[0, 0, 0] : f32 from vector<1x1x1xf32>
      %eq3A_713 = vector.broadcast %reduce_max3A_712 : f32 to vector<1x256xf32>
      %eq3A_714 = arith.cmpf oeq, %select_n3A_707, %eq3A_713 : vector<1x256xf32>
      %jit3A_715 = arith.constant 256 : i32
      %broadcast_in_dim3A_716 = vector.broadcast %jit3A_715 : i32 to vector<1x256xi32>
      %select_n3A_717 = arith.select %eq3A_714, %iota3A_0, %broadcast_in_dim3A_716 : vector<1x256xi1>, vector<1x256xi32>
      %reduce_min3A_718 = vector.shape_cast %select_n3A_717 : vector<1x256xi32> to vector<1x1x256xi32>
      %reduce_min3A_719 = arith.constant dense<2147483647> : vector<1xi32>
      %reduce_min3A_720 = vector.multi_reduction <minsi>, %reduce_min3A_718, %reduce_min3A_719 [1, 2] : vector<1x1x256xi32> to vector<1xi32>
      %reduce_min3A_721 = vector.shape_cast %reduce_min3A_720 : vector<1xi32> to vector<1x1x1xi32>
      %reduce_min3A_722 = vector.extract %reduce_min3A_721[0, 0, 0] : i32 from vector<1x1x1xi32>
      %broadcast_in_dim3A_723 = arith.constant 0 : i32
      %broadcast_in_dim3A_724 = vector.broadcast %broadcast_in_dim3A_723 : i32 to vector<1x128xi32>
      %broadcast_in_dim3A_725 = arith.constant 0 : i32
      %broadcast_in_dim3A_726 = vector.broadcast %broadcast_in_dim3A_725 : i32 to vector<1x128xi32>
      %broadcast_in_dim3A_727 = arith.constant 0 : i32
      %broadcast_in_dim3A_728 = vector.broadcast %broadcast_in_dim3A_727 : i32 to vector<1x128xi32>
      %eq3A_729 = arith.constant 0 : i32
      %eq3A_730 = vector.broadcast %eq3A_729 : i32 to vector<1x128xi32>
      %eq3A_731 = arith.cmpi eq, %iota3A, %eq3A_730 : vector<1x128xi32>
      %jit3A_732 = arith.constant 0 : i32
      %broadcast_in_dim3A_733 = vector.broadcast %jit3A_732 : i32 to vector<1x128xi32>
      %select_n3A_734 = arith.select %eq3A_731, %broadcast_in_dim3A_733, %broadcast_in_dim3A_724 : vector<1x128xi1>, vector<1x128xi32>
      %eq3A_735 = arith.constant 0 : i32
      %eq3A_736 = vector.broadcast %eq3A_735 : i32 to vector<1x128xi32>
      %eq3A_737 = arith.cmpi eq, %iota3A, %eq3A_736 : vector<1x128xi32>
      %broadcast_in_dim3A_738 = vector.broadcast %reduce_min3A_33 : i32 to vector<1x128xi32>
      %select_n3A_739 = arith.select %eq3A_737, %broadcast_in_dim3A_738, %broadcast_in_dim3A_726 : vector<1x128xi1>, vector<1x128xi32>
      %eq3A_740 = arith.constant 0 : i32
      %eq3A_741 = vector.broadcast %eq3A_740 : i32 to vector<1x128xi32>
      %eq3A_742 = arith.cmpi eq, %iota3A, %eq3A_741 : vector<1x128xi32>
      %broadcast_in_dim3A_743 = vector.broadcast %reduce_min3A_65 : i32 to vector<1x128xi32>
      %select_n3A_744 = arith.select %eq3A_742, %broadcast_in_dim3A_743, %broadcast_in_dim3A_728 : vector<1x128xi1>, vector<1x128xi32>
      %eq3A_745 = arith.constant 1 : i32
      %eq3A_746 = vector.broadcast %eq3A_745 : i32 to vector<1x128xi32>
      %eq3A_747 = arith.cmpi eq, %iota3A, %eq3A_746 : vector<1x128xi32>
      %jit3A_748 = arith.constant 1 : i32
      %broadcast_in_dim3A_749 = vector.broadcast %jit3A_748 : i32 to vector<1x128xi32>
      %select_n3A_750 = arith.select %eq3A_747, %broadcast_in_dim3A_749, %select_n3A_734 : vector<1x128xi1>, vector<1x128xi32>
      %eq3A_751 = arith.constant 1 : i32
      %eq3A_752 = vector.broadcast %eq3A_751 : i32 to vector<1x128xi32>
      %eq3A_753 = arith.cmpi eq, %iota3A, %eq3A_752 : vector<1x128xi32>
      %broadcast_in_dim3A_754 = vector.broadcast %reduce_min3A_94 : i32 to vector<1x128xi32>
      %select_n3A_755 = arith.select %eq3A_753, %broadcast_in_dim3A_754, %select_n3A_739 : vector<1x128xi1>, vector<1x128xi32>
      %eq3A_756 = arith.constant 1 : i32
      %eq3A_757 = vector.broadcast %eq3A_756 : i32 to vector<1x128xi32>
      %eq3A_758 = arith.cmpi eq, %iota3A, %eq3A_757 : vector<1x128xi32>
      %broadcast_in_dim3A_759 = vector.broadcast %reduce_min3A_134 : i32 to vector<1x128xi32>
      %select_n3A_760 = arith.select %eq3A_758, %broadcast_in_dim3A_759, %select_n3A_744 : vector<1x128xi1>, vector<1x128xi32>
      %eq3A_761 = arith.constant 2 : i32
      %eq3A_762 = vector.broadcast %eq3A_761 : i32 to vector<1x128xi32>
      %eq3A_763 = arith.cmpi eq, %iota3A, %eq3A_762 : vector<1x128xi32>
      %jit3A_764 = arith.constant 2 : i32
      %broadcast_in_dim3A_765 = vector.broadcast %jit3A_764 : i32 to vector<1x128xi32>
      %select_n3A_766 = arith.select %eq3A_763, %broadcast_in_dim3A_765, %select_n3A_750 : vector<1x128xi1>, vector<1x128xi32>
      %eq3A_767 = arith.constant 2 : i32
      %eq3A_768 = vector.broadcast %eq3A_767 : i32 to vector<1x128xi32>
      %eq3A_769 = arith.cmpi eq, %iota3A, %eq3A_768 : vector<1x128xi32>
      %broadcast_in_dim3A_770 = vector.broadcast %reduce_min3A_163 : i32 to vector<1x128xi32>
      %select_n3A_771 = arith.select %eq3A_769, %broadcast_in_dim3A_770, %select_n3A_755 : vector<1x128xi1>, vector<1x128xi32>
      %eq3A_772 = arith.constant 2 : i32
      %eq3A_773 = vector.broadcast %eq3A_772 : i32 to vector<1x128xi32>
      %eq3A_774 = arith.cmpi eq, %iota3A, %eq3A_773 : vector<1x128xi32>
      %broadcast_in_dim3A_775 = vector.broadcast %reduce_min3A_212 : i32 to vector<1x128xi32>
      %select_n3A_776 = arith.select %eq3A_774, %broadcast_in_dim3A_775, %select_n3A_760 : vector<1x128xi1>, vector<1x128xi32>
      %eq3A_777 = arith.constant 3 : i32
      %eq3A_778 = vector.broadcast %eq3A_777 : i32 to vector<1x128xi32>
      %eq3A_779 = arith.cmpi eq, %iota3A, %eq3A_778 : vector<1x128xi32>
      %jit3A_780 = arith.constant 3 : i32
      %broadcast_in_dim3A_781 = vector.broadcast %jit3A_780 : i32 to vector<1x128xi32>
      %select_n3A_782 = arith.select %eq3A_779, %broadcast_in_dim3A_781, %select_n3A_766 : vector<1x128xi1>, vector<1x128xi32>
      %eq3A_783 = arith.constant 3 : i32
      %eq3A_784 = vector.broadcast %eq3A_783 : i32 to vector<1x128xi32>
      %eq3A_785 = arith.cmpi eq, %iota3A, %eq3A_784 : vector<1x128xi32>
      %broadcast_in_dim3A_786 = vector.broadcast %reduce_min3A_241 : i32 to vector<1x128xi32>
      %select_n3A_787 = arith.select %eq3A_785, %broadcast_in_dim3A_786, %select_n3A_771 : vector<1x128xi1>, vector<1x128xi32>
      %eq3A_788 = arith.constant 3 : i32
      %eq3A_789 = vector.broadcast %eq3A_788 : i32 to vector<1x128xi32>
      %eq3A_790 = arith.cmpi eq, %iota3A, %eq3A_789 : vector<1x128xi32>
      %broadcast_in_dim3A_791 = vector.broadcast %reduce_min3A_298 : i32 to vector<1x128xi32>
      %select_n3A_792 = arith.select %eq3A_790, %broadcast_in_dim3A_791, %select_n3A_776 : vector<1x128xi1>, vector<1x128xi32>
      %eq3A_793 = arith.constant 4 : i32
      %eq3A_794 = vector.broadcast %eq3A_793 : i32 to vector<1x128xi32>
      %eq3A_795 = arith.cmpi eq, %iota3A, %eq3A_794 : vector<1x128xi32>
      %jit3A_796 = arith.constant 4 : i32
      %broadcast_in_dim3A_797 = vector.broadcast %jit3A_796 : i32 to vector<1x128xi32>
      %select_n3A_798 = arith.select %eq3A_795, %broadcast_in_dim3A_797, %select_n3A_782 : vector<1x128xi1>, vector<1x128xi32>
      %eq3A_799 = arith.constant 4 : i32
      %eq3A_800 = vector.broadcast %eq3A_799 : i32 to vector<1x128xi32>
      %eq3A_801 = arith.cmpi eq, %iota3A, %eq3A_800 : vector<1x128xi32>
      %broadcast_in_dim3A_802 = vector.broadcast %reduce_min3A_327 : i32 to vector<1x128xi32>
      %select_n3A_803 = arith.select %eq3A_801, %broadcast_in_dim3A_802, %select_n3A_787 : vector<1x128xi1>, vector<1x128xi32>
      %eq3A_804 = arith.constant 4 : i32
      %eq3A_805 = vector.broadcast %eq3A_804 : i32 to vector<1x128xi32>
      %eq3A_806 = arith.cmpi eq, %iota3A, %eq3A_805 : vector<1x128xi32>
      %broadcast_in_dim3A_807 = vector.broadcast %reduce_min3A_392 : i32 to vector<1x128xi32>
      %select_n3A_808 = arith.select %eq3A_806, %broadcast_in_dim3A_807, %select_n3A_792 : vector<1x128xi1>, vector<1x128xi32>
      %eq3A_809 = arith.constant 5 : i32
      %eq3A_810 = vector.broadcast %eq3A_809 : i32 to vector<1x128xi32>
      %eq3A_811 = arith.cmpi eq, %iota3A, %eq3A_810 : vector<1x128xi32>
      %jit3A_812 = arith.constant 5 : i32
      %broadcast_in_dim3A_813 = vector.broadcast %jit3A_812 : i32 to vector<1x128xi32>
      %select_n3A_814 = arith.select %eq3A_811, %broadcast_in_dim3A_813, %select_n3A_798 : vector<1x128xi1>, vector<1x128xi32>
      %eq3A_815 = arith.constant 5 : i32
      %eq3A_816 = vector.broadcast %eq3A_815 : i32 to vector<1x128xi32>
      %eq3A_817 = arith.cmpi eq, %iota3A, %eq3A_816 : vector<1x128xi32>
      %broadcast_in_dim3A_818 = vector.broadcast %reduce_min3A_421 : i32 to vector<1x128xi32>
      %select_n3A_819 = arith.select %eq3A_817, %broadcast_in_dim3A_818, %select_n3A_803 : vector<1x128xi1>, vector<1x128xi32>
      %eq3A_820 = arith.constant 5 : i32
      %eq3A_821 = vector.broadcast %eq3A_820 : i32 to vector<1x128xi32>
      %eq3A_822 = arith.cmpi eq, %iota3A, %eq3A_821 : vector<1x128xi32>
      %broadcast_in_dim3A_823 = vector.broadcast %reduce_min3A_494 : i32 to vector<1x128xi32>
      %select_n3A_824 = arith.select %eq3A_822, %broadcast_in_dim3A_823, %select_n3A_808 : vector<1x128xi1>, vector<1x128xi32>
      %eq3A_825 = arith.constant 6 : i32
      %eq3A_826 = vector.broadcast %eq3A_825 : i32 to vector<1x128xi32>
      %eq3A_827 = arith.cmpi eq, %iota3A, %eq3A_826 : vector<1x128xi32>
      %jit3A_828 = arith.constant 6 : i32
      %broadcast_in_dim3A_829 = vector.broadcast %jit3A_828 : i32 to vector<1x128xi32>
      %select_n3A_830 = arith.select %eq3A_827, %broadcast_in_dim3A_829, %select_n3A_814 : vector<1x128xi1>, vector<1x128xi32>
      %eq3A_831 = arith.constant 6 : i32
      %eq3A_832 = vector.broadcast %eq3A_831 : i32 to vector<1x128xi32>
      %eq3A_833 = arith.cmpi eq, %iota3A, %eq3A_832 : vector<1x128xi32>
      %broadcast_in_dim3A_834 = vector.broadcast %reduce_min3A_523 : i32 to vector<1x128xi32>
      %select_n3A_835 = arith.select %eq3A_833, %broadcast_in_dim3A_834, %select_n3A_819 : vector<1x128xi1>, vector<1x128xi32>
      %eq3A_836 = arith.constant 6 : i32
      %eq3A_837 = vector.broadcast %eq3A_836 : i32 to vector<1x128xi32>
      %eq3A_838 = arith.cmpi eq, %iota3A, %eq3A_837 : vector<1x128xi32>
      %broadcast_in_dim3A_839 = vector.broadcast %reduce_min3A_604 : i32 to vector<1x128xi32>
      %select_n3A_840 = arith.select %eq3A_838, %broadcast_in_dim3A_839, %select_n3A_824 : vector<1x128xi1>, vector<1x128xi32>
      %eq3A_841 = arith.constant 7 : i32
      %eq3A_842 = vector.broadcast %eq3A_841 : i32 to vector<1x128xi32>
      %eq3A_843 = arith.cmpi eq, %iota3A, %eq3A_842 : vector<1x128xi32>
      %jit3A_844 = arith.constant 7 : i32
      %broadcast_in_dim3A_845 = vector.broadcast %jit3A_844 : i32 to vector<1x128xi32>
      %select_n3A_846 = arith.select %eq3A_843, %broadcast_in_dim3A_845, %select_n3A_830 : vector<1x128xi1>, vector<1x128xi32>
      %eq3A_847 = arith.constant 7 : i32
      %eq3A_848 = vector.broadcast %eq3A_847 : i32 to vector<1x128xi32>
      %eq3A_849 = arith.cmpi eq, %iota3A, %eq3A_848 : vector<1x128xi32>
      %broadcast_in_dim3A_850 = vector.broadcast %reduce_min3A_633 : i32 to vector<1x128xi32>
      %select_n3A_851 = arith.select %eq3A_849, %broadcast_in_dim3A_850, %select_n3A_835 : vector<1x128xi1>, vector<1x128xi32>
      %eq3A_852 = arith.constant 7 : i32
      %eq3A_853 = vector.broadcast %eq3A_852 : i32 to vector<1x128xi32>
      %eq3A_854 = arith.cmpi eq, %iota3A, %eq3A_853 : vector<1x128xi32>
      %broadcast_in_dim3A_855 = vector.broadcast %reduce_min3A_722 : i32 to vector<1x128xi32>
      %select_n3A_856 = arith.select %eq3A_854, %broadcast_in_dim3A_855, %select_n3A_840 : vector<1x128xi1>, vector<1x128xi32>
      %swap3A = arith.constant 0 : index
      %swap3A_857 = arith.constant 0 : index
      %swap3A_858 = vector.load %arg5[%swap3A, %swap3A_857] : memref<512x128xi32, #tpu.memory_space<vmem>>, vector<1x128xi32>
      tpu.vector_store %arg5[%swap3A, %swap3A_857], %select_n3A_846 {strides = array<i32>} : memref<512x128xi32, #tpu.memory_space<vmem>>, vector<1x128xi32>,
      %swap3A_859 = arith.constant 0 : index
      %swap3A_860 = arith.constant 0 : index
      %swap3A_861 = vector.load %arg6[%swap3A_859, %swap3A_860] : memref<512x128xi32, #tpu.memory_space<vmem>>, vector<1x128xi32>
      tpu.vector_store %arg6[%swap3A_859, %swap3A_860], %select_n3A_851 {strides = array<i32>} : memref<512x128xi32, #tpu.memory_space<vmem>>, vector<1x128xi32>,
      %swap3A_862 = arith.constant 0 : index
      %swap3A_863 = arith.constant 0 : index
      %swap3A_864 = vector.load %arg7[%swap3A_862, %swap3A_863] : memref<512x128xi32, #tpu.memory_space<vmem>>, vector<1x128xi32>
      tpu.vector_store %arg7[%swap3A_862, %swap3A_863], %select_n3A_856 {strides = array<i32>} : memref<512x128xi32, #tpu.memory_space<vmem>>, vector<1x128xi32>,
      %swap3A_865 = arith.constant 0 : index
      %swap3A_866 = memref.load %arg8[%swap3A_865] : memref<8xf32, #tpu.memory_space<smem>>
      memref.store %reduce_max3A_55, %arg8[%swap3A_865] : memref<8xf32, #tpu.memory_space<smem>>
      %swap3A_867 = arith.constant 0 : index
      %swap3A_868 = memref.load %arg9[%swap3A_867] : memref<8xi32, #tpu.memory_space<smem>>
      memref.store %reduce_min3A_33, %arg9[%swap3A_867] : memref<8xi32, #tpu.memory_space<smem>>
      %swap3A_869 = arith.constant 0 : index
      %swap3A_870 = memref.load %arg10[%swap3A_869] : memref<8xi32, #tpu.memory_space<smem>>
      memref.store %reduce_min3A_65, %arg10[%swap3A_869] : memref<8xi32, #tpu.memory_space<smem>>
      %swap3A_871 = arith.constant 1 : index
      %swap3A_872 = memref.load %arg8[%swap3A_871] : memref<8xf32, #tpu.memory_space<smem>>
      memref.store %reduce_max3A_124, %arg8[%swap3A_871] : memref<8xf32, #tpu.memory_space<smem>>
      %swap3A_873 = arith.constant 1 : index
      %swap3A_874 = memref.load %arg9[%swap3A_873] : memref<8xi32, #tpu.memory_space<smem>>
      memref.store %reduce_min3A_94, %arg9[%swap3A_873] : memref<8xi32, #tpu.memory_space<smem>>
      %swap3A_875 = arith.constant 1 : index
      %swap3A_876 = memref.load %arg10[%swap3A_875] : memref<8xi32, #tpu.memory_space<smem>>
      memref.store %reduce_min3A_134, %arg10[%swap3A_875] : memref<8xi32, #tpu.memory_space<smem>>
      %swap3A_877 = arith.constant 2 : index
      %swap3A_878 = memref.load %arg8[%swap3A_877] : memref<8xf32, #tpu.memory_space<smem>>
      memref.store %reduce_max3A_202, %arg8[%swap3A_877] : memref<8xf32, #tpu.memory_space<smem>>
      %swap3A_879 = arith.constant 2 : index
      %swap3A_880 = memref.load %arg9[%swap3A_879] : memref<8xi32, #tpu.memory_space<smem>>
      memref.store %reduce_min3A_163, %arg9[%swap3A_879] : memref<8xi32, #tpu.memory_space<smem>>
      %swap3A_881 = arith.constant 2 : index
      %swap3A_882 = memref.load %arg10[%swap3A_881] : memref<8xi32, #tpu.memory_space<smem>>
      memref.store %reduce_min3A_212, %arg10[%swap3A_881] : memref<8xi32, #tpu.memory_space<smem>>
      %swap3A_883 = arith.constant 3 : index
      %swap3A_884 = memref.load %arg8[%swap3A_883] : memref<8xf32, #tpu.memory_space<smem>>
      memref.store %reduce_max3A_288, %arg8[%swap3A_883] : memref<8xf32, #tpu.memory_space<smem>>
      %swap3A_885 = arith.constant 3 : index
      %swap3A_886 = memref.load %arg9[%swap3A_885] : memref<8xi32, #tpu.memory_space<smem>>
      memref.store %reduce_min3A_241, %arg9[%swap3A_885] : memref<8xi32, #tpu.memory_space<smem>>
      %swap3A_887 = arith.constant 3 : index
      %swap3A_888 = memref.load %arg10[%swap3A_887] : memref<8xi32, #tpu.memory_space<smem>>
      memref.store %reduce_min3A_298, %arg10[%swap3A_887] : memref<8xi32, #tpu.memory_space<smem>>
      %swap3A_889 = arith.constant 4 : index
      %swap3A_890 = memref.load %arg8[%swap3A_889] : memref<8xf32, #tpu.memory_space<smem>>
      memref.store %reduce_max3A_382, %arg8[%swap3A_889] : memref<8xf32, #tpu.memory_space<smem>>
      %swap3A_891 = arith.constant 4 : index
      %swap3A_892 = memref.load %arg9[%swap3A_891] : memref<8xi32, #tpu.memory_space<smem>>
      memref.store %reduce_min3A_327, %arg9[%swap3A_891] : memref<8xi32, #tpu.memory_space<smem>>
      %swap3A_893 = arith.constant 4 : index
      %swap3A_894 = memref.load %arg10[%swap3A_893] : memref<8xi32, #tpu.memory_space<smem>>
      memref.store %reduce_min3A_392, %arg10[%swap3A_893] : memref<8xi32, #tpu.memory_space<smem>>
      %swap3A_895 = arith.constant 5 : index
      %swap3A_896 = memref.load %arg8[%swap3A_895] : memref<8xf32, #tpu.memory_space<smem>>
      memref.store %reduce_max3A_484, %arg8[%swap3A_895] : memref<8xf32, #tpu.memory_space<smem>>
      %swap3A_897 = arith.constant 5 : index
      %swap3A_898 = memref.load %arg9[%swap3A_897] : memref<8xi32, #tpu.memory_space<smem>>
      memref.store %reduce_min3A_421, %arg9[%swap3A_897] : memref<8xi32, #tpu.memory_space<smem>>
      %swap3A_899 = arith.constant 5 : index
      %swap3A_900 = memref.load %arg10[%swap3A_899] : memref<8xi32, #tpu.memory_space<smem>>
      memref.store %reduce_min3A_494, %arg10[%swap3A_899] : memref<8xi32, #tpu.memory_space<smem>>
      %swap3A_901 = arith.constant 6 : index
      %swap3A_902 = memref.load %arg8[%swap3A_901] : memref<8xf32, #tpu.memory_space<smem>>
      memref.store %reduce_max3A_594, %arg8[%swap3A_901] : memref<8xf32, #tpu.memory_space<smem>>
      %swap3A_903 = arith.constant 6 : index
      %swap3A_904 = memref.load %arg9[%swap3A_903] : memref<8xi32, #tpu.memory_space<smem>>
      memref.store %reduce_min3A_523, %arg9[%swap3A_903] : memref<8xi32, #tpu.memory_space<smem>>
      %swap3A_905 = arith.constant 6 : index
      %swap3A_906 = memref.load %arg10[%swap3A_905] : memref<8xi32, #tpu.memory_space<smem>>
      memref.store %reduce_min3A_604, %arg10[%swap3A_905] : memref<8xi32, #tpu.memory_space<smem>>
      %swap3A_907 = arith.constant 7 : index
      %swap3A_908 = memref.load %arg8[%swap3A_907] : memref<8xf32, #tpu.memory_space<smem>>
      memref.store %reduce_max3A_712, %arg8[%swap3A_907] : memref<8xf32, #tpu.memory_space<smem>>
      %swap3A_909 = arith.constant 7 : index
      %swap3A_910 = memref.load %arg9[%swap3A_909] : memref<8xi32, #tpu.memory_space<smem>>
      memref.store %reduce_min3A_633, %arg9[%swap3A_909] : memref<8xi32, #tpu.memory_space<smem>>
      %swap3A_911 = arith.constant 7 : index
      %swap3A_912 = memref.load %arg10[%swap3A_911] : memref<8xi32, #tpu.memory_space<smem>>
      memref.store %reduce_min3A_722, %arg10[%swap3A_911] : memref<8xi32, #tpu.memory_space<smem>>
    } else {
    }
    %gt3A = arith.constant 0 : i32
    %gt3A_3 = arith.cmpi sgt, %arg0, %gt3A : i32
    %convert_element_type3A_4 = arith.extui %gt3A_3 : i1 to i32
    %cond3A_5 = arith.constant 0 : i32
    %cond3A_6 = arith.cmpi ne, %convert_element_type3A_4, %cond3A_5 : i32
    scf.if %cond3A_6 {
      %get3A = arith.constant 0 : index
      %get3A_7 = memref.load %arg8[%get3A] : memref<8xf32, #tpu.memory_space<smem>>
      %get3A_8 = arith.constant 1 : index
      %get3A_9 = memref.load %arg8[%get3A_8] : memref<8xf32, #tpu.memory_space<smem>>
      %get3A_10 = arith.constant 2 : index
      %get3A_11 = memref.load %arg8[%get3A_10] : memref<8xf32, #tpu.memory_space<smem>>
      %get3A_12 = arith.constant 3 : index
      %get3A_13 = memref.load %arg8[%get3A_12] : memref<8xf32, #tpu.memory_space<smem>>
      %get3A_14 = arith.constant 4 : index
      %get3A_15 = memref.load %arg8[%get3A_14] : memref<8xf32, #tpu.memory_space<smem>>
      %get3A_16 = arith.constant 5 : index
      %get3A_17 = memref.load %arg8[%get3A_16] : memref<8xf32, #tpu.memory_space<smem>>
      %get3A_18 = arith.constant 6 : index
      %get3A_19 = memref.load %arg8[%get3A_18] : memref<8xf32, #tpu.memory_space<smem>>
      %get3A_20 = arith.constant 7 : index
      %get3A_21 = memref.load %arg8[%get3A_20] : memref<8xf32, #tpu.memory_space<smem>>
      %get3A_22 = arith.constant 0 : index
      %get3A_23 = memref.load %arg9[%get3A_22] : memref<8xi32, #tpu.memory_space<smem>>
      %get3A_24 = arith.index_cast %get3A_23 : i32 to index
      %get3A_25 = arith.constant 0 : index
      %get3A_26 = vector.load %arg2[%get3A_24, %get3A_25] : memref<256x256xf32, #tpu.memory_space<vmem>>, vector<1x256xf32>
      %get3A_27 = arith.constant 0 : index
      %get3A_28 = memref.load %arg10[%get3A_27] : memref<8xi32, #tpu.memory_space<smem>>
      %get3A_29 = arith.index_cast %get3A_28 : i32 to index
      %get3A_30 = arith.constant 0 : index
      %get3A_31 = vector.load %arg3[%get3A_29, %get3A_30] : memref<256x256xf32, #tpu.memory_space<vmem>>, vector<1x256xf32>
      %add3A = vector.broadcast %get3A_7 : f32 to vector<1x256xf32>
      %add3A_32 = arith.addf %add3A, %get3A_26 : vector<1x256xf32>
      %swap3A = arith.constant 0 : index
      %swap3A_33 = arith.constant 0 : index
      %swap3A_34 = vector.load %arg11[%swap3A, %swap3A_33] : memref<8x256xf32, #tpu.memory_space<vmem>>, vector<1x256xf32>
      tpu.vector_store %arg11[%swap3A, %swap3A_33], %add3A_32 {strides = array<i32>} : memref<8x256xf32, #tpu.memory_space<vmem>>, vector<1x256xf32>,
      %swap3A_35 = arith.constant 0 : index
      %swap3A_36 = arith.constant 0 : index
      %swap3A_37 = vector.load %arg12[%swap3A_35, %swap3A_36] : memref<8x256xf32, #tpu.memory_space<vmem>>, vector<1x256xf32>
      tpu.vector_store %arg12[%swap3A_35, %swap3A_36], %get3A_31 {strides = array<i32>} : memref<8x256xf32, #tpu.memory_space<vmem>>, vector<1x256xf32>,
      %get3A_38 = arith.constant 1 : index
      %get3A_39 = memref.load %arg9[%get3A_38] : memref<8xi32, #tpu.memory_space<smem>>
      %get3A_40 = arith.index_cast %get3A_39 : i32 to index
      %get3A_41 = arith.constant 0 : index
      %get3A_42 = vector.load %arg2[%get3A_40, %get3A_41] : memref<256x256xf32, #tpu.memory_space<vmem>>, vector<1x256xf32>
      %get3A_43 = arith.constant 1 : index
      %get3A_44 = memref.load %arg10[%get3A_43] : memref<8xi32, #tpu.memory_space<smem>>
      %get3A_45 = arith.index_cast %get3A_44 : i32 to index
      %get3A_46 = arith.constant 0 : index
      %get3A_47 = vector.load %arg3[%get3A_45, %get3A_46] : memref<256x256xf32, #tpu.memory_space<vmem>>, vector<1x256xf32>
      %add3A_48 = vector.broadcast %get3A_9 : f32 to vector<1x256xf32>
      %add3A_49 = arith.addf %add3A_48, %get3A_42 : vector<1x256xf32>
      %swap3A_50 = arith.constant 1 : index
      %swap3A_51 = arith.constant 0 : index
      %swap3A_52 = vector.load %arg11[%swap3A_50, %swap3A_51] : memref<8x256xf32, #tpu.memory_space<vmem>>, vector<1x256xf32>
      tpu.vector_store %arg11[%swap3A_50, %swap3A_51], %add3A_49 {strides = array<i32>} : memref<8x256xf32, #tpu.memory_space<vmem>>, vector<1x256xf32>,
      %swap3A_53 = arith.constant 1 : index
      %swap3A_54 = arith.constant 0 : index
      %swap3A_55 = vector.load %arg12[%swap3A_53, %swap3A_54] : memref<8x256xf32, #tpu.memory_space<vmem>>, vector<1x256xf32>
      tpu.vector_store %arg12[%swap3A_53, %swap3A_54], %get3A_47 {strides = array<i32>} : memref<8x256xf32, #tpu.memory_space<vmem>>, vector<1x256xf32>,
      %get3A_56 = arith.constant 2 : index
      %get3A_57 = memref.load %arg9[%get3A_56] : memref<8xi32, #tpu.memory_space<smem>>
      %get3A_58 = arith.index_cast %get3A_57 : i32 to index
      %get3A_59 = arith.constant 0 : index
      %get3A_60 = vector.load %arg2[%get3A_58, %get3A_59] : memref<256x256xf32, #tpu.memory_space<vmem>>, vector<1x256xf32>
      %get3A_61 = arith.constant 2 : index
      %get3A_62 = memref.load %arg10[%get3A_61] : memref<8xi32, #tpu.memory_space<smem>>
      %get3A_63 = arith.index_cast %get3A_62 : i32 to index
      %get3A_64 = arith.constant 0 : index
      %get3A_65 = vector.load %arg3[%get3A_63, %get3A_64] : memref<256x256xf32, #tpu.memory_space<vmem>>, vector<1x256xf32>
      %add3A_66 = vector.broadcast %get3A_11 : f32 to vector<1x256xf32>
      %add3A_67 = arith.addf %add3A_66, %get3A_60 : vector<1x256xf32>
      %swap3A_68 = arith.constant 2 : index
      %swap3A_69 = arith.constant 0 : index
      %swap3A_70 = vector.load %arg11[%swap3A_68, %swap3A_69] : memref<8x256xf32, #tpu.memory_space<vmem>>, vector<1x256xf32>
      tpu.vector_store %arg11[%swap3A_68, %swap3A_69], %add3A_67 {strides = array<i32>} : memref<8x256xf32, #tpu.memory_space<vmem>>, vector<1x256xf32>,
      %swap3A_71 = arith.constant 2 : index
      %swap3A_72 = arith.constant 0 : index
      %swap3A_73 = vector.load %arg12[%swap3A_71, %swap3A_72] : memref<8x256xf32, #tpu.memory_space<vmem>>, vector<1x256xf32>
      tpu.vector_store %arg12[%swap3A_71, %swap3A_72], %get3A_65 {strides = array<i32>} : memref<8x256xf32, #tpu.memory_space<vmem>>, vector<1x256xf32>,
      %get3A_74 = arith.constant 3 : index
      %get3A_75 = memref.load %arg9[%get3A_74] : memref<8xi32, #tpu.memory_space<smem>>
      %get3A_76 = arith.index_cast %get3A_75 : i32 to index
      %get3A_77 = arith.constant 0 : index
      %get3A_78 = vector.load %arg2[%get3A_76, %get3A_77] : memref<256x256xf32, #tpu.memory_space<vmem>>, vector<1x256xf32>
      %get3A_79 = arith.constant 3 : index
      %get3A_80 = memref.load %arg10[%get3A_79] : memref<8xi32, #tpu.memory_space<smem>>
      %get3A_81 = arith.index_cast %get3A_80 : i32 to index
      %get3A_82 = arith.constant 0 : index
      %get3A_83 = vector.load %arg3[%get3A_81, %get3A_82] : memref<256x256xf32, #tpu.memory_space<vmem>>, vector<1x256xf32>
      %add3A_84 = vector.broadcast %get3A_13 : f32 to vector<1x256xf32>
      %add3A_85 = arith.addf %add3A_84, %get3A_78 : vector<1x256xf32>
      %swap3A_86 = arith.constant 3 : index
      %swap3A_87 = arith.constant 0 : index
      %swap3A_88 = vector.load %arg11[%swap3A_86, %swap3A_87] : memref<8x256xf32, #tpu.memory_space<vmem>>, vector<1x256xf32>
      tpu.vector_store %arg11[%swap3A_86, %swap3A_87], %add3A_85 {strides = array<i32>} : memref<8x256xf32, #tpu.memory_space<vmem>>, vector<1x256xf32>,
      %swap3A_89 = arith.constant 3 : index
      %swap3A_90 = arith.constant 0 : index
      %swap3A_91 = vector.load %arg12[%swap3A_89, %swap3A_90] : memref<8x256xf32, #tpu.memory_space<vmem>>, vector<1x256xf32>
      tpu.vector_store %arg12[%swap3A_89, %swap3A_90], %get3A_83 {strides = array<i32>} : memref<8x256xf32, #tpu.memory_space<vmem>>, vector<1x256xf32>,
      %get3A_92 = arith.constant 4 : index
      %get3A_93 = memref.load %arg9[%get3A_92] : memref<8xi32, #tpu.memory_space<smem>>
      %get3A_94 = arith.index_cast %get3A_93 : i32 to index
      %get3A_95 = arith.constant 0 : index
      %get3A_96 = vector.load %arg2[%get3A_94, %get3A_95] : memref<256x256xf32, #tpu.memory_space<vmem>>, vector<1x256xf32>
      %get3A_97 = arith.constant 4 : index
      %get3A_98 = memref.load %arg10[%get3A_97] : memref<8xi32, #tpu.memory_space<smem>>
      %get3A_99 = arith.index_cast %get3A_98 : i32 to index
      %get3A_100 = arith.constant 0 : index
      %get3A_101 = vector.load %arg3[%get3A_99, %get3A_100] : memref<256x256xf32, #tpu.memory_space<vmem>>, vector<1x256xf32>
      %add3A_102 = vector.broadcast %get3A_15 : f32 to vector<1x256xf32>
      %add3A_103 = arith.addf %add3A_102, %get3A_96 : vector<1x256xf32>
      %swap3A_104 = arith.constant 4 : index
      %swap3A_105 = arith.constant 0 : index
      %swap3A_106 = vector.load %arg11[%swap3A_104, %swap3A_105] : memref<8x256xf32, #tpu.memory_space<vmem>>, vector<1x256xf32>
      tpu.vector_store %arg11[%swap3A_104, %swap3A_105], %add3A_103 {strides = array<i32>} : memref<8x256xf32, #tpu.memory_space<vmem>>, vector<1x256xf32>,
      %swap3A_107 = arith.constant 4 : index
      %swap3A_108 = arith.constant 0 : index
      %swap3A_109 = vector.load %arg12[%swap3A_107, %swap3A_108] : memref<8x256xf32, #tpu.memory_space<vmem>>, vector<1x256xf32>
      tpu.vector_store %arg12[%swap3A_107, %swap3A_108], %get3A_101 {strides = array<i32>} : memref<8x256xf32, #tpu.memory_space<vmem>>, vector<1x256xf32>,
      %get3A_110 = arith.constant 5 : index
      %get3A_111 = memref.load %arg9[%get3A_110] : memref<8xi32, #tpu.memory_space<smem>>
      %get3A_112 = arith.index_cast %get3A_111 : i32 to index
      %get3A_113 = arith.constant 0 : index
      %get3A_114 = vector.load %arg2[%get3A_112, %get3A_113] : memref<256x256xf32, #tpu.memory_space<vmem>>, vector<1x256xf32>
      %get3A_115 = arith.constant 5 : index
      %get3A_116 = memref.load %arg10[%get3A_115] : memref<8xi32, #tpu.memory_space<smem>>
      %get3A_117 = arith.index_cast %get3A_116 : i32 to index
      %get3A_118 = arith.constant 0 : index
      %get3A_119 = vector.load %arg3[%get3A_117, %get3A_118] : memref<256x256xf32, #tpu.memory_space<vmem>>, vector<1x256xf32>
      %add3A_120 = vector.broadcast %get3A_17 : f32 to vector<1x256xf32>
      %add3A_121 = arith.addf %add3A_120, %get3A_114 : vector<1x256xf32>
      %swap3A_122 = arith.constant 5 : index
      %swap3A_123 = arith.constant 0 : index
      %swap3A_124 = vector.load %arg11[%swap3A_122, %swap3A_123] : memref<8x256xf32, #tpu.memory_space<vmem>>, vector<1x256xf32>
      tpu.vector_store %arg11[%swap3A_122, %swap3A_123], %add3A_121 {strides = array<i32>} : memref<8x256xf32, #tpu.memory_space<vmem>>, vector<1x256xf32>,
      %swap3A_125 = arith.constant 5 : index
      %swap3A_126 = arith.constant 0 : index
      %swap3A_127 = vector.load %arg12[%swap3A_125, %swap3A_126] : memref<8x256xf32, #tpu.memory_space<vmem>>, vector<1x256xf32>
      tpu.vector_store %arg12[%swap3A_125, %swap3A_126], %get3A_119 {strides = array<i32>} : memref<8x256xf32, #tpu.memory_space<vmem>>, vector<1x256xf32>,
      %get3A_128 = arith.constant 6 : index
      %get3A_129 = memref.load %arg9[%get3A_128] : memref<8xi32, #tpu.memory_space<smem>>
      %get3A_130 = arith.index_cast %get3A_129 : i32 to index
      %get3A_131 = arith.constant 0 : index
      %get3A_132 = vector.load %arg2[%get3A_130, %get3A_131] : memref<256x256xf32, #tpu.memory_space<vmem>>, vector<1x256xf32>
      %get3A_133 = arith.constant 6 : index
      %get3A_134 = memref.load %arg10[%get3A_133] : memref<8xi32, #tpu.memory_space<smem>>
      %get3A_135 = arith.index_cast %get3A_134 : i32 to index
      %get3A_136 = arith.constant 0 : index
      %get3A_137 = vector.load %arg3[%get3A_135, %get3A_136] : memref<256x256xf32, #tpu.memory_space<vmem>>, vector<1x256xf32>
      %add3A_138 = vector.broadcast %get3A_19 : f32 to vector<1x256xf32>
      %add3A_139 = arith.addf %add3A_138, %get3A_132 : vector<1x256xf32>
      %swap3A_140 = arith.constant 6 : index
      %swap3A_141 = arith.constant 0 : index
      %swap3A_142 = vector.load %arg11[%swap3A_140, %swap3A_141] : memref<8x256xf32, #tpu.memory_space<vmem>>, vector<1x256xf32>
      tpu.vector_store %arg11[%swap3A_140, %swap3A_141], %add3A_139 {strides = array<i32>} : memref<8x256xf32, #tpu.memory_space<vmem>>, vector<1x256xf32>,
      %swap3A_143 = arith.constant 6 : index
      %swap3A_144 = arith.constant 0 : index
      %swap3A_145 = vector.load %arg12[%swap3A_143, %swap3A_144] : memref<8x256xf32, #tpu.memory_space<vmem>>, vector<1x256xf32>
      tpu.vector_store %arg12[%swap3A_143, %swap3A_144], %get3A_137 {strides = array<i32>} : memref<8x256xf32, #tpu.memory_space<vmem>>, vector<1x256xf32>,
      %get3A_146 = arith.constant 7 : index
      %get3A_147 = memref.load %arg9[%get3A_146] : memref<8xi32, #tpu.memory_space<smem>>
      %get3A_148 = arith.index_cast %get3A_147 : i32 to index
      %get3A_149 = arith.constant 0 : index
      %get3A_150 = vector.load %arg2[%get3A_148, %get3A_149] : memref<256x256xf32, #tpu.memory_space<vmem>>, vector<1x256xf32>
      %get3A_151 = arith.constant 7 : index
      %get3A_152 = memref.load %arg10[%get3A_151] : memref<8xi32, #tpu.memory_space<smem>>
      %get3A_153 = arith.index_cast %get3A_152 : i32 to index
      %get3A_154 = arith.constant 0 : index
      %get3A_155 = vector.load %arg3[%get3A_153, %get3A_154] : memref<256x256xf32, #tpu.memory_space<vmem>>, vector<1x256xf32>
      %add3A_156 = vector.broadcast %get3A_21 : f32 to vector<1x256xf32>
      %add3A_157 = arith.addf %add3A_156, %get3A_150 : vector<1x256xf32>
      %swap3A_158 = arith.constant 7 : index
      %swap3A_159 = arith.constant 0 : index
      %swap3A_160 = vector.load %arg11[%swap3A_158, %swap3A_159] : memref<8x256xf32, #tpu.memory_space<vmem>>, vector<1x256xf32>
      tpu.vector_store %arg11[%swap3A_158, %swap3A_159], %add3A_157 {strides = array<i32>} : memref<8x256xf32, #tpu.memory_space<vmem>>, vector<1x256xf32>,
      %swap3A_161 = arith.constant 7 : index
      %swap3A_162 = arith.constant 0 : index
      %swap3A_163 = vector.load %arg12[%swap3A_161, %swap3A_162] : memref<8x256xf32, #tpu.memory_space<vmem>>, vector<1x256xf32>
      tpu.vector_store %arg12[%swap3A_161, %swap3A_162], %get3A_155 {strides = array<i32>} : memref<8x256xf32, #tpu.memory_space<vmem>>, vector<1x256xf32>,
      %get3A_164 = arith.constant 0 : index
      %get3A_165 = arith.constant 0 : index
      %get3A_166 = vector.load %arg11[%get3A_164, %get3A_165] : memref<8x256xf32, #tpu.memory_space<vmem>>, vector<8x256xf32>
      %transpose3A = tpu.transpose %get3A_166, [1, 0] : vector<8x256xf32> -> vector<256x8xf32>
      %get3A_167 = arith.constant 0 : index
      %get3A_168 = arith.constant 0 : index
      %get3A_169 = arith.constant 0 : index
      %get3A_170 = vector.load %arg4[%get3A_167, %get3A_168, %get3A_169] : memref<1x256x256xf32, #tpu.memory_space<vmem>>, vector<1x256x256xf32>
      %get3A_171 = vector.shape_cast %get3A_170 : vector<1x256x256xf32> to vector<256x256xf32>
      %slice3A = vector.extract_strided_slice %transpose3A {offsets = [0, 0], sizes = [256, 1], strides = [1, 1]} : vector<256x8xf32> to vector<256x1xf32>
      %add3A_172 = vector.broadcast %slice3A : vector<256x1xf32> to vector<256x256xf32>
      %add3A_173 = vector.broadcast %get3A_31 : vector<1x256xf32> to vector<256x256xf32>
      %add3A_174 = arith.addf %add3A_172, %add3A_173 : vector<256x256xf32>
      %add3A_175 = arith.addf %add3A_174, %get3A_171 : vector<256x256xf32>
      %reduce_max3A = arith.constant dense<0xFF800000> : vector<256xf32>
      %reduce_max3A_176 = vector.multi_reduction <maximumf>, %add3A_175, %reduce_max3A [1] : vector<256x256xf32> to vector<256xf32>
      %broadcast_in_dim3A = vector.shape_cast %reduce_max3A_176 : vector<256xf32> to vector<256x1xf32>
      %slice3A_177 = vector.extract_strided_slice %transpose3A {offsets = [0, 1], sizes = [256, 1], strides = [1, 1]} : vector<256x8xf32> to vector<256x1xf32>
      %add3A_178 = vector.broadcast %slice3A_177 : vector<256x1xf32> to vector<256x256xf32>
      %add3A_179 = vector.broadcast %get3A_47 : vector<1x256xf32> to vector<256x256xf32>
      %add3A_180 = arith.addf %add3A_178, %add3A_179 : vector<256x256xf32>
      %add3A_181 = arith.addf %add3A_180, %get3A_171 : vector<256x256xf32>
      %reduce_max3A_182 = arith.constant dense<0xFF800000> : vector<256xf32>
      %reduce_max3A_183 = vector.multi_reduction <maximumf>, %add3A_181, %reduce_max3A_182 [1] : vector<256x256xf32> to vector<256xf32>
      %broadcast_in_dim3A_184 = vector.shape_cast %reduce_max3A_183 : vector<256xf32> to vector<256x1xf32>
      %slice3A_185 = vector.extract_strided_slice %transpose3A {offsets = [0, 2], sizes = [256, 1], strides = [1, 1]} : vector<256x8xf32> to vector<256x1xf32>
      %add3A_186 = vector.broadcast %slice3A_185 : vector<256x1xf32> to vector<256x256xf32>
      %add3A_187 = vector.broadcast %get3A_65 : vector<1x256xf32> to vector<256x256xf32>
      %add3A_188 = arith.addf %add3A_186, %add3A_187 : vector<256x256xf32>
      %add3A_189 = arith.addf %add3A_188, %get3A_171 : vector<256x256xf32>
      %reduce_max3A_190 = arith.constant dense<0xFF800000> : vector<256xf32>
      %reduce_max3A_191 = vector.multi_reduction <maximumf>, %add3A_189, %reduce_max3A_190 [1] : vector<256x256xf32> to vector<256xf32>
      %broadcast_in_dim3A_192 = vector.shape_cast %reduce_max3A_191 : vector<256xf32> to vector<256x1xf32>
      %slice3A_193 = vector.extract_strided_slice %transpose3A {offsets = [0, 3], sizes = [256, 1], strides = [1, 1]} : vector<256x8xf32> to vector<256x1xf32>
      %add3A_194 = vector.broadcast %slice3A_193 : vector<256x1xf32> to vector<256x256xf32>
      %add3A_195 = vector.broadcast %get3A_83 : vector<1x256xf32> to vector<256x256xf32>
      %add3A_196 = arith.addf %add3A_194, %add3A_195 : vector<256x256xf32>
      %add3A_197 = arith.addf %add3A_196, %get3A_171 : vector<256x256xf32>
      %reduce_max3A_198 = arith.constant dense<0xFF800000> : vector<256xf32>
      %reduce_max3A_199 = vector.multi_reduction <maximumf>, %add3A_197, %reduce_max3A_198 [1] : vector<256x256xf32> to vector<256xf32>
      %broadcast_in_dim3A_200 = vector.shape_cast %reduce_max3A_199 : vector<256xf32> to vector<256x1xf32>
      %slice3A_201 = vector.extract_strided_slice %transpose3A {offsets = [0, 4], sizes = [256, 1], strides = [1, 1]} : vector<256x8xf32> to vector<256x1xf32>
      %add3A_202 = vector.broadcast %slice3A_201 : vector<256x1xf32> to vector<256x256xf32>
      %add3A_203 = vector.broadcast %get3A_101 : vector<1x256xf32> to vector<256x256xf32>
      %add3A_204 = arith.addf %add3A_202, %add3A_203 : vector<256x256xf32>
      %add3A_205 = arith.addf %add3A_204, %get3A_171 : vector<256x256xf32>
      %reduce_max3A_206 = arith.constant dense<0xFF800000> : vector<256xf32>
      %reduce_max3A_207 = vector.multi_reduction <maximumf>, %add3A_205, %reduce_max3A_206 [1] : vector<256x256xf32> to vector<256xf32>
      %broadcast_in_dim3A_208 = vector.shape_cast %reduce_max3A_207 : vector<256xf32> to vector<256x1xf32>
      %slice3A_209 = vector.extract_strided_slice %transpose3A {offsets = [0, 5], sizes = [256, 1], strides = [1, 1]} : vector<256x8xf32> to vector<256x1xf32>
      %add3A_210 = vector.broadcast %slice3A_209 : vector<256x1xf32> to vector<256x256xf32>
      %add3A_211 = vector.broadcast %get3A_119 : vector<1x256xf32> to vector<256x256xf32>
      %add3A_212 = arith.addf %add3A_210, %add3A_211 : vector<256x256xf32>
      %add3A_213 = arith.addf %add3A_212, %get3A_171 : vector<256x256xf32>
      %reduce_max3A_214 = arith.constant dense<0xFF800000> : vector<256xf32>
      %reduce_max3A_215 = vector.multi_reduction <maximumf>, %add3A_213, %reduce_max3A_214 [1] : vector<256x256xf32> to vector<256xf32>
      %broadcast_in_dim3A_216 = vector.shape_cast %reduce_max3A_215 : vector<256xf32> to vector<256x1xf32>
      %slice3A_217 = vector.extract_strided_slice %transpose3A {offsets = [0, 6], sizes = [256, 1], strides = [1, 1]} : vector<256x8xf32> to vector<256x1xf32>
      %add3A_218 = vector.broadcast %slice3A_217 : vector<256x1xf32> to vector<256x256xf32>
      %add3A_219 = vector.broadcast %get3A_137 : vector<1x256xf32> to vector<256x256xf32>
      %add3A_220 = arith.addf %add3A_218, %add3A_219 : vector<256x256xf32>
      %add3A_221 = arith.addf %add3A_220, %get3A_171 : vector<256x256xf32>
      %reduce_max3A_222 = arith.constant dense<0xFF800000> : vector<256xf32>
      %reduce_max3A_223 = vector.multi_reduction <maximumf>, %add3A_221, %reduce_max3A_222 [1] : vector<256x256xf32> to vector<256xf32>
      %broadcast_in_dim3A_224 = vector.shape_cast %reduce_max3A_223 : vector<256xf32> to vector<256x1xf32>
      %slice3A_225 = vector.extract_strided_slice %transpose3A {offsets = [0, 7], sizes = [256, 1], strides = [1, 1]} : vector<256x8xf32> to vector<256x1xf32>
      %add3A_226 = vector.broadcast %slice3A_225 : vector<256x1xf32> to vector<256x256xf32>
      %add3A_227 = vector.broadcast %get3A_155 : vector<1x256xf32> to vector<256x256xf32>
      %add3A_228 = arith.addf %add3A_226, %add3A_227 : vector<256x256xf32>
      %add3A_229 = arith.addf %add3A_228, %get3A_171 : vector<256x256xf32>
      %reduce_max3A_230 = arith.constant dense<0xFF800000> : vector<256xf32>
      %reduce_max3A_231 = vector.multi_reduction <maximumf>, %add3A_229, %reduce_max3A_230 [1] : vector<256x256xf32> to vector<256xf32>
      %broadcast_in_dim3A_232 = vector.shape_cast %reduce_max3A_231 : vector<256xf32> to vector<256x1xf32>
      %concatenate3A = tpu.concatenate %broadcast_in_dim3A, %broadcast_in_dim3A_184, %broadcast_in_dim3A_192, %broadcast_in_dim3A_200, %broadcast_in_dim3A_208, %broadcast_in_dim3A_216, %broadcast_in_dim3A_224, %broadcast_in_dim3A_232 in 1 : vector<256x1xf32>, vector<256x1xf32>, vector<256x1xf32>, vector<256x1xf32>, vector<256x1xf32>, vector<256x1xf32>, vector<256x1xf32>, vector<256x1xf32> -> vector<256x8xf32>
      %transpose3A_233 = tpu.transpose %concatenate3A, [1, 0] : vector<256x8xf32> -> vector<8x256xf32>
      %iota3A_234 = tpu.iota {dimensions = array<i32: 0>} : vector<8x256xi32>
      %iota3A_235 = tpu.iota {dimensions = array<i32: 1>} : vector<8x256xi32>
      %mul3A = arith.constant 256 : i32
      %mul3A_236 = vector.broadcast %mul3A : i32 to vector<8x256xi32>
      %mul3A_237 = arith.muli %iota3A_234, %mul3A_236 : vector<8x256xi32>
      %add3A_238 = arith.addi %mul3A_237, %iota3A_235 : vector<8x256xi32>
      %reduce_max3A_239 = arith.constant dense<0xFF800000> : vector<8xf32>
      %reduce_max3A_240 = vector.multi_reduction <maximumf>, %transpose3A_233, %reduce_max3A_239 [1] : vector<8x256xf32> to vector<8xf32>
      %broadcast_in_dim3A_241 = vector.shape_cast %reduce_max3A_240 : vector<8xf32> to vector<8x1xf32>
      %reduce_max3A_242 = arith.constant dense<0xFF800000> : vector<1xf32>
      %reduce_max3A_243 = vector.multi_reduction <maximumf>, %broadcast_in_dim3A_241, %reduce_max3A_242 [0] : vector<8x1xf32> to vector<1xf32>
      %broadcast_in_dim3A_244 = vector.shape_cast %reduce_max3A_243 : vector<1xf32> to vector<1x1xf32>
      %eq3A_245 = vector.broadcast %broadcast_in_dim3A_244 : vector<1x1xf32> to vector<8x256xf32>
      %eq3A_246 = arith.cmpf oeq, %transpose3A_233, %eq3A_245 : vector<8x256xf32>
      %jit3A = arith.constant 0xFF800000 : f32
      %broadcast_in_dim3A_247 = vector.broadcast %jit3A : f32 to vector<8x256xf32>
      %select_n3A = arith.select %eq3A_246, %broadcast_in_dim3A_247, %transpose3A_233 : vector<8x256xi1>, vector<8x256xf32>
      %reduce_max3A_248 = arith.constant dense<0xFF800000> : vector<8xf32>
      %reduce_max3A_249 = vector.multi_reduction <maximumf>, %select_n3A, %reduce_max3A_248 [1] : vector<8x256xf32> to vector<8xf32>
      %broadcast_in_dim3A_250 = vector.shape_cast %reduce_max3A_249 : vector<8xf32> to vector<8x1xf32>
      %reduce_max3A_251 = arith.constant dense<0xFF800000> : vector<1xf32>
      %reduce_max3A_252 = vector.multi_reduction <maximumf>, %broadcast_in_dim3A_250, %reduce_max3A_251 [0] : vector<8x1xf32> to vector<1xf32>
      %broadcast_in_dim3A_253 = vector.shape_cast %reduce_max3A_252 : vector<1xf32> to vector<1x1xf32>
      %eq3A_254 = vector.broadcast %broadcast_in_dim3A_253 : vector<1x1xf32> to vector<8x256xf32>
      %eq3A_255 = arith.cmpf oeq, %select_n3A, %eq3A_254 : vector<8x256xf32>
      %jit3A_256 = arith.constant 0xFF800000 : f32
      %broadcast_in_dim3A_257 = vector.broadcast %jit3A_256 : f32 to vector<8x256xf32>
      %select_n3A_258 = arith.select %eq3A_255, %broadcast_in_dim3A_257, %select_n3A : vector<8x256xi1>, vector<8x256xf32>
      %reduce_max3A_259 = arith.constant dense<0xFF800000> : vector<8xf32>
      %reduce_max3A_260 = vector.multi_reduction <maximumf>, %select_n3A_258, %reduce_max3A_259 [1] : vector<8x256xf32> to vector<8xf32>
      %broadcast_in_dim3A_261 = vector.shape_cast %reduce_max3A_260 : vector<8xf32> to vector<8x1xf32>
      %reduce_max3A_262 = arith.constant dense<0xFF800000> : vector<1xf32>
      %reduce_max3A_263 = vector.multi_reduction <maximumf>, %broadcast_in_dim3A_261, %reduce_max3A_262 [0] : vector<8x1xf32> to vector<1xf32>
      %broadcast_in_dim3A_264 = vector.shape_cast %reduce_max3A_263 : vector<1xf32> to vector<1x1xf32>
      %eq3A_265 = vector.broadcast %broadcast_in_dim3A_264 : vector<1x1xf32> to vector<8x256xf32>
      %eq3A_266 = arith.cmpf oeq, %select_n3A_258, %eq3A_265 : vector<8x256xf32>
      %jit3A_267 = arith.constant 0xFF800000 : f32
      %broadcast_in_dim3A_268 = vector.broadcast %jit3A_267 : f32 to vector<8x256xf32>
      %select_n3A_269 = arith.select %eq3A_266, %broadcast_in_dim3A_268, %select_n3A_258 : vector<8x256xi1>, vector<8x256xf32>
      %reduce_max3A_270 = arith.constant dense<0xFF800000> : vector<8xf32>
      %reduce_max3A_271 = vector.multi_reduction <maximumf>, %select_n3A_269, %reduce_max3A_270 [1] : vector<8x256xf32> to vector<8xf32>
      %broadcast_in_dim3A_272 = vector.shape_cast %reduce_max3A_271 : vector<8xf32> to vector<8x1xf32>
      %reduce_max3A_273 = arith.constant dense<0xFF800000> : vector<1xf32>
      %reduce_max3A_274 = vector.multi_reduction <maximumf>, %broadcast_in_dim3A_272, %reduce_max3A_273 [0] : vector<8x1xf32> to vector<1xf32>
      %broadcast_in_dim3A_275 = vector.shape_cast %reduce_max3A_274 : vector<1xf32> to vector<1x1xf32>
      %eq3A_276 = vector.broadcast %broadcast_in_dim3A_275 : vector<1x1xf32> to vector<8x256xf32>
      %eq3A_277 = arith.cmpf oeq, %select_n3A_269, %eq3A_276 : vector<8x256xf32>
      %jit3A_278 = arith.constant 0xFF800000 : f32
      %broadcast_in_dim3A_279 = vector.broadcast %jit3A_278 : f32 to vector<8x256xf32>
      %select_n3A_280 = arith.select %eq3A_277, %broadcast_in_dim3A_279, %select_n3A_269 : vector<8x256xi1>, vector<8x256xf32>
      %reduce_max3A_281 = arith.constant dense<0xFF800000> : vector<8xf32>
      %reduce_max3A_282 = vector.multi_reduction <maximumf>, %select_n3A_280, %reduce_max3A_281 [1] : vector<8x256xf32> to vector<8xf32>
      %broadcast_in_dim3A_283 = vector.shape_cast %reduce_max3A_282 : vector<8xf32> to vector<8x1xf32>
      %reduce_max3A_284 = arith.constant dense<0xFF800000> : vector<1xf32>
      %reduce_max3A_285 = vector.multi_reduction <maximumf>, %broadcast_in_dim3A_283, %reduce_max3A_284 [0] : vector<8x1xf32> to vector<1xf32>
      %broadcast_in_dim3A_286 = vector.shape_cast %reduce_max3A_285 : vector<1xf32> to vector<1x1xf32>
      %eq3A_287 = vector.broadcast %broadcast_in_dim3A_286 : vector<1x1xf32> to vector<8x256xf32>
      %eq3A_288 = arith.cmpf oeq, %select_n3A_280, %eq3A_287 : vector<8x256xf32>
      %jit3A_289 = arith.constant 0xFF800000 : f32
      %broadcast_in_dim3A_290 = vector.broadcast %jit3A_289 : f32 to vector<8x256xf32>
      %select_n3A_291 = arith.select %eq3A_288, %broadcast_in_dim3A_290, %select_n3A_280 : vector<8x256xi1>, vector<8x256xf32>
      %reduce_max3A_292 = arith.constant dense<0xFF800000> : vector<8xf32>
      %reduce_max3A_293 = vector.multi_reduction <maximumf>, %select_n3A_291, %reduce_max3A_292 [1] : vector<8x256xf32> to vector<8xf32>
      %broadcast_in_dim3A_294 = vector.shape_cast %reduce_max3A_293 : vector<8xf32> to vector<8x1xf32>
      %reduce_max3A_295 = arith.constant dense<0xFF800000> : vector<1xf32>
      %reduce_max3A_296 = vector.multi_reduction <maximumf>, %broadcast_in_dim3A_294, %reduce_max3A_295 [0] : vector<8x1xf32> to vector<1xf32>
      %broadcast_in_dim3A_297 = vector.shape_cast %reduce_max3A_296 : vector<1xf32> to vector<1x1xf32>
      %eq3A_298 = vector.broadcast %broadcast_in_dim3A_297 : vector<1x1xf32> to vector<8x256xf32>
      %eq3A_299 = arith.cmpf oeq, %select_n3A_291, %eq3A_298 : vector<8x256xf32>
      %jit3A_300 = arith.constant 0xFF800000 : f32
      %broadcast_in_dim3A_301 = vector.broadcast %jit3A_300 : f32 to vector<8x256xf32>
      %select_n3A_302 = arith.select %eq3A_299, %broadcast_in_dim3A_301, %select_n3A_291 : vector<8x256xi1>, vector<8x256xf32>
      %reduce_max3A_303 = arith.constant dense<0xFF800000> : vector<8xf32>
      %reduce_max3A_304 = vector.multi_reduction <maximumf>, %select_n3A_302, %reduce_max3A_303 [1] : vector<8x256xf32> to vector<8xf32>
      %broadcast_in_dim3A_305 = vector.shape_cast %reduce_max3A_304 : vector<8xf32> to vector<8x1xf32>
      %reduce_max3A_306 = arith.constant dense<0xFF800000> : vector<1xf32>
      %reduce_max3A_307 = vector.multi_reduction <maximumf>, %broadcast_in_dim3A_305, %reduce_max3A_306 [0] : vector<8x1xf32> to vector<1xf32>
      %broadcast_in_dim3A_308 = vector.shape_cast %reduce_max3A_307 : vector<1xf32> to vector<1x1xf32>
      %eq3A_309 = vector.broadcast %broadcast_in_dim3A_308 : vector<1x1xf32> to vector<8x256xf32>
      %eq3A_310 = arith.cmpf oeq, %select_n3A_302, %eq3A_309 : vector<8x256xf32>
      %jit3A_311 = arith.constant 0xFF800000 : f32
      %broadcast_in_dim3A_312 = vector.broadcast %jit3A_311 : f32 to vector<8x256xf32>
      %select_n3A_313 = arith.select %eq3A_310, %broadcast_in_dim3A_312, %select_n3A_302 : vector<8x256xi1>, vector<8x256xf32>
      %reduce_max3A_314 = arith.constant dense<0xFF800000> : vector<8xf32>
      %reduce_max3A_315 = vector.multi_reduction <maximumf>, %select_n3A_313, %reduce_max3A_314 [1] : vector<8x256xf32> to vector<8xf32>
      %broadcast_in_dim3A_316 = vector.shape_cast %reduce_max3A_315 : vector<8xf32> to vector<8x1xf32>
      %reduce_max3A_317 = arith.constant dense<0xFF800000> : vector<1xf32>
      %reduce_max3A_318 = vector.multi_reduction <maximumf>, %broadcast_in_dim3A_316, %reduce_max3A_317 [0] : vector<8x1xf32> to vector<1xf32>
      %broadcast_in_dim3A_319 = vector.shape_cast %reduce_max3A_318 : vector<1xf32> to vector<1x1xf32>
      %eq3A_320 = vector.broadcast %broadcast_in_dim3A_244 : vector<1x1xf32> to vector<8x256xf32>
      %eq3A_321 = arith.cmpf oeq, %transpose3A_233, %eq3A_320 : vector<8x256xf32>
      %jit3A_322 = arith.constant 2048 : i32
      %broadcast_in_dim3A_323 = vector.broadcast %jit3A_322 : i32 to vector<8x256xi32>
      %select_n3A_324 = arith.select %eq3A_321, %add3A_238, %broadcast_in_dim3A_323 : vector<8x256xi1>, vector<8x256xi32>
      %reduce_min3A = arith.constant dense<2147483647> : vector<8xi32>
      %reduce_min3A_325 = vector.multi_reduction <minsi>, %select_n3A_324, %reduce_min3A [1] : vector<8x256xi32> to vector<8xi32>
      %broadcast_in_dim3A_326 = vector.shape_cast %reduce_min3A_325 : vector<8xi32> to vector<8x1xi32>
      %reduce_min3A_327 = arith.constant dense<2147483647> : vector<1xi32>
      %reduce_min3A_328 = vector.multi_reduction <minsi>, %broadcast_in_dim3A_326, %reduce_min3A_327 [0] : vector<8x1xi32> to vector<1xi32>
      %broadcast_in_dim3A_329 = vector.shape_cast %reduce_min3A_328 : vector<1xi32> to vector<1x1xi32>
      %eq3A_330 = vector.broadcast %broadcast_in_dim3A_253 : vector<1x1xf32> to vector<8x256xf32>
      %eq3A_331 = arith.cmpf oeq, %transpose3A_233, %eq3A_330 : vector<8x256xf32>
      %jit3A_332 = arith.constant 2048 : i32
      %broadcast_in_dim3A_333 = vector.broadcast %jit3A_332 : i32 to vector<8x256xi32>
      %select_n3A_334 = arith.select %eq3A_331, %add3A_238, %broadcast_in_dim3A_333 : vector<8x256xi1>, vector<8x256xi32>
      %reduce_min3A_335 = arith.constant dense<2147483647> : vector<8xi32>
      %reduce_min3A_336 = vector.multi_reduction <minsi>, %select_n3A_334, %reduce_min3A_335 [1] : vector<8x256xi32> to vector<8xi32>
      %broadcast_in_dim3A_337 = vector.shape_cast %reduce_min3A_336 : vector<8xi32> to vector<8x1xi32>
      %reduce_min3A_338 = arith.constant dense<2147483647> : vector<1xi32>
      %reduce_min3A_339 = vector.multi_reduction <minsi>, %broadcast_in_dim3A_337, %reduce_min3A_338 [0] : vector<8x1xi32> to vector<1xi32>
      %broadcast_in_dim3A_340 = vector.shape_cast %reduce_min3A_339 : vector<1xi32> to vector<1x1xi32>
      %eq3A_341 = vector.broadcast %broadcast_in_dim3A_264 : vector<1x1xf32> to vector<8x256xf32>
      %eq3A_342 = arith.cmpf oeq, %transpose3A_233, %eq3A_341 : vector<8x256xf32>
      %jit3A_343 = arith.constant 2048 : i32
      %broadcast_in_dim3A_344 = vector.broadcast %jit3A_343 : i32 to vector<8x256xi32>
      %select_n3A_345 = arith.select %eq3A_342, %add3A_238, %broadcast_in_dim3A_344 : vector<8x256xi1>, vector<8x256xi32>
      %reduce_min3A_346 = arith.constant dense<2147483647> : vector<8xi32>
      %reduce_min3A_347 = vector.multi_reduction <minsi>, %select_n3A_345, %reduce_min3A_346 [1] : vector<8x256xi32> to vector<8xi32>
      %broadcast_in_dim3A_348 = vector.shape_cast %reduce_min3A_347 : vector<8xi32> to vector<8x1xi32>
      %reduce_min3A_349 = arith.constant dense<2147483647> : vector<1xi32>
      %reduce_min3A_350 = vector.multi_reduction <minsi>, %broadcast_in_dim3A_348, %reduce_min3A_349 [0] : vector<8x1xi32> to vector<1xi32>
      %broadcast_in_dim3A_351 = vector.shape_cast %reduce_min3A_350 : vector<1xi32> to vector<1x1xi32>
      %eq3A_352 = vector.broadcast %broadcast_in_dim3A_275 : vector<1x1xf32> to vector<8x256xf32>
      %eq3A_353 = arith.cmpf oeq, %transpose3A_233, %eq3A_352 : vector<8x256xf32>
      %jit3A_354 = arith.constant 2048 : i32
      %broadcast_in_dim3A_355 = vector.broadcast %jit3A_354 : i32 to vector<8x256xi32>
      %select_n3A_356 = arith.select %eq3A_353, %add3A_238, %broadcast_in_dim3A_355 : vector<8x256xi1>, vector<8x256xi32>
      %reduce_min3A_357 = arith.constant dense<2147483647> : vector<8xi32>
      %reduce_min3A_358 = vector.multi_reduction <minsi>, %select_n3A_356, %reduce_min3A_357 [1] : vector<8x256xi32> to vector<8xi32>
      %broadcast_in_dim3A_359 = vector.shape_cast %reduce_min3A_358 : vector<8xi32> to vector<8x1xi32>
      %reduce_min3A_360 = arith.constant dense<2147483647> : vector<1xi32>
      %reduce_min3A_361 = vector.multi_reduction <minsi>, %broadcast_in_dim3A_359, %reduce_min3A_360 [0] : vector<8x1xi32> to vector<1xi32>
      %broadcast_in_dim3A_362 = vector.shape_cast %reduce_min3A_361 : vector<1xi32> to vector<1x1xi32>
      %eq3A_363 = vector.broadcast %broadcast_in_dim3A_286 : vector<1x1xf32> to vector<8x256xf32>
      %eq3A_364 = arith.cmpf oeq, %transpose3A_233, %eq3A_363 : vector<8x256xf32>
      %jit3A_365 = arith.constant 2048 : i32
      %broadcast_in_dim3A_366 = vector.broadcast %jit3A_365 : i32 to vector<8x256xi32>
      %select_n3A_367 = arith.select %eq3A_364, %add3A_238, %broadcast_in_dim3A_366 : vector<8x256xi1>, vector<8x256xi32>
      %reduce_min3A_368 = arith.constant dense<2147483647> : vector<8xi32>
      %reduce_min3A_369 = vector.multi_reduction <minsi>, %select_n3A_367, %reduce_min3A_368 [1] : vector<8x256xi32> to vector<8xi32>
      %broadcast_in_dim3A_370 = vector.shape_cast %reduce_min3A_369 : vector<8xi32> to vector<8x1xi32>
      %reduce_min3A_371 = arith.constant dense<2147483647> : vector<1xi32>
      %reduce_min3A_372 = vector.multi_reduction <minsi>, %broadcast_in_dim3A_370, %reduce_min3A_371 [0] : vector<8x1xi32> to vector<1xi32>
      %broadcast_in_dim3A_373 = vector.shape_cast %reduce_min3A_372 : vector<1xi32> to vector<1x1xi32>
      %eq3A_374 = vector.broadcast %broadcast_in_dim3A_297 : vector<1x1xf32> to vector<8x256xf32>
      %eq3A_375 = arith.cmpf oeq, %transpose3A_233, %eq3A_374 : vector<8x256xf32>
      %jit3A_376 = arith.constant 2048 : i32
      %broadcast_in_dim3A_377 = vector.broadcast %jit3A_376 : i32 to vector<8x256xi32>
      %select_n3A_378 = arith.select %eq3A_375, %add3A_238, %broadcast_in_dim3A_377 : vector<8x256xi1>, vector<8x256xi32>
      %reduce_min3A_379 = arith.constant dense<2147483647> : vector<8xi32>
      %reduce_min3A_380 = vector.multi_reduction <minsi>, %select_n3A_378, %reduce_min3A_379 [1] : vector<8x256xi32> to vector<8xi32>
      %broadcast_in_dim3A_381 = vector.shape_cast %reduce_min3A_380 : vector<8xi32> to vector<8x1xi32>
      %reduce_min3A_382 = arith.constant dense<2147483647> : vector<1xi32>
      %reduce_min3A_383 = vector.multi_reduction <minsi>, %broadcast_in_dim3A_381, %reduce_min3A_382 [0] : vector<8x1xi32> to vector<1xi32>
      %broadcast_in_dim3A_384 = vector.shape_cast %reduce_min3A_383 : vector<1xi32> to vector<1x1xi32>
      %eq3A_385 = vector.broadcast %broadcast_in_dim3A_308 : vector<1x1xf32> to vector<8x256xf32>
      %eq3A_386 = arith.cmpf oeq, %transpose3A_233, %eq3A_385 : vector<8x256xf32>
      %jit3A_387 = arith.constant 2048 : i32
      %broadcast_in_dim3A_388 = vector.broadcast %jit3A_387 : i32 to vector<8x256xi32>
      %select_n3A_389 = arith.select %eq3A_386, %add3A_238, %broadcast_in_dim3A_388 : vector<8x256xi1>, vector<8x256xi32>
      %reduce_min3A_390 = arith.constant dense<2147483647> : vector<8xi32>
      %reduce_min3A_391 = vector.multi_reduction <minsi>, %select_n3A_389, %reduce_min3A_390 [1] : vector<8x256xi32> to vector<8xi32>
      %broadcast_in_dim3A_392 = vector.shape_cast %reduce_min3A_391 : vector<8xi32> to vector<8x1xi32>
      %reduce_min3A_393 = arith.constant dense<2147483647> : vector<1xi32>
      %reduce_min3A_394 = vector.multi_reduction <minsi>, %broadcast_in_dim3A_392, %reduce_min3A_393 [0] : vector<8x1xi32> to vector<1xi32>
      %broadcast_in_dim3A_395 = vector.shape_cast %reduce_min3A_394 : vector<1xi32> to vector<1x1xi32>
      %eq3A_396 = vector.broadcast %broadcast_in_dim3A_319 : vector<1x1xf32> to vector<8x256xf32>
      %eq3A_397 = arith.cmpf oeq, %transpose3A_233, %eq3A_396 : vector<8x256xf32>
      %jit3A_398 = arith.constant 2048 : i32
      %broadcast_in_dim3A_399 = vector.broadcast %jit3A_398 : i32 to vector<8x256xi32>
      %select_n3A_400 = arith.select %eq3A_397, %add3A_238, %broadcast_in_dim3A_399 : vector<8x256xi1>, vector<8x256xi32>
      %reduce_min3A_401 = arith.constant dense<2147483647> : vector<8xi32>
      %reduce_min3A_402 = vector.multi_reduction <minsi>, %select_n3A_400, %reduce_min3A_401 [1] : vector<8x256xi32> to vector<8xi32>
      %broadcast_in_dim3A_403 = vector.shape_cast %reduce_min3A_402 : vector<8xi32> to vector<8x1xi32>
      %reduce_min3A_404 = arith.constant dense<2147483647> : vector<1xi32>
      %reduce_min3A_405 = vector.multi_reduction <minsi>, %broadcast_in_dim3A_403, %reduce_min3A_404 [0] : vector<8x1xi32> to vector<1xi32>
      %broadcast_in_dim3A_406 = vector.shape_cast %reduce_min3A_405 : vector<1xi32> to vector<1x1xi32>
      %eq3A_407 = vector.broadcast %broadcast_in_dim3A_244 : vector<1x1xf32> to vector<8x256xf32>
      %eq3A_408 = arith.cmpf oeq, %transpose3A_233, %eq3A_407 : vector<8x256xf32>
      %jit3A_409 = arith.constant 1.000000e+00 : f32
      %jit3A_410 = arith.constant 0.000000e+00 : f32
      %broadcast_in_dim3A_411 = vector.broadcast %jit3A_409 : f32 to vector<8x256xf32>
      %broadcast_in_dim3A_412 = vector.broadcast %jit3A_410 : f32 to vector<8x256xf32>
      %select_n3A_413 = arith.select %eq3A_408, %broadcast_in_dim3A_411, %broadcast_in_dim3A_412 : vector<8x256xi1>, vector<8x256xf32>
      %reduce_sum3A = vector.shape_cast %select_n3A_413 : vector<8x256xf32> to vector<1x8x256xf32>
      %reduce_sum3A_414 = arith.constant dense<0.000000e+00> : vector<1xf32>
      %reduce_sum3A_415 = vector.multi_reduction <add>, %reduce_sum3A, %reduce_sum3A_414 [1, 2] : vector<1x8x256xf32> to vector<1xf32>
      %reduce_sum3A_416 = vector.shape_cast %reduce_sum3A_415 : vector<1xf32> to vector<1x1x1xf32>
      %reduce_sum3A_417 = vector.extract %reduce_sum3A_416[0, 0, 0] : f32 from vector<1x1x1xf32>
      %add3A_418 = arith.constant 0.000000e+00 : f32
      %add3A_419 = arith.addf %add3A_418, %reduce_sum3A_417 : f32
      %eq3A_420 = vector.broadcast %broadcast_in_dim3A_253 : vector<1x1xf32> to vector<8x256xf32>
      %eq3A_421 = arith.cmpf oeq, %transpose3A_233, %eq3A_420 : vector<8x256xf32>
      %jit3A_422 = arith.constant 1.000000e+00 : f32
      %jit3A_423 = arith.constant 0.000000e+00 : f32
      %broadcast_in_dim3A_424 = vector.broadcast %jit3A_422 : f32 to vector<8x256xf32>
      %broadcast_in_dim3A_425 = vector.broadcast %jit3A_423 : f32 to vector<8x256xf32>
      %select_n3A_426 = arith.select %eq3A_421, %broadcast_in_dim3A_424, %broadcast_in_dim3A_425 : vector<8x256xi1>, vector<8x256xf32>
      %reduce_sum3A_427 = vector.shape_cast %select_n3A_426 : vector<8x256xf32> to vector<1x8x256xf32>
      %reduce_sum3A_428 = arith.constant dense<0.000000e+00> : vector<1xf32>
      %reduce_sum3A_429 = vector.multi_reduction <add>, %reduce_sum3A_427, %reduce_sum3A_428 [1, 2] : vector<1x8x256xf32> to vector<1xf32>
      %reduce_sum3A_430 = vector.shape_cast %reduce_sum3A_429 : vector<1xf32> to vector<1x1x1xf32>
      %reduce_sum3A_431 = vector.extract %reduce_sum3A_430[0, 0, 0] : f32 from vector<1x1x1xf32>
      %add3A_432 = arith.addf %add3A_419, %reduce_sum3A_431 : f32
      %eq3A_433 = vector.broadcast %broadcast_in_dim3A_264 : vector<1x1xf32> to vector<8x256xf32>
      %eq3A_434 = arith.cmpf oeq, %transpose3A_233, %eq3A_433 : vector<8x256xf32>
      %jit3A_435 = arith.constant 1.000000e+00 : f32
      %jit3A_436 = arith.constant 0.000000e+00 : f32
      %broadcast_in_dim3A_437 = vector.broadcast %jit3A_435 : f32 to vector<8x256xf32>
      %broadcast_in_dim3A_438 = vector.broadcast %jit3A_436 : f32 to vector<8x256xf32>
      %select_n3A_439 = arith.select %eq3A_434, %broadcast_in_dim3A_437, %broadcast_in_dim3A_438 : vector<8x256xi1>, vector<8x256xf32>
      %reduce_sum3A_440 = vector.shape_cast %select_n3A_439 : vector<8x256xf32> to vector<1x8x256xf32>
      %reduce_sum3A_441 = arith.constant dense<0.000000e+00> : vector<1xf32>
      %reduce_sum3A_442 = vector.multi_reduction <add>, %reduce_sum3A_440, %reduce_sum3A_441 [1, 2] : vector<1x8x256xf32> to vector<1xf32>
      %reduce_sum3A_443 = vector.shape_cast %reduce_sum3A_442 : vector<1xf32> to vector<1x1x1xf32>
      %reduce_sum3A_444 = vector.extract %reduce_sum3A_443[0, 0, 0] : f32 from vector<1x1x1xf32>
      %add3A_445 = arith.addf %add3A_432, %reduce_sum3A_444 : f32
      %eq3A_446 = vector.broadcast %broadcast_in_dim3A_275 : vector<1x1xf32> to vector<8x256xf32>
      %eq3A_447 = arith.cmpf oeq, %transpose3A_233, %eq3A_446 : vector<8x256xf32>
      %jit3A_448 = arith.constant 1.000000e+00 : f32
      %jit3A_449 = arith.constant 0.000000e+00 : f32
      %broadcast_in_dim3A_450 = vector.broadcast %jit3A_448 : f32 to vector<8x256xf32>
      %broadcast_in_dim3A_451 = vector.broadcast %jit3A_449 : f32 to vector<8x256xf32>
      %select_n3A_452 = arith.select %eq3A_447, %broadcast_in_dim3A_450, %broadcast_in_dim3A_451 : vector<8x256xi1>, vector<8x256xf32>
      %reduce_sum3A_453 = vector.shape_cast %select_n3A_452 : vector<8x256xf32> to vector<1x8x256xf32>
      %reduce_sum3A_454 = arith.constant dense<0.000000e+00> : vector<1xf32>
      %reduce_sum3A_455 = vector.multi_reduction <add>, %reduce_sum3A_453, %reduce_sum3A_454 [1, 2] : vector<1x8x256xf32> to vector<1xf32>
      %reduce_sum3A_456 = vector.shape_cast %reduce_sum3A_455 : vector<1xf32> to vector<1x1x1xf32>
      %reduce_sum3A_457 = vector.extract %reduce_sum3A_456[0, 0, 0] : f32 from vector<1x1x1xf32>
      %add3A_458 = arith.addf %add3A_445, %reduce_sum3A_457 : f32
      %eq3A_459 = vector.broadcast %broadcast_in_dim3A_286 : vector<1x1xf32> to vector<8x256xf32>
      %eq3A_460 = arith.cmpf oeq, %transpose3A_233, %eq3A_459 : vector<8x256xf32>
      %jit3A_461 = arith.constant 1.000000e+00 : f32
      %jit3A_462 = arith.constant 0.000000e+00 : f32
      %broadcast_in_dim3A_463 = vector.broadcast %jit3A_461 : f32 to vector<8x256xf32>
      %broadcast_in_dim3A_464 = vector.broadcast %jit3A_462 : f32 to vector<8x256xf32>
      %select_n3A_465 = arith.select %eq3A_460, %broadcast_in_dim3A_463, %broadcast_in_dim3A_464 : vector<8x256xi1>, vector<8x256xf32>
      %reduce_sum3A_466 = vector.shape_cast %select_n3A_465 : vector<8x256xf32> to vector<1x8x256xf32>
      %reduce_sum3A_467 = arith.constant dense<0.000000e+00> : vector<1xf32>
      %reduce_sum3A_468 = vector.multi_reduction <add>, %reduce_sum3A_466, %reduce_sum3A_467 [1, 2] : vector<1x8x256xf32> to vector<1xf32>
      %reduce_sum3A_469 = vector.shape_cast %reduce_sum3A_468 : vector<1xf32> to vector<1x1x1xf32>
      %reduce_sum3A_470 = vector.extract %reduce_sum3A_469[0, 0, 0] : f32 from vector<1x1x1xf32>
      %add3A_471 = arith.addf %add3A_458, %reduce_sum3A_470 : f32
      %eq3A_472 = vector.broadcast %broadcast_in_dim3A_297 : vector<1x1xf32> to vector<8x256xf32>
      %eq3A_473 = arith.cmpf oeq, %transpose3A_233, %eq3A_472 : vector<8x256xf32>
      %jit3A_474 = arith.constant 1.000000e+00 : f32
      %jit3A_475 = arith.constant 0.000000e+00 : f32
      %broadcast_in_dim3A_476 = vector.broadcast %jit3A_474 : f32 to vector<8x256xf32>
      %broadcast_in_dim3A_477 = vector.broadcast %jit3A_475 : f32 to vector<8x256xf32>
      %select_n3A_478 = arith.select %eq3A_473, %broadcast_in_dim3A_476, %broadcast_in_dim3A_477 : vector<8x256xi1>, vector<8x256xf32>
      %reduce_sum3A_479 = vector.shape_cast %select_n3A_478 : vector<8x256xf32> to vector<1x8x256xf32>
      %reduce_sum3A_480 = arith.constant dense<0.000000e+00> : vector<1xf32>
      %reduce_sum3A_481 = vector.multi_reduction <add>, %reduce_sum3A_479, %reduce_sum3A_480 [1, 2] : vector<1x8x256xf32> to vector<1xf32>
      %reduce_sum3A_482 = vector.shape_cast %reduce_sum3A_481 : vector<1xf32> to vector<1x1x1xf32>
      %reduce_sum3A_483 = vector.extract %reduce_sum3A_482[0, 0, 0] : f32 from vector<1x1x1xf32>
      %add3A_484 = arith.addf %add3A_471, %reduce_sum3A_483 : f32
      %eq3A_485 = vector.broadcast %broadcast_in_dim3A_308 : vector<1x1xf32> to vector<8x256xf32>
      %eq3A_486 = arith.cmpf oeq, %transpose3A_233, %eq3A_485 : vector<8x256xf32>
      %jit3A_487 = arith.constant 1.000000e+00 : f32
      %jit3A_488 = arith.constant 0.000000e+00 : f32
      %broadcast_in_dim3A_489 = vector.broadcast %jit3A_487 : f32 to vector<8x256xf32>
      %broadcast_in_dim3A_490 = vector.broadcast %jit3A_488 : f32 to vector<8x256xf32>
      %select_n3A_491 = arith.select %eq3A_486, %broadcast_in_dim3A_489, %broadcast_in_dim3A_490 : vector<8x256xi1>, vector<8x256xf32>
      %reduce_sum3A_492 = vector.shape_cast %select_n3A_491 : vector<8x256xf32> to vector<1x8x256xf32>
      %reduce_sum3A_493 = arith.constant dense<0.000000e+00> : vector<1xf32>
      %reduce_sum3A_494 = vector.multi_reduction <add>, %reduce_sum3A_492, %reduce_sum3A_493 [1, 2] : vector<1x8x256xf32> to vector<1xf32>
      %reduce_sum3A_495 = vector.shape_cast %reduce_sum3A_494 : vector<1xf32> to vector<1x1x1xf32>
      %reduce_sum3A_496 = vector.extract %reduce_sum3A_495[0, 0, 0] : f32 from vector<1x1x1xf32>
      %add3A_497 = arith.addf %add3A_484, %reduce_sum3A_496 : f32
      %eq3A_498 = vector.broadcast %broadcast_in_dim3A_319 : vector<1x1xf32> to vector<8x256xf32>
      %eq3A_499 = arith.cmpf oeq, %transpose3A_233, %eq3A_498 : vector<8x256xf32>
      %jit3A_500 = arith.constant 1.000000e+00 : f32
      %jit3A_501 = arith.constant 0.000000e+00 : f32
      %broadcast_in_dim3A_502 = vector.broadcast %jit3A_500 : f32 to vector<8x256xf32>
      %broadcast_in_dim3A_503 = vector.broadcast %jit3A_501 : f32 to vector<8x256xf32>
      %select_n3A_504 = arith.select %eq3A_499, %broadcast_in_dim3A_502, %broadcast_in_dim3A_503 : vector<8x256xi1>, vector<8x256xf32>
      %reduce_sum3A_505 = vector.shape_cast %select_n3A_504 : vector<8x256xf32> to vector<1x8x256xf32>
      %reduce_sum3A_506 = arith.constant dense<0.000000e+00> : vector<1xf32>
      %reduce_sum3A_507 = vector.multi_reduction <add>, %reduce_sum3A_505, %reduce_sum3A_506 [1, 2] : vector<1x8x256xf32> to vector<1xf32>
      %reduce_sum3A_508 = vector.shape_cast %reduce_sum3A_507 : vector<1xf32> to vector<1x1x1xf32>
      %reduce_sum3A_509 = vector.extract %reduce_sum3A_508[0, 0, 0] : f32 from vector<1x1x1xf32>
      %add3A_510 = arith.addf %add3A_497, %reduce_sum3A_509 : f32
      %reduce_sum3A_511 = vector.shape_cast %broadcast_in_dim3A_329 : vector<1x1xi32> to vector<1x1x1xi32>
      %reduce_sum3A_512 = arith.constant dense<0> : vector<1xi32>
      %reduce_sum3A_513 = vector.multi_reduction <add>, %reduce_sum3A_511, %reduce_sum3A_512 [1, 2] : vector<1x1x1xi32> to vector<1xi32>
      %reduce_sum3A_514 = vector.shape_cast %reduce_sum3A_513 : vector<1xi32> to vector<1x1x1xi32>
      %reduce_sum3A_515 = vector.extract %reduce_sum3A_514[0, 0, 0] : i32 from vector<1x1x1xi32>
      %jit3A_516 = arith.constant 256 : i32
      %div3A = arith.divsi %reduce_sum3A_515, %jit3A_516 : i32
      %sign3A = arith.constant 0 : i32
      %sign3A_517 = arith.cmpi sgt, %reduce_sum3A_515, %sign3A : i32
      %sign3A_518 = arith.extui %sign3A_517 : i1 to i32
      %sign3A_519 = arith.constant 0 : i32
      %sign3A_520 = arith.cmpi slt, %reduce_sum3A_515, %sign3A_519 : i32
      %sign3A_521 = arith.extui %sign3A_520 : i1 to i32
      %sign3A_522 = arith.subi %sign3A_518, %sign3A_521 : i32
      %sign3A_523 = arith.constant 0 : i32
      %sign3A_524 = arith.cmpi sgt, %jit3A_516, %sign3A_523 : i32
      %sign3A_525 = arith.extui %sign3A_524 : i1 to i32
      %sign3A_526 = arith.constant 0 : i32
      %sign3A_527 = arith.cmpi slt, %jit3A_516, %sign3A_526 : i32
      %sign3A_528 = arith.extui %sign3A_527 : i1 to i32
      %sign3A_529 = arith.subi %sign3A_525, %sign3A_528 : i32
      %ne3A = arith.cmpi ne, %sign3A_522, %sign3A_529 : i32
      %rem3A = arith.remsi %reduce_sum3A_515, %jit3A_516 : i32
      %ne3A_530 = arith.constant 0 : i32
      %ne3A_531 = arith.cmpi ne, %rem3A, %ne3A_530 : i32
      %and3A = arith.andi %ne3A, %ne3A_531 : i1
      %sub3A = arith.constant 1 : i32
      %sub3A_532 = arith.subi %div3A, %sub3A : i32
      %select_n3A_533 = arith.select %and3A, %sub3A_532, %div3A : i32
      %jit3A_534 = arith.constant 256 : i32
      %eq3A_535 = arith.constant 0 : i32
      %eq3A_536 = arith.cmpi eq, %jit3A_534, %eq3A_535 : i32
      %jit3A_537 = arith.constant 1 : i32
      %select_n3A_538 = arith.select %eq3A_536, %jit3A_537, %jit3A_534 : i32
      %rem3A_539 = arith.remsi %reduce_sum3A_515, %select_n3A_538 : i32
      %ne3A_540 = arith.constant 0 : i32
      %ne3A_541 = arith.cmpi ne, %rem3A_539, %ne3A_540 : i32
      %lt3A = arith.constant 0 : i32
      %lt3A_542 = arith.cmpi slt, %rem3A_539, %lt3A : i32
      %lt3A_543 = arith.constant 0 : i32
      %lt3A_544 = arith.cmpi slt, %select_n3A_538, %lt3A_543 : i32
      %ne3A_545 = arith.xori %lt3A_542, %lt3A_544 : i1
      %and3A_546 = arith.andi %ne3A_545, %ne3A_541 : i1
      %add3A_547 = arith.addi %rem3A_539, %select_n3A_538 : i32
      %select_n3A_548 = arith.select %and3A_546, %add3A_547, %rem3A_539 : i32
      %get3A_549 = arith.index_cast %select_n3A_533 : i32 to index
      %get3A_550 = arith.constant 0 : index
      %get3A_551 = vector.load %arg11[%get3A_549, %get3A_550] : memref<8x256xf32, #tpu.memory_space<vmem>>, vector<1x256xf32>
      %eq3A_552 = vector.broadcast %select_n3A_548 : i32 to vector<1x256xi32>
      %eq3A_553 = arith.cmpi eq, %iota3A_0, %eq3A_552 : vector<1x256xi32>
      %jit3A_554 = arith.constant 0.000000e+00 : f32
      %broadcast_in_dim3A_555 = vector.broadcast %jit3A_554 : f32 to vector<1x256xf32>
      %select_n3A_556 = arith.select %eq3A_553, %get3A_551, %broadcast_in_dim3A_555 : vector<1x256xi1>, vector<1x256xf32>
      %reduce_sum3A_557 = vector.shape_cast %select_n3A_556 : vector<1x256xf32> to vector<1x1x256xf32>
      %reduce_sum3A_558 = arith.constant dense<0.000000e+00> : vector<1xf32>
      %reduce_sum3A_559 = vector.multi_reduction <add>, %reduce_sum3A_557, %reduce_sum3A_558 [1, 2] : vector<1x1x256xf32> to vector<1xf32>
      %reduce_sum3A_560 = vector.shape_cast %reduce_sum3A_559 : vector<1xf32> to vector<1x1x1xf32>
      %reduce_sum3A_561 = vector.extract %reduce_sum3A_560[0, 0, 0] : f32 from vector<1x1x1xf32>
      %get3A_562 = arith.index_cast %select_n3A_533 : i32 to index
      %get3A_563 = arith.constant 0 : index
      %get3A_564 = vector.load %arg12[%get3A_562, %get3A_563] : memref<8x256xf32, #tpu.memory_space<vmem>>, vector<1x256xf32>
      %get3A_565 = arith.constant 0 : index
      %get3A_566 = arith.index_cast %select_n3A_548 : i32 to index
      %get3A_567 = arith.constant 0 : index
      %get3A_568 = vector.load %arg4[%get3A_565, %get3A_566, %get3A_567] : memref<1x256x256xf32, #tpu.memory_space<vmem>>, vector<1x1x256xf32>
      %get3A_569 = vector.shape_cast %get3A_568 : vector<1x1x256xf32> to vector<1x256xf32>
      %add3A_570 = vector.broadcast %reduce_sum3A_561 : f32 to vector<1x256xf32>
      %add3A_571 = arith.addf %add3A_570, %get3A_564 : vector<1x256xf32>
      %add3A_572 = arith.addf %add3A_571, %get3A_569 : vector<1x256xf32>
      %mul3A_573 = arith.constant 256 : i32
      %mul3A_574 = arith.muli %reduce_sum3A_515, %mul3A_573 : i32
      %broadcast_in_dim3A_575 = vector.broadcast %mul3A_574 : i32 to vector<1x256xi32>
      %add3A_576 = arith.addi %broadcast_in_dim3A_575, %iota3A_0 : vector<1x256xi32>
      %reduce_sum3A_577 = vector.shape_cast %broadcast_in_dim3A_340 : vector<1x1xi32> to vector<1x1x1xi32>
      %reduce_sum3A_578 = arith.constant dense<0> : vector<1xi32>
      %reduce_sum3A_579 = vector.multi_reduction <add>, %reduce_sum3A_577, %reduce_sum3A_578 [1, 2] : vector<1x1x1xi32> to vector<1xi32>
      %reduce_sum3A_580 = vector.shape_cast %reduce_sum3A_579 : vector<1xi32> to vector<1x1x1xi32>
      %reduce_sum3A_581 = vector.extract %reduce_sum3A_580[0, 0, 0] : i32 from vector<1x1x1xi32>
      %jit3A_582 = arith.constant 256 : i32
      %div3A_583 = arith.divsi %reduce_sum3A_581, %jit3A_582 : i32
      %sign3A_584 = arith.constant 0 : i32
      %sign3A_585 = arith.cmpi sgt, %reduce_sum3A_581, %sign3A_584 : i32
      %sign3A_586 = arith.extui %sign3A_585 : i1 to i32
      %sign3A_587 = arith.constant 0 : i32
      %sign3A_588 = arith.cmpi slt, %reduce_sum3A_581, %sign3A_587 : i32
      %sign3A_589 = arith.extui %sign3A_588 : i1 to i32
      %sign3A_590 = arith.subi %sign3A_586, %sign3A_589 : i32
      %sign3A_591 = arith.constant 0 : i32
      %sign3A_592 = arith.cmpi sgt, %jit3A_582, %sign3A_591 : i32
      %sign3A_593 = arith.extui %sign3A_592 : i1 to i32
      %sign3A_594 = arith.constant 0 : i32
      %sign3A_595 = arith.cmpi slt, %jit3A_582, %sign3A_594 : i32
      %sign3A_596 = arith.extui %sign3A_595 : i1 to i32
      %sign3A_597 = arith.subi %sign3A_593, %sign3A_596 : i32
      %ne3A_598 = arith.cmpi ne, %sign3A_590, %sign3A_597 : i32
      %rem3A_599 = arith.remsi %reduce_sum3A_581, %jit3A_582 : i32
      %ne3A_600 = arith.constant 0 : i32
      %ne3A_601 = arith.cmpi ne, %rem3A_599, %ne3A_600 : i32
      %and3A_602 = arith.andi %ne3A_598, %ne3A_601 : i1
      %sub3A_603 = arith.constant 1 : i32
      %sub3A_604 = arith.subi %div3A_583, %sub3A_603 : i32
      %select_n3A_605 = arith.select %and3A_602, %sub3A_604, %div3A_583 : i32
      %jit3A_606 = arith.constant 256 : i32
      %eq3A_607 = arith.constant 0 : i32
      %eq3A_608 = arith.cmpi eq, %jit3A_606, %eq3A_607 : i32
      %jit3A_609 = arith.constant 1 : i32
      %select_n3A_610 = arith.select %eq3A_608, %jit3A_609, %jit3A_606 : i32
      %rem3A_611 = arith.remsi %reduce_sum3A_581, %select_n3A_610 : i32
      %ne3A_612 = arith.constant 0 : i32
      %ne3A_613 = arith.cmpi ne, %rem3A_611, %ne3A_612 : i32
      %lt3A_614 = arith.constant 0 : i32
      %lt3A_615 = arith.cmpi slt, %rem3A_611, %lt3A_614 : i32
      %lt3A_616 = arith.constant 0 : i32
      %lt3A_617 = arith.cmpi slt, %select_n3A_610, %lt3A_616 : i32
      %ne3A_618 = arith.xori %lt3A_615, %lt3A_617 : i1
      %and3A_619 = arith.andi %ne3A_618, %ne3A_613 : i1
      %add3A_620 = arith.addi %rem3A_611, %select_n3A_610 : i32
      %select_n3A_621 = arith.select %and3A_619, %add3A_620, %rem3A_611 : i32
      %get3A_622 = arith.index_cast %select_n3A_605 : i32 to index
      %get3A_623 = arith.constant 0 : index
      %get3A_624 = vector.load %arg11[%get3A_622, %get3A_623] : memref<8x256xf32, #tpu.memory_space<vmem>>, vector<1x256xf32>
      %eq3A_625 = vector.broadcast %select_n3A_621 : i32 to vector<1x256xi32>
      %eq3A_626 = arith.cmpi eq, %iota3A_0, %eq3A_625 : vector<1x256xi32>
      %jit3A_627 = arith.constant 0.000000e+00 : f32
      %broadcast_in_dim3A_628 = vector.broadcast %jit3A_627 : f32 to vector<1x256xf32>
      %select_n3A_629 = arith.select %eq3A_626, %get3A_624, %broadcast_in_dim3A_628 : vector<1x256xi1>, vector<1x256xf32>
      %reduce_sum3A_630 = vector.shape_cast %select_n3A_629 : vector<1x256xf32> to vector<1x1x256xf32>
      %reduce_sum3A_631 = arith.constant dense<0.000000e+00> : vector<1xf32>
      %reduce_sum3A_632 = vector.multi_reduction <add>, %reduce_sum3A_630, %reduce_sum3A_631 [1, 2] : vector<1x1x256xf32> to vector<1xf32>
      %reduce_sum3A_633 = vector.shape_cast %reduce_sum3A_632 : vector<1xf32> to vector<1x1x1xf32>
      %reduce_sum3A_634 = vector.extract %reduce_sum3A_633[0, 0, 0] : f32 from vector<1x1x1xf32>
      %get3A_635 = arith.index_cast %select_n3A_605 : i32 to index
      %get3A_636 = arith.constant 0 : index
      %get3A_637 = vector.load %arg12[%get3A_635, %get3A_636] : memref<8x256xf32, #tpu.memory_space<vmem>>, vector<1x256xf32>
      %get3A_638 = arith.constant 0 : index
      %get3A_639 = arith.index_cast %select_n3A_621 : i32 to index
      %get3A_640 = arith.constant 0 : index
      %get3A_641 = vector.load %arg4[%get3A_638, %get3A_639, %get3A_640] : memref<1x256x256xf32, #tpu.memory_space<vmem>>, vector<1x1x256xf32>
      %get3A_642 = vector.shape_cast %get3A_641 : vector<1x1x256xf32> to vector<1x256xf32>
      %add3A_643 = vector.broadcast %reduce_sum3A_634 : f32 to vector<1x256xf32>
      %add3A_644 = arith.addf %add3A_643, %get3A_637 : vector<1x256xf32>
      %add3A_645 = arith.addf %add3A_644, %get3A_642 : vector<1x256xf32>
      %mul3A_646 = arith.constant 256 : i32
      %mul3A_647 = arith.muli %reduce_sum3A_581, %mul3A_646 : i32
      %broadcast_in_dim3A_648 = vector.broadcast %mul3A_647 : i32 to vector<1x256xi32>
      %add3A_649 = arith.addi %broadcast_in_dim3A_648, %iota3A_0 : vector<1x256xi32>
      %reduce_sum3A_650 = vector.shape_cast %broadcast_in_dim3A_351 : vector<1x1xi32> to vector<1x1x1xi32>
      %reduce_sum3A_651 = arith.constant dense<0> : vector<1xi32>
      %reduce_sum3A_652 = vector.multi_reduction <add>, %reduce_sum3A_650, %reduce_sum3A_651 [1, 2] : vector<1x1x1xi32> to vector<1xi32>
      %reduce_sum3A_653 = vector.shape_cast %reduce_sum3A_652 : vector<1xi32> to vector<1x1x1xi32>
      %reduce_sum3A_654 = vector.extract %reduce_sum3A_653[0, 0, 0] : i32 from vector<1x1x1xi32>
      %jit3A_655 = arith.constant 256 : i32
      %div3A_656 = arith.divsi %reduce_sum3A_654, %jit3A_655 : i32
      %sign3A_657 = arith.constant 0 : i32
      %sign3A_658 = arith.cmpi sgt, %reduce_sum3A_654, %sign3A_657 : i32
      %sign3A_659 = arith.extui %sign3A_658 : i1 to i32
      %sign3A_660 = arith.constant 0 : i32
      %sign3A_661 = arith.cmpi slt, %reduce_sum3A_654, %sign3A_660 : i32
      %sign3A_662 = arith.extui %sign3A_661 : i1 to i32
      %sign3A_663 = arith.subi %sign3A_659, %sign3A_662 : i32
      %sign3A_664 = arith.constant 0 : i32
      %sign3A_665 = arith.cmpi sgt, %jit3A_655, %sign3A_664 : i32
      %sign3A_666 = arith.extui %sign3A_665 : i1 to i32
      %sign3A_667 = arith.constant 0 : i32
      %sign3A_668 = arith.cmpi slt, %jit3A_655, %sign3A_667 : i32
      %sign3A_669 = arith.extui %sign3A_668 : i1 to i32
      %sign3A_670 = arith.subi %sign3A_666, %sign3A_669 : i32
      %ne3A_671 = arith.cmpi ne, %sign3A_663, %sign3A_670 : i32
      %rem3A_672 = arith.remsi %reduce_sum3A_654, %jit3A_655 : i32
      %ne3A_673 = arith.constant 0 : i32
      %ne3A_674 = arith.cmpi ne, %rem3A_672, %ne3A_673 : i32
      %and3A_675 = arith.andi %ne3A_671, %ne3A_674 : i1
      %sub3A_676 = arith.constant 1 : i32
      %sub3A_677 = arith.subi %div3A_656, %sub3A_676 : i32
      %select_n3A_678 = arith.select %and3A_675, %sub3A_677, %div3A_656 : i32
      %jit3A_679 = arith.constant 256 : i32
      %eq3A_680 = arith.constant 0 : i32
      %eq3A_681 = arith.cmpi eq, %jit3A_679, %eq3A_680 : i32
      %jit3A_682 = arith.constant 1 : i32
      %select_n3A_683 = arith.select %eq3A_681, %jit3A_682, %jit3A_679 : i32
      %rem3A_684 = arith.remsi %reduce_sum3A_654, %select_n3A_683 : i32
      %ne3A_685 = arith.constant 0 : i32
      %ne3A_686 = arith.cmpi ne, %rem3A_684, %ne3A_685 : i32
      %lt3A_687 = arith.constant 0 : i32
      %lt3A_688 = arith.cmpi slt, %rem3A_684, %lt3A_687 : i32
      %lt3A_689 = arith.constant 0 : i32
      %lt3A_690 = arith.cmpi slt, %select_n3A_683, %lt3A_689 : i32
      %ne3A_691 = arith.xori %lt3A_688, %lt3A_690 : i1
      %and3A_692 = arith.andi %ne3A_691, %ne3A_686 : i1
      %add3A_693 = arith.addi %rem3A_684, %select_n3A_683 : i32
      %select_n3A_694 = arith.select %and3A_692, %add3A_693, %rem3A_684 : i32
      %get3A_695 = arith.index_cast %select_n3A_678 : i32 to index
      %get3A_696 = arith.constant 0 : index
      %get3A_697 = vector.load %arg11[%get3A_695, %get3A_696] : memref<8x256xf32, #tpu.memory_space<vmem>>, vector<1x256xf32>
      %eq3A_698 = vector.broadcast %select_n3A_694 : i32 to vector<1x256xi32>
      %eq3A_699 = arith.cmpi eq, %iota3A_0, %eq3A_698 : vector<1x256xi32>
      %jit3A_700 = arith.constant 0.000000e+00 : f32
      %broadcast_in_dim3A_701 = vector.broadcast %jit3A_700 : f32 to vector<1x256xf32>
      %select_n3A_702 = arith.select %eq3A_699, %get3A_697, %broadcast_in_dim3A_701 : vector<1x256xi1>, vector<1x256xf32>
      %reduce_sum3A_703 = vector.shape_cast %select_n3A_702 : vector<1x256xf32> to vector<1x1x256xf32>
      %reduce_sum3A_704 = arith.constant dense<0.000000e+00> : vector<1xf32>
      %reduce_sum3A_705 = vector.multi_reduction <add>, %reduce_sum3A_703, %reduce_sum3A_704 [1, 2] : vector<1x1x256xf32> to vector<1xf32>
      %reduce_sum3A_706 = vector.shape_cast %reduce_sum3A_705 : vector<1xf32> to vector<1x1x1xf32>
      %reduce_sum3A_707 = vector.extract %reduce_sum3A_706[0, 0, 0] : f32 from vector<1x1x1xf32>
      %get3A_708 = arith.index_cast %select_n3A_678 : i32 to index
      %get3A_709 = arith.constant 0 : index
      %get3A_710 = vector.load %arg12[%get3A_708, %get3A_709] : memref<8x256xf32, #tpu.memory_space<vmem>>, vector<1x256xf32>
      %get3A_711 = arith.constant 0 : index
      %get3A_712 = arith.index_cast %select_n3A_694 : i32 to index
      %get3A_713 = arith.constant 0 : index
      %get3A_714 = vector.load %arg4[%get3A_711, %get3A_712, %get3A_713] : memref<1x256x256xf32, #tpu.memory_space<vmem>>, vector<1x1x256xf32>
      %get3A_715 = vector.shape_cast %get3A_714 : vector<1x1x256xf32> to vector<1x256xf32>
      %add3A_716 = vector.broadcast %reduce_sum3A_707 : f32 to vector<1x256xf32>
      %add3A_717 = arith.addf %add3A_716, %get3A_710 : vector<1x256xf32>
      %add3A_718 = arith.addf %add3A_717, %get3A_715 : vector<1x256xf32>
      %mul3A_719 = arith.constant 256 : i32
      %mul3A_720 = arith.muli %reduce_sum3A_654, %mul3A_719 : i32
      %broadcast_in_dim3A_721 = vector.broadcast %mul3A_720 : i32 to vector<1x256xi32>
      %add3A_722 = arith.addi %broadcast_in_dim3A_721, %iota3A_0 : vector<1x256xi32>
      %reduce_sum3A_723 = vector.shape_cast %broadcast_in_dim3A_362 : vector<1x1xi32> to vector<1x1x1xi32>
      %reduce_sum3A_724 = arith.constant dense<0> : vector<1xi32>
      %reduce_sum3A_725 = vector.multi_reduction <add>, %reduce_sum3A_723, %reduce_sum3A_724 [1, 2] : vector<1x1x1xi32> to vector<1xi32>
      %reduce_sum3A_726 = vector.shape_cast %reduce_sum3A_725 : vector<1xi32> to vector<1x1x1xi32>
      %reduce_sum3A_727 = vector.extract %reduce_sum3A_726[0, 0, 0] : i32 from vector<1x1x1xi32>
      %jit3A_728 = arith.constant 256 : i32
      %div3A_729 = arith.divsi %reduce_sum3A_727, %jit3A_728 : i32
      %sign3A_730 = arith.constant 0 : i32
      %sign3A_731 = arith.cmpi sgt, %reduce_sum3A_727, %sign3A_730 : i32
      %sign3A_732 = arith.extui %sign3A_731 : i1 to i32
      %sign3A_733 = arith.constant 0 : i32
      %sign3A_734 = arith.cmpi slt, %reduce_sum3A_727, %sign3A_733 : i32
      %sign3A_735 = arith.extui %sign3A_734 : i1 to i32
      %sign3A_736 = arith.subi %sign3A_732, %sign3A_735 : i32
      %sign3A_737 = arith.constant 0 : i32
      %sign3A_738 = arith.cmpi sgt, %jit3A_728, %sign3A_737 : i32
      %sign3A_739 = arith.extui %sign3A_738 : i1 to i32
      %sign3A_740 = arith.constant 0 : i32
      %sign3A_741 = arith.cmpi slt, %jit3A_728, %sign3A_740 : i32
      %sign3A_742 = arith.extui %sign3A_741 : i1 to i32
      %sign3A_743 = arith.subi %sign3A_739, %sign3A_742 : i32
      %ne3A_744 = arith.cmpi ne, %sign3A_736, %sign3A_743 : i32
      %rem3A_745 = arith.remsi %reduce_sum3A_727, %jit3A_728 : i32
      %ne3A_746 = arith.constant 0 : i32
      %ne3A_747 = arith.cmpi ne, %rem3A_745, %ne3A_746 : i32
      %and3A_748 = arith.andi %ne3A_744, %ne3A_747 : i1
      %sub3A_749 = arith.constant 1 : i32
      %sub3A_750 = arith.subi %div3A_729, %sub3A_749 : i32
      %select_n3A_751 = arith.select %and3A_748, %sub3A_750, %div3A_729 : i32
      %jit3A_752 = arith.constant 256 : i32
      %eq3A_753 = arith.constant 0 : i32
      %eq3A_754 = arith.cmpi eq, %jit3A_752, %eq3A_753 : i32
      %jit3A_755 = arith.constant 1 : i32
      %select_n3A_756 = arith.select %eq3A_754, %jit3A_755, %jit3A_752 : i32
      %rem3A_757 = arith.remsi %reduce_sum3A_727, %select_n3A_756 : i32
      %ne3A_758 = arith.constant 0 : i32
      %ne3A_759 = arith.cmpi ne, %rem3A_757, %ne3A_758 : i32
      %lt3A_760 = arith.constant 0 : i32
      %lt3A_761 = arith.cmpi slt, %rem3A_757, %lt3A_760 : i32
      %lt3A_762 = arith.constant 0 : i32
      %lt3A_763 = arith.cmpi slt, %select_n3A_756, %lt3A_762 : i32
      %ne3A_764 = arith.xori %lt3A_761, %lt3A_763 : i1
      %and3A_765 = arith.andi %ne3A_764, %ne3A_759 : i1
      %add3A_766 = arith.addi %rem3A_757, %select_n3A_756 : i32
      %select_n3A_767 = arith.select %and3A_765, %add3A_766, %rem3A_757 : i32
      %get3A_768 = arith.index_cast %select_n3A_751 : i32 to index
      %get3A_769 = arith.constant 0 : index
      %get3A_770 = vector.load %arg11[%get3A_768, %get3A_769] : memref<8x256xf32, #tpu.memory_space<vmem>>, vector<1x256xf32>
      %eq3A_771 = vector.broadcast %select_n3A_767 : i32 to vector<1x256xi32>
      %eq3A_772 = arith.cmpi eq, %iota3A_0, %eq3A_771 : vector<1x256xi32>
      %jit3A_773 = arith.constant 0.000000e+00 : f32
      %broadcast_in_dim3A_774 = vector.broadcast %jit3A_773 : f32 to vector<1x256xf32>
      %select_n3A_775 = arith.select %eq3A_772, %get3A_770, %broadcast_in_dim3A_774 : vector<1x256xi1>, vector<1x256xf32>
      %reduce_sum3A_776 = vector.shape_cast %select_n3A_775 : vector<1x256xf32> to vector<1x1x256xf32>
      %reduce_sum3A_777 = arith.constant dense<0.000000e+00> : vector<1xf32>
      %reduce_sum3A_778 = vector.multi_reduction <add>, %reduce_sum3A_776, %reduce_sum3A_777 [1, 2] : vector<1x1x256xf32> to vector<1xf32>
      %reduce_sum3A_779 = vector.shape_cast %reduce_sum3A_778 : vector<1xf32> to vector<1x1x1xf32>
      %reduce_sum3A_780 = vector.extract %reduce_sum3A_779[0, 0, 0] : f32 from vector<1x1x1xf32>
      %get3A_781 = arith.index_cast %select_n3A_751 : i32 to index
      %get3A_782 = arith.constant 0 : index
      %get3A_783 = vector.load %arg12[%get3A_781, %get3A_782] : memref<8x256xf32, #tpu.memory_space<vmem>>, vector<1x256xf32>
      %get3A_784 = arith.constant 0 : index
      %get3A_785 = arith.index_cast %select_n3A_767 : i32 to index
      %get3A_786 = arith.constant 0 : index
      %get3A_787 = vector.load %arg4[%get3A_784, %get3A_785, %get3A_786] : memref<1x256x256xf32, #tpu.memory_space<vmem>>, vector<1x1x256xf32>
      %get3A_788 = vector.shape_cast %get3A_787 : vector<1x1x256xf32> to vector<1x256xf32>
      %add3A_789 = vector.broadcast %reduce_sum3A_780 : f32 to vector<1x256xf32>
      %add3A_790 = arith.addf %add3A_789, %get3A_783 : vector<1x256xf32>
      %add3A_791 = arith.addf %add3A_790, %get3A_788 : vector<1x256xf32>
      %mul3A_792 = arith.constant 256 : i32
      %mul3A_793 = arith.muli %reduce_sum3A_727, %mul3A_792 : i32
      %broadcast_in_dim3A_794 = vector.broadcast %mul3A_793 : i32 to vector<1x256xi32>
      %add3A_795 = arith.addi %broadcast_in_dim3A_794, %iota3A_0 : vector<1x256xi32>
      %reduce_sum3A_796 = vector.shape_cast %broadcast_in_dim3A_373 : vector<1x1xi32> to vector<1x1x1xi32>
      %reduce_sum3A_797 = arith.constant dense<0> : vector<1xi32>
      %reduce_sum3A_798 = vector.multi_reduction <add>, %reduce_sum3A_796, %reduce_sum3A_797 [1, 2] : vector<1x1x1xi32> to vector<1xi32>
      %reduce_sum3A_799 = vector.shape_cast %reduce_sum3A_798 : vector<1xi32> to vector<1x1x1xi32>
      %reduce_sum3A_800 = vector.extract %reduce_sum3A_799[0, 0, 0] : i32 from vector<1x1x1xi32>
      %jit3A_801 = arith.constant 256 : i32
      %div3A_802 = arith.divsi %reduce_sum3A_800, %jit3A_801 : i32
      %sign3A_803 = arith.constant 0 : i32
      %sign3A_804 = arith.cmpi sgt, %reduce_sum3A_800, %sign3A_803 : i32
      %sign3A_805 = arith.extui %sign3A_804 : i1 to i32
      %sign3A_806 = arith.constant 0 : i32
      %sign3A_807 = arith.cmpi slt, %reduce_sum3A_800, %sign3A_806 : i32
      %sign3A_808 = arith.extui %sign3A_807 : i1 to i32
      %sign3A_809 = arith.subi %sign3A_805, %sign3A_808 : i32
      %sign3A_810 = arith.constant 0 : i32
      %sign3A_811 = arith.cmpi sgt, %jit3A_801, %sign3A_810 : i32
      %sign3A_812 = arith.extui %sign3A_811 : i1 to i32
      %sign3A_813 = arith.constant 0 : i32
      %sign3A_814 = arith.cmpi slt, %jit3A_801, %sign3A_813 : i32
      %sign3A_815 = arith.extui %sign3A_814 : i1 to i32
      %sign3A_816 = arith.subi %sign3A_812, %sign3A_815 : i32
      %ne3A_817 = arith.cmpi ne, %sign3A_809, %sign3A_816 : i32
      %rem3A_818 = arith.remsi %reduce_sum3A_800, %jit3A_801 : i32
      %ne3A_819 = arith.constant 0 : i32
      %ne3A_820 = arith.cmpi ne, %rem3A_818, %ne3A_819 : i32
      %and3A_821 = arith.andi %ne3A_817, %ne3A_820 : i1
      %sub3A_822 = arith.constant 1 : i32
      %sub3A_823 = arith.subi %div3A_802, %sub3A_822 : i32
      %select_n3A_824 = arith.select %and3A_821, %sub3A_823, %div3A_802 : i32
      %jit3A_825 = arith.constant 256 : i32
      %eq3A_826 = arith.constant 0 : i32
      %eq3A_827 = arith.cmpi eq, %jit3A_825, %eq3A_826 : i32
      %jit3A_828 = arith.constant 1 : i32
      %select_n3A_829 = arith.select %eq3A_827, %jit3A_828, %jit3A_825 : i32
      %rem3A_830 = arith.remsi %reduce_sum3A_800, %select_n3A_829 : i32
      %ne3A_831 = arith.constant 0 : i32
      %ne3A_832 = arith.cmpi ne, %rem3A_830, %ne3A_831 : i32
      %lt3A_833 = arith.constant 0 : i32
      %lt3A_834 = arith.cmpi slt, %rem3A_830, %lt3A_833 : i32
      %lt3A_835 = arith.constant 0 : i32
      %lt3A_836 = arith.cmpi slt, %select_n3A_829, %lt3A_835 : i32
      %ne3A_837 = arith.xori %lt3A_834, %lt3A_836 : i1
      %and3A_838 = arith.andi %ne3A_837, %ne3A_832 : i1
      %add3A_839 = arith.addi %rem3A_830, %select_n3A_829 : i32
      %select_n3A_840 = arith.select %and3A_838, %add3A_839, %rem3A_830 : i32
      %get3A_841 = arith.index_cast %select_n3A_824 : i32 to index
      %get3A_842 = arith.constant 0 : index
      %get3A_843 = vector.load %arg11[%get3A_841, %get3A_842] : memref<8x256xf32, #tpu.memory_space<vmem>>, vector<1x256xf32>
      %eq3A_844 = vector.broadcast %select_n3A_840 : i32 to vector<1x256xi32>
      %eq3A_845 = arith.cmpi eq, %iota3A_0, %eq3A_844 : vector<1x256xi32>
      %jit3A_846 = arith.constant 0.000000e+00 : f32
      %broadcast_in_dim3A_847 = vector.broadcast %jit3A_846 : f32 to vector<1x256xf32>
      %select_n3A_848 = arith.select %eq3A_845, %get3A_843, %broadcast_in_dim3A_847 : vector<1x256xi1>, vector<1x256xf32>
      %reduce_sum3A_849 = vector.shape_cast %select_n3A_848 : vector<1x256xf32> to vector<1x1x256xf32>
      %reduce_sum3A_850 = arith.constant dense<0.000000e+00> : vector<1xf32>
      %reduce_sum3A_851 = vector.multi_reduction <add>, %reduce_sum3A_849, %reduce_sum3A_850 [1, 2] : vector<1x1x256xf32> to vector<1xf32>
      %reduce_sum3A_852 = vector.shape_cast %reduce_sum3A_851 : vector<1xf32> to vector<1x1x1xf32>
      %reduce_sum3A_853 = vector.extract %reduce_sum3A_852[0, 0, 0] : f32 from vector<1x1x1xf32>
      %get3A_854 = arith.index_cast %select_n3A_824 : i32 to index
      %get3A_855 = arith.constant 0 : index
      %get3A_856 = vector.load %arg12[%get3A_854, %get3A_855] : memref<8x256xf32, #tpu.memory_space<vmem>>, vector<1x256xf32>
      %get3A_857 = arith.constant 0 : index
      %get3A_858 = arith.index_cast %select_n3A_840 : i32 to index
      %get3A_859 = arith.constant 0 : index
      %get3A_860 = vector.load %arg4[%get3A_857, %get3A_858, %get3A_859] : memref<1x256x256xf32, #tpu.memory_space<vmem>>, vector<1x1x256xf32>
      %get3A_861 = vector.shape_cast %get3A_860 : vector<1x1x256xf32> to vector<1x256xf32>
      %add3A_862 = vector.broadcast %reduce_sum3A_853 : f32 to vector<1x256xf32>
      %add3A_863 = arith.addf %add3A_862, %get3A_856 : vector<1x256xf32>
      %add3A_864 = arith.addf %add3A_863, %get3A_861 : vector<1x256xf32>
      %mul3A_865 = arith.constant 256 : i32
      %mul3A_866 = arith.muli %reduce_sum3A_800, %mul3A_865 : i32
      %broadcast_in_dim3A_867 = vector.broadcast %mul3A_866 : i32 to vector<1x256xi32>
      %add3A_868 = arith.addi %broadcast_in_dim3A_867, %iota3A_0 : vector<1x256xi32>
      %reduce_sum3A_869 = vector.shape_cast %broadcast_in_dim3A_384 : vector<1x1xi32> to vector<1x1x1xi32>
      %reduce_sum3A_870 = arith.constant dense<0> : vector<1xi32>
      %reduce_sum3A_871 = vector.multi_reduction <add>, %reduce_sum3A_869, %reduce_sum3A_870 [1, 2] : vector<1x1x1xi32> to vector<1xi32>
      %reduce_sum3A_872 = vector.shape_cast %reduce_sum3A_871 : vector<1xi32> to vector<1x1x1xi32>
      %reduce_sum3A_873 = vector.extract %reduce_sum3A_872[0, 0, 0] : i32 from vector<1x1x1xi32>
      %jit3A_874 = arith.constant 256 : i32
      %div3A_875 = arith.divsi %reduce_sum3A_873, %jit3A_874 : i32
      %sign3A_876 = arith.constant 0 : i32
      %sign3A_877 = arith.cmpi sgt, %reduce_sum3A_873, %sign3A_876 : i32
      %sign3A_878 = arith.extui %sign3A_877 : i1 to i32
      %sign3A_879 = arith.constant 0 : i32
      %sign3A_880 = arith.cmpi slt, %reduce_sum3A_873, %sign3A_879 : i32
      %sign3A_881 = arith.extui %sign3A_880 : i1 to i32
      %sign3A_882 = arith.subi %sign3A_878, %sign3A_881 : i32
      %sign3A_883 = arith.constant 0 : i32
      %sign3A_884 = arith.cmpi sgt, %jit3A_874, %sign3A_883 : i32
      %sign3A_885 = arith.extui %sign3A_884 : i1 to i32
      %sign3A_886 = arith.constant 0 : i32
      %sign3A_887 = arith.cmpi slt, %jit3A_874, %sign3A_886 : i32
      %sign3A_888 = arith.extui %sign3A_887 : i1 to i32
      %sign3A_889 = arith.subi %sign3A_885, %sign3A_888 : i32
      %ne3A_890 = arith.cmpi ne, %sign3A_882, %sign3A_889 : i32
      %rem3A_891 = arith.remsi %reduce_sum3A_873, %jit3A_874 : i32
      %ne3A_892 = arith.constant 0 : i32
      %ne3A_893 = arith.cmpi ne, %rem3A_891, %ne3A_892 : i32
      %and3A_894 = arith.andi %ne3A_890, %ne3A_893 : i1
      %sub3A_895 = arith.constant 1 : i32
      %sub3A_896 = arith.subi %div3A_875, %sub3A_895 : i32
      %select_n3A_897 = arith.select %and3A_894, %sub3A_896, %div3A_875 : i32
      %jit3A_898 = arith.constant 256 : i32
      %eq3A_899 = arith.constant 0 : i32
      %eq3A_900 = arith.cmpi eq, %jit3A_898, %eq3A_899 : i32
      %jit3A_901 = arith.constant 1 : i32
      %select_n3A_902 = arith.select %eq3A_900, %jit3A_901, %jit3A_898 : i32
      %rem3A_903 = arith.remsi %reduce_sum3A_873, %select_n3A_902 : i32
      %ne3A_904 = arith.constant 0 : i32
      %ne3A_905 = arith.cmpi ne, %rem3A_903, %ne3A_904 : i32
      %lt3A_906 = arith.constant 0 : i32
      %lt3A_907 = arith.cmpi slt, %rem3A_903, %lt3A_906 : i32
      %lt3A_908 = arith.constant 0 : i32
      %lt3A_909 = arith.cmpi slt, %select_n3A_902, %lt3A_908 : i32
      %ne3A_910 = arith.xori %lt3A_907, %lt3A_909 : i1
      %and3A_911 = arith.andi %ne3A_910, %ne3A_905 : i1
      %add3A_912 = arith.addi %rem3A_903, %select_n3A_902 : i32
      %select_n3A_913 = arith.select %and3A_911, %add3A_912, %rem3A_903 : i32
      %get3A_914 = arith.index_cast %select_n3A_897 : i32 to index
      %get3A_915 = arith.constant 0 : index
      %get3A_916 = vector.load %arg11[%get3A_914, %get3A_915] : memref<8x256xf32, #tpu.memory_space<vmem>>, vector<1x256xf32>
      %eq3A_917 = vector.broadcast %select_n3A_913 : i32 to vector<1x256xi32>
      %eq3A_918 = arith.cmpi eq, %iota3A_0, %eq3A_917 : vector<1x256xi32>
      %jit3A_919 = arith.constant 0.000000e+00 : f32
      %broadcast_in_dim3A_920 = vector.broadcast %jit3A_919 : f32 to vector<1x256xf32>
      %select_n3A_921 = arith.select %eq3A_918, %get3A_916, %broadcast_in_dim3A_920 : vector<1x256xi1>, vector<1x256xf32>
      %reduce_sum3A_922 = vector.shape_cast %select_n3A_921 : vector<1x256xf32> to vector<1x1x256xf32>
      %reduce_sum3A_923 = arith.constant dense<0.000000e+00> : vector<1xf32>
      %reduce_sum3A_924 = vector.multi_reduction <add>, %reduce_sum3A_922, %reduce_sum3A_923 [1, 2] : vector<1x1x256xf32> to vector<1xf32>
      %reduce_sum3A_925 = vector.shape_cast %reduce_sum3A_924 : vector<1xf32> to vector<1x1x1xf32>
      %reduce_sum3A_926 = vector.extract %reduce_sum3A_925[0, 0, 0] : f32 from vector<1x1x1xf32>
      %get3A_927 = arith.index_cast %select_n3A_897 : i32 to index
      %get3A_928 = arith.constant 0 : index
      %get3A_929 = vector.load %arg12[%get3A_927, %get3A_928] : memref<8x256xf32, #tpu.memory_space<vmem>>, vector<1x256xf32>
      %get3A_930 = arith.constant 0 : index
      %get3A_931 = arith.index_cast %select_n3A_913 : i32 to index
      %get3A_932 = arith.constant 0 : index
      %get3A_933 = vector.load %arg4[%get3A_930, %get3A_931, %get3A_932] : memref<1x256x256xf32, #tpu.memory_space<vmem>>, vector<1x1x256xf32>
      %get3A_934 = vector.shape_cast %get3A_933 : vector<1x1x256xf32> to vector<1x256xf32>
      %add3A_935 = vector.broadcast %reduce_sum3A_926 : f32 to vector<1x256xf32>
      %add3A_936 = arith.addf %add3A_935, %get3A_929 : vector<1x256xf32>
      %add3A_937 = arith.addf %add3A_936, %get3A_934 : vector<1x256xf32>
      %mul3A_938 = arith.constant 256 : i32
      %mul3A_939 = arith.muli %reduce_sum3A_873, %mul3A_938 : i32
      %broadcast_in_dim3A_940 = vector.broadcast %mul3A_939 : i32 to vector<1x256xi32>
      %add3A_941 = arith.addi %broadcast_in_dim3A_940, %iota3A_0 : vector<1x256xi32>
      %reduce_sum3A_942 = vector.shape_cast %broadcast_in_dim3A_395 : vector<1x1xi32> to vector<1x1x1xi32>
      %reduce_sum3A_943 = arith.constant dense<0> : vector<1xi32>
      %reduce_sum3A_944 = vector.multi_reduction <add>, %reduce_sum3A_942, %reduce_sum3A_943 [1, 2] : vector<1x1x1xi32> to vector<1xi32>
      %reduce_sum3A_945 = vector.shape_cast %reduce_sum3A_944 : vector<1xi32> to vector<1x1x1xi32>
      %reduce_sum3A_946 = vector.extract %reduce_sum3A_945[0, 0, 0] : i32 from vector<1x1x1xi32>
      %jit3A_947 = arith.constant 256 : i32
      %div3A_948 = arith.divsi %reduce_sum3A_946, %jit3A_947 : i32
      %sign3A_949 = arith.constant 0 : i32
      %sign3A_950 = arith.cmpi sgt, %reduce_sum3A_946, %sign3A_949 : i32
      %sign3A_951 = arith.extui %sign3A_950 : i1 to i32
      %sign3A_952 = arith.constant 0 : i32
      %sign3A_953 = arith.cmpi slt, %reduce_sum3A_946, %sign3A_952 : i32
      %sign3A_954 = arith.extui %sign3A_953 : i1 to i32
      %sign3A_955 = arith.subi %sign3A_951, %sign3A_954 : i32
      %sign3A_956 = arith.constant 0 : i32
      %sign3A_957 = arith.cmpi sgt, %jit3A_947, %sign3A_956 : i32
      %sign3A_958 = arith.extui %sign3A_957 : i1 to i32
      %sign3A_959 = arith.constant 0 : i32
      %sign3A_960 = arith.cmpi slt, %jit3A_947, %sign3A_959 : i32
      %sign3A_961 = arith.extui %sign3A_960 : i1 to i32
      %sign3A_962 = arith.subi %sign3A_958, %sign3A_961 : i32
      %ne3A_963 = arith.cmpi ne, %sign3A_955, %sign3A_962 : i32
      %rem3A_964 = arith.remsi %reduce_sum3A_946, %jit3A_947 : i32
      %ne3A_965 = arith.constant 0 : i32
      %ne3A_966 = arith.cmpi ne, %rem3A_964, %ne3A_965 : i32
      %and3A_967 = arith.andi %ne3A_963, %ne3A_966 : i1
      %sub3A_968 = arith.constant 1 : i32
      %sub3A_969 = arith.subi %div3A_948, %sub3A_968 : i32
      %select_n3A_970 = arith.select %and3A_967, %sub3A_969, %div3A_948 : i32
      %jit3A_971 = arith.constant 256 : i32
      %eq3A_972 = arith.constant 0 : i32
      %eq3A_973 = arith.cmpi eq, %jit3A_971, %eq3A_972 : i32
      %jit3A_974 = arith.constant 1 : i32
      %select_n3A_975 = arith.select %eq3A_973, %jit3A_974, %jit3A_971 : i32
      %rem3A_976 = arith.remsi %reduce_sum3A_946, %select_n3A_975 : i32
      %ne3A_977 = arith.constant 0 : i32
      %ne3A_978 = arith.cmpi ne, %rem3A_976, %ne3A_977 : i32
      %lt3A_979 = arith.constant 0 : i32
      %lt3A_980 = arith.cmpi slt, %rem3A_976, %lt3A_979 : i32
      %lt3A_981 = arith.constant 0 : i32
      %lt3A_982 = arith.cmpi slt, %select_n3A_975, %lt3A_981 : i32
      %ne3A_983 = arith.xori %lt3A_980, %lt3A_982 : i1
      %and3A_984 = arith.andi %ne3A_983, %ne3A_978 : i1
      %add3A_985 = arith.addi %rem3A_976, %select_n3A_975 : i32
      %select_n3A_986 = arith.select %and3A_984, %add3A_985, %rem3A_976 : i32
      %get3A_987 = arith.index_cast %select_n3A_970 : i32 to index
      %get3A_988 = arith.constant 0 : index
      %get3A_989 = vector.load %arg11[%get3A_987, %get3A_988] : memref<8x256xf32, #tpu.memory_space<vmem>>, vector<1x256xf32>
      %eq3A_990 = vector.broadcast %select_n3A_986 : i32 to vector<1x256xi32>
      %eq3A_991 = arith.cmpi eq, %iota3A_0, %eq3A_990 : vector<1x256xi32>
      %jit3A_992 = arith.constant 0.000000e+00 : f32
      %broadcast_in_dim3A_993 = vector.broadcast %jit3A_992 : f32 to vector<1x256xf32>
      %select_n3A_994 = arith.select %eq3A_991, %get3A_989, %broadcast_in_dim3A_993 : vector<1x256xi1>, vector<1x256xf32>
      %reduce_sum3A_995 = vector.shape_cast %select_n3A_994 : vector<1x256xf32> to vector<1x1x256xf32>
      %reduce_sum3A_996 = arith.constant dense<0.000000e+00> : vector<1xf32>
      %reduce_sum3A_997 = vector.multi_reduction <add>, %reduce_sum3A_995, %reduce_sum3A_996 [1, 2] : vector<1x1x256xf32> to vector<1xf32>
      %reduce_sum3A_998 = vector.shape_cast %reduce_sum3A_997 : vector<1xf32> to vector<1x1x1xf32>
      %reduce_sum3A_999 = vector.extract %reduce_sum3A_998[0, 0, 0] : f32 from vector<1x1x1xf32>
      %get3A_1000 = arith.index_cast %select_n3A_970 : i32 to index
      %get3A_1001 = arith.constant 0 : index
      %get3A_1002 = vector.load %arg12[%get3A_1000, %get3A_1001] : memref<8x256xf32, #tpu.memory_space<vmem>>, vector<1x256xf32>
      %get3A_1003 = arith.constant 0 : index
      %get3A_1004 = arith.index_cast %select_n3A_986 : i32 to index
      %get3A_1005 = arith.constant 0 : index
      %get3A_1006 = vector.load %arg4[%get3A_1003, %get3A_1004, %get3A_1005] : memref<1x256x256xf32, #tpu.memory_space<vmem>>, vector<1x1x256xf32>
      %get3A_1007 = vector.shape_cast %get3A_1006 : vector<1x1x256xf32> to vector<1x256xf32>
      %add3A_1008 = vector.broadcast %reduce_sum3A_999 : f32 to vector<1x256xf32>
      %add3A_1009 = arith.addf %add3A_1008, %get3A_1002 : vector<1x256xf32>
      %add3A_1010 = arith.addf %add3A_1009, %get3A_1007 : vector<1x256xf32>
      %mul3A_1011 = arith.constant 256 : i32
      %mul3A_1012 = arith.muli %reduce_sum3A_946, %mul3A_1011 : i32
      %broadcast_in_dim3A_1013 = vector.broadcast %mul3A_1012 : i32 to vector<1x256xi32>
      %add3A_1014 = arith.addi %broadcast_in_dim3A_1013, %iota3A_0 : vector<1x256xi32>
      %reduce_sum3A_1015 = vector.shape_cast %broadcast_in_dim3A_406 : vector<1x1xi32> to vector<1x1x1xi32>
      %reduce_sum3A_1016 = arith.constant dense<0> : vector<1xi32>
      %reduce_sum3A_1017 = vector.multi_reduction <add>, %reduce_sum3A_1015, %reduce_sum3A_1016 [1, 2] : vector<1x1x1xi32> to vector<1xi32>
      %reduce_sum3A_1018 = vector.shape_cast %reduce_sum3A_1017 : vector<1xi32> to vector<1x1x1xi32>
      %reduce_sum3A_1019 = vector.extract %reduce_sum3A_1018[0, 0, 0] : i32 from vector<1x1x1xi32>
      %jit3A_1020 = arith.constant 256 : i32
      %div3A_1021 = arith.divsi %reduce_sum3A_1019, %jit3A_1020 : i32
      %sign3A_1022 = arith.constant 0 : i32
      %sign3A_1023 = arith.cmpi sgt, %reduce_sum3A_1019, %sign3A_1022 : i32
      %sign3A_1024 = arith.extui %sign3A_1023 : i1 to i32
      %sign3A_1025 = arith.constant 0 : i32
      %sign3A_1026 = arith.cmpi slt, %reduce_sum3A_1019, %sign3A_1025 : i32
      %sign3A_1027 = arith.extui %sign3A_1026 : i1 to i32
      %sign3A_1028 = arith.subi %sign3A_1024, %sign3A_1027 : i32
      %sign3A_1029 = arith.constant 0 : i32
      %sign3A_1030 = arith.cmpi sgt, %jit3A_1020, %sign3A_1029 : i32
      %sign3A_1031 = arith.extui %sign3A_1030 : i1 to i32
      %sign3A_1032 = arith.constant 0 : i32
      %sign3A_1033 = arith.cmpi slt, %jit3A_1020, %sign3A_1032 : i32
      %sign3A_1034 = arith.extui %sign3A_1033 : i1 to i32
      %sign3A_1035 = arith.subi %sign3A_1031, %sign3A_1034 : i32
      %ne3A_1036 = arith.cmpi ne, %sign3A_1028, %sign3A_1035 : i32
      %rem3A_1037 = arith.remsi %reduce_sum3A_1019, %jit3A_1020 : i32
      %ne3A_1038 = arith.constant 0 : i32
      %ne3A_1039 = arith.cmpi ne, %rem3A_1037, %ne3A_1038 : i32
      %and3A_1040 = arith.andi %ne3A_1036, %ne3A_1039 : i1
      %sub3A_1041 = arith.constant 1 : i32
      %sub3A_1042 = arith.subi %div3A_1021, %sub3A_1041 : i32
      %select_n3A_1043 = arith.select %and3A_1040, %sub3A_1042, %div3A_1021 : i32
      %jit3A_1044 = arith.constant 256 : i32
      %eq3A_1045 = arith.constant 0 : i32
      %eq3A_1046 = arith.cmpi eq, %jit3A_1044, %eq3A_1045 : i32
      %jit3A_1047 = arith.constant 1 : i32
      %select_n3A_1048 = arith.select %eq3A_1046, %jit3A_1047, %jit3A_1044 : i32
      %rem3A_1049 = arith.remsi %reduce_sum3A_1019, %select_n3A_1048 : i32
      %ne3A_1050 = arith.constant 0 : i32
      %ne3A_1051 = arith.cmpi ne, %rem3A_1049, %ne3A_1050 : i32
      %lt3A_1052 = arith.constant 0 : i32
      %lt3A_1053 = arith.cmpi slt, %rem3A_1049, %lt3A_1052 : i32
      %lt3A_1054 = arith.constant 0 : i32
      %lt3A_1055 = arith.cmpi slt, %select_n3A_1048, %lt3A_1054 : i32
      %ne3A_1056 = arith.xori %lt3A_1053, %lt3A_1055 : i1
      %and3A_1057 = arith.andi %ne3A_1056, %ne3A_1051 : i1
      %add3A_1058 = arith.addi %rem3A_1049, %select_n3A_1048 : i32
      %select_n3A_1059 = arith.select %and3A_1057, %add3A_1058, %rem3A_1049 : i32
      %get3A_1060 = arith.index_cast %select_n3A_1043 : i32 to index
      %get3A_1061 = arith.constant 0 : index
      %get3A_1062 = vector.load %arg11[%get3A_1060, %get3A_1061] : memref<8x256xf32, #tpu.memory_space<vmem>>, vector<1x256xf32>
      %eq3A_1063 = vector.broadcast %select_n3A_1059 : i32 to vector<1x256xi32>
      %eq3A_1064 = arith.cmpi eq, %iota3A_0, %eq3A_1063 : vector<1x256xi32>
      %jit3A_1065 = arith.constant 0.000000e+00 : f32
      %broadcast_in_dim3A_1066 = vector.broadcast %jit3A_1065 : f32 to vector<1x256xf32>
      %select_n3A_1067 = arith.select %eq3A_1064, %get3A_1062, %broadcast_in_dim3A_1066 : vector<1x256xi1>, vector<1x256xf32>
      %reduce_sum3A_1068 = vector.shape_cast %select_n3A_1067 : vector<1x256xf32> to vector<1x1x256xf32>
      %reduce_sum3A_1069 = arith.constant dense<0.000000e+00> : vector<1xf32>
      %reduce_sum3A_1070 = vector.multi_reduction <add>, %reduce_sum3A_1068, %reduce_sum3A_1069 [1, 2] : vector<1x1x256xf32> to vector<1xf32>
      %reduce_sum3A_1071 = vector.shape_cast %reduce_sum3A_1070 : vector<1xf32> to vector<1x1x1xf32>
      %reduce_sum3A_1072 = vector.extract %reduce_sum3A_1071[0, 0, 0] : f32 from vector<1x1x1xf32>
      %get3A_1073 = arith.index_cast %select_n3A_1043 : i32 to index
      %get3A_1074 = arith.constant 0 : index
      %get3A_1075 = vector.load %arg12[%get3A_1073, %get3A_1074] : memref<8x256xf32, #tpu.memory_space<vmem>>, vector<1x256xf32>
      %get3A_1076 = arith.constant 0 : index
      %get3A_1077 = arith.index_cast %select_n3A_1059 : i32 to index
      %get3A_1078 = arith.constant 0 : index
      %get3A_1079 = vector.load %arg4[%get3A_1076, %get3A_1077, %get3A_1078] : memref<1x256x256xf32, #tpu.memory_space<vmem>>, vector<1x1x256xf32>
      %get3A_1080 = vector.shape_cast %get3A_1079 : vector<1x1x256xf32> to vector<1x256xf32>
      %add3A_1081 = vector.broadcast %reduce_sum3A_1072 : f32 to vector<1x256xf32>
      %add3A_1082 = arith.addf %add3A_1081, %get3A_1075 : vector<1x256xf32>
      %add3A_1083 = arith.addf %add3A_1082, %get3A_1080 : vector<1x256xf32>
      %mul3A_1084 = arith.constant 256 : i32
      %mul3A_1085 = arith.muli %reduce_sum3A_1019, %mul3A_1084 : i32
      %broadcast_in_dim3A_1086 = vector.broadcast %mul3A_1085 : i32 to vector<1x256xi32>
      %add3A_1087 = arith.addi %broadcast_in_dim3A_1086, %iota3A_0 : vector<1x256xi32>
      %concatenate3A_1088 = tpu.concatenate %add3A_572, %add3A_645, %add3A_718, %add3A_791, %add3A_864, %add3A_937, %add3A_1010, %add3A_1083 in 0 : vector<1x256xf32>, vector<1x256xf32>, vector<1x256xf32>, vector<1x256xf32>, vector<1x256xf32>, vector<1x256xf32>, vector<1x256xf32>, vector<1x256xf32> -> vector<8x256xf32>
      %concatenate3A_1089 = tpu.concatenate %add3A_576, %add3A_649, %add3A_722, %add3A_795, %add3A_868, %add3A_941, %add3A_1014, %add3A_1087 in 0 : vector<1x256xi32>, vector<1x256xi32>, vector<1x256xi32>, vector<1x256xi32>, vector<1x256xi32>, vector<1x256xi32>, vector<1x256xi32>, vector<1x256xi32> -> vector<8x256xi32>
      %reduce_max3A_1090 = arith.constant dense<0xFF800000> : vector<8xf32>
      %reduce_max3A_1091 = vector.multi_reduction <maximumf>, %concatenate3A_1088, %reduce_max3A_1090 [1] : vector<8x256xf32> to vector<8xf32>
      %broadcast_in_dim3A_1092 = vector.shape_cast %reduce_max3A_1091 : vector<8xf32> to vector<8x1xf32>
      %reduce_max3A_1093 = arith.constant dense<0xFF800000> : vector<1xf32>
      %reduce_max3A_1094 = vector.multi_reduction <maximumf>, %broadcast_in_dim3A_1092, %reduce_max3A_1093 [0] : vector<8x1xf32> to vector<1xf32>
      %broadcast_in_dim3A_1095 = vector.shape_cast %reduce_max3A_1094 : vector<1xf32> to vector<1x1xf32>
      %eq3A_1096 = vector.broadcast %broadcast_in_dim3A_1095 : vector<1x1xf32> to vector<8x256xf32>
      %eq3A_1097 = arith.cmpf oeq, %concatenate3A_1088, %eq3A_1096 : vector<8x256xf32>
      %jit3A_1098 = arith.constant 0xFF800000 : f32
      %broadcast_in_dim3A_1099 = vector.broadcast %jit3A_1098 : f32 to vector<8x256xf32>
      %select_n3A_1100 = arith.select %eq3A_1097, %broadcast_in_dim3A_1099, %concatenate3A_1088 : vector<8x256xi1>, vector<8x256xf32>
      %reduce_max3A_1101 = arith.constant dense<0xFF800000> : vector<8xf32>
      %reduce_max3A_1102 = vector.multi_reduction <maximumf>, %select_n3A_1100, %reduce_max3A_1101 [1] : vector<8x256xf32> to vector<8xf32>
      %broadcast_in_dim3A_1103 = vector.shape_cast %reduce_max3A_1102 : vector<8xf32> to vector<8x1xf32>
      %reduce_max3A_1104 = arith.constant dense<0xFF800000> : vector<1xf32>
      %reduce_max3A_1105 = vector.multi_reduction <maximumf>, %broadcast_in_dim3A_1103, %reduce_max3A_1104 [0] : vector<8x1xf32> to vector<1xf32>
      %broadcast_in_dim3A_1106 = vector.shape_cast %reduce_max3A_1105 : vector<1xf32> to vector<1x1xf32>
      %eq3A_1107 = vector.broadcast %broadcast_in_dim3A_1106 : vector<1x1xf32> to vector<8x256xf32>
      %eq3A_1108 = arith.cmpf oeq, %select_n3A_1100, %eq3A_1107 : vector<8x256xf32>
      %jit3A_1109 = arith.constant 0xFF800000 : f32
      %broadcast_in_dim3A_1110 = vector.broadcast %jit3A_1109 : f32 to vector<8x256xf32>
      %select_n3A_1111 = arith.select %eq3A_1108, %broadcast_in_dim3A_1110, %select_n3A_1100 : vector<8x256xi1>, vector<8x256xf32>
      %reduce_max3A_1112 = arith.constant dense<0xFF800000> : vector<8xf32>
      %reduce_max3A_1113 = vector.multi_reduction <maximumf>, %select_n3A_1111, %reduce_max3A_1112 [1] : vector<8x256xf32> to vector<8xf32>
      %broadcast_in_dim3A_1114 = vector.shape_cast %reduce_max3A_1113 : vector<8xf32> to vector<8x1xf32>
      %reduce_max3A_1115 = arith.constant dense<0xFF800000> : vector<1xf32>
      %reduce_max3A_1116 = vector.multi_reduction <maximumf>, %broadcast_in_dim3A_1114, %reduce_max3A_1115 [0] : vector<8x1xf32> to vector<1xf32>
      %broadcast_in_dim3A_1117 = vector.shape_cast %reduce_max3A_1116 : vector<1xf32> to vector<1x1xf32>
      %eq3A_1118 = vector.broadcast %broadcast_in_dim3A_1117 : vector<1x1xf32> to vector<8x256xf32>
      %eq3A_1119 = arith.cmpf oeq, %select_n3A_1111, %eq3A_1118 : vector<8x256xf32>
      %jit3A_1120 = arith.constant 0xFF800000 : f32
      %broadcast_in_dim3A_1121 = vector.broadcast %jit3A_1120 : f32 to vector<8x256xf32>
      %select_n3A_1122 = arith.select %eq3A_1119, %broadcast_in_dim3A_1121, %select_n3A_1111 : vector<8x256xi1>, vector<8x256xf32>
      %reduce_max3A_1123 = arith.constant dense<0xFF800000> : vector<8xf32>
      %reduce_max3A_1124 = vector.multi_reduction <maximumf>, %select_n3A_1122, %reduce_max3A_1123 [1] : vector<8x256xf32> to vector<8xf32>
      %broadcast_in_dim3A_1125 = vector.shape_cast %reduce_max3A_1124 : vector<8xf32> to vector<8x1xf32>
      %reduce_max3A_1126 = arith.constant dense<0xFF800000> : vector<1xf32>
      %reduce_max3A_1127 = vector.multi_reduction <maximumf>, %broadcast_in_dim3A_1125, %reduce_max3A_1126 [0] : vector<8x1xf32> to vector<1xf32>
      %broadcast_in_dim3A_1128 = vector.shape_cast %reduce_max3A_1127 : vector<1xf32> to vector<1x1xf32>
      %eq3A_1129 = vector.broadcast %broadcast_in_dim3A_1128 : vector<1x1xf32> to vector<8x256xf32>
      %eq3A_1130 = arith.cmpf oeq, %select_n3A_1122, %eq3A_1129 : vector<8x256xf32>
      %jit3A_1131 = arith.constant 0xFF800000 : f32
      %broadcast_in_dim3A_1132 = vector.broadcast %jit3A_1131 : f32 to vector<8x256xf32>
      %select_n3A_1133 = arith.select %eq3A_1130, %broadcast_in_dim3A_1132, %select_n3A_1122 : vector<8x256xi1>, vector<8x256xf32>
      %reduce_max3A_1134 = arith.constant dense<0xFF800000> : vector<8xf32>
      %reduce_max3A_1135 = vector.multi_reduction <maximumf>, %select_n3A_1133, %reduce_max3A_1134 [1] : vector<8x256xf32> to vector<8xf32>
      %broadcast_in_dim3A_1136 = vector.shape_cast %reduce_max3A_1135 : vector<8xf32> to vector<8x1xf32>
      %reduce_max3A_1137 = arith.constant dense<0xFF800000> : vector<1xf32>
      %reduce_max3A_1138 = vector.multi_reduction <maximumf>, %broadcast_in_dim3A_1136, %reduce_max3A_1137 [0] : vector<8x1xf32> to vector<1xf32>
      %broadcast_in_dim3A_1139 = vector.shape_cast %reduce_max3A_1138 : vector<1xf32> to vector<1x1xf32>
      %eq3A_1140 = vector.broadcast %broadcast_in_dim3A_1139 : vector<1x1xf32> to vector<8x256xf32>
      %eq3A_1141 = arith.cmpf oeq, %select_n3A_1133, %eq3A_1140 : vector<8x256xf32>
      %jit3A_1142 = arith.constant 0xFF800000 : f32
      %broadcast_in_dim3A_1143 = vector.broadcast %jit3A_1142 : f32 to vector<8x256xf32>
      %select_n3A_1144 = arith.select %eq3A_1141, %broadcast_in_dim3A_1143, %select_n3A_1133 : vector<8x256xi1>, vector<8x256xf32>
      %reduce_max3A_1145 = arith.constant dense<0xFF800000> : vector<8xf32>
      %reduce_max3A_1146 = vector.multi_reduction <maximumf>, %select_n3A_1144, %reduce_max3A_1145 [1] : vector<8x256xf32> to vector<8xf32>
      %broadcast_in_dim3A_1147 = vector.shape_cast %reduce_max3A_1146 : vector<8xf32> to vector<8x1xf32>
      %reduce_max3A_1148 = arith.constant dense<0xFF800000> : vector<1xf32>
      %reduce_max3A_1149 = vector.multi_reduction <maximumf>, %broadcast_in_dim3A_1147, %reduce_max3A_1148 [0] : vector<8x1xf32> to vector<1xf32>
      %broadcast_in_dim3A_1150 = vector.shape_cast %reduce_max3A_1149 : vector<1xf32> to vector<1x1xf32>
      %eq3A_1151 = vector.broadcast %broadcast_in_dim3A_1150 : vector<1x1xf32> to vector<8x256xf32>
      %eq3A_1152 = arith.cmpf oeq, %select_n3A_1144, %eq3A_1151 : vector<8x256xf32>
      %jit3A_1153 = arith.constant 0xFF800000 : f32
      %broadcast_in_dim3A_1154 = vector.broadcast %jit3A_1153 : f32 to vector<8x256xf32>
      %select_n3A_1155 = arith.select %eq3A_1152, %broadcast_in_dim3A_1154, %select_n3A_1144 : vector<8x256xi1>, vector<8x256xf32>
      %reduce_max3A_1156 = arith.constant dense<0xFF800000> : vector<8xf32>
      %reduce_max3A_1157 = vector.multi_reduction <maximumf>, %select_n3A_1155, %reduce_max3A_1156 [1] : vector<8x256xf32> to vector<8xf32>
      %broadcast_in_dim3A_1158 = vector.shape_cast %reduce_max3A_1157 : vector<8xf32> to vector<8x1xf32>
      %reduce_max3A_1159 = arith.constant dense<0xFF800000> : vector<1xf32>
      %reduce_max3A_1160 = vector.multi_reduction <maximumf>, %broadcast_in_dim3A_1158, %reduce_max3A_1159 [0] : vector<8x1xf32> to vector<1xf32>
      %broadcast_in_dim3A_1161 = vector.shape_cast %reduce_max3A_1160 : vector<1xf32> to vector<1x1xf32>
      %eq3A_1162 = vector.broadcast %broadcast_in_dim3A_1161 : vector<1x1xf32> to vector<8x256xf32>
      %eq3A_1163 = arith.cmpf oeq, %select_n3A_1155, %eq3A_1162 : vector<8x256xf32>
      %jit3A_1164 = arith.constant 0xFF800000 : f32
      %broadcast_in_dim3A_1165 = vector.broadcast %jit3A_1164 : f32 to vector<8x256xf32>
      %select_n3A_1166 = arith.select %eq3A_1163, %broadcast_in_dim3A_1165, %select_n3A_1155 : vector<8x256xi1>, vector<8x256xf32>
      %reduce_max3A_1167 = arith.constant dense<0xFF800000> : vector<8xf32>
      %reduce_max3A_1168 = vector.multi_reduction <maximumf>, %select_n3A_1166, %reduce_max3A_1167 [1] : vector<8x256xf32> to vector<8xf32>
      %broadcast_in_dim3A_1169 = vector.shape_cast %reduce_max3A_1168 : vector<8xf32> to vector<8x1xf32>
      %reduce_max3A_1170 = arith.constant dense<0xFF800000> : vector<1xf32>
      %reduce_max3A_1171 = vector.multi_reduction <maximumf>, %broadcast_in_dim3A_1169, %reduce_max3A_1170 [0] : vector<8x1xf32> to vector<1xf32>
      %broadcast_in_dim3A_1172 = vector.shape_cast %reduce_max3A_1171 : vector<1xf32> to vector<1x1xf32>
      %eq3A_1173 = vector.broadcast %broadcast_in_dim3A_1095 : vector<1x1xf32> to vector<8x256xf32>
      %eq3A_1174 = arith.cmpf oeq, %concatenate3A_1088, %eq3A_1173 : vector<8x256xf32>
      %jit3A_1175 = arith.constant 524288 : i32
      %broadcast_in_dim3A_1176 = vector.broadcast %jit3A_1175 : i32 to vector<8x256xi32>
      %select_n3A_1177 = arith.select %eq3A_1174, %concatenate3A_1089, %broadcast_in_dim3A_1176 : vector<8x256xi1>, vector<8x256xi32>
      %reduce_min3A_1178 = arith.constant dense<2147483647> : vector<8xi32>
      %reduce_min3A_1179 = vector.multi_reduction <minsi>, %select_n3A_1177, %reduce_min3A_1178 [1] : vector<8x256xi32> to vector<8xi32>
      %broadcast_in_dim3A_1180 = vector.shape_cast %reduce_min3A_1179 : vector<8xi32> to vector<8x1xi32>
      %reduce_min3A_1181 = arith.constant dense<2147483647> : vector<1xi32>
      %reduce_min3A_1182 = vector.multi_reduction <minsi>, %broadcast_in_dim3A_1180, %reduce_min3A_1181 [0] : vector<8x1xi32> to vector<1xi32>
      %broadcast_in_dim3A_1183 = vector.shape_cast %reduce_min3A_1182 : vector<1xi32> to vector<1x1xi32>
      %eq3A_1184 = vector.broadcast %broadcast_in_dim3A_1106 : vector<1x1xf32> to vector<8x256xf32>
      %eq3A_1185 = arith.cmpf oeq, %concatenate3A_1088, %eq3A_1184 : vector<8x256xf32>
      %jit3A_1186 = arith.constant 524288 : i32
      %broadcast_in_dim3A_1187 = vector.broadcast %jit3A_1186 : i32 to vector<8x256xi32>
      %select_n3A_1188 = arith.select %eq3A_1185, %concatenate3A_1089, %broadcast_in_dim3A_1187 : vector<8x256xi1>, vector<8x256xi32>
      %reduce_min3A_1189 = arith.constant dense<2147483647> : vector<8xi32>
      %reduce_min3A_1190 = vector.multi_reduction <minsi>, %select_n3A_1188, %reduce_min3A_1189 [1] : vector<8x256xi32> to vector<8xi32>
      %broadcast_in_dim3A_1191 = vector.shape_cast %reduce_min3A_1190 : vector<8xi32> to vector<8x1xi32>
      %reduce_min3A_1192 = arith.constant dense<2147483647> : vector<1xi32>
      %reduce_min3A_1193 = vector.multi_reduction <minsi>, %broadcast_in_dim3A_1191, %reduce_min3A_1192 [0] : vector<8x1xi32> to vector<1xi32>
      %broadcast_in_dim3A_1194 = vector.shape_cast %reduce_min3A_1193 : vector<1xi32> to vector<1x1xi32>
      %eq3A_1195 = vector.broadcast %broadcast_in_dim3A_1117 : vector<1x1xf32> to vector<8x256xf32>
      %eq3A_1196 = arith.cmpf oeq, %concatenate3A_1088, %eq3A_1195 : vector<8x256xf32>
      %jit3A_1197 = arith.constant 524288 : i32
      %broadcast_in_dim3A_1198 = vector.broadcast %jit3A_1197 : i32 to vector<8x256xi32>
      %select_n3A_1199 = arith.select %eq3A_1196, %concatenate3A_1089, %broadcast_in_dim3A_1198 : vector<8x256xi1>, vector<8x256xi32>
      %reduce_min3A_1200 = arith.constant dense<2147483647> : vector<8xi32>
      %reduce_min3A_1201 = vector.multi_reduction <minsi>, %select_n3A_1199, %reduce_min3A_1200 [1] : vector<8x256xi32> to vector<8xi32>
      %broadcast_in_dim3A_1202 = vector.shape_cast %reduce_min3A_1201 : vector<8xi32> to vector<8x1xi32>
      %reduce_min3A_1203 = arith.constant dense<2147483647> : vector<1xi32>
      %reduce_min3A_1204 = vector.multi_reduction <minsi>, %broadcast_in_dim3A_1202, %reduce_min3A_1203 [0] : vector<8x1xi32> to vector<1xi32>
      %broadcast_in_dim3A_1205 = vector.shape_cast %reduce_min3A_1204 : vector<1xi32> to vector<1x1xi32>
      %eq3A_1206 = vector.broadcast %broadcast_in_dim3A_1128 : vector<1x1xf32> to vector<8x256xf32>
      %eq3A_1207 = arith.cmpf oeq, %concatenate3A_1088, %eq3A_1206 : vector<8x256xf32>
      %jit3A_1208 = arith.constant 524288 : i32
      %broadcast_in_dim3A_1209 = vector.broadcast %jit3A_1208 : i32 to vector<8x256xi32>
      %select_n3A_1210 = arith.select %eq3A_1207, %concatenate3A_1089, %broadcast_in_dim3A_1209 : vector<8x256xi1>, vector<8x256xi32>
      %reduce_min3A_1211 = arith.constant dense<2147483647> : vector<8xi32>
      %reduce_min3A_1212 = vector.multi_reduction <minsi>, %select_n3A_1210, %reduce_min3A_1211 [1] : vector<8x256xi32> to vector<8xi32>
      %broadcast_in_dim3A_1213 = vector.shape_cast %reduce_min3A_1212 : vector<8xi32> to vector<8x1xi32>
      %reduce_min3A_1214 = arith.constant dense<2147483647> : vector<1xi32>
      %reduce_min3A_1215 = vector.multi_reduction <minsi>, %broadcast_in_dim3A_1213, %reduce_min3A_1214 [0] : vector<8x1xi32> to vector<1xi32>
      %broadcast_in_dim3A_1216 = vector.shape_cast %reduce_min3A_1215 : vector<1xi32> to vector<1x1xi32>
      %eq3A_1217 = vector.broadcast %broadcast_in_dim3A_1139 : vector<1x1xf32> to vector<8x256xf32>
      %eq3A_1218 = arith.cmpf oeq, %concatenate3A_1088, %eq3A_1217 : vector<8x256xf32>
      %jit3A_1219 = arith.constant 524288 : i32
      %broadcast_in_dim3A_1220 = vector.broadcast %jit3A_1219 : i32 to vector<8x256xi32>
      %select_n3A_1221 = arith.select %eq3A_1218, %concatenate3A_1089, %broadcast_in_dim3A_1220 : vector<8x256xi1>, vector<8x256xi32>
      %reduce_min3A_1222 = arith.constant dense<2147483647> : vector<8xi32>
      %reduce_min3A_1223 = vector.multi_reduction <minsi>, %select_n3A_1221, %reduce_min3A_1222 [1] : vector<8x256xi32> to vector<8xi32>
      %broadcast_in_dim3A_1224 = vector.shape_cast %reduce_min3A_1223 : vector<8xi32> to vector<8x1xi32>
      %reduce_min3A_1225 = arith.constant dense<2147483647> : vector<1xi32>
      %reduce_min3A_1226 = vector.multi_reduction <minsi>, %broadcast_in_dim3A_1224, %reduce_min3A_1225 [0] : vector<8x1xi32> to vector<1xi32>
      %broadcast_in_dim3A_1227 = vector.shape_cast %reduce_min3A_1226 : vector<1xi32> to vector<1x1xi32>
      %eq3A_1228 = vector.broadcast %broadcast_in_dim3A_1150 : vector<1x1xf32> to vector<8x256xf32>
      %eq3A_1229 = arith.cmpf oeq, %concatenate3A_1088, %eq3A_1228 : vector<8x256xf32>
      %jit3A_1230 = arith.constant 524288 : i32
      %broadcast_in_dim3A_1231 = vector.broadcast %jit3A_1230 : i32 to vector<8x256xi32>
      %select_n3A_1232 = arith.select %eq3A_1229, %concatenate3A_1089, %broadcast_in_dim3A_1231 : vector<8x256xi1>, vector<8x256xi32>
      %reduce_min3A_1233 = arith.constant dense<2147483647> : vector<8xi32>
      %reduce_min3A_1234 = vector.multi_reduction <minsi>, %select_n3A_1232, %reduce_min3A_1233 [1] : vector<8x256xi32> to vector<8xi32>
      %broadcast_in_dim3A_1235 = vector.shape_cast %reduce_min3A_1234 : vector<8xi32> to vector<8x1xi32>
      %reduce_min3A_1236 = arith.constant dense<2147483647> : vector<1xi32>
      %reduce_min3A_1237 = vector.multi_reduction <minsi>, %broadcast_in_dim3A_1235, %reduce_min3A_1236 [0] : vector<8x1xi32> to vector<1xi32>
      %broadcast_in_dim3A_1238 = vector.shape_cast %reduce_min3A_1237 : vector<1xi32> to vector<1x1xi32>
      %eq3A_1239 = vector.broadcast %broadcast_in_dim3A_1161 : vector<1x1xf32> to vector<8x256xf32>
      %eq3A_1240 = arith.cmpf oeq, %concatenate3A_1088, %eq3A_1239 : vector<8x256xf32>
      %jit3A_1241 = arith.constant 524288 : i32
      %broadcast_in_dim3A_1242 = vector.broadcast %jit3A_1241 : i32 to vector<8x256xi32>
      %select_n3A_1243 = arith.select %eq3A_1240, %concatenate3A_1089, %broadcast_in_dim3A_1242 : vector<8x256xi1>, vector<8x256xi32>
      %reduce_min3A_1244 = arith.constant dense<2147483647> : vector<8xi32>
      %reduce_min3A_1245 = vector.multi_reduction <minsi>, %select_n3A_1243, %reduce_min3A_1244 [1] : vector<8x256xi32> to vector<8xi32>
      %broadcast_in_dim3A_1246 = vector.shape_cast %reduce_min3A_1245 : vector<8xi32> to vector<8x1xi32>
      %reduce_min3A_1247 = arith.constant dense<2147483647> : vector<1xi32>
      %reduce_min3A_1248 = vector.multi_reduction <minsi>, %broadcast_in_dim3A_1246, %reduce_min3A_1247 [0] : vector<8x1xi32> to vector<1xi32>
      %broadcast_in_dim3A_1249 = vector.shape_cast %reduce_min3A_1248 : vector<1xi32> to vector<1x1xi32>
      %eq3A_1250 = vector.broadcast %broadcast_in_dim3A_1172 : vector<1x1xf32> to vector<8x256xf32>
      %eq3A_1251 = arith.cmpf oeq, %concatenate3A_1088, %eq3A_1250 : vector<8x256xf32>
      %jit3A_1252 = arith.constant 524288 : i32
      %broadcast_in_dim3A_1253 = vector.broadcast %jit3A_1252 : i32 to vector<8x256xi32>
      %select_n3A_1254 = arith.select %eq3A_1251, %concatenate3A_1089, %broadcast_in_dim3A_1253 : vector<8x256xi1>, vector<8x256xi32>
      %reduce_min3A_1255 = arith.constant dense<2147483647> : vector<8xi32>
      %reduce_min3A_1256 = vector.multi_reduction <minsi>, %select_n3A_1254, %reduce_min3A_1255 [1] : vector<8x256xi32> to vector<8xi32>
      %broadcast_in_dim3A_1257 = vector.shape_cast %reduce_min3A_1256 : vector<8xi32> to vector<8x1xi32>
      %reduce_min3A_1258 = arith.constant dense<2147483647> : vector<1xi32>
      %reduce_min3A_1259 = vector.multi_reduction <minsi>, %broadcast_in_dim3A_1257, %reduce_min3A_1258 [0] : vector<8x1xi32> to vector<1xi32>
      %broadcast_in_dim3A_1260 = vector.shape_cast %reduce_min3A_1259 : vector<1xi32> to vector<1x1xi32>
      %eq3A_1261 = vector.broadcast %broadcast_in_dim3A_1095 : vector<1x1xf32> to vector<8x256xf32>
      %eq3A_1262 = arith.cmpf oeq, %concatenate3A_1088, %eq3A_1261 : vector<8x256xf32>
      %jit3A_1263 = arith.constant 1.000000e+00 : f32
      %jit3A_1264 = arith.constant 0.000000e+00 : f32
      %broadcast_in_dim3A_1265 = vector.broadcast %jit3A_1263 : f32 to vector<8x256xf32>
      %broadcast_in_dim3A_1266 = vector.broadcast %jit3A_1264 : f32 to vector<8x256xf32>
      %select_n3A_1267 = arith.select %eq3A_1262, %broadcast_in_dim3A_1265, %broadcast_in_dim3A_1266 : vector<8x256xi1>, vector<8x256xf32>
      %reduce_sum3A_1268 = vector.shape_cast %select_n3A_1267 : vector<8x256xf32> to vector<1x8x256xf32>
      %reduce_sum3A_1269 = arith.constant dense<0.000000e+00> : vector<1xf32>
      %reduce_sum3A_1270 = vector.multi_reduction <add>, %reduce_sum3A_1268, %reduce_sum3A_1269 [1, 2] : vector<1x8x256xf32> to vector<1xf32>
      %reduce_sum3A_1271 = vector.shape_cast %reduce_sum3A_1270 : vector<1xf32> to vector<1x1x1xf32>
      %reduce_sum3A_1272 = vector.extract %reduce_sum3A_1271[0, 0, 0] : f32 from vector<1x1x1xf32>
      %add3A_1273 = arith.constant 0.000000e+00 : f32
      %add3A_1274 = arith.addf %add3A_1273, %reduce_sum3A_1272 : f32
      %eq3A_1275 = vector.broadcast %broadcast_in_dim3A_1106 : vector<1x1xf32> to vector<8x256xf32>
      %eq3A_1276 = arith.cmpf oeq, %concatenate3A_1088, %eq3A_1275 : vector<8x256xf32>
      %jit3A_1277 = arith.constant 1.000000e+00 : f32
      %jit3A_1278 = arith.constant 0.000000e+00 : f32
      %broadcast_in_dim3A_1279 = vector.broadcast %jit3A_1277 : f32 to vector<8x256xf32>
      %broadcast_in_dim3A_1280 = vector.broadcast %jit3A_1278 : f32 to vector<8x256xf32>
      %select_n3A_1281 = arith.select %eq3A_1276, %broadcast_in_dim3A_1279, %broadcast_in_dim3A_1280 : vector<8x256xi1>, vector<8x256xf32>
      %reduce_sum3A_1282 = vector.shape_cast %select_n3A_1281 : vector<8x256xf32> to vector<1x8x256xf32>
      %reduce_sum3A_1283 = arith.constant dense<0.000000e+00> : vector<1xf32>
      %reduce_sum3A_1284 = vector.multi_reduction <add>, %reduce_sum3A_1282, %reduce_sum3A_1283 [1, 2] : vector<1x8x256xf32> to vector<1xf32>
      %reduce_sum3A_1285 = vector.shape_cast %reduce_sum3A_1284 : vector<1xf32> to vector<1x1x1xf32>
      %reduce_sum3A_1286 = vector.extract %reduce_sum3A_1285[0, 0, 0] : f32 from vector<1x1x1xf32>
      %add3A_1287 = arith.addf %add3A_1274, %reduce_sum3A_1286 : f32
      %eq3A_1288 = vector.broadcast %broadcast_in_dim3A_1117 : vector<1x1xf32> to vector<8x256xf32>
      %eq3A_1289 = arith.cmpf oeq, %concatenate3A_1088, %eq3A_1288 : vector<8x256xf32>
      %jit3A_1290 = arith.constant 1.000000e+00 : f32
      %jit3A_1291 = arith.constant 0.000000e+00 : f32
      %broadcast_in_dim3A_1292 = vector.broadcast %jit3A_1290 : f32 to vector<8x256xf32>
      %broadcast_in_dim3A_1293 = vector.broadcast %jit3A_1291 : f32 to vector<8x256xf32>
      %select_n3A_1294 = arith.select %eq3A_1289, %broadcast_in_dim3A_1292, %broadcast_in_dim3A_1293 : vector<8x256xi1>, vector<8x256xf32>
      %reduce_sum3A_1295 = vector.shape_cast %select_n3A_1294 : vector<8x256xf32> to vector<1x8x256xf32>
      %reduce_sum3A_1296 = arith.constant dense<0.000000e+00> : vector<1xf32>
      %reduce_sum3A_1297 = vector.multi_reduction <add>, %reduce_sum3A_1295, %reduce_sum3A_1296 [1, 2] : vector<1x8x256xf32> to vector<1xf32>
      %reduce_sum3A_1298 = vector.shape_cast %reduce_sum3A_1297 : vector<1xf32> to vector<1x1x1xf32>
      %reduce_sum3A_1299 = vector.extract %reduce_sum3A_1298[0, 0, 0] : f32 from vector<1x1x1xf32>
      %add3A_1300 = arith.addf %add3A_1287, %reduce_sum3A_1299 : f32
      %eq3A_1301 = vector.broadcast %broadcast_in_dim3A_1128 : vector<1x1xf32> to vector<8x256xf32>
      %eq3A_1302 = arith.cmpf oeq, %concatenate3A_1088, %eq3A_1301 : vector<8x256xf32>
      %jit3A_1303 = arith.constant 1.000000e+00 : f32
      %jit3A_1304 = arith.constant 0.000000e+00 : f32
      %broadcast_in_dim3A_1305 = vector.broadcast %jit3A_1303 : f32 to vector<8x256xf32>
      %broadcast_in_dim3A_1306 = vector.broadcast %jit3A_1304 : f32 to vector<8x256xf32>
      %select_n3A_1307 = arith.select %eq3A_1302, %broadcast_in_dim3A_1305, %broadcast_in_dim3A_1306 : vector<8x256xi1>, vector<8x256xf32>
      %reduce_sum3A_1308 = vector.shape_cast %select_n3A_1307 : vector<8x256xf32> to vector<1x8x256xf32>
      %reduce_sum3A_1309 = arith.constant dense<0.000000e+00> : vector<1xf32>
      %reduce_sum3A_1310 = vector.multi_reduction <add>, %reduce_sum3A_1308, %reduce_sum3A_1309 [1, 2] : vector<1x8x256xf32> to vector<1xf32>
      %reduce_sum3A_1311 = vector.shape_cast %reduce_sum3A_1310 : vector<1xf32> to vector<1x1x1xf32>
      %reduce_sum3A_1312 = vector.extract %reduce_sum3A_1311[0, 0, 0] : f32 from vector<1x1x1xf32>
      %add3A_1313 = arith.addf %add3A_1300, %reduce_sum3A_1312 : f32
      %eq3A_1314 = vector.broadcast %broadcast_in_dim3A_1139 : vector<1x1xf32> to vector<8x256xf32>
      %eq3A_1315 = arith.cmpf oeq, %concatenate3A_1088, %eq3A_1314 : vector<8x256xf32>
      %jit3A_1316 = arith.constant 1.000000e+00 : f32
      %jit3A_1317 = arith.constant 0.000000e+00 : f32
      %broadcast_in_dim3A_1318 = vector.broadcast %jit3A_1316 : f32 to vector<8x256xf32>
      %broadcast_in_dim3A_1319 = vector.broadcast %jit3A_1317 : f32 to vector<8x256xf32>
      %select_n3A_1320 = arith.select %eq3A_1315, %broadcast_in_dim3A_1318, %broadcast_in_dim3A_1319 : vector<8x256xi1>, vector<8x256xf32>
      %reduce_sum3A_1321 = vector.shape_cast %select_n3A_1320 : vector<8x256xf32> to vector<1x8x256xf32>
      %reduce_sum3A_1322 = arith.constant dense<0.000000e+00> : vector<1xf32>
      %reduce_sum3A_1323 = vector.multi_reduction <add>, %reduce_sum3A_1321, %reduce_sum3A_1322 [1, 2] : vector<1x8x256xf32> to vector<1xf32>
      %reduce_sum3A_1324 = vector.shape_cast %reduce_sum3A_1323 : vector<1xf32> to vector<1x1x1xf32>
      %reduce_sum3A_1325 = vector.extract %reduce_sum3A_1324[0, 0, 0] : f32 from vector<1x1x1xf32>
      %add3A_1326 = arith.addf %add3A_1313, %reduce_sum3A_1325 : f32
      %eq3A_1327 = vector.broadcast %broadcast_in_dim3A_1150 : vector<1x1xf32> to vector<8x256xf32>
      %eq3A_1328 = arith.cmpf oeq, %concatenate3A_1088, %eq3A_1327 : vector<8x256xf32>
      %jit3A_1329 = arith.constant 1.000000e+00 : f32
      %jit3A_1330 = arith.constant 0.000000e+00 : f32
      %broadcast_in_dim3A_1331 = vector.broadcast %jit3A_1329 : f32 to vector<8x256xf32>
      %broadcast_in_dim3A_1332 = vector.broadcast %jit3A_1330 : f32 to vector<8x256xf32>
      %select_n3A_1333 = arith.select %eq3A_1328, %broadcast_in_dim3A_1331, %broadcast_in_dim3A_1332 : vector<8x256xi1>, vector<8x256xf32>
      %reduce_sum3A_1334 = vector.shape_cast %select_n3A_1333 : vector<8x256xf32> to vector<1x8x256xf32>
      %reduce_sum3A_1335 = arith.constant dense<0.000000e+00> : vector<1xf32>
      %reduce_sum3A_1336 = vector.multi_reduction <add>, %reduce_sum3A_1334, %reduce_sum3A_1335 [1, 2] : vector<1x8x256xf32> to vector<1xf32>
      %reduce_sum3A_1337 = vector.shape_cast %reduce_sum3A_1336 : vector<1xf32> to vector<1x1x1xf32>
      %reduce_sum3A_1338 = vector.extract %reduce_sum3A_1337[0, 0, 0] : f32 from vector<1x1x1xf32>
      %add3A_1339 = arith.addf %add3A_1326, %reduce_sum3A_1338 : f32
      %eq3A_1340 = vector.broadcast %broadcast_in_dim3A_1161 : vector<1x1xf32> to vector<8x256xf32>
      %eq3A_1341 = arith.cmpf oeq, %concatenate3A_1088, %eq3A_1340 : vector<8x256xf32>
      %jit3A_1342 = arith.constant 1.000000e+00 : f32
      %jit3A_1343 = arith.constant 0.000000e+00 : f32
      %broadcast_in_dim3A_1344 = vector.broadcast %jit3A_1342 : f32 to vector<8x256xf32>
      %broadcast_in_dim3A_1345 = vector.broadcast %jit3A_1343 : f32 to vector<8x256xf32>
      %select_n3A_1346 = arith.select %eq3A_1341, %broadcast_in_dim3A_1344, %broadcast_in_dim3A_1345 : vector<8x256xi1>, vector<8x256xf32>
      %reduce_sum3A_1347 = vector.shape_cast %select_n3A_1346 : vector<8x256xf32> to vector<1x8x256xf32>
      %reduce_sum3A_1348 = arith.constant dense<0.000000e+00> : vector<1xf32>
      %reduce_sum3A_1349 = vector.multi_reduction <add>, %reduce_sum3A_1347, %reduce_sum3A_1348 [1, 2] : vector<1x8x256xf32> to vector<1xf32>
      %reduce_sum3A_1350 = vector.shape_cast %reduce_sum3A_1349 : vector<1xf32> to vector<1x1x1xf32>
      %reduce_sum3A_1351 = vector.extract %reduce_sum3A_1350[0, 0, 0] : f32 from vector<1x1x1xf32>
      %add3A_1352 = arith.addf %add3A_1339, %reduce_sum3A_1351 : f32
      %eq3A_1353 = vector.broadcast %broadcast_in_dim3A_1172 : vector<1x1xf32> to vector<8x256xf32>
      %eq3A_1354 = arith.cmpf oeq, %concatenate3A_1088, %eq3A_1353 : vector<8x256xf32>
      %jit3A_1355 = arith.constant 1.000000e+00 : f32
      %jit3A_1356 = arith.constant 0.000000e+00 : f32
      %broadcast_in_dim3A_1357 = vector.broadcast %jit3A_1355 : f32 to vector<8x256xf32>
      %broadcast_in_dim3A_1358 = vector.broadcast %jit3A_1356 : f32 to vector<8x256xf32>
      %select_n3A_1359 = arith.select %eq3A_1354, %broadcast_in_dim3A_1357, %broadcast_in_dim3A_1358 : vector<8x256xi1>, vector<8x256xf32>
      %reduce_sum3A_1360 = vector.shape_cast %select_n3A_1359 : vector<8x256xf32> to vector<1x8x256xf32>
      %reduce_sum3A_1361 = arith.constant dense<0.000000e+00> : vector<1xf32>
      %reduce_sum3A_1362 = vector.multi_reduction <add>, %reduce_sum3A_1360, %reduce_sum3A_1361 [1, 2] : vector<1x8x256xf32> to vector<1xf32>
      %reduce_sum3A_1363 = vector.shape_cast %reduce_sum3A_1362 : vector<1xf32> to vector<1x1x1xf32>
      %reduce_sum3A_1364 = vector.extract %reduce_sum3A_1363[0, 0, 0] : f32 from vector<1x1x1xf32>
      %add3A_1365 = arith.addf %add3A_1352, %reduce_sum3A_1364 : f32
      %reduce_sum3A_1366 = vector.shape_cast %broadcast_in_dim3A_1095 : vector<1x1xf32> to vector<1x1x1xf32>
      %reduce_sum3A_1367 = arith.constant dense<0.000000e+00> : vector<1xf32>
      %reduce_sum3A_1368 = vector.multi_reduction <add>, %reduce_sum3A_1366, %reduce_sum3A_1367 [1, 2] : vector<1x1x1xf32> to vector<1xf32>
      %reduce_sum3A_1369 = vector.shape_cast %reduce_sum3A_1368 : vector<1xf32> to vector<1x1x1xf32>
      %reduce_sum3A_1370 = vector.extract %reduce_sum3A_1369[0, 0, 0] : f32 from vector<1x1x1xf32>
      %reduce_sum3A_1371 = vector.shape_cast %broadcast_in_dim3A_1183 : vector<1x1xi32> to vector<1x1x1xi32>
      %reduce_sum3A_1372 = arith.constant dense<0> : vector<1xi32>
      %reduce_sum3A_1373 = vector.multi_reduction <add>, %reduce_sum3A_1371, %reduce_sum3A_1372 [1, 2] : vector<1x1x1xi32> to vector<1xi32>
      %reduce_sum3A_1374 = vector.shape_cast %reduce_sum3A_1373 : vector<1xi32> to vector<1x1x1xi32>
      %reduce_sum3A_1375 = vector.extract %reduce_sum3A_1374[0, 0, 0] : i32 from vector<1x1x1xi32>
      %jit3A_1376 = arith.constant 65536 : i32
      %div3A_1377 = arith.divsi %reduce_sum3A_1375, %jit3A_1376 : i32
      %sign3A_1378 = arith.constant 0 : i32
      %sign3A_1379 = arith.cmpi sgt, %reduce_sum3A_1375, %sign3A_1378 : i32
      %sign3A_1380 = arith.extui %sign3A_1379 : i1 to i32
      %sign3A_1381 = arith.constant 0 : i32
      %sign3A_1382 = arith.cmpi slt, %reduce_sum3A_1375, %sign3A_1381 : i32
      %sign3A_1383 = arith.extui %sign3A_1382 : i1 to i32
      %sign3A_1384 = arith.subi %sign3A_1380, %sign3A_1383 : i32
      %sign3A_1385 = arith.constant 0 : i32
      %sign3A_1386 = arith.cmpi sgt, %jit3A_1376, %sign3A_1385 : i32
      %sign3A_1387 = arith.extui %sign3A_1386 : i1 to i32
      %sign3A_1388 = arith.constant 0 : i32
      %sign3A_1389 = arith.cmpi slt, %jit3A_1376, %sign3A_1388 : i32
      %sign3A_1390 = arith.extui %sign3A_1389 : i1 to i32
      %sign3A_1391 = arith.subi %sign3A_1387, %sign3A_1390 : i32
      %ne3A_1392 = arith.cmpi ne, %sign3A_1384, %sign3A_1391 : i32
      %rem3A_1393 = arith.remsi %reduce_sum3A_1375, %jit3A_1376 : i32
      %ne3A_1394 = arith.constant 0 : i32
      %ne3A_1395 = arith.cmpi ne, %rem3A_1393, %ne3A_1394 : i32
      %and3A_1396 = arith.andi %ne3A_1392, %ne3A_1395 : i1
      %sub3A_1397 = arith.constant 1 : i32
      %sub3A_1398 = arith.subi %div3A_1377, %sub3A_1397 : i32
      %select_n3A_1399 = arith.select %and3A_1396, %sub3A_1398, %div3A_1377 : i32
      %jit3A_1400 = arith.constant 256 : i32
      %div3A_1401 = arith.divsi %reduce_sum3A_1375, %jit3A_1400 : i32
      %sign3A_1402 = arith.constant 0 : i32
      %sign3A_1403 = arith.cmpi sgt, %reduce_sum3A_1375, %sign3A_1402 : i32
      %sign3A_1404 = arith.extui %sign3A_1403 : i1 to i32
      %sign3A_1405 = arith.constant 0 : i32
      %sign3A_1406 = arith.cmpi slt, %reduce_sum3A_1375, %sign3A_1405 : i32
      %sign3A_1407 = arith.extui %sign3A_1406 : i1 to i32
      %sign3A_1408 = arith.subi %sign3A_1404, %sign3A_1407 : i32
      %sign3A_1409 = arith.constant 0 : i32
      %sign3A_1410 = arith.cmpi sgt, %jit3A_1400, %sign3A_1409 : i32
      %sign3A_1411 = arith.extui %sign3A_1410 : i1 to i32
      %sign3A_1412 = arith.constant 0 : i32
      %sign3A_1413 = arith.cmpi slt, %jit3A_1400, %sign3A_1412 : i32
      %sign3A_1414 = arith.extui %sign3A_1413 : i1 to i32
      %sign3A_1415 = arith.subi %sign3A_1411, %sign3A_1414 : i32
      %ne3A_1416 = arith.cmpi ne, %sign3A_1408, %sign3A_1415 : i32
      %rem3A_1417 = arith.remsi %reduce_sum3A_1375, %jit3A_1400 : i32
      %ne3A_1418 = arith.constant 0 : i32
      %ne3A_1419 = arith.cmpi ne, %rem3A_1417, %ne3A_1418 : i32
      %and3A_1420 = arith.andi %ne3A_1416, %ne3A_1419 : i1
      %sub3A_1421 = arith.constant 1 : i32
      %sub3A_1422 = arith.subi %div3A_1401, %sub3A_1421 : i32
      %select_n3A_1423 = arith.select %and3A_1420, %sub3A_1422, %div3A_1401 : i32
      %jit3A_1424 = arith.constant 256 : i32
      %eq3A_1425 = arith.constant 0 : i32
      %eq3A_1426 = arith.cmpi eq, %jit3A_1424, %eq3A_1425 : i32
      %jit3A_1427 = arith.constant 1 : i32
      %select_n3A_1428 = arith.select %eq3A_1426, %jit3A_1427, %jit3A_1424 : i32
      %rem3A_1429 = arith.remsi %select_n3A_1423, %select_n3A_1428 : i32
      %ne3A_1430 = arith.constant 0 : i32
      %ne3A_1431 = arith.cmpi ne, %rem3A_1429, %ne3A_1430 : i32
      %lt3A_1432 = arith.constant 0 : i32
      %lt3A_1433 = arith.cmpi slt, %rem3A_1429, %lt3A_1432 : i32
      %lt3A_1434 = arith.constant 0 : i32
      %lt3A_1435 = arith.cmpi slt, %select_n3A_1428, %lt3A_1434 : i32
      %ne3A_1436 = arith.xori %lt3A_1433, %lt3A_1435 : i1
      %and3A_1437 = arith.andi %ne3A_1436, %ne3A_1431 : i1
      %add3A_1438 = arith.addi %rem3A_1429, %select_n3A_1428 : i32
      %select_n3A_1439 = arith.select %and3A_1437, %add3A_1438, %rem3A_1429 : i32
      %jit3A_1440 = arith.constant 256 : i32
      %eq3A_1441 = arith.constant 0 : i32
      %eq3A_1442 = arith.cmpi eq, %jit3A_1440, %eq3A_1441 : i32
      %jit3A_1443 = arith.constant 1 : i32
      %select_n3A_1444 = arith.select %eq3A_1442, %jit3A_1443, %jit3A_1440 : i32
      %rem3A_1445 = arith.remsi %reduce_sum3A_1375, %select_n3A_1444 : i32
      %ne3A_1446 = arith.constant 0 : i32
      %ne3A_1447 = arith.cmpi ne, %rem3A_1445, %ne3A_1446 : i32
      %lt3A_1448 = arith.constant 0 : i32
      %lt3A_1449 = arith.cmpi slt, %rem3A_1445, %lt3A_1448 : i32
      %lt3A_1450 = arith.constant 0 : i32
      %lt3A_1451 = arith.cmpi slt, %select_n3A_1444, %lt3A_1450 : i32
      %ne3A_1452 = arith.xori %lt3A_1449, %lt3A_1451 : i1
      %and3A_1453 = arith.andi %ne3A_1452, %ne3A_1447 : i1
      %add3A_1454 = arith.addi %rem3A_1445, %select_n3A_1444 : i32
      %select_n3A_1455 = arith.select %and3A_1453, %add3A_1454, %rem3A_1445 : i32
      %reduce_sum3A_1456 = vector.shape_cast %broadcast_in_dim3A_1106 : vector<1x1xf32> to vector<1x1x1xf32>
      %reduce_sum3A_1457 = arith.constant dense<0.000000e+00> : vector<1xf32>
      %reduce_sum3A_1458 = vector.multi_reduction <add>, %reduce_sum3A_1456, %reduce_sum3A_1457 [1, 2] : vector<1x1x1xf32> to vector<1xf32>
      %reduce_sum3A_1459 = vector.shape_cast %reduce_sum3A_1458 : vector<1xf32> to vector<1x1x1xf32>
      %reduce_sum3A_1460 = vector.extract %reduce_sum3A_1459[0, 0, 0] : f32 from vector<1x1x1xf32>
      %reduce_sum3A_1461 = vector.shape_cast %broadcast_in_dim3A_1194 : vector<1x1xi32> to vector<1x1x1xi32>
      %reduce_sum3A_1462 = arith.constant dense<0> : vector<1xi32>
      %reduce_sum3A_1463 = vector.multi_reduction <add>, %reduce_sum3A_1461, %reduce_sum3A_1462 [1, 2] : vector<1x1x1xi32> to vector<1xi32>
      %reduce_sum3A_1464 = vector.shape_cast %reduce_sum3A_1463 : vector<1xi32> to vector<1x1x1xi32>
      %reduce_sum3A_1465 = vector.extract %reduce_sum3A_1464[0, 0, 0] : i32 from vector<1x1x1xi32>
      %jit3A_1466 = arith.constant 65536 : i32
      %div3A_1467 = arith.divsi %reduce_sum3A_1465, %jit3A_1466 : i32
      %sign3A_1468 = arith.constant 0 : i32
      %sign3A_1469 = arith.cmpi sgt, %reduce_sum3A_1465, %sign3A_1468 : i32
      %sign3A_1470 = arith.extui %sign3A_1469 : i1 to i32
      %sign3A_1471 = arith.constant 0 : i32
      %sign3A_1472 = arith.cmpi slt, %reduce_sum3A_1465, %sign3A_1471 : i32
      %sign3A_1473 = arith.extui %sign3A_1472 : i1 to i32
      %sign3A_1474 = arith.subi %sign3A_1470, %sign3A_1473 : i32
      %sign3A_1475 = arith.constant 0 : i32
      %sign3A_1476 = arith.cmpi sgt, %jit3A_1466, %sign3A_1475 : i32
      %sign3A_1477 = arith.extui %sign3A_1476 : i1 to i32
      %sign3A_1478 = arith.constant 0 : i32
      %sign3A_1479 = arith.cmpi slt, %jit3A_1466, %sign3A_1478 : i32
      %sign3A_1480 = arith.extui %sign3A_1479 : i1 to i32
      %sign3A_1481 = arith.subi %sign3A_1477, %sign3A_1480 : i32
      %ne3A_1482 = arith.cmpi ne, %sign3A_1474, %sign3A_1481 : i32
      %rem3A_1483 = arith.remsi %reduce_sum3A_1465, %jit3A_1466 : i32
      %ne3A_1484 = arith.constant 0 : i32
      %ne3A_1485 = arith.cmpi ne, %rem3A_1483, %ne3A_1484 : i32
      %and3A_1486 = arith.andi %ne3A_1482, %ne3A_1485 : i1
      %sub3A_1487 = arith.constant 1 : i32
      %sub3A_1488 = arith.subi %div3A_1467, %sub3A_1487 : i32
      %select_n3A_1489 = arith.select %and3A_1486, %sub3A_1488, %div3A_1467 : i32
      %jit3A_1490 = arith.constant 256 : i32
      %div3A_1491 = arith.divsi %reduce_sum3A_1465, %jit3A_1490 : i32
      %sign3A_1492 = arith.constant 0 : i32
      %sign3A_1493 = arith.cmpi sgt, %reduce_sum3A_1465, %sign3A_1492 : i32
      %sign3A_1494 = arith.extui %sign3A_1493 : i1 to i32
      %sign3A_1495 = arith.constant 0 : i32
      %sign3A_1496 = arith.cmpi slt, %reduce_sum3A_1465, %sign3A_1495 : i32
      %sign3A_1497 = arith.extui %sign3A_1496 : i1 to i32
      %sign3A_1498 = arith.subi %sign3A_1494, %sign3A_1497 : i32
      %sign3A_1499 = arith.constant 0 : i32
      %sign3A_1500 = arith.cmpi sgt, %jit3A_1490, %sign3A_1499 : i32
      %sign3A_1501 = arith.extui %sign3A_1500 : i1 to i32
      %sign3A_1502 = arith.constant 0 : i32
      %sign3A_1503 = arith.cmpi slt, %jit3A_1490, %sign3A_1502 : i32
      %sign3A_1504 = arith.extui %sign3A_1503 : i1 to i32
      %sign3A_1505 = arith.subi %sign3A_1501, %sign3A_1504 : i32
      %ne3A_1506 = arith.cmpi ne, %sign3A_1498, %sign3A_1505 : i32
      %rem3A_1507 = arith.remsi %reduce_sum3A_1465, %jit3A_1490 : i32
      %ne3A_1508 = arith.constant 0 : i32
      %ne3A_1509 = arith.cmpi ne, %rem3A_1507, %ne3A_1508 : i32
      %and3A_1510 = arith.andi %ne3A_1506, %ne3A_1509 : i1
      %sub3A_1511 = arith.constant 1 : i32
      %sub3A_1512 = arith.subi %div3A_1491, %sub3A_1511 : i32
      %select_n3A_1513 = arith.select %and3A_1510, %sub3A_1512, %div3A_1491 : i32
      %jit3A_1514 = arith.constant 256 : i32
      %eq3A_1515 = arith.constant 0 : i32
      %eq3A_1516 = arith.cmpi eq, %jit3A_1514, %eq3A_1515 : i32
      %jit3A_1517 = arith.constant 1 : i32
      %select_n3A_1518 = arith.select %eq3A_1516, %jit3A_1517, %jit3A_1514 : i32
      %rem3A_1519 = arith.remsi %select_n3A_1513, %select_n3A_1518 : i32
      %ne3A_1520 = arith.constant 0 : i32
      %ne3A_1521 = arith.cmpi ne, %rem3A_1519, %ne3A_1520 : i32
      %lt3A_1522 = arith.constant 0 : i32
      %lt3A_1523 = arith.cmpi slt, %rem3A_1519, %lt3A_1522 : i32
      %lt3A_1524 = arith.constant 0 : i32
      %lt3A_1525 = arith.cmpi slt, %select_n3A_1518, %lt3A_1524 : i32
      %ne3A_1526 = arith.xori %lt3A_1523, %lt3A_1525 : i1
      %and3A_1527 = arith.andi %ne3A_1526, %ne3A_1521 : i1
      %add3A_1528 = arith.addi %rem3A_1519, %select_n3A_1518 : i32
      %select_n3A_1529 = arith.select %and3A_1527, %add3A_1528, %rem3A_1519 : i32
      %jit3A_1530 = arith.constant 256 : i32
      %eq3A_1531 = arith.constant 0 : i32
      %eq3A_1532 = arith.cmpi eq, %jit3A_1530, %eq3A_1531 : i32
      %jit3A_1533 = arith.constant 1 : i32
      %select_n3A_1534 = arith.select %eq3A_1532, %jit3A_1533, %jit3A_1530 : i32
      %rem3A_1535 = arith.remsi %reduce_sum3A_1465, %select_n3A_1534 : i32
      %ne3A_1536 = arith.constant 0 : i32
      %ne3A_1537 = arith.cmpi ne, %rem3A_1535, %ne3A_1536 : i32
      %lt3A_1538 = arith.constant 0 : i32
      %lt3A_1539 = arith.cmpi slt, %rem3A_1535, %lt3A_1538 : i32
      %lt3A_1540 = arith.constant 0 : i32
      %lt3A_1541 = arith.cmpi slt, %select_n3A_1534, %lt3A_1540 : i32
      %ne3A_1542 = arith.xori %lt3A_1539, %lt3A_1541 : i1
      %and3A_1543 = arith.andi %ne3A_1542, %ne3A_1537 : i1
      %add3A_1544 = arith.addi %rem3A_1535, %select_n3A_1534 : i32
      %select_n3A_1545 = arith.select %and3A_1543, %add3A_1544, %rem3A_1535 : i32
      %reduce_sum3A_1546 = vector.shape_cast %broadcast_in_dim3A_1117 : vector<1x1xf32> to vector<1x1x1xf32>
      %reduce_sum3A_1547 = arith.constant dense<0.000000e+00> : vector<1xf32>
      %reduce_sum3A_1548 = vector.multi_reduction <add>, %reduce_sum3A_1546, %reduce_sum3A_1547 [1, 2] : vector<1x1x1xf32> to vector<1xf32>
      %reduce_sum3A_1549 = vector.shape_cast %reduce_sum3A_1548 : vector<1xf32> to vector<1x1x1xf32>
      %reduce_sum3A_1550 = vector.extract %reduce_sum3A_1549[0, 0, 0] : f32 from vector<1x1x1xf32>
      %reduce_sum3A_1551 = vector.shape_cast %broadcast_in_dim3A_1205 : vector<1x1xi32> to vector<1x1x1xi32>
      %reduce_sum3A_1552 = arith.constant dense<0> : vector<1xi32>
      %reduce_sum3A_1553 = vector.multi_reduction <add>, %reduce_sum3A_1551, %reduce_sum3A_1552 [1, 2] : vector<1x1x1xi32> to vector<1xi32>
      %reduce_sum3A_1554 = vector.shape_cast %reduce_sum3A_1553 : vector<1xi32> to vector<1x1x1xi32>
      %reduce_sum3A_1555 = vector.extract %reduce_sum3A_1554[0, 0, 0] : i32 from vector<1x1x1xi32>
      %jit3A_1556 = arith.constant 65536 : i32
      %div3A_1557 = arith.divsi %reduce_sum3A_1555, %jit3A_1556 : i32
      %sign3A_1558 = arith.constant 0 : i32
      %sign3A_1559 = arith.cmpi sgt, %reduce_sum3A_1555, %sign3A_1558 : i32
      %sign3A_1560 = arith.extui %sign3A_1559 : i1 to i32
      %sign3A_1561 = arith.constant 0 : i32
      %sign3A_1562 = arith.cmpi slt, %reduce_sum3A_1555, %sign3A_1561 : i32
      %sign3A_1563 = arith.extui %sign3A_1562 : i1 to i32
      %sign3A_1564 = arith.subi %sign3A_1560, %sign3A_1563 : i32
      %sign3A_1565 = arith.constant 0 : i32
      %sign3A_1566 = arith.cmpi sgt, %jit3A_1556, %sign3A_1565 : i32
      %sign3A_1567 = arith.extui %sign3A_1566 : i1 to i32
      %sign3A_1568 = arith.constant 0 : i32
      %sign3A_1569 = arith.cmpi slt, %jit3A_1556, %sign3A_1568 : i32
      %sign3A_1570 = arith.extui %sign3A_1569 : i1 to i32
      %sign3A_1571 = arith.subi %sign3A_1567, %sign3A_1570 : i32
      %ne3A_1572 = arith.cmpi ne, %sign3A_1564, %sign3A_1571 : i32
      %rem3A_1573 = arith.remsi %reduce_sum3A_1555, %jit3A_1556 : i32
      %ne3A_1574 = arith.constant 0 : i32
      %ne3A_1575 = arith.cmpi ne, %rem3A_1573, %ne3A_1574 : i32
      %and3A_1576 = arith.andi %ne3A_1572, %ne3A_1575 : i1
      %sub3A_1577 = arith.constant 1 : i32
      %sub3A_1578 = arith.subi %div3A_1557, %sub3A_1577 : i32
      %select_n3A_1579 = arith.select %and3A_1576, %sub3A_1578, %div3A_1557 : i32
      %jit3A_1580 = arith.constant 256 : i32
      %div3A_1581 = arith.divsi %reduce_sum3A_1555, %jit3A_1580 : i32
      %sign3A_1582 = arith.constant 0 : i32
      %sign3A_1583 = arith.cmpi sgt, %reduce_sum3A_1555, %sign3A_1582 : i32
      %sign3A_1584 = arith.extui %sign3A_1583 : i1 to i32
      %sign3A_1585 = arith.constant 0 : i32
      %sign3A_1586 = arith.cmpi slt, %reduce_sum3A_1555, %sign3A_1585 : i32
      %sign3A_1587 = arith.extui %sign3A_1586 : i1 to i32
      %sign3A_1588 = arith.subi %sign3A_1584, %sign3A_1587 : i32
      %sign3A_1589 = arith.constant 0 : i32
      %sign3A_1590 = arith.cmpi sgt, %jit3A_1580, %sign3A_1589 : i32
      %sign3A_1591 = arith.extui %sign3A_1590 : i1 to i32
      %sign3A_1592 = arith.constant 0 : i32
      %sign3A_1593 = arith.cmpi slt, %jit3A_1580, %sign3A_1592 : i32
      %sign3A_1594 = arith.extui %sign3A_1593 : i1 to i32
      %sign3A_1595 = arith.subi %sign3A_1591, %sign3A_1594 : i32
      %ne3A_1596 = arith.cmpi ne, %sign3A_1588, %sign3A_1595 : i32
      %rem3A_1597 = arith.remsi %reduce_sum3A_1555, %jit3A_1580 : i32
      %ne3A_1598 = arith.constant 0 : i32
      %ne3A_1599 = arith.cmpi ne, %rem3A_1597, %ne3A_1598 : i32
      %and3A_1600 = arith.andi %ne3A_1596, %ne3A_1599 : i1
      %sub3A_1601 = arith.constant 1 : i32
      %sub3A_1602 = arith.subi %div3A_1581, %sub3A_1601 : i32
      %select_n3A_1603 = arith.select %and3A_1600, %sub3A_1602, %div3A_1581 : i32
      %jit3A_1604 = arith.constant 256 : i32
      %eq3A_1605 = arith.constant 0 : i32
      %eq3A_1606 = arith.cmpi eq, %jit3A_1604, %eq3A_1605 : i32
      %jit3A_1607 = arith.constant 1 : i32
      %select_n3A_1608 = arith.select %eq3A_1606, %jit3A_1607, %jit3A_1604 : i32
      %rem3A_1609 = arith.remsi %select_n3A_1603, %select_n3A_1608 : i32
      %ne3A_1610 = arith.constant 0 : i32
      %ne3A_1611 = arith.cmpi ne, %rem3A_1609, %ne3A_1610 : i32
      %lt3A_1612 = arith.constant 0 : i32
      %lt3A_1613 = arith.cmpi slt, %rem3A_1609, %lt3A_1612 : i32
      %lt3A_1614 = arith.constant 0 : i32
      %lt3A_1615 = arith.cmpi slt, %select_n3A_1608, %lt3A_1614 : i32
      %ne3A_1616 = arith.xori %lt3A_1613, %lt3A_1615 : i1
      %and3A_1617 = arith.andi %ne3A_1616, %ne3A_1611 : i1
      %add3A_1618 = arith.addi %rem3A_1609, %select_n3A_1608 : i32
      %select_n3A_1619 = arith.select %and3A_1617, %add3A_1618, %rem3A_1609 : i32
      %jit3A_1620 = arith.constant 256 : i32
      %eq3A_1621 = arith.constant 0 : i32
      %eq3A_1622 = arith.cmpi eq, %jit3A_1620, %eq3A_1621 : i32
      %jit3A_1623 = arith.constant 1 : i32
      %select_n3A_1624 = arith.select %eq3A_1622, %jit3A_1623, %jit3A_1620 : i32
      %rem3A_1625 = arith.remsi %reduce_sum3A_1555, %select_n3A_1624 : i32
      %ne3A_1626 = arith.constant 0 : i32
      %ne3A_1627 = arith.cmpi ne, %rem3A_1625, %ne3A_1626 : i32
      %lt3A_1628 = arith.constant 0 : i32
      %lt3A_1629 = arith.cmpi slt, %rem3A_1625, %lt3A_1628 : i32
      %lt3A_1630 = arith.constant 0 : i32
      %lt3A_1631 = arith.cmpi slt, %select_n3A_1624, %lt3A_1630 : i32
      %ne3A_1632 = arith.xori %lt3A_1629, %lt3A_1631 : i1
      %and3A_1633 = arith.andi %ne3A_1632, %ne3A_1627 : i1
      %add3A_1634 = arith.addi %rem3A_1625, %select_n3A_1624 : i32
      %select_n3A_1635 = arith.select %and3A_1633, %add3A_1634, %rem3A_1625 : i32
      %reduce_sum3A_1636 = vector.shape_cast %broadcast_in_dim3A_1128 : vector<1x1xf32> to vector<1x1x1xf32>
      %reduce_sum3A_1637 = arith.constant dense<0.000000e+00> : vector<1xf32>
      %reduce_sum3A_1638 = vector.multi_reduction <add>, %reduce_sum3A_1636, %reduce_sum3A_1637 [1, 2] : vector<1x1x1xf32> to vector<1xf32>
      %reduce_sum3A_1639 = vector.shape_cast %reduce_sum3A_1638 : vector<1xf32> to vector<1x1x1xf32>
      %reduce_sum3A_1640 = vector.extract %reduce_sum3A_1639[0, 0, 0] : f32 from vector<1x1x1xf32>
      %reduce_sum3A_1641 = vector.shape_cast %broadcast_in_dim3A_1216 : vector<1x1xi32> to vector<1x1x1xi32>
      %reduce_sum3A_1642 = arith.constant dense<0> : vector<1xi32>
      %reduce_sum3A_1643 = vector.multi_reduction <add>, %reduce_sum3A_1641, %reduce_sum3A_1642 [1, 2] : vector<1x1x1xi32> to vector<1xi32>
      %reduce_sum3A_1644 = vector.shape_cast %reduce_sum3A_1643 : vector<1xi32> to vector<1x1x1xi32>
      %reduce_sum3A_1645 = vector.extract %reduce_sum3A_1644[0, 0, 0] : i32 from vector<1x1x1xi32>
      %jit3A_1646 = arith.constant 65536 : i32
      %div3A_1647 = arith.divsi %reduce_sum3A_1645, %jit3A_1646 : i32
      %sign3A_1648 = arith.constant 0 : i32
      %sign3A_1649 = arith.cmpi sgt, %reduce_sum3A_1645, %sign3A_1648 : i32
      %sign3A_1650 = arith.extui %sign3A_1649 : i1 to i32
      %sign3A_1651 = arith.constant 0 : i32
      %sign3A_1652 = arith.cmpi slt, %reduce_sum3A_1645, %sign3A_1651 : i32
      %sign3A_1653 = arith.extui %sign3A_1652 : i1 to i32
      %sign3A_1654 = arith.subi %sign3A_1650, %sign3A_1653 : i32
      %sign3A_1655 = arith.constant 0 : i32
      %sign3A_1656 = arith.cmpi sgt, %jit3A_1646, %sign3A_1655 : i32
      %sign3A_1657 = arith.extui %sign3A_1656 : i1 to i32
      %sign3A_1658 = arith.constant 0 : i32
      %sign3A_1659 = arith.cmpi slt, %jit3A_1646, %sign3A_1658 : i32
      %sign3A_1660 = arith.extui %sign3A_1659 : i1 to i32
      %sign3A_1661 = arith.subi %sign3A_1657, %sign3A_1660 : i32
      %ne3A_1662 = arith.cmpi ne, %sign3A_1654, %sign3A_1661 : i32
      %rem3A_1663 = arith.remsi %reduce_sum3A_1645, %jit3A_1646 : i32
      %ne3A_1664 = arith.constant 0 : i32
      %ne3A_1665 = arith.cmpi ne, %rem3A_1663, %ne3A_1664 : i32
      %and3A_1666 = arith.andi %ne3A_1662, %ne3A_1665 : i1
      %sub3A_1667 = arith.constant 1 : i32
      %sub3A_1668 = arith.subi %div3A_1647, %sub3A_1667 : i32
      %select_n3A_1669 = arith.select %and3A_1666, %sub3A_1668, %div3A_1647 : i32
      %jit3A_1670 = arith.constant 256 : i32
      %div3A_1671 = arith.divsi %reduce_sum3A_1645, %jit3A_1670 : i32
      %sign3A_1672 = arith.constant 0 : i32
      %sign3A_1673 = arith.cmpi sgt, %reduce_sum3A_1645, %sign3A_1672 : i32
      %sign3A_1674 = arith.extui %sign3A_1673 : i1 to i32
      %sign3A_1675 = arith.constant 0 : i32
      %sign3A_1676 = arith.cmpi slt, %reduce_sum3A_1645, %sign3A_1675 : i32
      %sign3A_1677 = arith.extui %sign3A_1676 : i1 to i32
      %sign3A_1678 = arith.subi %sign3A_1674, %sign3A_1677 : i32
      %sign3A_1679 = arith.constant 0 : i32
      %sign3A_1680 = arith.cmpi sgt, %jit3A_1670, %sign3A_1679 : i32
      %sign3A_1681 = arith.extui %sign3A_1680 : i1 to i32
      %sign3A_1682 = arith.constant 0 : i32
      %sign3A_1683 = arith.cmpi slt, %jit3A_1670, %sign3A_1682 : i32
      %sign3A_1684 = arith.extui %sign3A_1683 : i1 to i32
      %sign3A_1685 = arith.subi %sign3A_1681, %sign3A_1684 : i32
      %ne3A_1686 = arith.cmpi ne, %sign3A_1678, %sign3A_1685 : i32
      %rem3A_1687 = arith.remsi %reduce_sum3A_1645, %jit3A_1670 : i32
      %ne3A_1688 = arith.constant 0 : i32
      %ne3A_1689 = arith.cmpi ne, %rem3A_1687, %ne3A_1688 : i32
      %and3A_1690 = arith.andi %ne3A_1686, %ne3A_1689 : i1
      %sub3A_1691 = arith.constant 1 : i32
      %sub3A_1692 = arith.subi %div3A_1671, %sub3A_1691 : i32
      %select_n3A_1693 = arith.select %and3A_1690, %sub3A_1692, %div3A_1671 : i32
      %jit3A_1694 = arith.constant 256 : i32
      %eq3A_1695 = arith.constant 0 : i32
      %eq3A_1696 = arith.cmpi eq, %jit3A_1694, %eq3A_1695 : i32
      %jit3A_1697 = arith.constant 1 : i32
      %select_n3A_1698 = arith.select %eq3A_1696, %jit3A_1697, %jit3A_1694 : i32
      %rem3A_1699 = arith.remsi %select_n3A_1693, %select_n3A_1698 : i32
      %ne3A_1700 = arith.constant 0 : i32
      %ne3A_1701 = arith.cmpi ne, %rem3A_1699, %ne3A_1700 : i32
      %lt3A_1702 = arith.constant 0 : i32
      %lt3A_1703 = arith.cmpi slt, %rem3A_1699, %lt3A_1702 : i32
      %lt3A_1704 = arith.constant 0 : i32
      %lt3A_1705 = arith.cmpi slt, %select_n3A_1698, %lt3A_1704 : i32
      %ne3A_1706 = arith.xori %lt3A_1703, %lt3A_1705 : i1
      %and3A_1707 = arith.andi %ne3A_1706, %ne3A_1701 : i1
      %add3A_1708 = arith.addi %rem3A_1699, %select_n3A_1698 : i32
      %select_n3A_1709 = arith.select %and3A_1707, %add3A_1708, %rem3A_1699 : i32
      %jit3A_1710 = arith.constant 256 : i32
      %eq3A_1711 = arith.constant 0 : i32
      %eq3A_1712 = arith.cmpi eq, %jit3A_1710, %eq3A_1711 : i32
      %jit3A_1713 = arith.constant 1 : i32
      %select_n3A_1714 = arith.select %eq3A_1712, %jit3A_1713, %jit3A_1710 : i32
      %rem3A_1715 = arith.remsi %reduce_sum3A_1645, %select_n3A_1714 : i32
      %ne3A_1716 = arith.constant 0 : i32
      %ne3A_1717 = arith.cmpi ne, %rem3A_1715, %ne3A_1716 : i32
      %lt3A_1718 = arith.constant 0 : i32
      %lt3A_1719 = arith.cmpi slt, %rem3A_1715, %lt3A_1718 : i32
      %lt3A_1720 = arith.constant 0 : i32
      %lt3A_1721 = arith.cmpi slt, %select_n3A_1714, %lt3A_1720 : i32
      %ne3A_1722 = arith.xori %lt3A_1719, %lt3A_1721 : i1
      %and3A_1723 = arith.andi %ne3A_1722, %ne3A_1717 : i1
      %add3A_1724 = arith.addi %rem3A_1715, %select_n3A_1714 : i32
      %select_n3A_1725 = arith.select %and3A_1723, %add3A_1724, %rem3A_1715 : i32
      %reduce_sum3A_1726 = vector.shape_cast %broadcast_in_dim3A_1139 : vector<1x1xf32> to vector<1x1x1xf32>
      %reduce_sum3A_1727 = arith.constant dense<0.000000e+00> : vector<1xf32>
      %reduce_sum3A_1728 = vector.multi_reduction <add>, %reduce_sum3A_1726, %reduce_sum3A_1727 [1, 2] : vector<1x1x1xf32> to vector<1xf32>
      %reduce_sum3A_1729 = vector.shape_cast %reduce_sum3A_1728 : vector<1xf32> to vector<1x1x1xf32>
      %reduce_sum3A_1730 = vector.extract %reduce_sum3A_1729[0, 0, 0] : f32 from vector<1x1x1xf32>
      %reduce_sum3A_1731 = vector.shape_cast %broadcast_in_dim3A_1227 : vector<1x1xi32> to vector<1x1x1xi32>
      %reduce_sum3A_1732 = arith.constant dense<0> : vector<1xi32>
      %reduce_sum3A_1733 = vector.multi_reduction <add>, %reduce_sum3A_1731, %reduce_sum3A_1732 [1, 2] : vector<1x1x1xi32> to vector<1xi32>
      %reduce_sum3A_1734 = vector.shape_cast %reduce_sum3A_1733 : vector<1xi32> to vector<1x1x1xi32>
      %reduce_sum3A_1735 = vector.extract %reduce_sum3A_1734[0, 0, 0] : i32 from vector<1x1x1xi32>
      %jit3A_1736 = arith.constant 65536 : i32
      %div3A_1737 = arith.divsi %reduce_sum3A_1735, %jit3A_1736 : i32
      %sign3A_1738 = arith.constant 0 : i32
      %sign3A_1739 = arith.cmpi sgt, %reduce_sum3A_1735, %sign3A_1738 : i32
      %sign3A_1740 = arith.extui %sign3A_1739 : i1 to i32
      %sign3A_1741 = arith.constant 0 : i32
      %sign3A_1742 = arith.cmpi slt, %reduce_sum3A_1735, %sign3A_1741 : i32
      %sign3A_1743 = arith.extui %sign3A_1742 : i1 to i32
      %sign3A_1744 = arith.subi %sign3A_1740, %sign3A_1743 : i32
      %sign3A_1745 = arith.constant 0 : i32
      %sign3A_1746 = arith.cmpi sgt, %jit3A_1736, %sign3A_1745 : i32
      %sign3A_1747 = arith.extui %sign3A_1746 : i1 to i32
      %sign3A_1748 = arith.constant 0 : i32
      %sign3A_1749 = arith.cmpi slt, %jit3A_1736, %sign3A_1748 : i32
      %sign3A_1750 = arith.extui %sign3A_1749 : i1 to i32
      %sign3A_1751 = arith.subi %sign3A_1747, %sign3A_1750 : i32
      %ne3A_1752 = arith.cmpi ne, %sign3A_1744, %sign3A_1751 : i32
      %rem3A_1753 = arith.remsi %reduce_sum3A_1735, %jit3A_1736 : i32
      %ne3A_1754 = arith.constant 0 : i32
      %ne3A_1755 = arith.cmpi ne, %rem3A_1753, %ne3A_1754 : i32
      %and3A_1756 = arith.andi %ne3A_1752, %ne3A_1755 : i1
      %sub3A_1757 = arith.constant 1 : i32
      %sub3A_1758 = arith.subi %div3A_1737, %sub3A_1757 : i32
      %select_n3A_1759 = arith.select %and3A_1756, %sub3A_1758, %div3A_1737 : i32
      %jit3A_1760 = arith.constant 256 : i32
      %div3A_1761 = arith.divsi %reduce_sum3A_1735, %jit3A_1760 : i32
      %sign3A_1762 = arith.constant 0 : i32
      %sign3A_1763 = arith.cmpi sgt, %reduce_sum3A_1735, %sign3A_1762 : i32
      %sign3A_1764 = arith.extui %sign3A_1763 : i1 to i32
      %sign3A_1765 = arith.constant 0 : i32
      %sign3A_1766 = arith.cmpi slt, %reduce_sum3A_1735, %sign3A_1765 : i32
      %sign3A_1767 = arith.extui %sign3A_1766 : i1 to i32
      %sign3A_1768 = arith.subi %sign3A_1764, %sign3A_1767 : i32
      %sign3A_1769 = arith.constant 0 : i32
      %sign3A_1770 = arith.cmpi sgt, %jit3A_1760, %sign3A_1769 : i32
      %sign3A_1771 = arith.extui %sign3A_1770 : i1 to i32
      %sign3A_1772 = arith.constant 0 : i32
      %sign3A_1773 = arith.cmpi slt, %jit3A_1760, %sign3A_1772 : i32
      %sign3A_1774 = arith.extui %sign3A_1773 : i1 to i32
      %sign3A_1775 = arith.subi %sign3A_1771, %sign3A_1774 : i32
      %ne3A_1776 = arith.cmpi ne, %sign3A_1768, %sign3A_1775 : i32
      %rem3A_1777 = arith.remsi %reduce_sum3A_1735, %jit3A_1760 : i32
      %ne3A_1778 = arith.constant 0 : i32
      %ne3A_1779 = arith.cmpi ne, %rem3A_1777, %ne3A_1778 : i32
      %and3A_1780 = arith.andi %ne3A_1776, %ne3A_1779 : i1
      %sub3A_1781 = arith.constant 1 : i32
      %sub3A_1782 = arith.subi %div3A_1761, %sub3A_1781 : i32
      %select_n3A_1783 = arith.select %and3A_1780, %sub3A_1782, %div3A_1761 : i32
      %jit3A_1784 = arith.constant 256 : i32
      %eq3A_1785 = arith.constant 0 : i32
      %eq3A_1786 = arith.cmpi eq, %jit3A_1784, %eq3A_1785 : i32
      %jit3A_1787 = arith.constant 1 : i32
      %select_n3A_1788 = arith.select %eq3A_1786, %jit3A_1787, %jit3A_1784 : i32
      %rem3A_1789 = arith.remsi %select_n3A_1783, %select_n3A_1788 : i32
      %ne3A_1790 = arith.constant 0 : i32
      %ne3A_1791 = arith.cmpi ne, %rem3A_1789, %ne3A_1790 : i32
      %lt3A_1792 = arith.constant 0 : i32
      %lt3A_1793 = arith.cmpi slt, %rem3A_1789, %lt3A_1792 : i32
      %lt3A_1794 = arith.constant 0 : i32
      %lt3A_1795 = arith.cmpi slt, %select_n3A_1788, %lt3A_1794 : i32
      %ne3A_1796 = arith.xori %lt3A_1793, %lt3A_1795 : i1
      %and3A_1797 = arith.andi %ne3A_1796, %ne3A_1791 : i1
      %add3A_1798 = arith.addi %rem3A_1789, %select_n3A_1788 : i32
      %select_n3A_1799 = arith.select %and3A_1797, %add3A_1798, %rem3A_1789 : i32
      %jit3A_1800 = arith.constant 256 : i32
      %eq3A_1801 = arith.constant 0 : i32
      %eq3A_1802 = arith.cmpi eq, %jit3A_1800, %eq3A_1801 : i32
      %jit3A_1803 = arith.constant 1 : i32
      %select_n3A_1804 = arith.select %eq3A_1802, %jit3A_1803, %jit3A_1800 : i32
      %rem3A_1805 = arith.remsi %reduce_sum3A_1735, %select_n3A_1804 : i32
      %ne3A_1806 = arith.constant 0 : i32
      %ne3A_1807 = arith.cmpi ne, %rem3A_1805, %ne3A_1806 : i32
      %lt3A_1808 = arith.constant 0 : i32
      %lt3A_1809 = arith.cmpi slt, %rem3A_1805, %lt3A_1808 : i32
      %lt3A_1810 = arith.constant 0 : i32
      %lt3A_1811 = arith.cmpi slt, %select_n3A_1804, %lt3A_1810 : i32
      %ne3A_1812 = arith.xori %lt3A_1809, %lt3A_1811 : i1
      %and3A_1813 = arith.andi %ne3A_1812, %ne3A_1807 : i1
      %add3A_1814 = arith.addi %rem3A_1805, %select_n3A_1804 : i32
      %select_n3A_1815 = arith.select %and3A_1813, %add3A_1814, %rem3A_1805 : i32
      %reduce_sum3A_1816 = vector.shape_cast %broadcast_in_dim3A_1150 : vector<1x1xf32> to vector<1x1x1xf32>
      %reduce_sum3A_1817 = arith.constant dense<0.000000e+00> : vector<1xf32>
      %reduce_sum3A_1818 = vector.multi_reduction <add>, %reduce_sum3A_1816, %reduce_sum3A_1817 [1, 2] : vector<1x1x1xf32> to vector<1xf32>
      %reduce_sum3A_1819 = vector.shape_cast %reduce_sum3A_1818 : vector<1xf32> to vector<1x1x1xf32>
      %reduce_sum3A_1820 = vector.extract %reduce_sum3A_1819[0, 0, 0] : f32 from vector<1x1x1xf32>
      %reduce_sum3A_1821 = vector.shape_cast %broadcast_in_dim3A_1238 : vector<1x1xi32> to vector<1x1x1xi32>
      %reduce_sum3A_1822 = arith.constant dense<0> : vector<1xi32>
      %reduce_sum3A_1823 = vector.multi_reduction <add>, %reduce_sum3A_1821, %reduce_sum3A_1822 [1, 2] : vector<1x1x1xi32> to vector<1xi32>
      %reduce_sum3A_1824 = vector.shape_cast %reduce_sum3A_1823 : vector<1xi32> to vector<1x1x1xi32>
      %reduce_sum3A_1825 = vector.extract %reduce_sum3A_1824[0, 0, 0] : i32 from vector<1x1x1xi32>
      %jit3A_1826 = arith.constant 65536 : i32
      %div3A_1827 = arith.divsi %reduce_sum3A_1825, %jit3A_1826 : i32
      %sign3A_1828 = arith.constant 0 : i32
      %sign3A_1829 = arith.cmpi sgt, %reduce_sum3A_1825, %sign3A_1828 : i32
      %sign3A_1830 = arith.extui %sign3A_1829 : i1 to i32
      %sign3A_1831 = arith.constant 0 : i32
      %sign3A_1832 = arith.cmpi slt, %reduce_sum3A_1825, %sign3A_1831 : i32
      %sign3A_1833 = arith.extui %sign3A_1832 : i1 to i32
      %sign3A_1834 = arith.subi %sign3A_1830, %sign3A_1833 : i32
      %sign3A_1835 = arith.constant 0 : i32
      %sign3A_1836 = arith.cmpi sgt, %jit3A_1826, %sign3A_1835 : i32
      %sign3A_1837 = arith.extui %sign3A_1836 : i1 to i32
      %sign3A_1838 = arith.constant 0 : i32
      %sign3A_1839 = arith.cmpi slt, %jit3A_1826, %sign3A_1838 : i32
      %sign3A_1840 = arith.extui %sign3A_1839 : i1 to i32
      %sign3A_1841 = arith.subi %sign3A_1837, %sign3A_1840 : i32
      %ne3A_1842 = arith.cmpi ne, %sign3A_1834, %sign3A_1841 : i32
      %rem3A_1843 = arith.remsi %reduce_sum3A_1825, %jit3A_1826 : i32
      %ne3A_1844 = arith.constant 0 : i32
      %ne3A_1845 = arith.cmpi ne, %rem3A_1843, %ne3A_1844 : i32
      %and3A_1846 = arith.andi %ne3A_1842, %ne3A_1845 : i1
      %sub3A_1847 = arith.constant 1 : i32
      %sub3A_1848 = arith.subi %div3A_1827, %sub3A_1847 : i32
      %select_n3A_1849 = arith.select %and3A_1846, %sub3A_1848, %div3A_1827 : i32
      %jit3A_1850 = arith.constant 256 : i32
      %div3A_1851 = arith.divsi %reduce_sum3A_1825, %jit3A_1850 : i32
      %sign3A_1852 = arith.constant 0 : i32
      %sign3A_1853 = arith.cmpi sgt, %reduce_sum3A_1825, %sign3A_1852 : i32
      %sign3A_1854 = arith.extui %sign3A_1853 : i1 to i32
      %sign3A_1855 = arith.constant 0 : i32
      %sign3A_1856 = arith.cmpi slt, %reduce_sum3A_1825, %sign3A_1855 : i32
      %sign3A_1857 = arith.extui %sign3A_1856 : i1 to i32
      %sign3A_1858 = arith.subi %sign3A_1854, %sign3A_1857 : i32
      %sign3A_1859 = arith.constant 0 : i32
      %sign3A_1860 = arith.cmpi sgt, %jit3A_1850, %sign3A_1859 : i32
      %sign3A_1861 = arith.extui %sign3A_1860 : i1 to i32
      %sign3A_1862 = arith.constant 0 : i32
      %sign3A_1863 = arith.cmpi slt, %jit3A_1850, %sign3A_1862 : i32
      %sign3A_1864 = arith.extui %sign3A_1863 : i1 to i32
      %sign3A_1865 = arith.subi %sign3A_1861, %sign3A_1864 : i32
      %ne3A_1866 = arith.cmpi ne, %sign3A_1858, %sign3A_1865 : i32
      %rem3A_1867 = arith.remsi %reduce_sum3A_1825, %jit3A_1850 : i32
      %ne3A_1868 = arith.constant 0 : i32
      %ne3A_1869 = arith.cmpi ne, %rem3A_1867, %ne3A_1868 : i32
      %and3A_1870 = arith.andi %ne3A_1866, %ne3A_1869 : i1
      %sub3A_1871 = arith.constant 1 : i32
      %sub3A_1872 = arith.subi %div3A_1851, %sub3A_1871 : i32
      %select_n3A_1873 = arith.select %and3A_1870, %sub3A_1872, %div3A_1851 : i32
      %jit3A_1874 = arith.constant 256 : i32
      %eq3A_1875 = arith.constant 0 : i32
      %eq3A_1876 = arith.cmpi eq, %jit3A_1874, %eq3A_1875 : i32
      %jit3A_1877 = arith.constant 1 : i32
      %select_n3A_1878 = arith.select %eq3A_1876, %jit3A_1877, %jit3A_1874 : i32
      %rem3A_1879 = arith.remsi %select_n3A_1873, %select_n3A_1878 : i32
      %ne3A_1880 = arith.constant 0 : i32
      %ne3A_1881 = arith.cmpi ne, %rem3A_1879, %ne3A_1880 : i32
      %lt3A_1882 = arith.constant 0 : i32
      %lt3A_1883 = arith.cmpi slt, %rem3A_1879, %lt3A_1882 : i32
      %lt3A_1884 = arith.constant 0 : i32
      %lt3A_1885 = arith.cmpi slt, %select_n3A_1878, %lt3A_1884 : i32
      %ne3A_1886 = arith.xori %lt3A_1883, %lt3A_1885 : i1
      %and3A_1887 = arith.andi %ne3A_1886, %ne3A_1881 : i1
      %add3A_1888 = arith.addi %rem3A_1879, %select_n3A_1878 : i32
      %select_n3A_1889 = arith.select %and3A_1887, %add3A_1888, %rem3A_1879 : i32
      %jit3A_1890 = arith.constant 256 : i32
      %eq3A_1891 = arith.constant 0 : i32
      %eq3A_1892 = arith.cmpi eq, %jit3A_1890, %eq3A_1891 : i32
      %jit3A_1893 = arith.constant 1 : i32
      %select_n3A_1894 = arith.select %eq3A_1892, %jit3A_1893, %jit3A_1890 : i32
      %rem3A_1895 = arith.remsi %reduce_sum3A_1825, %select_n3A_1894 : i32
      %ne3A_1896 = arith.constant 0 : i32
      %ne3A_1897 = arith.cmpi ne, %rem3A_1895, %ne3A_1896 : i32
      %lt3A_1898 = arith.constant 0 : i32
      %lt3A_1899 = arith.cmpi slt, %rem3A_1895, %lt3A_1898 : i32
      %lt3A_1900 = arith.constant 0 : i32
      %lt3A_1901 = arith.cmpi slt, %select_n3A_1894, %lt3A_1900 : i32
      %ne3A_1902 = arith.xori %lt3A_1899, %lt3A_1901 : i1
      %and3A_1903 = arith.andi %ne3A_1902, %ne3A_1897 : i1
      %add3A_1904 = arith.addi %rem3A_1895, %select_n3A_1894 : i32
      %select_n3A_1905 = arith.select %and3A_1903, %add3A_1904, %rem3A_1895 : i32
      %reduce_sum3A_1906 = vector.shape_cast %broadcast_in_dim3A_1161 : vector<1x1xf32> to vector<1x1x1xf32>
      %reduce_sum3A_1907 = arith.constant dense<0.000000e+00> : vector<1xf32>
      %reduce_sum3A_1908 = vector.multi_reduction <add>, %reduce_sum3A_1906, %reduce_sum3A_1907 [1, 2] : vector<1x1x1xf32> to vector<1xf32>
      %reduce_sum3A_1909 = vector.shape_cast %reduce_sum3A_1908 : vector<1xf32> to vector<1x1x1xf32>
      %reduce_sum3A_1910 = vector.extract %reduce_sum3A_1909[0, 0, 0] : f32 from vector<1x1x1xf32>
      %reduce_sum3A_1911 = vector.shape_cast %broadcast_in_dim3A_1249 : vector<1x1xi32> to vector<1x1x1xi32>
      %reduce_sum3A_1912 = arith.constant dense<0> : vector<1xi32>
      %reduce_sum3A_1913 = vector.multi_reduction <add>, %reduce_sum3A_1911, %reduce_sum3A_1912 [1, 2] : vector<1x1x1xi32> to vector<1xi32>
      %reduce_sum3A_1914 = vector.shape_cast %reduce_sum3A_1913 : vector<1xi32> to vector<1x1x1xi32>
      %reduce_sum3A_1915 = vector.extract %reduce_sum3A_1914[0, 0, 0] : i32 from vector<1x1x1xi32>
      %jit3A_1916 = arith.constant 65536 : i32
      %div3A_1917 = arith.divsi %reduce_sum3A_1915, %jit3A_1916 : i32
      %sign3A_1918 = arith.constant 0 : i32
      %sign3A_1919 = arith.cmpi sgt, %reduce_sum3A_1915, %sign3A_1918 : i32
      %sign3A_1920 = arith.extui %sign3A_1919 : i1 to i32
      %sign3A_1921 = arith.constant 0 : i32
      %sign3A_1922 = arith.cmpi slt, %reduce_sum3A_1915, %sign3A_1921 : i32
      %sign3A_1923 = arith.extui %sign3A_1922 : i1 to i32
      %sign3A_1924 = arith.subi %sign3A_1920, %sign3A_1923 : i32
      %sign3A_1925 = arith.constant 0 : i32
      %sign3A_1926 = arith.cmpi sgt, %jit3A_1916, %sign3A_1925 : i32
      %sign3A_1927 = arith.extui %sign3A_1926 : i1 to i32
      %sign3A_1928 = arith.constant 0 : i32
      %sign3A_1929 = arith.cmpi slt, %jit3A_1916, %sign3A_1928 : i32
      %sign3A_1930 = arith.extui %sign3A_1929 : i1 to i32
      %sign3A_1931 = arith.subi %sign3A_1927, %sign3A_1930 : i32
      %ne3A_1932 = arith.cmpi ne, %sign3A_1924, %sign3A_1931 : i32
      %rem3A_1933 = arith.remsi %reduce_sum3A_1915, %jit3A_1916 : i32
      %ne3A_1934 = arith.constant 0 : i32
      %ne3A_1935 = arith.cmpi ne, %rem3A_1933, %ne3A_1934 : i32
      %and3A_1936 = arith.andi %ne3A_1932, %ne3A_1935 : i1
      %sub3A_1937 = arith.constant 1 : i32
      %sub3A_1938 = arith.subi %div3A_1917, %sub3A_1937 : i32
      %select_n3A_1939 = arith.select %and3A_1936, %sub3A_1938, %div3A_1917 : i32
      %jit3A_1940 = arith.constant 256 : i32
      %div3A_1941 = arith.divsi %reduce_sum3A_1915, %jit3A_1940 : i32
      %sign3A_1942 = arith.constant 0 : i32
      %sign3A_1943 = arith.cmpi sgt, %reduce_sum3A_1915, %sign3A_1942 : i32
      %sign3A_1944 = arith.extui %sign3A_1943 : i1 to i32
      %sign3A_1945 = arith.constant 0 : i32
      %sign3A_1946 = arith.cmpi slt, %reduce_sum3A_1915, %sign3A_1945 : i32
      %sign3A_1947 = arith.extui %sign3A_1946 : i1 to i32
      %sign3A_1948 = arith.subi %sign3A_1944, %sign3A_1947 : i32
      %sign3A_1949 = arith.constant 0 : i32
      %sign3A_1950 = arith.cmpi sgt, %jit3A_1940, %sign3A_1949 : i32
      %sign3A_1951 = arith.extui %sign3A_1950 : i1 to i32
      %sign3A_1952 = arith.constant 0 : i32
      %sign3A_1953 = arith.cmpi slt, %jit3A_1940, %sign3A_1952 : i32
      %sign3A_1954 = arith.extui %sign3A_1953 : i1 to i32
      %sign3A_1955 = arith.subi %sign3A_1951, %sign3A_1954 : i32
      %ne3A_1956 = arith.cmpi ne, %sign3A_1948, %sign3A_1955 : i32
      %rem3A_1957 = arith.remsi %reduce_sum3A_1915, %jit3A_1940 : i32
      %ne3A_1958 = arith.constant 0 : i32
      %ne3A_1959 = arith.cmpi ne, %rem3A_1957, %ne3A_1958 : i32
      %and3A_1960 = arith.andi %ne3A_1956, %ne3A_1959 : i1
      %sub3A_1961 = arith.constant 1 : i32
      %sub3A_1962 = arith.subi %div3A_1941, %sub3A_1961 : i32
      %select_n3A_1963 = arith.select %and3A_1960, %sub3A_1962, %div3A_1941 : i32
      %jit3A_1964 = arith.constant 256 : i32
      %eq3A_1965 = arith.constant 0 : i32
      %eq3A_1966 = arith.cmpi eq, %jit3A_1964, %eq3A_1965 : i32
      %jit3A_1967 = arith.constant 1 : i32
      %select_n3A_1968 = arith.select %eq3A_1966, %jit3A_1967, %jit3A_1964 : i32
      %rem3A_1969 = arith.remsi %select_n3A_1963, %select_n3A_1968 : i32
      %ne3A_1970 = arith.constant 0 : i32
      %ne3A_1971 = arith.cmpi ne, %rem3A_1969, %ne3A_1970 : i32
      %lt3A_1972 = arith.constant 0 : i32
      %lt3A_1973 = arith.cmpi slt, %rem3A_1969, %lt3A_1972 : i32
      %lt3A_1974 = arith.constant 0 : i32
      %lt3A_1975 = arith.cmpi slt, %select_n3A_1968, %lt3A_1974 : i32
      %ne3A_1976 = arith.xori %lt3A_1973, %lt3A_1975 : i1
      %and3A_1977 = arith.andi %ne3A_1976, %ne3A_1971 : i1
      %add3A_1978 = arith.addi %rem3A_1969, %select_n3A_1968 : i32
      %select_n3A_1979 = arith.select %and3A_1977, %add3A_1978, %rem3A_1969 : i32
      %jit3A_1980 = arith.constant 256 : i32
      %eq3A_1981 = arith.constant 0 : i32
      %eq3A_1982 = arith.cmpi eq, %jit3A_1980, %eq3A_1981 : i32
      %jit3A_1983 = arith.constant 1 : i32
      %select_n3A_1984 = arith.select %eq3A_1982, %jit3A_1983, %jit3A_1980 : i32
      %rem3A_1985 = arith.remsi %reduce_sum3A_1915, %select_n3A_1984 : i32
      %ne3A_1986 = arith.constant 0 : i32
      %ne3A_1987 = arith.cmpi ne, %rem3A_1985, %ne3A_1986 : i32
      %lt3A_1988 = arith.constant 0 : i32
      %lt3A_1989 = arith.cmpi slt, %rem3A_1985, %lt3A_1988 : i32
      %lt3A_1990 = arith.constant 0 : i32
      %lt3A_1991 = arith.cmpi slt, %select_n3A_1984, %lt3A_1990 : i32
      %ne3A_1992 = arith.xori %lt3A_1989, %lt3A_1991 : i1
      %and3A_1993 = arith.andi %ne3A_1992, %ne3A_1987 : i1
      %add3A_1994 = arith.addi %rem3A_1985, %select_n3A_1984 : i32
      %select_n3A_1995 = arith.select %and3A_1993, %add3A_1994, %rem3A_1985 : i32
      %reduce_sum3A_1996 = vector.shape_cast %broadcast_in_dim3A_1172 : vector<1x1xf32> to vector<1x1x1xf32>
      %reduce_sum3A_1997 = arith.constant dense<0.000000e+00> : vector<1xf32>
      %reduce_sum3A_1998 = vector.multi_reduction <add>, %reduce_sum3A_1996, %reduce_sum3A_1997 [1, 2] : vector<1x1x1xf32> to vector<1xf32>
      %reduce_sum3A_1999 = vector.shape_cast %reduce_sum3A_1998 : vector<1xf32> to vector<1x1x1xf32>
      %reduce_sum3A_2000 = vector.extract %reduce_sum3A_1999[0, 0, 0] : f32 from vector<1x1x1xf32>
      %reduce_sum3A_2001 = vector.shape_cast %broadcast_in_dim3A_1260 : vector<1x1xi32> to vector<1x1x1xi32>
      %reduce_sum3A_2002 = arith.constant dense<0> : vector<1xi32>
      %reduce_sum3A_2003 = vector.multi_reduction <add>, %reduce_sum3A_2001, %reduce_sum3A_2002 [1, 2] : vector<1x1x1xi32> to vector<1xi32>
      %reduce_sum3A_2004 = vector.shape_cast %reduce_sum3A_2003 : vector<1xi32> to vector<1x1x1xi32>
      %reduce_sum3A_2005 = vector.extract %reduce_sum3A_2004[0, 0, 0] : i32 from vector<1x1x1xi32>
      %jit3A_2006 = arith.constant 65536 : i32
      %div3A_2007 = arith.divsi %reduce_sum3A_2005, %jit3A_2006 : i32
      %sign3A_2008 = arith.constant 0 : i32
      %sign3A_2009 = arith.cmpi sgt, %reduce_sum3A_2005, %sign3A_2008 : i32
      %sign3A_2010 = arith.extui %sign3A_2009 : i1 to i32
      %sign3A_2011 = arith.constant 0 : i32
      %sign3A_2012 = arith.cmpi slt, %reduce_sum3A_2005, %sign3A_2011 : i32
      %sign3A_2013 = arith.extui %sign3A_2012 : i1 to i32
      %sign3A_2014 = arith.subi %sign3A_2010, %sign3A_2013 : i32
      %sign3A_2015 = arith.constant 0 : i32
      %sign3A_2016 = arith.cmpi sgt, %jit3A_2006, %sign3A_2015 : i32
      %sign3A_2017 = arith.extui %sign3A_2016 : i1 to i32
      %sign3A_2018 = arith.constant 0 : i32
      %sign3A_2019 = arith.cmpi slt, %jit3A_2006, %sign3A_2018 : i32
      %sign3A_2020 = arith.extui %sign3A_2019 : i1 to i32
      %sign3A_2021 = arith.subi %sign3A_2017, %sign3A_2020 : i32
      %ne3A_2022 = arith.cmpi ne, %sign3A_2014, %sign3A_2021 : i32
      %rem3A_2023 = arith.remsi %reduce_sum3A_2005, %jit3A_2006 : i32
      %ne3A_2024 = arith.constant 0 : i32
      %ne3A_2025 = arith.cmpi ne, %rem3A_2023, %ne3A_2024 : i32
      %and3A_2026 = arith.andi %ne3A_2022, %ne3A_2025 : i1
      %sub3A_2027 = arith.constant 1 : i32
      %sub3A_2028 = arith.subi %div3A_2007, %sub3A_2027 : i32
      %select_n3A_2029 = arith.select %and3A_2026, %sub3A_2028, %div3A_2007 : i32
      %jit3A_2030 = arith.constant 256 : i32
      %div3A_2031 = arith.divsi %reduce_sum3A_2005, %jit3A_2030 : i32
      %sign3A_2032 = arith.constant 0 : i32
      %sign3A_2033 = arith.cmpi sgt, %reduce_sum3A_2005, %sign3A_2032 : i32
      %sign3A_2034 = arith.extui %sign3A_2033 : i1 to i32
      %sign3A_2035 = arith.constant 0 : i32
      %sign3A_2036 = arith.cmpi slt, %reduce_sum3A_2005, %sign3A_2035 : i32
      %sign3A_2037 = arith.extui %sign3A_2036 : i1 to i32
      %sign3A_2038 = arith.subi %sign3A_2034, %sign3A_2037 : i32
      %sign3A_2039 = arith.constant 0 : i32
      %sign3A_2040 = arith.cmpi sgt, %jit3A_2030, %sign3A_2039 : i32
      %sign3A_2041 = arith.extui %sign3A_2040 : i1 to i32
      %sign3A_2042 = arith.constant 0 : i32
      %sign3A_2043 = arith.cmpi slt, %jit3A_2030, %sign3A_2042 : i32
      %sign3A_2044 = arith.extui %sign3A_2043 : i1 to i32
      %sign3A_2045 = arith.subi %sign3A_2041, %sign3A_2044 : i32
      %ne3A_2046 = arith.cmpi ne, %sign3A_2038, %sign3A_2045 : i32
      %rem3A_2047 = arith.remsi %reduce_sum3A_2005, %jit3A_2030 : i32
      %ne3A_2048 = arith.constant 0 : i32
      %ne3A_2049 = arith.cmpi ne, %rem3A_2047, %ne3A_2048 : i32
      %and3A_2050 = arith.andi %ne3A_2046, %ne3A_2049 : i1
      %sub3A_2051 = arith.constant 1 : i32
      %sub3A_2052 = arith.subi %div3A_2031, %sub3A_2051 : i32
      %select_n3A_2053 = arith.select %and3A_2050, %sub3A_2052, %div3A_2031 : i32
      %jit3A_2054 = arith.constant 256 : i32
      %eq3A_2055 = arith.constant 0 : i32
      %eq3A_2056 = arith.cmpi eq, %jit3A_2054, %eq3A_2055 : i32
      %jit3A_2057 = arith.constant 1 : i32
      %select_n3A_2058 = arith.select %eq3A_2056, %jit3A_2057, %jit3A_2054 : i32
      %rem3A_2059 = arith.remsi %select_n3A_2053, %select_n3A_2058 : i32
      %ne3A_2060 = arith.constant 0 : i32
      %ne3A_2061 = arith.cmpi ne, %rem3A_2059, %ne3A_2060 : i32
      %lt3A_2062 = arith.constant 0 : i32
      %lt3A_2063 = arith.cmpi slt, %rem3A_2059, %lt3A_2062 : i32
      %lt3A_2064 = arith.constant 0 : i32
      %lt3A_2065 = arith.cmpi slt, %select_n3A_2058, %lt3A_2064 : i32
      %ne3A_2066 = arith.xori %lt3A_2063, %lt3A_2065 : i1
      %and3A_2067 = arith.andi %ne3A_2066, %ne3A_2061 : i1
      %add3A_2068 = arith.addi %rem3A_2059, %select_n3A_2058 : i32
      %select_n3A_2069 = arith.select %and3A_2067, %add3A_2068, %rem3A_2059 : i32
      %jit3A_2070 = arith.constant 256 : i32
      %eq3A_2071 = arith.constant 0 : i32
      %eq3A_2072 = arith.cmpi eq, %jit3A_2070, %eq3A_2071 : i32
      %jit3A_2073 = arith.constant 1 : i32
      %select_n3A_2074 = arith.select %eq3A_2072, %jit3A_2073, %jit3A_2070 : i32
      %rem3A_2075 = arith.remsi %reduce_sum3A_2005, %select_n3A_2074 : i32
      %ne3A_2076 = arith.constant 0 : i32
      %ne3A_2077 = arith.cmpi ne, %rem3A_2075, %ne3A_2076 : i32
      %lt3A_2078 = arith.constant 0 : i32
      %lt3A_2079 = arith.cmpi slt, %rem3A_2075, %lt3A_2078 : i32
      %lt3A_2080 = arith.constant 0 : i32
      %lt3A_2081 = arith.cmpi slt, %select_n3A_2074, %lt3A_2080 : i32
      %ne3A_2082 = arith.xori %lt3A_2079, %lt3A_2081 : i1
      %and3A_2083 = arith.andi %ne3A_2082, %ne3A_2077 : i1
      %add3A_2084 = arith.addi %rem3A_2075, %select_n3A_2074 : i32
      %select_n3A_2085 = arith.select %and3A_2083, %add3A_2084, %rem3A_2075 : i32
      %broadcast_in_dim3A_2086 = arith.constant 0 : i32
      %broadcast_in_dim3A_2087 = vector.broadcast %broadcast_in_dim3A_2086 : i32 to vector<1x128xi32>
      %broadcast_in_dim3A_2088 = arith.constant 0 : i32
      %broadcast_in_dim3A_2089 = vector.broadcast %broadcast_in_dim3A_2088 : i32 to vector<1x128xi32>
      %broadcast_in_dim3A_2090 = arith.constant 0 : i32
      %broadcast_in_dim3A_2091 = vector.broadcast %broadcast_in_dim3A_2090 : i32 to vector<1x128xi32>
      %eq3A_2092 = arith.constant 0 : i32
      %eq3A_2093 = vector.broadcast %eq3A_2092 : i32 to vector<1x128xi32>
      %eq3A_2094 = arith.cmpi eq, %iota3A, %eq3A_2093 : vector<1x128xi32>
      %broadcast_in_dim3A_2095 = vector.broadcast %select_n3A_1399 : i32 to vector<1x128xi32>
      %select_n3A_2096 = arith.select %eq3A_2094, %broadcast_in_dim3A_2095, %broadcast_in_dim3A_2087 : vector<1x128xi1>, vector<1x128xi32>
      %eq3A_2097 = arith.constant 0 : i32
      %eq3A_2098 = vector.broadcast %eq3A_2097 : i32 to vector<1x128xi32>
      %eq3A_2099 = arith.cmpi eq, %iota3A, %eq3A_2098 : vector<1x128xi32>
      %broadcast_in_dim3A_2100 = vector.broadcast %select_n3A_1439 : i32 to vector<1x128xi32>
      %select_n3A_2101 = arith.select %eq3A_2099, %broadcast_in_dim3A_2100, %broadcast_in_dim3A_2089 : vector<1x128xi1>, vector<1x128xi32>
      %eq3A_2102 = arith.constant 0 : i32
      %eq3A_2103 = vector.broadcast %eq3A_2102 : i32 to vector<1x128xi32>
      %eq3A_2104 = arith.cmpi eq, %iota3A, %eq3A_2103 : vector<1x128xi32>
      %broadcast_in_dim3A_2105 = vector.broadcast %select_n3A_1455 : i32 to vector<1x128xi32>
      %select_n3A_2106 = arith.select %eq3A_2104, %broadcast_in_dim3A_2105, %broadcast_in_dim3A_2091 : vector<1x128xi1>, vector<1x128xi32>
      %eq3A_2107 = arith.constant 1 : i32
      %eq3A_2108 = vector.broadcast %eq3A_2107 : i32 to vector<1x128xi32>
      %eq3A_2109 = arith.cmpi eq, %iota3A, %eq3A_2108 : vector<1x128xi32>
      %broadcast_in_dim3A_2110 = vector.broadcast %select_n3A_1489 : i32 to vector<1x128xi32>
      %select_n3A_2111 = arith.select %eq3A_2109, %broadcast_in_dim3A_2110, %select_n3A_2096 : vector<1x128xi1>, vector<1x128xi32>
      %eq3A_2112 = arith.constant 1 : i32
      %eq3A_2113 = vector.broadcast %eq3A_2112 : i32 to vector<1x128xi32>
      %eq3A_2114 = arith.cmpi eq, %iota3A, %eq3A_2113 : vector<1x128xi32>
      %broadcast_in_dim3A_2115 = vector.broadcast %select_n3A_1529 : i32 to vector<1x128xi32>
      %select_n3A_2116 = arith.select %eq3A_2114, %broadcast_in_dim3A_2115, %select_n3A_2101 : vector<1x128xi1>, vector<1x128xi32>
      %eq3A_2117 = arith.constant 1 : i32
      %eq3A_2118 = vector.broadcast %eq3A_2117 : i32 to vector<1x128xi32>
      %eq3A_2119 = arith.cmpi eq, %iota3A, %eq3A_2118 : vector<1x128xi32>
      %broadcast_in_dim3A_2120 = vector.broadcast %select_n3A_1545 : i32 to vector<1x128xi32>
      %select_n3A_2121 = arith.select %eq3A_2119, %broadcast_in_dim3A_2120, %select_n3A_2106 : vector<1x128xi1>, vector<1x128xi32>
      %eq3A_2122 = arith.constant 2 : i32
      %eq3A_2123 = vector.broadcast %eq3A_2122 : i32 to vector<1x128xi32>
      %eq3A_2124 = arith.cmpi eq, %iota3A, %eq3A_2123 : vector<1x128xi32>
      %broadcast_in_dim3A_2125 = vector.broadcast %select_n3A_1579 : i32 to vector<1x128xi32>
      %select_n3A_2126 = arith.select %eq3A_2124, %broadcast_in_dim3A_2125, %select_n3A_2111 : vector<1x128xi1>, vector<1x128xi32>
      %eq3A_2127 = arith.constant 2 : i32
      %eq3A_2128 = vector.broadcast %eq3A_2127 : i32 to vector<1x128xi32>
      %eq3A_2129 = arith.cmpi eq, %iota3A, %eq3A_2128 : vector<1x128xi32>
      %broadcast_in_dim3A_2130 = vector.broadcast %select_n3A_1619 : i32 to vector<1x128xi32>
      %select_n3A_2131 = arith.select %eq3A_2129, %broadcast_in_dim3A_2130, %select_n3A_2116 : vector<1x128xi1>, vector<1x128xi32>
      %eq3A_2132 = arith.constant 2 : i32
      %eq3A_2133 = vector.broadcast %eq3A_2132 : i32 to vector<1x128xi32>
      %eq3A_2134 = arith.cmpi eq, %iota3A, %eq3A_2133 : vector<1x128xi32>
      %broadcast_in_dim3A_2135 = vector.broadcast %select_n3A_1635 : i32 to vector<1x128xi32>
      %select_n3A_2136 = arith.select %eq3A_2134, %broadcast_in_dim3A_2135, %select_n3A_2121 : vector<1x128xi1>, vector<1x128xi32>
      %eq3A_2137 = arith.constant 3 : i32
      %eq3A_2138 = vector.broadcast %eq3A_2137 : i32 to vector<1x128xi32>
      %eq3A_2139 = arith.cmpi eq, %iota3A, %eq3A_2138 : vector<1x128xi32>
      %broadcast_in_dim3A_2140 = vector.broadcast %select_n3A_1669 : i32 to vector<1x128xi32>
      %select_n3A_2141 = arith.select %eq3A_2139, %broadcast_in_dim3A_2140, %select_n3A_2126 : vector<1x128xi1>, vector<1x128xi32>
      %eq3A_2142 = arith.constant 3 : i32
      %eq3A_2143 = vector.broadcast %eq3A_2142 : i32 to vector<1x128xi32>
      %eq3A_2144 = arith.cmpi eq, %iota3A, %eq3A_2143 : vector<1x128xi32>
      %broadcast_in_dim3A_2145 = vector.broadcast %select_n3A_1709 : i32 to vector<1x128xi32>
      %select_n3A_2146 = arith.select %eq3A_2144, %broadcast_in_dim3A_2145, %select_n3A_2131 : vector<1x128xi1>, vector<1x128xi32>
      %eq3A_2147 = arith.constant 3 : i32
      %eq3A_2148 = vector.broadcast %eq3A_2147 : i32 to vector<1x128xi32>
      %eq3A_2149 = arith.cmpi eq, %iota3A, %eq3A_2148 : vector<1x128xi32>
      %broadcast_in_dim3A_2150 = vector.broadcast %select_n3A_1725 : i32 to vector<1x128xi32>
      %select_n3A_2151 = arith.select %eq3A_2149, %broadcast_in_dim3A_2150, %select_n3A_2136 : vector<1x128xi1>, vector<1x128xi32>
      %eq3A_2152 = arith.constant 4 : i32
      %eq3A_2153 = vector.broadcast %eq3A_2152 : i32 to vector<1x128xi32>
      %eq3A_2154 = arith.cmpi eq, %iota3A, %eq3A_2153 : vector<1x128xi32>
      %broadcast_in_dim3A_2155 = vector.broadcast %select_n3A_1759 : i32 to vector<1x128xi32>
      %select_n3A_2156 = arith.select %eq3A_2154, %broadcast_in_dim3A_2155, %select_n3A_2141 : vector<1x128xi1>, vector<1x128xi32>
      %eq3A_2157 = arith.constant 4 : i32
      %eq3A_2158 = vector.broadcast %eq3A_2157 : i32 to vector<1x128xi32>
      %eq3A_2159 = arith.cmpi eq, %iota3A, %eq3A_2158 : vector<1x128xi32>
      %broadcast_in_dim3A_2160 = vector.broadcast %select_n3A_1799 : i32 to vector<1x128xi32>
      %select_n3A_2161 = arith.select %eq3A_2159, %broadcast_in_dim3A_2160, %select_n3A_2146 : vector<1x128xi1>, vector<1x128xi32>
      %eq3A_2162 = arith.constant 4 : i32
      %eq3A_2163 = vector.broadcast %eq3A_2162 : i32 to vector<1x128xi32>
      %eq3A_2164 = arith.cmpi eq, %iota3A, %eq3A_2163 : vector<1x128xi32>
      %broadcast_in_dim3A_2165 = vector.broadcast %select_n3A_1815 : i32 to vector<1x128xi32>
      %select_n3A_2166 = arith.select %eq3A_2164, %broadcast_in_dim3A_2165, %select_n3A_2151 : vector<1x128xi1>, vector<1x128xi32>
      %eq3A_2167 = arith.constant 5 : i32
      %eq3A_2168 = vector.broadcast %eq3A_2167 : i32 to vector<1x128xi32>
      %eq3A_2169 = arith.cmpi eq, %iota3A, %eq3A_2168 : vector<1x128xi32>
      %broadcast_in_dim3A_2170 = vector.broadcast %select_n3A_1849 : i32 to vector<1x128xi32>
      %select_n3A_2171 = arith.select %eq3A_2169, %broadcast_in_dim3A_2170, %select_n3A_2156 : vector<1x128xi1>, vector<1x128xi32>
      %eq3A_2172 = arith.constant 5 : i32
      %eq3A_2173 = vector.broadcast %eq3A_2172 : i32 to vector<1x128xi32>
      %eq3A_2174 = arith.cmpi eq, %iota3A, %eq3A_2173 : vector<1x128xi32>
      %broadcast_in_dim3A_2175 = vector.broadcast %select_n3A_1889 : i32 to vector<1x128xi32>
      %select_n3A_2176 = arith.select %eq3A_2174, %broadcast_in_dim3A_2175, %select_n3A_2161 : vector<1x128xi1>, vector<1x128xi32>
      %eq3A_2177 = arith.constant 5 : i32
      %eq3A_2178 = vector.broadcast %eq3A_2177 : i32 to vector<1x128xi32>
      %eq3A_2179 = arith.cmpi eq, %iota3A, %eq3A_2178 : vector<1x128xi32>
      %broadcast_in_dim3A_2180 = vector.broadcast %select_n3A_1905 : i32 to vector<1x128xi32>
      %select_n3A_2181 = arith.select %eq3A_2179, %broadcast_in_dim3A_2180, %select_n3A_2166 : vector<1x128xi1>, vector<1x128xi32>
      %eq3A_2182 = arith.constant 6 : i32
      %eq3A_2183 = vector.broadcast %eq3A_2182 : i32 to vector<1x128xi32>
      %eq3A_2184 = arith.cmpi eq, %iota3A, %eq3A_2183 : vector<1x128xi32>
      %broadcast_in_dim3A_2185 = vector.broadcast %select_n3A_1939 : i32 to vector<1x128xi32>
      %select_n3A_2186 = arith.select %eq3A_2184, %broadcast_in_dim3A_2185, %select_n3A_2171 : vector<1x128xi1>, vector<1x128xi32>
      %eq3A_2187 = arith.constant 6 : i32
      %eq3A_2188 = vector.broadcast %eq3A_2187 : i32 to vector<1x128xi32>
      %eq3A_2189 = arith.cmpi eq, %iota3A, %eq3A_2188 : vector<1x128xi32>
      %broadcast_in_dim3A_2190 = vector.broadcast %select_n3A_1979 : i32 to vector<1x128xi32>
      %select_n3A_2191 = arith.select %eq3A_2189, %broadcast_in_dim3A_2190, %select_n3A_2176 : vector<1x128xi1>, vector<1x128xi32>
      %eq3A_2192 = arith.constant 6 : i32
      %eq3A_2193 = vector.broadcast %eq3A_2192 : i32 to vector<1x128xi32>
      %eq3A_2194 = arith.cmpi eq, %iota3A, %eq3A_2193 : vector<1x128xi32>
      %broadcast_in_dim3A_2195 = vector.broadcast %select_n3A_1995 : i32 to vector<1x128xi32>
      %select_n3A_2196 = arith.select %eq3A_2194, %broadcast_in_dim3A_2195, %select_n3A_2181 : vector<1x128xi1>, vector<1x128xi32>
      %eq3A_2197 = arith.constant 7 : i32
      %eq3A_2198 = vector.broadcast %eq3A_2197 : i32 to vector<1x128xi32>
      %eq3A_2199 = arith.cmpi eq, %iota3A, %eq3A_2198 : vector<1x128xi32>
      %broadcast_in_dim3A_2200 = vector.broadcast %select_n3A_2029 : i32 to vector<1x128xi32>
      %select_n3A_2201 = arith.select %eq3A_2199, %broadcast_in_dim3A_2200, %select_n3A_2186 : vector<1x128xi1>, vector<1x128xi32>
      %eq3A_2202 = arith.constant 7 : i32
      %eq3A_2203 = vector.broadcast %eq3A_2202 : i32 to vector<1x128xi32>
      %eq3A_2204 = arith.cmpi eq, %iota3A, %eq3A_2203 : vector<1x128xi32>
      %broadcast_in_dim3A_2205 = vector.broadcast %select_n3A_2069 : i32 to vector<1x128xi32>
      %select_n3A_2206 = arith.select %eq3A_2204, %broadcast_in_dim3A_2205, %select_n3A_2191 : vector<1x128xi1>, vector<1x128xi32>
      %eq3A_2207 = arith.constant 7 : i32
      %eq3A_2208 = vector.broadcast %eq3A_2207 : i32 to vector<1x128xi32>
      %eq3A_2209 = arith.cmpi eq, %iota3A, %eq3A_2208 : vector<1x128xi32>
      %broadcast_in_dim3A_2210 = vector.broadcast %select_n3A_2085 : i32 to vector<1x128xi32>
      %select_n3A_2211 = arith.select %eq3A_2209, %broadcast_in_dim3A_2210, %select_n3A_2196 : vector<1x128xi1>, vector<1x128xi32>
      %swap3A_2212 = arith.index_cast %arg0 : i32 to index
      %swap3A_2213 = arith.constant 0 : index
      %swap3A_2214 = vector.load %arg5[%swap3A_2212, %swap3A_2213] : memref<512x128xi32, #tpu.memory_space<vmem>>, vector<1x128xi32>
      tpu.vector_store %arg5[%swap3A_2212, %swap3A_2213], %select_n3A_2201 {strides = array<i32>} : memref<512x128xi32, #tpu.memory_space<vmem>>, vector<1x128xi32>,
      %swap3A_2215 = arith.index_cast %arg0 : i32 to index
      %swap3A_2216 = arith.constant 0 : index
      %swap3A_2217 = vector.load %arg6[%swap3A_2215, %swap3A_2216] : memref<512x128xi32, #tpu.memory_space<vmem>>, vector<1x128xi32>
      tpu.vector_store %arg6[%swap3A_2215, %swap3A_2216], %select_n3A_2206 {strides = array<i32>} : memref<512x128xi32, #tpu.memory_space<vmem>>, vector<1x128xi32>,
      %swap3A_2218 = arith.index_cast %arg0 : i32 to index
      %swap3A_2219 = arith.constant 0 : index
      %swap3A_2220 = vector.load %arg7[%swap3A_2218, %swap3A_2219] : memref<512x128xi32, #tpu.memory_space<vmem>>, vector<1x128xi32>
      tpu.vector_store %arg7[%swap3A_2218, %swap3A_2219], %select_n3A_2211 {strides = array<i32>} : memref<512x128xi32, #tpu.memory_space<vmem>>, vector<1x128xi32>,
      %swap3A_2221 = arith.constant 0 : index
      %swap3A_2222 = memref.load %arg8[%swap3A_2221] : memref<8xf32, #tpu.memory_space<smem>>
      memref.store %reduce_sum3A_1370, %arg8[%swap3A_2221] : memref<8xf32, #tpu.memory_space<smem>>
      %swap3A_2223 = arith.constant 0 : index
      %swap3A_2224 = memref.load %arg9[%swap3A_2223] : memref<8xi32, #tpu.memory_space<smem>>
      memref.store %select_n3A_1439, %arg9[%swap3A_2223] : memref<8xi32, #tpu.memory_space<smem>>
      %swap3A_2225 = arith.constant 0 : index
      %swap3A_2226 = memref.load %arg10[%swap3A_2225] : memref<8xi32, #tpu.memory_space<smem>>
      memref.store %select_n3A_1455, %arg10[%swap3A_2225] : memref<8xi32, #tpu.memory_space<smem>>
      %swap3A_2227 = arith.constant 1 : index
      %swap3A_2228 = memref.load %arg8[%swap3A_2227] : memref<8xf32, #tpu.memory_space<smem>>
      memref.store %reduce_sum3A_1460, %arg8[%swap3A_2227] : memref<8xf32, #tpu.memory_space<smem>>
      %swap3A_2229 = arith.constant 1 : index
      %swap3A_2230 = memref.load %arg9[%swap3A_2229] : memref<8xi32, #tpu.memory_space<smem>>
      memref.store %select_n3A_1529, %arg9[%swap3A_2229] : memref<8xi32, #tpu.memory_space<smem>>
      %swap3A_2231 = arith.constant 1 : index
      %swap3A_2232 = memref.load %arg10[%swap3A_2231] : memref<8xi32, #tpu.memory_space<smem>>
      memref.store %select_n3A_1545, %arg10[%swap3A_2231] : memref<8xi32, #tpu.memory_space<smem>>
      %swap3A_2233 = arith.constant 2 : index
      %swap3A_2234 = memref.load %arg8[%swap3A_2233] : memref<8xf32, #tpu.memory_space<smem>>
      memref.store %reduce_sum3A_1550, %arg8[%swap3A_2233] : memref<8xf32, #tpu.memory_space<smem>>
      %swap3A_2235 = arith.constant 2 : index
      %swap3A_2236 = memref.load %arg9[%swap3A_2235] : memref<8xi32, #tpu.memory_space<smem>>
      memref.store %select_n3A_1619, %arg9[%swap3A_2235] : memref<8xi32, #tpu.memory_space<smem>>
      %swap3A_2237 = arith.constant 2 : index
      %swap3A_2238 = memref.load %arg10[%swap3A_2237] : memref<8xi32, #tpu.memory_space<smem>>
      memref.store %select_n3A_1635, %arg10[%swap3A_2237] : memref<8xi32, #tpu.memory_space<smem>>
      %swap3A_2239 = arith.constant 3 : index
      %swap3A_2240 = memref.load %arg8[%swap3A_2239] : memref<8xf32, #tpu.memory_space<smem>>
      memref.store %reduce_sum3A_1640, %arg8[%swap3A_2239] : memref<8xf32, #tpu.memory_space<smem>>
      %swap3A_2241 = arith.constant 3 : index
      %swap3A_2242 = memref.load %arg9[%swap3A_2241] : memref<8xi32, #tpu.memory_space<smem>>
      memref.store %select_n3A_1709, %arg9[%swap3A_2241] : memref<8xi32, #tpu.memory_space<smem>>
      %swap3A_2243 = arith.constant 3 : index
      %swap3A_2244 = memref.load %arg10[%swap3A_2243] : memref<8xi32, #tpu.memory_space<smem>>
      memref.store %select_n3A_1725, %arg10[%swap3A_2243] : memref<8xi32, #tpu.memory_space<smem>>
      %swap3A_2245 = arith.constant 4 : index
      %swap3A_2246 = memref.load %arg8[%swap3A_2245] : memref<8xf32, #tpu.memory_space<smem>>
      memref.store %reduce_sum3A_1730, %arg8[%swap3A_2245] : memref<8xf32, #tpu.memory_space<smem>>
      %swap3A_2247 = arith.constant 4 : index
      %swap3A_2248 = memref.load %arg9[%swap3A_2247] : memref<8xi32, #tpu.memory_space<smem>>
      memref.store %select_n3A_1799, %arg9[%swap3A_2247] : memref<8xi32, #tpu.memory_space<smem>>
      %swap3A_2249 = arith.constant 4 : index
      %swap3A_2250 = memref.load %arg10[%swap3A_2249] : memref<8xi32, #tpu.memory_space<smem>>
      memref.store %select_n3A_1815, %arg10[%swap3A_2249] : memref<8xi32, #tpu.memory_space<smem>>
      %swap3A_2251 = arith.constant 5 : index
      %swap3A_2252 = memref.load %arg8[%swap3A_2251] : memref<8xf32, #tpu.memory_space<smem>>
      memref.store %reduce_sum3A_1820, %arg8[%swap3A_2251] : memref<8xf32, #tpu.memory_space<smem>>
      %swap3A_2253 = arith.constant 5 : index
      %swap3A_2254 = memref.load %arg9[%swap3A_2253] : memref<8xi32, #tpu.memory_space<smem>>
      memref.store %select_n3A_1889, %arg9[%swap3A_2253] : memref<8xi32, #tpu.memory_space<smem>>
      %swap3A_2255 = arith.constant 5 : index
      %swap3A_2256 = memref.load %arg10[%swap3A_2255] : memref<8xi32, #tpu.memory_space<smem>>
      memref.store %select_n3A_1905, %arg10[%swap3A_2255] : memref<8xi32, #tpu.memory_space<smem>>
      %swap3A_2257 = arith.constant 6 : index
      %swap3A_2258 = memref.load %arg8[%swap3A_2257] : memref<8xf32, #tpu.memory_space<smem>>
      memref.store %reduce_sum3A_1910, %arg8[%swap3A_2257] : memref<8xf32, #tpu.memory_space<smem>>
      %swap3A_2259 = arith.constant 6 : index
      %swap3A_2260 = memref.load %arg9[%swap3A_2259] : memref<8xi32, #tpu.memory_space<smem>>
      memref.store %select_n3A_1979, %arg9[%swap3A_2259] : memref<8xi32, #tpu.memory_space<smem>>
      %swap3A_2261 = arith.constant 6 : index
      %swap3A_2262 = memref.load %arg10[%swap3A_2261] : memref<8xi32, #tpu.memory_space<smem>>
      memref.store %select_n3A_1995, %arg10[%swap3A_2261] : memref<8xi32, #tpu.memory_space<smem>>
      %swap3A_2263 = arith.constant 7 : index
      %swap3A_2264 = memref.load %arg8[%swap3A_2263] : memref<8xf32, #tpu.memory_space<smem>>
      memref.store %reduce_sum3A_2000, %arg8[%swap3A_2263] : memref<8xf32, #tpu.memory_space<smem>>
      %swap3A_2265 = arith.constant 7 : index
      %swap3A_2266 = memref.load %arg9[%swap3A_2265] : memref<8xi32, #tpu.memory_space<smem>>
      memref.store %select_n3A_2069, %arg9[%swap3A_2265] : memref<8xi32, #tpu.memory_space<smem>>
      %swap3A_2267 = arith.constant 7 : index
      %swap3A_2268 = memref.load %arg10[%swap3A_2267] : memref<8xi32, #tpu.memory_space<smem>>
      memref.store %select_n3A_2085, %arg10[%swap3A_2267] : memref<8xi32, #tpu.memory_space<smem>>
      %ne3A_2269 = arith.constant 8.000000e+00 : f32
      %ne3A_2270 = arith.cmpf one, %add3A_510, %ne3A_2269 : f32
      %ne3A_2271 = arith.constant 8.000000e+00 : f32
      %ne3A_2272 = arith.cmpf one, %add3A_1365, %ne3A_2271 : f32
      %or3A = arith.ori %ne3A_2270, %ne3A_2272 : i1
      %convert_element_type3A_2273 = arith.extui %or3A : i1 to i32
      %cond3A_2274 = arith.constant 0 : i32
      %cond3A_2275 = arith.cmpi ne, %convert_element_type3A_2273, %cond3A_2274 : i32
      scf.if %cond3A_2275 {
        %reduce_max3A_2276 = arith.constant dense<0xFF800000> : vector<8xf32>
        %reduce_max3A_2277 = vector.multi_reduction <maximumf>, %transpose3A_233, %reduce_max3A_2276 [1] : vector<8x256xf32> to vector<8xf32>
        %broadcast_in_dim3A_2278 = vector.shape_cast %reduce_max3A_2277 : vector<8xf32> to vector<8x1xf32>
        %reduce_max3A_2279 = arith.constant dense<0xFF800000> : vector<1xf32>
        %reduce_max3A_2280 = vector.multi_reduction <maximumf>, %broadcast_in_dim3A_2278, %reduce_max3A_2279 [0] : vector<8x1xf32> to vector<1xf32>
        %broadcast_in_dim3A_2281 = vector.shape_cast %reduce_max3A_2280 : vector<1xf32> to vector<1x1xf32>
        %eq3A_2282 = vector.broadcast %broadcast_in_dim3A_2281 : vector<1x1xf32> to vector<8x256xf32>
        %eq3A_2283 = arith.cmpf oeq, %transpose3A_233, %eq3A_2282 : vector<8x256xf32>
        %jit3A_2284 = arith.constant 2048 : i32
        %broadcast_in_dim3A_2285 = vector.broadcast %jit3A_2284 : i32 to vector<8x256xi32>
        %select_n3A_2286 = arith.select %eq3A_2283, %add3A_238, %broadcast_in_dim3A_2285 : vector<8x256xi1>, vector<8x256xi32>
        %reduce_min3A_2287 = arith.constant dense<2147483647> : vector<8xi32>
        %reduce_min3A_2288 = vector.multi_reduction <minsi>, %select_n3A_2286, %reduce_min3A_2287 [1] : vector<8x256xi32> to vector<8xi32>
        %broadcast_in_dim3A_2289 = vector.shape_cast %reduce_min3A_2288 : vector<8xi32> to vector<8x1xi32>
        %reduce_min3A_2290 = arith.constant dense<2147483647> : vector<1xi32>
        %reduce_min3A_2291 = vector.multi_reduction <minsi>, %broadcast_in_dim3A_2289, %reduce_min3A_2290 [0] : vector<8x1xi32> to vector<1xi32>
        %broadcast_in_dim3A_2292 = vector.shape_cast %reduce_min3A_2291 : vector<1xi32> to vector<1x1xi32>
        %eq3A_2293 = vector.broadcast %broadcast_in_dim3A_2292 : vector<1x1xi32> to vector<8x256xi32>
        %eq3A_2294 = arith.cmpi eq, %add3A_238, %eq3A_2293 : vector<8x256xi32>
        %jit3A_2295 = arith.constant 0xFF800000 : f32
        %broadcast_in_dim3A_2296 = vector.broadcast %jit3A_2295 : f32 to vector<8x256xf32>
        %select_n3A_2297 = arith.select %eq3A_2294, %broadcast_in_dim3A_2296, %transpose3A_233 : vector<8x256xi1>, vector<8x256xf32>
        %reduce_max3A_2298 = arith.constant dense<0xFF800000> : vector<8xf32>
        %reduce_max3A_2299 = vector.multi_reduction <maximumf>, %select_n3A_2297, %reduce_max3A_2298 [1] : vector<8x256xf32> to vector<8xf32>
        %broadcast_in_dim3A_2300 = vector.shape_cast %reduce_max3A_2299 : vector<8xf32> to vector<8x1xf32>
        %reduce_max3A_2301 = arith.constant dense<0xFF800000> : vector<1xf32>
        %reduce_max3A_2302 = vector.multi_reduction <maximumf>, %broadcast_in_dim3A_2300, %reduce_max3A_2301 [0] : vector<8x1xf32> to vector<1xf32>
        %broadcast_in_dim3A_2303 = vector.shape_cast %reduce_max3A_2302 : vector<1xf32> to vector<1x1xf32>
        %eq3A_2304 = vector.broadcast %broadcast_in_dim3A_2303 : vector<1x1xf32> to vector<8x256xf32>
        %eq3A_2305 = arith.cmpf oeq, %select_n3A_2297, %eq3A_2304 : vector<8x256xf32>
        %jit3A_2306 = arith.constant 2048 : i32
        %broadcast_in_dim3A_2307 = vector.broadcast %jit3A_2306 : i32 to vector<8x256xi32>
        %select_n3A_2308 = arith.select %eq3A_2305, %add3A_238, %broadcast_in_dim3A_2307 : vector<8x256xi1>, vector<8x256xi32>
        %reduce_min3A_2309 = arith.constant dense<2147483647> : vector<8xi32>
        %reduce_min3A_2310 = vector.multi_reduction <minsi>, %select_n3A_2308, %reduce_min3A_2309 [1] : vector<8x256xi32> to vector<8xi32>
        %broadcast_in_dim3A_2311 = vector.shape_cast %reduce_min3A_2310 : vector<8xi32> to vector<8x1xi32>
        %reduce_min3A_2312 = arith.constant dense<2147483647> : vector<1xi32>
        %reduce_min3A_2313 = vector.multi_reduction <minsi>, %broadcast_in_dim3A_2311, %reduce_min3A_2312 [0] : vector<8x1xi32> to vector<1xi32>
        %broadcast_in_dim3A_2314 = vector.shape_cast %reduce_min3A_2313 : vector<1xi32> to vector<1x1xi32>
        %eq3A_2315 = vector.broadcast %broadcast_in_dim3A_2314 : vector<1x1xi32> to vector<8x256xi32>
        %eq3A_2316 = arith.cmpi eq, %add3A_238, %eq3A_2315 : vector<8x256xi32>
        %jit3A_2317 = arith.constant 0xFF800000 : f32
        %broadcast_in_dim3A_2318 = vector.broadcast %jit3A_2317 : f32 to vector<8x256xf32>
        %select_n3A_2319 = arith.select %eq3A_2316, %broadcast_in_dim3A_2318, %select_n3A_2297 : vector<8x256xi1>, vector<8x256xf32>
        %reduce_max3A_2320 = arith.constant dense<0xFF800000> : vector<8xf32>
        %reduce_max3A_2321 = vector.multi_reduction <maximumf>, %select_n3A_2319, %reduce_max3A_2320 [1] : vector<8x256xf32> to vector<8xf32>
        %broadcast_in_dim3A_2322 = vector.shape_cast %reduce_max3A_2321 : vector<8xf32> to vector<8x1xf32>
        %reduce_max3A_2323 = arith.constant dense<0xFF800000> : vector<1xf32>
        %reduce_max3A_2324 = vector.multi_reduction <maximumf>, %broadcast_in_dim3A_2322, %reduce_max3A_2323 [0] : vector<8x1xf32> to vector<1xf32>
        %broadcast_in_dim3A_2325 = vector.shape_cast %reduce_max3A_2324 : vector<1xf32> to vector<1x1xf32>
        %eq3A_2326 = vector.broadcast %broadcast_in_dim3A_2325 : vector<1x1xf32> to vector<8x256xf32>
        %eq3A_2327 = arith.cmpf oeq, %select_n3A_2319, %eq3A_2326 : vector<8x256xf32>
        %jit3A_2328 = arith.constant 2048 : i32
        %broadcast_in_dim3A_2329 = vector.broadcast %jit3A_2328 : i32 to vector<8x256xi32>
        %select_n3A_2330 = arith.select %eq3A_2327, %add3A_238, %broadcast_in_dim3A_2329 : vector<8x256xi1>, vector<8x256xi32>
        %reduce_min3A_2331 = arith.constant dense<2147483647> : vector<8xi32>
        %reduce_min3A_2332 = vector.multi_reduction <minsi>, %select_n3A_2330, %reduce_min3A_2331 [1] : vector<8x256xi32> to vector<8xi32>
        %broadcast_in_dim3A_2333 = vector.shape_cast %reduce_min3A_2332 : vector<8xi32> to vector<8x1xi32>
        %reduce_min3A_2334 = arith.constant dense<2147483647> : vector<1xi32>
        %reduce_min3A_2335 = vector.multi_reduction <minsi>, %broadcast_in_dim3A_2333, %reduce_min3A_2334 [0] : vector<8x1xi32> to vector<1xi32>
        %broadcast_in_dim3A_2336 = vector.shape_cast %reduce_min3A_2335 : vector<1xi32> to vector<1x1xi32>
        %eq3A_2337 = vector.broadcast %broadcast_in_dim3A_2336 : vector<1x1xi32> to vector<8x256xi32>
        %eq3A_2338 = arith.cmpi eq, %add3A_238, %eq3A_2337 : vector<8x256xi32>
        %jit3A_2339 = arith.constant 0xFF800000 : f32
        %broadcast_in_dim3A_2340 = vector.broadcast %jit3A_2339 : f32 to vector<8x256xf32>
        %select_n3A_2341 = arith.select %eq3A_2338, %broadcast_in_dim3A_2340, %select_n3A_2319 : vector<8x256xi1>, vector<8x256xf32>
        %reduce_max3A_2342 = arith.constant dense<0xFF800000> : vector<8xf32>
        %reduce_max3A_2343 = vector.multi_reduction <maximumf>, %select_n3A_2341, %reduce_max3A_2342 [1] : vector<8x256xf32> to vector<8xf32>
        %broadcast_in_dim3A_2344 = vector.shape_cast %reduce_max3A_2343 : vector<8xf32> to vector<8x1xf32>
        %reduce_max3A_2345 = arith.constant dense<0xFF800000> : vector<1xf32>
        %reduce_max3A_2346 = vector.multi_reduction <maximumf>, %broadcast_in_dim3A_2344, %reduce_max3A_2345 [0] : vector<8x1xf32> to vector<1xf32>
        %broadcast_in_dim3A_2347 = vector.shape_cast %reduce_max3A_2346 : vector<1xf32> to vector<1x1xf32>
        %eq3A_2348 = vector.broadcast %broadcast_in_dim3A_2347 : vector<1x1xf32> to vector<8x256xf32>
        %eq3A_2349 = arith.cmpf oeq, %select_n3A_2341, %eq3A_2348 : vector<8x256xf32>
        %jit3A_2350 = arith.constant 2048 : i32
        %broadcast_in_dim3A_2351 = vector.broadcast %jit3A_2350 : i32 to vector<8x256xi32>
        %select_n3A_2352 = arith.select %eq3A_2349, %add3A_238, %broadcast_in_dim3A_2351 : vector<8x256xi1>, vector<8x256xi32>
        %reduce_min3A_2353 = arith.constant dense<2147483647> : vector<8xi32>
        %reduce_min3A_2354 = vector.multi_reduction <minsi>, %select_n3A_2352, %reduce_min3A_2353 [1] : vector<8x256xi32> to vector<8xi32>
        %broadcast_in_dim3A_2355 = vector.shape_cast %reduce_min3A_2354 : vector<8xi32> to vector<8x1xi32>
        %reduce_min3A_2356 = arith.constant dense<2147483647> : vector<1xi32>
        %reduce_min3A_2357 = vector.multi_reduction <minsi>, %broadcast_in_dim3A_2355, %reduce_min3A_2356 [0] : vector<8x1xi32> to vector<1xi32>
        %broadcast_in_dim3A_2358 = vector.shape_cast %reduce_min3A_2357 : vector<1xi32> to vector<1x1xi32>
        %eq3A_2359 = vector.broadcast %broadcast_in_dim3A_2358 : vector<1x1xi32> to vector<8x256xi32>
        %eq3A_2360 = arith.cmpi eq, %add3A_238, %eq3A_2359 : vector<8x256xi32>
        %jit3A_2361 = arith.constant 0xFF800000 : f32
        %broadcast_in_dim3A_2362 = vector.broadcast %jit3A_2361 : f32 to vector<8x256xf32>
        %select_n3A_2363 = arith.select %eq3A_2360, %broadcast_in_dim3A_2362, %select_n3A_2341 : vector<8x256xi1>, vector<8x256xf32>
        %reduce_max3A_2364 = arith.constant dense<0xFF800000> : vector<8xf32>
        %reduce_max3A_2365 = vector.multi_reduction <maximumf>, %select_n3A_2363, %reduce_max3A_2364 [1] : vector<8x256xf32> to vector<8xf32>
        %broadcast_in_dim3A_2366 = vector.shape_cast %reduce_max3A_2365 : vector<8xf32> to vector<8x1xf32>
        %reduce_max3A_2367 = arith.constant dense<0xFF800000> : vector<1xf32>
        %reduce_max3A_2368 = vector.multi_reduction <maximumf>, %broadcast_in_dim3A_2366, %reduce_max3A_2367 [0] : vector<8x1xf32> to vector<1xf32>
        %broadcast_in_dim3A_2369 = vector.shape_cast %reduce_max3A_2368 : vector<1xf32> to vector<1x1xf32>
        %eq3A_2370 = vector.broadcast %broadcast_in_dim3A_2369 : vector<1x1xf32> to vector<8x256xf32>
        %eq3A_2371 = arith.cmpf oeq, %select_n3A_2363, %eq3A_2370 : vector<8x256xf32>
        %jit3A_2372 = arith.constant 2048 : i32
        %broadcast_in_dim3A_2373 = vector.broadcast %jit3A_2372 : i32 to vector<8x256xi32>
        %select_n3A_2374 = arith.select %eq3A_2371, %add3A_238, %broadcast_in_dim3A_2373 : vector<8x256xi1>, vector<8x256xi32>
        %reduce_min3A_2375 = arith.constant dense<2147483647> : vector<8xi32>
        %reduce_min3A_2376 = vector.multi_reduction <minsi>, %select_n3A_2374, %reduce_min3A_2375 [1] : vector<8x256xi32> to vector<8xi32>
        %broadcast_in_dim3A_2377 = vector.shape_cast %reduce_min3A_2376 : vector<8xi32> to vector<8x1xi32>
        %reduce_min3A_2378 = arith.constant dense<2147483647> : vector<1xi32>
        %reduce_min3A_2379 = vector.multi_reduction <minsi>, %broadcast_in_dim3A_2377, %reduce_min3A_2378 [0] : vector<8x1xi32> to vector<1xi32>
        %broadcast_in_dim3A_2380 = vector.shape_cast %reduce_min3A_2379 : vector<1xi32> to vector<1x1xi32>
        %eq3A_2381 = vector.broadcast %broadcast_in_dim3A_2380 : vector<1x1xi32> to vector<8x256xi32>
        %eq3A_2382 = arith.cmpi eq, %add3A_238, %eq3A_2381 : vector<8x256xi32>
        %jit3A_2383 = arith.constant 0xFF800000 : f32
        %broadcast_in_dim3A_2384 = vector.broadcast %jit3A_2383 : f32 to vector<8x256xf32>
        %select_n3A_2385 = arith.select %eq3A_2382, %broadcast_in_dim3A_2384, %select_n3A_2363 : vector<8x256xi1>, vector<8x256xf32>
        %reduce_max3A_2386 = arith.constant dense<0xFF800000> : vector<8xf32>
        %reduce_max3A_2387 = vector.multi_reduction <maximumf>, %select_n3A_2385, %reduce_max3A_2386 [1] : vector<8x256xf32> to vector<8xf32>
        %broadcast_in_dim3A_2388 = vector.shape_cast %reduce_max3A_2387 : vector<8xf32> to vector<8x1xf32>
        %reduce_max3A_2389 = arith.constant dense<0xFF800000> : vector<1xf32>
        %reduce_max3A_2390 = vector.multi_reduction <maximumf>, %broadcast_in_dim3A_2388, %reduce_max3A_2389 [0] : vector<8x1xf32> to vector<1xf32>
        %broadcast_in_dim3A_2391 = vector.shape_cast %reduce_max3A_2390 : vector<1xf32> to vector<1x1xf32>
        %eq3A_2392 = vector.broadcast %broadcast_in_dim3A_2391 : vector<1x1xf32> to vector<8x256xf32>
        %eq3A_2393 = arith.cmpf oeq, %select_n3A_2385, %eq3A_2392 : vector<8x256xf32>
        %jit3A_2394 = arith.constant 2048 : i32
        %broadcast_in_dim3A_2395 = vector.broadcast %jit3A_2394 : i32 to vector<8x256xi32>
        %select_n3A_2396 = arith.select %eq3A_2393, %add3A_238, %broadcast_in_dim3A_2395 : vector<8x256xi1>, vector<8x256xi32>
        %reduce_min3A_2397 = arith.constant dense<2147483647> : vector<8xi32>
        %reduce_min3A_2398 = vector.multi_reduction <minsi>, %select_n3A_2396, %reduce_min3A_2397 [1] : vector<8x256xi32> to vector<8xi32>
        %broadcast_in_dim3A_2399 = vector.shape_cast %reduce_min3A_2398 : vector<8xi32> to vector<8x1xi32>
        %reduce_min3A_2400 = arith.constant dense<2147483647> : vector<1xi32>
        %reduce_min3A_2401 = vector.multi_reduction <minsi>, %broadcast_in_dim3A_2399, %reduce_min3A_2400 [0] : vector<8x1xi32> to vector<1xi32>
        %broadcast_in_dim3A_2402 = vector.shape_cast %reduce_min3A_2401 : vector<1xi32> to vector<1x1xi32>
        %eq3A_2403 = vector.broadcast %broadcast_in_dim3A_2402 : vector<1x1xi32> to vector<8x256xi32>
        %eq3A_2404 = arith.cmpi eq, %add3A_238, %eq3A_2403 : vector<8x256xi32>
        %jit3A_2405 = arith.constant 0xFF800000 : f32
        %broadcast_in_dim3A_2406 = vector.broadcast %jit3A_2405 : f32 to vector<8x256xf32>
        %select_n3A_2407 = arith.select %eq3A_2404, %broadcast_in_dim3A_2406, %select_n3A_2385 : vector<8x256xi1>, vector<8x256xf32>
        %reduce_max3A_2408 = arith.constant dense<0xFF800000> : vector<8xf32>
        %reduce_max3A_2409 = vector.multi_reduction <maximumf>, %select_n3A_2407, %reduce_max3A_2408 [1] : vector<8x256xf32> to vector<8xf32>
        %broadcast_in_dim3A_2410 = vector.shape_cast %reduce_max3A_2409 : vector<8xf32> to vector<8x1xf32>
        %reduce_max3A_2411 = arith.constant dense<0xFF800000> : vector<1xf32>
        %reduce_max3A_2412 = vector.multi_reduction <maximumf>, %broadcast_in_dim3A_2410, %reduce_max3A_2411 [0] : vector<8x1xf32> to vector<1xf32>
        %broadcast_in_dim3A_2413 = vector.shape_cast %reduce_max3A_2412 : vector<1xf32> to vector<1x1xf32>
        %eq3A_2414 = vector.broadcast %broadcast_in_dim3A_2413 : vector<1x1xf32> to vector<8x256xf32>
        %eq3A_2415 = arith.cmpf oeq, %select_n3A_2407, %eq3A_2414 : vector<8x256xf32>
        %jit3A_2416 = arith.constant 2048 : i32
        %broadcast_in_dim3A_2417 = vector.broadcast %jit3A_2416 : i32 to vector<8x256xi32>
        %select_n3A_2418 = arith.select %eq3A_2415, %add3A_238, %broadcast_in_dim3A_2417 : vector<8x256xi1>, vector<8x256xi32>
        %reduce_min3A_2419 = arith.constant dense<2147483647> : vector<8xi32>
        %reduce_min3A_2420 = vector.multi_reduction <minsi>, %select_n3A_2418, %reduce_min3A_2419 [1] : vector<8x256xi32> to vector<8xi32>
        %broadcast_in_dim3A_2421 = vector.shape_cast %reduce_min3A_2420 : vector<8xi32> to vector<8x1xi32>
        %reduce_min3A_2422 = arith.constant dense<2147483647> : vector<1xi32>
        %reduce_min3A_2423 = vector.multi_reduction <minsi>, %broadcast_in_dim3A_2421, %reduce_min3A_2422 [0] : vector<8x1xi32> to vector<1xi32>
        %broadcast_in_dim3A_2424 = vector.shape_cast %reduce_min3A_2423 : vector<1xi32> to vector<1x1xi32>
        %eq3A_2425 = vector.broadcast %broadcast_in_dim3A_2424 : vector<1x1xi32> to vector<8x256xi32>
        %eq3A_2426 = arith.cmpi eq, %add3A_238, %eq3A_2425 : vector<8x256xi32>
        %jit3A_2427 = arith.constant 0xFF800000 : f32
        %broadcast_in_dim3A_2428 = vector.broadcast %jit3A_2427 : f32 to vector<8x256xf32>
        %select_n3A_2429 = arith.select %eq3A_2426, %broadcast_in_dim3A_2428, %select_n3A_2407 : vector<8x256xi1>, vector<8x256xf32>
        %reduce_max3A_2430 = arith.constant dense<0xFF800000> : vector<8xf32>
        %reduce_max3A_2431 = vector.multi_reduction <maximumf>, %select_n3A_2429, %reduce_max3A_2430 [1] : vector<8x256xf32> to vector<8xf32>
        %broadcast_in_dim3A_2432 = vector.shape_cast %reduce_max3A_2431 : vector<8xf32> to vector<8x1xf32>
        %reduce_max3A_2433 = arith.constant dense<0xFF800000> : vector<1xf32>
        %reduce_max3A_2434 = vector.multi_reduction <maximumf>, %broadcast_in_dim3A_2432, %reduce_max3A_2433 [0] : vector<8x1xf32> to vector<1xf32>
        %broadcast_in_dim3A_2435 = vector.shape_cast %reduce_max3A_2434 : vector<1xf32> to vector<1x1xf32>
        %eq3A_2436 = vector.broadcast %broadcast_in_dim3A_2435 : vector<1x1xf32> to vector<8x256xf32>
        %eq3A_2437 = arith.cmpf oeq, %select_n3A_2429, %eq3A_2436 : vector<8x256xf32>
        %jit3A_2438 = arith.constant 2048 : i32
        %broadcast_in_dim3A_2439 = vector.broadcast %jit3A_2438 : i32 to vector<8x256xi32>
        %select_n3A_2440 = arith.select %eq3A_2437, %add3A_238, %broadcast_in_dim3A_2439 : vector<8x256xi1>, vector<8x256xi32>
        %reduce_min3A_2441 = arith.constant dense<2147483647> : vector<8xi32>
        %reduce_min3A_2442 = vector.multi_reduction <minsi>, %select_n3A_2440, %reduce_min3A_2441 [1] : vector<8x256xi32> to vector<8xi32>
        %broadcast_in_dim3A_2443 = vector.shape_cast %reduce_min3A_2442 : vector<8xi32> to vector<8x1xi32>
        %reduce_min3A_2444 = arith.constant dense<2147483647> : vector<1xi32>
        %reduce_min3A_2445 = vector.multi_reduction <minsi>, %broadcast_in_dim3A_2443, %reduce_min3A_2444 [0] : vector<8x1xi32> to vector<1xi32>
        %broadcast_in_dim3A_2446 = vector.shape_cast %reduce_min3A_2445 : vector<1xi32> to vector<1x1xi32>
        %reduce_sum3A_2447 = vector.shape_cast %broadcast_in_dim3A_2292 : vector<1x1xi32> to vector<1x1x1xi32>
        %reduce_sum3A_2448 = arith.constant dense<0> : vector<1xi32>
        %reduce_sum3A_2449 = vector.multi_reduction <add>, %reduce_sum3A_2447, %reduce_sum3A_2448 [1, 2] : vector<1x1x1xi32> to vector<1xi32>
        %reduce_sum3A_2450 = vector.shape_cast %reduce_sum3A_2449 : vector<1xi32> to vector<1x1x1xi32>
        %reduce_sum3A_2451 = vector.extract %reduce_sum3A_2450[0, 0, 0] : i32 from vector<1x1x1xi32>
        %jit3A_2452 = arith.constant 256 : i32
        %div3A_2453 = arith.divsi %reduce_sum3A_2451, %jit3A_2452 : i32
        %sign3A_2454 = arith.constant 0 : i32
        %sign3A_2455 = arith.cmpi sgt, %reduce_sum3A_2451, %sign3A_2454 : i32
        %sign3A_2456 = arith.extui %sign3A_2455 : i1 to i32
        %sign3A_2457 = arith.constant 0 : i32
        %sign3A_2458 = arith.cmpi slt, %reduce_sum3A_2451, %sign3A_2457 : i32
        %sign3A_2459 = arith.extui %sign3A_2458 : i1 to i32
        %sign3A_2460 = arith.subi %sign3A_2456, %sign3A_2459 : i32
        %sign3A_2461 = arith.constant 0 : i32
        %sign3A_2462 = arith.cmpi sgt, %jit3A_2452, %sign3A_2461 : i32
        %sign3A_2463 = arith.extui %sign3A_2462 : i1 to i32
        %sign3A_2464 = arith.constant 0 : i32
        %sign3A_2465 = arith.cmpi slt, %jit3A_2452, %sign3A_2464 : i32
        %sign3A_2466 = arith.extui %sign3A_2465 : i1 to i32
        %sign3A_2467 = arith.subi %sign3A_2463, %sign3A_2466 : i32
        %ne3A_2468 = arith.cmpi ne, %sign3A_2460, %sign3A_2467 : i32
        %rem3A_2469 = arith.remsi %reduce_sum3A_2451, %jit3A_2452 : i32
        %ne3A_2470 = arith.constant 0 : i32
        %ne3A_2471 = arith.cmpi ne, %rem3A_2469, %ne3A_2470 : i32
        %and3A_2472 = arith.andi %ne3A_2468, %ne3A_2471 : i1
        %sub3A_2473 = arith.constant 1 : i32
        %sub3A_2474 = arith.subi %div3A_2453, %sub3A_2473 : i32
        %select_n3A_2475 = arith.select %and3A_2472, %sub3A_2474, %div3A_2453 : i32
        %jit3A_2476 = arith.constant 256 : i32
        %eq3A_2477 = arith.constant 0 : i32
        %eq3A_2478 = arith.cmpi eq, %jit3A_2476, %eq3A_2477 : i32
        %jit3A_2479 = arith.constant 1 : i32
        %select_n3A_2480 = arith.select %eq3A_2478, %jit3A_2479, %jit3A_2476 : i32
        %rem3A_2481 = arith.remsi %reduce_sum3A_2451, %select_n3A_2480 : i32
        %ne3A_2482 = arith.constant 0 : i32
        %ne3A_2483 = arith.cmpi ne, %rem3A_2481, %ne3A_2482 : i32
        %lt3A_2484 = arith.constant 0 : i32
        %lt3A_2485 = arith.cmpi slt, %rem3A_2481, %lt3A_2484 : i32
        %lt3A_2486 = arith.constant 0 : i32
        %lt3A_2487 = arith.cmpi slt, %select_n3A_2480, %lt3A_2486 : i32
        %ne3A_2488 = arith.xori %lt3A_2485, %lt3A_2487 : i1
        %and3A_2489 = arith.andi %ne3A_2488, %ne3A_2483 : i1
        %add3A_2490 = arith.addi %rem3A_2481, %select_n3A_2480 : i32
        %select_n3A_2491 = arith.select %and3A_2489, %add3A_2490, %rem3A_2481 : i32
        %get3A_2492 = arith.index_cast %select_n3A_2475 : i32 to index
        %get3A_2493 = arith.constant 0 : index
        %get3A_2494 = vector.load %arg11[%get3A_2492, %get3A_2493] : memref<8x256xf32, #tpu.memory_space<vmem>>, vector<1x256xf32>
        %eq3A_2495 = vector.broadcast %select_n3A_2491 : i32 to vector<1x256xi32>
        %eq3A_2496 = arith.cmpi eq, %iota3A_0, %eq3A_2495 : vector<1x256xi32>
        %jit3A_2497 = arith.constant 0.000000e+00 : f32
        %broadcast_in_dim3A_2498 = vector.broadcast %jit3A_2497 : f32 to vector<1x256xf32>
        %select_n3A_2499 = arith.select %eq3A_2496, %get3A_2494, %broadcast_in_dim3A_2498 : vector<1x256xi1>, vector<1x256xf32>
        %reduce_sum3A_2500 = vector.shape_cast %select_n3A_2499 : vector<1x256xf32> to vector<1x1x256xf32>
        %reduce_sum3A_2501 = arith.constant dense<0.000000e+00> : vector<1xf32>
        %reduce_sum3A_2502 = vector.multi_reduction <add>, %reduce_sum3A_2500, %reduce_sum3A_2501 [1, 2] : vector<1x1x256xf32> to vector<1xf32>
        %reduce_sum3A_2503 = vector.shape_cast %reduce_sum3A_2502 : vector<1xf32> to vector<1x1x1xf32>
        %reduce_sum3A_2504 = vector.extract %reduce_sum3A_2503[0, 0, 0] : f32 from vector<1x1x1xf32>
        %get3A_2505 = arith.index_cast %select_n3A_2475 : i32 to index
        %get3A_2506 = arith.constant 0 : index
        %get3A_2507 = vector.load %arg12[%get3A_2505, %get3A_2506] : memref<8x256xf32, #tpu.memory_space<vmem>>, vector<1x256xf32>
        %get3A_2508 = arith.constant 0 : index
        %get3A_2509 = arith.index_cast %select_n3A_2491 : i32 to index
        %get3A_2510 = arith.constant 0 : index
        %get3A_2511 = vector.load %arg4[%get3A_2508, %get3A_2509, %get3A_2510] : memref<1x256x256xf32, #tpu.memory_space<vmem>>, vector<1x1x256xf32>
        %get3A_2512 = vector.shape_cast %get3A_2511 : vector<1x1x256xf32> to vector<1x256xf32>
        %add3A_2513 = vector.broadcast %reduce_sum3A_2504 : f32 to vector<1x256xf32>
        %add3A_2514 = arith.addf %add3A_2513, %get3A_2507 : vector<1x256xf32>
        %add3A_2515 = arith.addf %add3A_2514, %get3A_2512 : vector<1x256xf32>
        %mul3A_2516 = arith.constant 256 : i32
        %mul3A_2517 = arith.muli %reduce_sum3A_2451, %mul3A_2516 : i32
        %broadcast_in_dim3A_2518 = vector.broadcast %mul3A_2517 : i32 to vector<1x256xi32>
        %add3A_2519 = arith.addi %broadcast_in_dim3A_2518, %iota3A_0 : vector<1x256xi32>
        %reduce_sum3A_2520 = vector.shape_cast %broadcast_in_dim3A_2314 : vector<1x1xi32> to vector<1x1x1xi32>
        %reduce_sum3A_2521 = arith.constant dense<0> : vector<1xi32>
        %reduce_sum3A_2522 = vector.multi_reduction <add>, %reduce_sum3A_2520, %reduce_sum3A_2521 [1, 2] : vector<1x1x1xi32> to vector<1xi32>
        %reduce_sum3A_2523 = vector.shape_cast %reduce_sum3A_2522 : vector<1xi32> to vector<1x1x1xi32>
        %reduce_sum3A_2524 = vector.extract %reduce_sum3A_2523[0, 0, 0] : i32 from vector<1x1x1xi32>
        %jit3A_2525 = arith.constant 256 : i32
        %div3A_2526 = arith.divsi %reduce_sum3A_2524, %jit3A_2525 : i32
        %sign3A_2527 = arith.constant 0 : i32
        %sign3A_2528 = arith.cmpi sgt, %reduce_sum3A_2524, %sign3A_2527 : i32
        %sign3A_2529 = arith.extui %sign3A_2528 : i1 to i32
        %sign3A_2530 = arith.constant 0 : i32
        %sign3A_2531 = arith.cmpi slt, %reduce_sum3A_2524, %sign3A_2530 : i32
        %sign3A_2532 = arith.extui %sign3A_2531 : i1 to i32
        %sign3A_2533 = arith.subi %sign3A_2529, %sign3A_2532 : i32
        %sign3A_2534 = arith.constant 0 : i32
        %sign3A_2535 = arith.cmpi sgt, %jit3A_2525, %sign3A_2534 : i32
        %sign3A_2536 = arith.extui %sign3A_2535 : i1 to i32
        %sign3A_2537 = arith.constant 0 : i32
        %sign3A_2538 = arith.cmpi slt, %jit3A_2525, %sign3A_2537 : i32
        %sign3A_2539 = arith.extui %sign3A_2538 : i1 to i32
        %sign3A_2540 = arith.subi %sign3A_2536, %sign3A_2539 : i32
        %ne3A_2541 = arith.cmpi ne, %sign3A_2533, %sign3A_2540 : i32
        %rem3A_2542 = arith.remsi %reduce_sum3A_2524, %jit3A_2525 : i32
        %ne3A_2543 = arith.constant 0 : i32
        %ne3A_2544 = arith.cmpi ne, %rem3A_2542, %ne3A_2543 : i32
        %and3A_2545 = arith.andi %ne3A_2541, %ne3A_2544 : i1
        %sub3A_2546 = arith.constant 1 : i32
        %sub3A_2547 = arith.subi %div3A_2526, %sub3A_2546 : i32
        %select_n3A_2548 = arith.select %and3A_2545, %sub3A_2547, %div3A_2526 : i32
        %jit3A_2549 = arith.constant 256 : i32
        %eq3A_2550 = arith.constant 0 : i32
        %eq3A_2551 = arith.cmpi eq, %jit3A_2549, %eq3A_2550 : i32
        %jit3A_2552 = arith.constant 1 : i32
        %select_n3A_2553 = arith.select %eq3A_2551, %jit3A_2552, %jit3A_2549 : i32
        %rem3A_2554 = arith.remsi %reduce_sum3A_2524, %select_n3A_2553 : i32
        %ne3A_2555 = arith.constant 0 : i32
        %ne3A_2556 = arith.cmpi ne, %rem3A_2554, %ne3A_2555 : i32
        %lt3A_2557 = arith.constant 0 : i32
        %lt3A_2558 = arith.cmpi slt, %rem3A_2554, %lt3A_2557 : i32
        %lt3A_2559 = arith.constant 0 : i32
        %lt3A_2560 = arith.cmpi slt, %select_n3A_2553, %lt3A_2559 : i32
        %ne3A_2561 = arith.xori %lt3A_2558, %lt3A_2560 : i1
        %and3A_2562 = arith.andi %ne3A_2561, %ne3A_2556 : i1
        %add3A_2563 = arith.addi %rem3A_2554, %select_n3A_2553 : i32
        %select_n3A_2564 = arith.select %and3A_2562, %add3A_2563, %rem3A_2554 : i32
        %get3A_2565 = arith.index_cast %select_n3A_2548 : i32 to index
        %get3A_2566 = arith.constant 0 : index
        %get3A_2567 = vector.load %arg11[%get3A_2565, %get3A_2566] : memref<8x256xf32, #tpu.memory_space<vmem>>, vector<1x256xf32>
        %eq3A_2568 = vector.broadcast %select_n3A_2564 : i32 to vector<1x256xi32>
        %eq3A_2569 = arith.cmpi eq, %iota3A_0, %eq3A_2568 : vector<1x256xi32>
        %jit3A_2570 = arith.constant 0.000000e+00 : f32
        %broadcast_in_dim3A_2571 = vector.broadcast %jit3A_2570 : f32 to vector<1x256xf32>
        %select_n3A_2572 = arith.select %eq3A_2569, %get3A_2567, %broadcast_in_dim3A_2571 : vector<1x256xi1>, vector<1x256xf32>
        %reduce_sum3A_2573 = vector.shape_cast %select_n3A_2572 : vector<1x256xf32> to vector<1x1x256xf32>
        %reduce_sum3A_2574 = arith.constant dense<0.000000e+00> : vector<1xf32>
        %reduce_sum3A_2575 = vector.multi_reduction <add>, %reduce_sum3A_2573, %reduce_sum3A_2574 [1, 2] : vector<1x1x256xf32> to vector<1xf32>
        %reduce_sum3A_2576 = vector.shape_cast %reduce_sum3A_2575 : vector<1xf32> to vector<1x1x1xf32>
        %reduce_sum3A_2577 = vector.extract %reduce_sum3A_2576[0, 0, 0] : f32 from vector<1x1x1xf32>
        %get3A_2578 = arith.index_cast %select_n3A_2548 : i32 to index
        %get3A_2579 = arith.constant 0 : index
        %get3A_2580 = vector.load %arg12[%get3A_2578, %get3A_2579] : memref<8x256xf32, #tpu.memory_space<vmem>>, vector<1x256xf32>
        %get3A_2581 = arith.constant 0 : index
        %get3A_2582 = arith.index_cast %select_n3A_2564 : i32 to index
        %get3A_2583 = arith.constant 0 : index
        %get3A_2584 = vector.load %arg4[%get3A_2581, %get3A_2582, %get3A_2583] : memref<1x256x256xf32, #tpu.memory_space<vmem>>, vector<1x1x256xf32>
        %get3A_2585 = vector.shape_cast %get3A_2584 : vector<1x1x256xf32> to vector<1x256xf32>
        %add3A_2586 = vector.broadcast %reduce_sum3A_2577 : f32 to vector<1x256xf32>
        %add3A_2587 = arith.addf %add3A_2586, %get3A_2580 : vector<1x256xf32>
        %add3A_2588 = arith.addf %add3A_2587, %get3A_2585 : vector<1x256xf32>
        %mul3A_2589 = arith.constant 256 : i32
        %mul3A_2590 = arith.muli %reduce_sum3A_2524, %mul3A_2589 : i32
        %broadcast_in_dim3A_2591 = vector.broadcast %mul3A_2590 : i32 to vector<1x256xi32>
        %add3A_2592 = arith.addi %broadcast_in_dim3A_2591, %iota3A_0 : vector<1x256xi32>
        %reduce_sum3A_2593 = vector.shape_cast %broadcast_in_dim3A_2336 : vector<1x1xi32> to vector<1x1x1xi32>
        %reduce_sum3A_2594 = arith.constant dense<0> : vector<1xi32>
        %reduce_sum3A_2595 = vector.multi_reduction <add>, %reduce_sum3A_2593, %reduce_sum3A_2594 [1, 2] : vector<1x1x1xi32> to vector<1xi32>
        %reduce_sum3A_2596 = vector.shape_cast %reduce_sum3A_2595 : vector<1xi32> to vector<1x1x1xi32>
        %reduce_sum3A_2597 = vector.extract %reduce_sum3A_2596[0, 0, 0] : i32 from vector<1x1x1xi32>
        %jit3A_2598 = arith.constant 256 : i32
        %div3A_2599 = arith.divsi %reduce_sum3A_2597, %jit3A_2598 : i32
        %sign3A_2600 = arith.constant 0 : i32
        %sign3A_2601 = arith.cmpi sgt, %reduce_sum3A_2597, %sign3A_2600 : i32
        %sign3A_2602 = arith.extui %sign3A_2601 : i1 to i32
        %sign3A_2603 = arith.constant 0 : i32
        %sign3A_2604 = arith.cmpi slt, %reduce_sum3A_2597, %sign3A_2603 : i32
        %sign3A_2605 = arith.extui %sign3A_2604 : i1 to i32
        %sign3A_2606 = arith.subi %sign3A_2602, %sign3A_2605 : i32
        %sign3A_2607 = arith.constant 0 : i32
        %sign3A_2608 = arith.cmpi sgt, %jit3A_2598, %sign3A_2607 : i32
        %sign3A_2609 = arith.extui %sign3A_2608 : i1 to i32
        %sign3A_2610 = arith.constant 0 : i32
        %sign3A_2611 = arith.cmpi slt, %jit3A_2598, %sign3A_2610 : i32
        %sign3A_2612 = arith.extui %sign3A_2611 : i1 to i32
        %sign3A_2613 = arith.subi %sign3A_2609, %sign3A_2612 : i32
        %ne3A_2614 = arith.cmpi ne, %sign3A_2606, %sign3A_2613 : i32
        %rem3A_2615 = arith.remsi %reduce_sum3A_2597, %jit3A_2598 : i32
        %ne3A_2616 = arith.constant 0 : i32
        %ne3A_2617 = arith.cmpi ne, %rem3A_2615, %ne3A_2616 : i32
        %and3A_2618 = arith.andi %ne3A_2614, %ne3A_2617 : i1
        %sub3A_2619 = arith.constant 1 : i32
        %sub3A_2620 = arith.subi %div3A_2599, %sub3A_2619 : i32
        %select_n3A_2621 = arith.select %and3A_2618, %sub3A_2620, %div3A_2599 : i32
        %jit3A_2622 = arith.constant 256 : i32
        %eq3A_2623 = arith.constant 0 : i32
        %eq3A_2624 = arith.cmpi eq, %jit3A_2622, %eq3A_2623 : i32
        %jit3A_2625 = arith.constant 1 : i32
        %select_n3A_2626 = arith.select %eq3A_2624, %jit3A_2625, %jit3A_2622 : i32
        %rem3A_2627 = arith.remsi %reduce_sum3A_2597, %select_n3A_2626 : i32
        %ne3A_2628 = arith.constant 0 : i32
        %ne3A_2629 = arith.cmpi ne, %rem3A_2627, %ne3A_2628 : i32
        %lt3A_2630 = arith.constant 0 : i32
        %lt3A_2631 = arith.cmpi slt, %rem3A_2627, %lt3A_2630 : i32
        %lt3A_2632 = arith.constant 0 : i32
        %lt3A_2633 = arith.cmpi slt, %select_n3A_2626, %lt3A_2632 : i32
        %ne3A_2634 = arith.xori %lt3A_2631, %lt3A_2633 : i1
        %and3A_2635 = arith.andi %ne3A_2634, %ne3A_2629 : i1
        %add3A_2636 = arith.addi %rem3A_2627, %select_n3A_2626 : i32
        %select_n3A_2637 = arith.select %and3A_2635, %add3A_2636, %rem3A_2627 : i32
        %get3A_2638 = arith.index_cast %select_n3A_2621 : i32 to index
        %get3A_2639 = arith.constant 0 : index
        %get3A_2640 = vector.load %arg11[%get3A_2638, %get3A_2639] : memref<8x256xf32, #tpu.memory_space<vmem>>, vector<1x256xf32>
        %eq3A_2641 = vector.broadcast %select_n3A_2637 : i32 to vector<1x256xi32>
        %eq3A_2642 = arith.cmpi eq, %iota3A_0, %eq3A_2641 : vector<1x256xi32>
        %jit3A_2643 = arith.constant 0.000000e+00 : f32
        %broadcast_in_dim3A_2644 = vector.broadcast %jit3A_2643 : f32 to vector<1x256xf32>
        %select_n3A_2645 = arith.select %eq3A_2642, %get3A_2640, %broadcast_in_dim3A_2644 : vector<1x256xi1>, vector<1x256xf32>
        %reduce_sum3A_2646 = vector.shape_cast %select_n3A_2645 : vector<1x256xf32> to vector<1x1x256xf32>
        %reduce_sum3A_2647 = arith.constant dense<0.000000e+00> : vector<1xf32>
        %reduce_sum3A_2648 = vector.multi_reduction <add>, %reduce_sum3A_2646, %reduce_sum3A_2647 [1, 2] : vector<1x1x256xf32> to vector<1xf32>
        %reduce_sum3A_2649 = vector.shape_cast %reduce_sum3A_2648 : vector<1xf32> to vector<1x1x1xf32>
        %reduce_sum3A_2650 = vector.extract %reduce_sum3A_2649[0, 0, 0] : f32 from vector<1x1x1xf32>
        %get3A_2651 = arith.index_cast %select_n3A_2621 : i32 to index
        %get3A_2652 = arith.constant 0 : index
        %get3A_2653 = vector.load %arg12[%get3A_2651, %get3A_2652] : memref<8x256xf32, #tpu.memory_space<vmem>>, vector<1x256xf32>
        %get3A_2654 = arith.constant 0 : index
        %get3A_2655 = arith.index_cast %select_n3A_2637 : i32 to index
        %get3A_2656 = arith.constant 0 : index
        %get3A_2657 = vector.load %arg4[%get3A_2654, %get3A_2655, %get3A_2656] : memref<1x256x256xf32, #tpu.memory_space<vmem>>, vector<1x1x256xf32>
        %get3A_2658 = vector.shape_cast %get3A_2657 : vector<1x1x256xf32> to vector<1x256xf32>
        %add3A_2659 = vector.broadcast %reduce_sum3A_2650 : f32 to vector<1x256xf32>
        %add3A_2660 = arith.addf %add3A_2659, %get3A_2653 : vector<1x256xf32>
        %add3A_2661 = arith.addf %add3A_2660, %get3A_2658 : vector<1x256xf32>
        %mul3A_2662 = arith.constant 256 : i32
        %mul3A_2663 = arith.muli %reduce_sum3A_2597, %mul3A_2662 : i32
        %broadcast_in_dim3A_2664 = vector.broadcast %mul3A_2663 : i32 to vector<1x256xi32>
        %add3A_2665 = arith.addi %broadcast_in_dim3A_2664, %iota3A_0 : vector<1x256xi32>
        %reduce_sum3A_2666 = vector.shape_cast %broadcast_in_dim3A_2358 : vector<1x1xi32> to vector<1x1x1xi32>
        %reduce_sum3A_2667 = arith.constant dense<0> : vector<1xi32>
        %reduce_sum3A_2668 = vector.multi_reduction <add>, %reduce_sum3A_2666, %reduce_sum3A_2667 [1, 2] : vector<1x1x1xi32> to vector<1xi32>
        %reduce_sum3A_2669 = vector.shape_cast %reduce_sum3A_2668 : vector<1xi32> to vector<1x1x1xi32>
        %reduce_sum3A_2670 = vector.extract %reduce_sum3A_2669[0, 0, 0] : i32 from vector<1x1x1xi32>
        %jit3A_2671 = arith.constant 256 : i32
        %div3A_2672 = arith.divsi %reduce_sum3A_2670, %jit3A_2671 : i32
        %sign3A_2673 = arith.constant 0 : i32
        %sign3A_2674 = arith.cmpi sgt, %reduce_sum3A_2670, %sign3A_2673 : i32
        %sign3A_2675 = arith.extui %sign3A_2674 : i1 to i32
        %sign3A_2676 = arith.constant 0 : i32
        %sign3A_2677 = arith.cmpi slt, %reduce_sum3A_2670, %sign3A_2676 : i32
        %sign3A_2678 = arith.extui %sign3A_2677 : i1 to i32
        %sign3A_2679 = arith.subi %sign3A_2675, %sign3A_2678 : i32
        %sign3A_2680 = arith.constant 0 : i32
        %sign3A_2681 = arith.cmpi sgt, %jit3A_2671, %sign3A_2680 : i32
        %sign3A_2682 = arith.extui %sign3A_2681 : i1 to i32
        %sign3A_2683 = arith.constant 0 : i32
        %sign3A_2684 = arith.cmpi slt, %jit3A_2671, %sign3A_2683 : i32
        %sign3A_2685 = arith.extui %sign3A_2684 : i1 to i32
        %sign3A_2686 = arith.subi %sign3A_2682, %sign3A_2685 : i32
        %ne3A_2687 = arith.cmpi ne, %sign3A_2679, %sign3A_2686 : i32
        %rem3A_2688 = arith.remsi %reduce_sum3A_2670, %jit3A_2671 : i32
        %ne3A_2689 = arith.constant 0 : i32
        %ne3A_2690 = arith.cmpi ne, %rem3A_2688, %ne3A_2689 : i32
        %and3A_2691 = arith.andi %ne3A_2687, %ne3A_2690 : i1
        %sub3A_2692 = arith.constant 1 : i32
        %sub3A_2693 = arith.subi %div3A_2672, %sub3A_2692 : i32
        %select_n3A_2694 = arith.select %and3A_2691, %sub3A_2693, %div3A_2672 : i32
        %jit3A_2695 = arith.constant 256 : i32
        %eq3A_2696 = arith.constant 0 : i32
        %eq3A_2697 = arith.cmpi eq, %jit3A_2695, %eq3A_2696 : i32
        %jit3A_2698 = arith.constant 1 : i32
        %select_n3A_2699 = arith.select %eq3A_2697, %jit3A_2698, %jit3A_2695 : i32
        %rem3A_2700 = arith.remsi %reduce_sum3A_2670, %select_n3A_2699 : i32
        %ne3A_2701 = arith.constant 0 : i32
        %ne3A_2702 = arith.cmpi ne, %rem3A_2700, %ne3A_2701 : i32
        %lt3A_2703 = arith.constant 0 : i32
        %lt3A_2704 = arith.cmpi slt, %rem3A_2700, %lt3A_2703 : i32
        %lt3A_2705 = arith.constant 0 : i32
        %lt3A_2706 = arith.cmpi slt, %select_n3A_2699, %lt3A_2705 : i32
        %ne3A_2707 = arith.xori %lt3A_2704, %lt3A_2706 : i1
        %and3A_2708 = arith.andi %ne3A_2707, %ne3A_2702 : i1
        %add3A_2709 = arith.addi %rem3A_2700, %select_n3A_2699 : i32
        %select_n3A_2710 = arith.select %and3A_2708, %add3A_2709, %rem3A_2700 : i32
        %get3A_2711 = arith.index_cast %select_n3A_2694 : i32 to index
        %get3A_2712 = arith.constant 0 : index
        %get3A_2713 = vector.load %arg11[%get3A_2711, %get3A_2712] : memref<8x256xf32, #tpu.memory_space<vmem>>, vector<1x256xf32>
        %eq3A_2714 = vector.broadcast %select_n3A_2710 : i32 to vector<1x256xi32>
        %eq3A_2715 = arith.cmpi eq, %iota3A_0, %eq3A_2714 : vector<1x256xi32>
        %jit3A_2716 = arith.constant 0.000000e+00 : f32
        %broadcast_in_dim3A_2717 = vector.broadcast %jit3A_2716 : f32 to vector<1x256xf32>
        %select_n3A_2718 = arith.select %eq3A_2715, %get3A_2713, %broadcast_in_dim3A_2717 : vector<1x256xi1>, vector<1x256xf32>
        %reduce_sum3A_2719 = vector.shape_cast %select_n3A_2718 : vector<1x256xf32> to vector<1x1x256xf32>
        %reduce_sum3A_2720 = arith.constant dense<0.000000e+00> : vector<1xf32>
        %reduce_sum3A_2721 = vector.multi_reduction <add>, %reduce_sum3A_2719, %reduce_sum3A_2720 [1, 2] : vector<1x1x256xf32> to vector<1xf32>
        %reduce_sum3A_2722 = vector.shape_cast %reduce_sum3A_2721 : vector<1xf32> to vector<1x1x1xf32>
        %reduce_sum3A_2723 = vector.extract %reduce_sum3A_2722[0, 0, 0] : f32 from vector<1x1x1xf32>
        %get3A_2724 = arith.index_cast %select_n3A_2694 : i32 to index
        %get3A_2725 = arith.constant 0 : index
        %get3A_2726 = vector.load %arg12[%get3A_2724, %get3A_2725] : memref<8x256xf32, #tpu.memory_space<vmem>>, vector<1x256xf32>
        %get3A_2727 = arith.constant 0 : index
        %get3A_2728 = arith.index_cast %select_n3A_2710 : i32 to index
        %get3A_2729 = arith.constant 0 : index
        %get3A_2730 = vector.load %arg4[%get3A_2727, %get3A_2728, %get3A_2729] : memref<1x256x256xf32, #tpu.memory_space<vmem>>, vector<1x1x256xf32>
        %get3A_2731 = vector.shape_cast %get3A_2730 : vector<1x1x256xf32> to vector<1x256xf32>
        %add3A_2732 = vector.broadcast %reduce_sum3A_2723 : f32 to vector<1x256xf32>
        %add3A_2733 = arith.addf %add3A_2732, %get3A_2726 : vector<1x256xf32>
        %add3A_2734 = arith.addf %add3A_2733, %get3A_2731 : vector<1x256xf32>
        %mul3A_2735 = arith.constant 256 : i32
        %mul3A_2736 = arith.muli %reduce_sum3A_2670, %mul3A_2735 : i32
        %broadcast_in_dim3A_2737 = vector.broadcast %mul3A_2736 : i32 to vector<1x256xi32>
        %add3A_2738 = arith.addi %broadcast_in_dim3A_2737, %iota3A_0 : vector<1x256xi32>
        %reduce_sum3A_2739 = vector.shape_cast %broadcast_in_dim3A_2380 : vector<1x1xi32> to vector<1x1x1xi32>
        %reduce_sum3A_2740 = arith.constant dense<0> : vector<1xi32>
        %reduce_sum3A_2741 = vector.multi_reduction <add>, %reduce_sum3A_2739, %reduce_sum3A_2740 [1, 2] : vector<1x1x1xi32> to vector<1xi32>
        %reduce_sum3A_2742 = vector.shape_cast %reduce_sum3A_2741 : vector<1xi32> to vector<1x1x1xi32>
        %reduce_sum3A_2743 = vector.extract %reduce_sum3A_2742[0, 0, 0] : i32 from vector<1x1x1xi32>
        %jit3A_2744 = arith.constant 256 : i32
        %div3A_2745 = arith.divsi %reduce_sum3A_2743, %jit3A_2744 : i32
        %sign3A_2746 = arith.constant 0 : i32
        %sign3A_2747 = arith.cmpi sgt, %reduce_sum3A_2743, %sign3A_2746 : i32
        %sign3A_2748 = arith.extui %sign3A_2747 : i1 to i32
        %sign3A_2749 = arith.constant 0 : i32
        %sign3A_2750 = arith.cmpi slt, %reduce_sum3A_2743, %sign3A_2749 : i32
        %sign3A_2751 = arith.extui %sign3A_2750 : i1 to i32
        %sign3A_2752 = arith.subi %sign3A_2748, %sign3A_2751 : i32
        %sign3A_2753 = arith.constant 0 : i32
        %sign3A_2754 = arith.cmpi sgt, %jit3A_2744, %sign3A_2753 : i32
        %sign3A_2755 = arith.extui %sign3A_2754 : i1 to i32
        %sign3A_2756 = arith.constant 0 : i32
        %sign3A_2757 = arith.cmpi slt, %jit3A_2744, %sign3A_2756 : i32
        %sign3A_2758 = arith.extui %sign3A_2757 : i1 to i32
        %sign3A_2759 = arith.subi %sign3A_2755, %sign3A_2758 : i32
        %ne3A_2760 = arith.cmpi ne, %sign3A_2752, %sign3A_2759 : i32
        %rem3A_2761 = arith.remsi %reduce_sum3A_2743, %jit3A_2744 : i32
        %ne3A_2762 = arith.constant 0 : i32
        %ne3A_2763 = arith.cmpi ne, %rem3A_2761, %ne3A_2762 : i32
        %and3A_2764 = arith.andi %ne3A_2760, %ne3A_2763 : i1
        %sub3A_2765 = arith.constant 1 : i32
        %sub3A_2766 = arith.subi %div3A_2745, %sub3A_2765 : i32
        %select_n3A_2767 = arith.select %and3A_2764, %sub3A_2766, %div3A_2745 : i32
        %jit3A_2768 = arith.constant 256 : i32
        %eq3A_2769 = arith.constant 0 : i32
        %eq3A_2770 = arith.cmpi eq, %jit3A_2768, %eq3A_2769 : i32
        %jit3A_2771 = arith.constant 1 : i32
        %select_n3A_2772 = arith.select %eq3A_2770, %jit3A_2771, %jit3A_2768 : i32
        %rem3A_2773 = arith.remsi %reduce_sum3A_2743, %select_n3A_2772 : i32
        %ne3A_2774 = arith.constant 0 : i32
        %ne3A_2775 = arith.cmpi ne, %rem3A_2773, %ne3A_2774 : i32
        %lt3A_2776 = arith.constant 0 : i32
        %lt3A_2777 = arith.cmpi slt, %rem3A_2773, %lt3A_2776 : i32
        %lt3A_2778 = arith.constant 0 : i32
        %lt3A_2779 = arith.cmpi slt, %select_n3A_2772, %lt3A_2778 : i32
        %ne3A_2780 = arith.xori %lt3A_2777, %lt3A_2779 : i1
        %and3A_2781 = arith.andi %ne3A_2780, %ne3A_2775 : i1
        %add3A_2782 = arith.addi %rem3A_2773, %select_n3A_2772 : i32
        %select_n3A_2783 = arith.select %and3A_2781, %add3A_2782, %rem3A_2773 : i32
        %get3A_2784 = arith.index_cast %select_n3A_2767 : i32 to index
        %get3A_2785 = arith.constant 0 : index
        %get3A_2786 = vector.load %arg11[%get3A_2784, %get3A_2785] : memref<8x256xf32, #tpu.memory_space<vmem>>, vector<1x256xf32>
        %eq3A_2787 = vector.broadcast %select_n3A_2783 : i32 to vector<1x256xi32>
        %eq3A_2788 = arith.cmpi eq, %iota3A_0, %eq3A_2787 : vector<1x256xi32>
        %jit3A_2789 = arith.constant 0.000000e+00 : f32
        %broadcast_in_dim3A_2790 = vector.broadcast %jit3A_2789 : f32 to vector<1x256xf32>
        %select_n3A_2791 = arith.select %eq3A_2788, %get3A_2786, %broadcast_in_dim3A_2790 : vector<1x256xi1>, vector<1x256xf32>
        %reduce_sum3A_2792 = vector.shape_cast %select_n3A_2791 : vector<1x256xf32> to vector<1x1x256xf32>
        %reduce_sum3A_2793 = arith.constant dense<0.000000e+00> : vector<1xf32>
        %reduce_sum3A_2794 = vector.multi_reduction <add>, %reduce_sum3A_2792, %reduce_sum3A_2793 [1, 2] : vector<1x1x256xf32> to vector<1xf32>
        %reduce_sum3A_2795 = vector.shape_cast %reduce_sum3A_2794 : vector<1xf32> to vector<1x1x1xf32>
        %reduce_sum3A_2796 = vector.extract %reduce_sum3A_2795[0, 0, 0] : f32 from vector<1x1x1xf32>
        %get3A_2797 = arith.index_cast %select_n3A_2767 : i32 to index
        %get3A_2798 = arith.constant 0 : index
        %get3A_2799 = vector.load %arg12[%get3A_2797, %get3A_2798] : memref<8x256xf32, #tpu.memory_space<vmem>>, vector<1x256xf32>
        %get3A_2800 = arith.constant 0 : index
        %get3A_2801 = arith.index_cast %select_n3A_2783 : i32 to index
        %get3A_2802 = arith.constant 0 : index
        %get3A_2803 = vector.load %arg4[%get3A_2800, %get3A_2801, %get3A_2802] : memref<1x256x256xf32, #tpu.memory_space<vmem>>, vector<1x1x256xf32>
        %get3A_2804 = vector.shape_cast %get3A_2803 : vector<1x1x256xf32> to vector<1x256xf32>
        %add3A_2805 = vector.broadcast %reduce_sum3A_2796 : f32 to vector<1x256xf32>
        %add3A_2806 = arith.addf %add3A_2805, %get3A_2799 : vector<1x256xf32>
        %add3A_2807 = arith.addf %add3A_2806, %get3A_2804 : vector<1x256xf32>
        %mul3A_2808 = arith.constant 256 : i32
        %mul3A_2809 = arith.muli %reduce_sum3A_2743, %mul3A_2808 : i32
        %broadcast_in_dim3A_2810 = vector.broadcast %mul3A_2809 : i32 to vector<1x256xi32>
        %add3A_2811 = arith.addi %broadcast_in_dim3A_2810, %iota3A_0 : vector<1x256xi32>
        %reduce_sum3A_2812 = vector.shape_cast %broadcast_in_dim3A_2402 : vector<1x1xi32> to vector<1x1x1xi32>
        %reduce_sum3A_2813 = arith.constant dense<0> : vector<1xi32>
        %reduce_sum3A_2814 = vector.multi_reduction <add>, %reduce_sum3A_2812, %reduce_sum3A_2813 [1, 2] : vector<1x1x1xi32> to vector<1xi32>
        %reduce_sum3A_2815 = vector.shape_cast %reduce_sum3A_2814 : vector<1xi32> to vector<1x1x1xi32>
        %reduce_sum3A_2816 = vector.extract %reduce_sum3A_2815[0, 0, 0] : i32 from vector<1x1x1xi32>
        %jit3A_2817 = arith.constant 256 : i32
        %div3A_2818 = arith.divsi %reduce_sum3A_2816, %jit3A_2817 : i32
        %sign3A_2819 = arith.constant 0 : i32
        %sign3A_2820 = arith.cmpi sgt, %reduce_sum3A_2816, %sign3A_2819 : i32
        %sign3A_2821 = arith.extui %sign3A_2820 : i1 to i32
        %sign3A_2822 = arith.constant 0 : i32
        %sign3A_2823 = arith.cmpi slt, %reduce_sum3A_2816, %sign3A_2822 : i32
        %sign3A_2824 = arith.extui %sign3A_2823 : i1 to i32
        %sign3A_2825 = arith.subi %sign3A_2821, %sign3A_2824 : i32
        %sign3A_2826 = arith.constant 0 : i32
        %sign3A_2827 = arith.cmpi sgt, %jit3A_2817, %sign3A_2826 : i32
        %sign3A_2828 = arith.extui %sign3A_2827 : i1 to i32
        %sign3A_2829 = arith.constant 0 : i32
        %sign3A_2830 = arith.cmpi slt, %jit3A_2817, %sign3A_2829 : i32
        %sign3A_2831 = arith.extui %sign3A_2830 : i1 to i32
        %sign3A_2832 = arith.subi %sign3A_2828, %sign3A_2831 : i32
        %ne3A_2833 = arith.cmpi ne, %sign3A_2825, %sign3A_2832 : i32
        %rem3A_2834 = arith.remsi %reduce_sum3A_2816, %jit3A_2817 : i32
        %ne3A_2835 = arith.constant 0 : i32
        %ne3A_2836 = arith.cmpi ne, %rem3A_2834, %ne3A_2835 : i32
        %and3A_2837 = arith.andi %ne3A_2833, %ne3A_2836 : i1
        %sub3A_2838 = arith.constant 1 : i32
        %sub3A_2839 = arith.subi %div3A_2818, %sub3A_2838 : i32
        %select_n3A_2840 = arith.select %and3A_2837, %sub3A_2839, %div3A_2818 : i32
        %jit3A_2841 = arith.constant 256 : i32
        %eq3A_2842 = arith.constant 0 : i32
        %eq3A_2843 = arith.cmpi eq, %jit3A_2841, %eq3A_2842 : i32
        %jit3A_2844 = arith.constant 1 : i32
        %select_n3A_2845 = arith.select %eq3A_2843, %jit3A_2844, %jit3A_2841 : i32
        %rem3A_2846 = arith.remsi %reduce_sum3A_2816, %select_n3A_2845 : i32
        %ne3A_2847 = arith.constant 0 : i32
        %ne3A_2848 = arith.cmpi ne, %rem3A_2846, %ne3A_2847 : i32
        %lt3A_2849 = arith.constant 0 : i32
        %lt3A_2850 = arith.cmpi slt, %rem3A_2846, %lt3A_2849 : i32
        %lt3A_2851 = arith.constant 0 : i32
        %lt3A_2852 = arith.cmpi slt, %select_n3A_2845, %lt3A_2851 : i32
        %ne3A_2853 = arith.xori %lt3A_2850, %lt3A_2852 : i1
        %and3A_2854 = arith.andi %ne3A_2853, %ne3A_2848 : i1
        %add3A_2855 = arith.addi %rem3A_2846, %select_n3A_2845 : i32
        %select_n3A_2856 = arith.select %and3A_2854, %add3A_2855, %rem3A_2846 : i32
        %get3A_2857 = arith.index_cast %select_n3A_2840 : i32 to index
        %get3A_2858 = arith.constant 0 : index
        %get3A_2859 = vector.load %arg11[%get3A_2857, %get3A_2858] : memref<8x256xf32, #tpu.memory_space<vmem>>, vector<1x256xf32>
        %eq3A_2860 = vector.broadcast %select_n3A_2856 : i32 to vector<1x256xi32>
        %eq3A_2861 = arith.cmpi eq, %iota3A_0, %eq3A_2860 : vector<1x256xi32>
        %jit3A_2862 = arith.constant 0.000000e+00 : f32
        %broadcast_in_dim3A_2863 = vector.broadcast %jit3A_2862 : f32 to vector<1x256xf32>
        %select_n3A_2864 = arith.select %eq3A_2861, %get3A_2859, %broadcast_in_dim3A_2863 : vector<1x256xi1>, vector<1x256xf32>
        %reduce_sum3A_2865 = vector.shape_cast %select_n3A_2864 : vector<1x256xf32> to vector<1x1x256xf32>
        %reduce_sum3A_2866 = arith.constant dense<0.000000e+00> : vector<1xf32>
        %reduce_sum3A_2867 = vector.multi_reduction <add>, %reduce_sum3A_2865, %reduce_sum3A_2866 [1, 2] : vector<1x1x256xf32> to vector<1xf32>
        %reduce_sum3A_2868 = vector.shape_cast %reduce_sum3A_2867 : vector<1xf32> to vector<1x1x1xf32>
        %reduce_sum3A_2869 = vector.extract %reduce_sum3A_2868[0, 0, 0] : f32 from vector<1x1x1xf32>
        %get3A_2870 = arith.index_cast %select_n3A_2840 : i32 to index
        %get3A_2871 = arith.constant 0 : index
        %get3A_2872 = vector.load %arg12[%get3A_2870, %get3A_2871] : memref<8x256xf32, #tpu.memory_space<vmem>>, vector<1x256xf32>
        %get3A_2873 = arith.constant 0 : index
        %get3A_2874 = arith.index_cast %select_n3A_2856 : i32 to index
        %get3A_2875 = arith.constant 0 : index
        %get3A_2876 = vector.load %arg4[%get3A_2873, %get3A_2874, %get3A_2875] : memref<1x256x256xf32, #tpu.memory_space<vmem>>, vector<1x1x256xf32>
        %get3A_2877 = vector.shape_cast %get3A_2876 : vector<1x1x256xf32> to vector<1x256xf32>
        %add3A_2878 = vector.broadcast %reduce_sum3A_2869 : f32 to vector<1x256xf32>
        %add3A_2879 = arith.addf %add3A_2878, %get3A_2872 : vector<1x256xf32>
        %add3A_2880 = arith.addf %add3A_2879, %get3A_2877 : vector<1x256xf32>
        %mul3A_2881 = arith.constant 256 : i32
        %mul3A_2882 = arith.muli %reduce_sum3A_2816, %mul3A_2881 : i32
        %broadcast_in_dim3A_2883 = vector.broadcast %mul3A_2882 : i32 to vector<1x256xi32>
        %add3A_2884 = arith.addi %broadcast_in_dim3A_2883, %iota3A_0 : vector<1x256xi32>
        %reduce_sum3A_2885 = vector.shape_cast %broadcast_in_dim3A_2424 : vector<1x1xi32> to vector<1x1x1xi32>
        %reduce_sum3A_2886 = arith.constant dense<0> : vector<1xi32>
        %reduce_sum3A_2887 = vector.multi_reduction <add>, %reduce_sum3A_2885, %reduce_sum3A_2886 [1, 2] : vector<1x1x1xi32> to vector<1xi32>
        %reduce_sum3A_2888 = vector.shape_cast %reduce_sum3A_2887 : vector<1xi32> to vector<1x1x1xi32>
        %reduce_sum3A_2889 = vector.extract %reduce_sum3A_2888[0, 0, 0] : i32 from vector<1x1x1xi32>
        %jit3A_2890 = arith.constant 256 : i32
        %div3A_2891 = arith.divsi %reduce_sum3A_2889, %jit3A_2890 : i32
        %sign3A_2892 = arith.constant 0 : i32
        %sign3A_2893 = arith.cmpi sgt, %reduce_sum3A_2889, %sign3A_2892 : i32
        %sign3A_2894 = arith.extui %sign3A_2893 : i1 to i32
        %sign3A_2895 = arith.constant 0 : i32
        %sign3A_2896 = arith.cmpi slt, %reduce_sum3A_2889, %sign3A_2895 : i32
        %sign3A_2897 = arith.extui %sign3A_2896 : i1 to i32
        %sign3A_2898 = arith.subi %sign3A_2894, %sign3A_2897 : i32
        %sign3A_2899 = arith.constant 0 : i32
        %sign3A_2900 = arith.cmpi sgt, %jit3A_2890, %sign3A_2899 : i32
        %sign3A_2901 = arith.extui %sign3A_2900 : i1 to i32
        %sign3A_2902 = arith.constant 0 : i32
        %sign3A_2903 = arith.cmpi slt, %jit3A_2890, %sign3A_2902 : i32
        %sign3A_2904 = arith.extui %sign3A_2903 : i1 to i32
        %sign3A_2905 = arith.subi %sign3A_2901, %sign3A_2904 : i32
        %ne3A_2906 = arith.cmpi ne, %sign3A_2898, %sign3A_2905 : i32
        %rem3A_2907 = arith.remsi %reduce_sum3A_2889, %jit3A_2890 : i32
        %ne3A_2908 = arith.constant 0 : i32
        %ne3A_2909 = arith.cmpi ne, %rem3A_2907, %ne3A_2908 : i32
        %and3A_2910 = arith.andi %ne3A_2906, %ne3A_2909 : i1
        %sub3A_2911 = arith.constant 1 : i32
        %sub3A_2912 = arith.subi %div3A_2891, %sub3A_2911 : i32
        %select_n3A_2913 = arith.select %and3A_2910, %sub3A_2912, %div3A_2891 : i32
        %jit3A_2914 = arith.constant 256 : i32
        %eq3A_2915 = arith.constant 0 : i32
        %eq3A_2916 = arith.cmpi eq, %jit3A_2914, %eq3A_2915 : i32
        %jit3A_2917 = arith.constant 1 : i32
        %select_n3A_2918 = arith.select %eq3A_2916, %jit3A_2917, %jit3A_2914 : i32
        %rem3A_2919 = arith.remsi %reduce_sum3A_2889, %select_n3A_2918 : i32
        %ne3A_2920 = arith.constant 0 : i32
        %ne3A_2921 = arith.cmpi ne, %rem3A_2919, %ne3A_2920 : i32
        %lt3A_2922 = arith.constant 0 : i32
        %lt3A_2923 = arith.cmpi slt, %rem3A_2919, %lt3A_2922 : i32
        %lt3A_2924 = arith.constant 0 : i32
        %lt3A_2925 = arith.cmpi slt, %select_n3A_2918, %lt3A_2924 : i32
        %ne3A_2926 = arith.xori %lt3A_2923, %lt3A_2925 : i1
        %and3A_2927 = arith.andi %ne3A_2926, %ne3A_2921 : i1
        %add3A_2928 = arith.addi %rem3A_2919, %select_n3A_2918 : i32
        %select_n3A_2929 = arith.select %and3A_2927, %add3A_2928, %rem3A_2919 : i32
        %get3A_2930 = arith.index_cast %select_n3A_2913 : i32 to index
        %get3A_2931 = arith.constant 0 : index
        %get3A_2932 = vector.load %arg11[%get3A_2930, %get3A_2931] : memref<8x256xf32, #tpu.memory_space<vmem>>, vector<1x256xf32>
        %eq3A_2933 = vector.broadcast %select_n3A_2929 : i32 to vector<1x256xi32>
        %eq3A_2934 = arith.cmpi eq, %iota3A_0, %eq3A_2933 : vector<1x256xi32>
        %jit3A_2935 = arith.constant 0.000000e+00 : f32
        %broadcast_in_dim3A_2936 = vector.broadcast %jit3A_2935 : f32 to vector<1x256xf32>
        %select_n3A_2937 = arith.select %eq3A_2934, %get3A_2932, %broadcast_in_dim3A_2936 : vector<1x256xi1>, vector<1x256xf32>
        %reduce_sum3A_2938 = vector.shape_cast %select_n3A_2937 : vector<1x256xf32> to vector<1x1x256xf32>
        %reduce_sum3A_2939 = arith.constant dense<0.000000e+00> : vector<1xf32>
        %reduce_sum3A_2940 = vector.multi_reduction <add>, %reduce_sum3A_2938, %reduce_sum3A_2939 [1, 2] : vector<1x1x256xf32> to vector<1xf32>
        %reduce_sum3A_2941 = vector.shape_cast %reduce_sum3A_2940 : vector<1xf32> to vector<1x1x1xf32>
        %reduce_sum3A_2942 = vector.extract %reduce_sum3A_2941[0, 0, 0] : f32 from vector<1x1x1xf32>
        %get3A_2943 = arith.index_cast %select_n3A_2913 : i32 to index
        %get3A_2944 = arith.constant 0 : index
        %get3A_2945 = vector.load %arg12[%get3A_2943, %get3A_2944] : memref<8x256xf32, #tpu.memory_space<vmem>>, vector<1x256xf32>
        %get3A_2946 = arith.constant 0 : index
        %get3A_2947 = arith.index_cast %select_n3A_2929 : i32 to index
        %get3A_2948 = arith.constant 0 : index
        %get3A_2949 = vector.load %arg4[%get3A_2946, %get3A_2947, %get3A_2948] : memref<1x256x256xf32, #tpu.memory_space<vmem>>, vector<1x1x256xf32>
        %get3A_2950 = vector.shape_cast %get3A_2949 : vector<1x1x256xf32> to vector<1x256xf32>
        %add3A_2951 = vector.broadcast %reduce_sum3A_2942 : f32 to vector<1x256xf32>
        %add3A_2952 = arith.addf %add3A_2951, %get3A_2945 : vector<1x256xf32>
        %add3A_2953 = arith.addf %add3A_2952, %get3A_2950 : vector<1x256xf32>
        %mul3A_2954 = arith.constant 256 : i32
        %mul3A_2955 = arith.muli %reduce_sum3A_2889, %mul3A_2954 : i32
        %broadcast_in_dim3A_2956 = vector.broadcast %mul3A_2955 : i32 to vector<1x256xi32>
        %add3A_2957 = arith.addi %broadcast_in_dim3A_2956, %iota3A_0 : vector<1x256xi32>
        %reduce_sum3A_2958 = vector.shape_cast %broadcast_in_dim3A_2446 : vector<1x1xi32> to vector<1x1x1xi32>
        %reduce_sum3A_2959 = arith.constant dense<0> : vector<1xi32>
        %reduce_sum3A_2960 = vector.multi_reduction <add>, %reduce_sum3A_2958, %reduce_sum3A_2959 [1, 2] : vector<1x1x1xi32> to vector<1xi32>
        %reduce_sum3A_2961 = vector.shape_cast %reduce_sum3A_2960 : vector<1xi32> to vector<1x1x1xi32>
        %reduce_sum3A_2962 = vector.extract %reduce_sum3A_2961[0, 0, 0] : i32 from vector<1x1x1xi32>
        %jit3A_2963 = arith.constant 256 : i32
        %div3A_2964 = arith.divsi %reduce_sum3A_2962, %jit3A_2963 : i32
        %sign3A_2965 = arith.constant 0 : i32
        %sign3A_2966 = arith.cmpi sgt, %reduce_sum3A_2962, %sign3A_2965 : i32
        %sign3A_2967 = arith.extui %sign3A_2966 : i1 to i32
        %sign3A_2968 = arith.constant 0 : i32
        %sign3A_2969 = arith.cmpi slt, %reduce_sum3A_2962, %sign3A_2968 : i32
        %sign3A_2970 = arith.extui %sign3A_2969 : i1 to i32
        %sign3A_2971 = arith.subi %sign3A_2967, %sign3A_2970 : i32
        %sign3A_2972 = arith.constant 0 : i32
        %sign3A_2973 = arith.cmpi sgt, %jit3A_2963, %sign3A_2972 : i32
        %sign3A_2974 = arith.extui %sign3A_2973 : i1 to i32
        %sign3A_2975 = arith.constant 0 : i32
        %sign3A_2976 = arith.cmpi slt, %jit3A_2963, %sign3A_2975 : i32
        %sign3A_2977 = arith.extui %sign3A_2976 : i1 to i32
        %sign3A_2978 = arith.subi %sign3A_2974, %sign3A_2977 : i32
        %ne3A_2979 = arith.cmpi ne, %sign3A_2971, %sign3A_2978 : i32
        %rem3A_2980 = arith.remsi %reduce_sum3A_2962, %jit3A_2963 : i32
        %ne3A_2981 = arith.constant 0 : i32
        %ne3A_2982 = arith.cmpi ne, %rem3A_2980, %ne3A_2981 : i32
        %and3A_2983 = arith.andi %ne3A_2979, %ne3A_2982 : i1
        %sub3A_2984 = arith.constant 1 : i32
        %sub3A_2985 = arith.subi %div3A_2964, %sub3A_2984 : i32
        %select_n3A_2986 = arith.select %and3A_2983, %sub3A_2985, %div3A_2964 : i32
        %jit3A_2987 = arith.constant 256 : i32
        %eq3A_2988 = arith.constant 0 : i32
        %eq3A_2989 = arith.cmpi eq, %jit3A_2987, %eq3A_2988 : i32
        %jit3A_2990 = arith.constant 1 : i32
        %select_n3A_2991 = arith.select %eq3A_2989, %jit3A_2990, %jit3A_2987 : i32
        %rem3A_2992 = arith.remsi %reduce_sum3A_2962, %select_n3A_2991 : i32
        %ne3A_2993 = arith.constant 0 : i32
        %ne3A_2994 = arith.cmpi ne, %rem3A_2992, %ne3A_2993 : i32
        %lt3A_2995 = arith.constant 0 : i32
        %lt3A_2996 = arith.cmpi slt, %rem3A_2992, %lt3A_2995 : i32
        %lt3A_2997 = arith.constant 0 : i32
        %lt3A_2998 = arith.cmpi slt, %select_n3A_2991, %lt3A_2997 : i32
        %ne3A_2999 = arith.xori %lt3A_2996, %lt3A_2998 : i1
        %and3A_3000 = arith.andi %ne3A_2999, %ne3A_2994 : i1
        %add3A_3001 = arith.addi %rem3A_2992, %select_n3A_2991 : i32
        %select_n3A_3002 = arith.select %and3A_3000, %add3A_3001, %rem3A_2992 : i32
        %get3A_3003 = arith.index_cast %select_n3A_2986 : i32 to index
        %get3A_3004 = arith.constant 0 : index
        %get3A_3005 = vector.load %arg11[%get3A_3003, %get3A_3004] : memref<8x256xf32, #tpu.memory_space<vmem>>, vector<1x256xf32>
        %eq3A_3006 = vector.broadcast %select_n3A_3002 : i32 to vector<1x256xi32>
        %eq3A_3007 = arith.cmpi eq, %iota3A_0, %eq3A_3006 : vector<1x256xi32>
        %jit3A_3008 = arith.constant 0.000000e+00 : f32
        %broadcast_in_dim3A_3009 = vector.broadcast %jit3A_3008 : f32 to vector<1x256xf32>
        %select_n3A_3010 = arith.select %eq3A_3007, %get3A_3005, %broadcast_in_dim3A_3009 : vector<1x256xi1>, vector<1x256xf32>
        %reduce_sum3A_3011 = vector.shape_cast %select_n3A_3010 : vector<1x256xf32> to vector<1x1x256xf32>
        %reduce_sum3A_3012 = arith.constant dense<0.000000e+00> : vector<1xf32>
        %reduce_sum3A_3013 = vector.multi_reduction <add>, %reduce_sum3A_3011, %reduce_sum3A_3012 [1, 2] : vector<1x1x256xf32> to vector<1xf32>
        %reduce_sum3A_3014 = vector.shape_cast %reduce_sum3A_3013 : vector<1xf32> to vector<1x1x1xf32>
        %reduce_sum3A_3015 = vector.extract %reduce_sum3A_3014[0, 0, 0] : f32 from vector<1x1x1xf32>
        %get3A_3016 = arith.index_cast %select_n3A_2986 : i32 to index
        %get3A_3017 = arith.constant 0 : index
        %get3A_3018 = vector.load %arg12[%get3A_3016, %get3A_3017] : memref<8x256xf32, #tpu.memory_space<vmem>>, vector<1x256xf32>
        %get3A_3019 = arith.constant 0 : index
        %get3A_3020 = arith.index_cast %select_n3A_3002 : i32 to index
        %get3A_3021 = arith.constant 0 : index
        %get3A_3022 = vector.load %arg4[%get3A_3019, %get3A_3020, %get3A_3021] : memref<1x256x256xf32, #tpu.memory_space<vmem>>, vector<1x1x256xf32>
        %get3A_3023 = vector.shape_cast %get3A_3022 : vector<1x1x256xf32> to vector<1x256xf32>
        %add3A_3024 = vector.broadcast %reduce_sum3A_3015 : f32 to vector<1x256xf32>
        %add3A_3025 = arith.addf %add3A_3024, %get3A_3018 : vector<1x256xf32>
        %add3A_3026 = arith.addf %add3A_3025, %get3A_3023 : vector<1x256xf32>
        %mul3A_3027 = arith.constant 256 : i32
        %mul3A_3028 = arith.muli %reduce_sum3A_2962, %mul3A_3027 : i32
        %broadcast_in_dim3A_3029 = vector.broadcast %mul3A_3028 : i32 to vector<1x256xi32>
        %add3A_3030 = arith.addi %broadcast_in_dim3A_3029, %iota3A_0 : vector<1x256xi32>
        %concatenate3A_3031 = tpu.concatenate %add3A_2515, %add3A_2588, %add3A_2661, %add3A_2734, %add3A_2807, %add3A_2880, %add3A_2953, %add3A_3026 in 0 : vector<1x256xf32>, vector<1x256xf32>, vector<1x256xf32>, vector<1x256xf32>, vector<1x256xf32>, vector<1x256xf32>, vector<1x256xf32>, vector<1x256xf32> -> vector<8x256xf32>
        %concatenate3A_3032 = tpu.concatenate %add3A_2519, %add3A_2592, %add3A_2665, %add3A_2738, %add3A_2811, %add3A_2884, %add3A_2957, %add3A_3030 in 0 : vector<1x256xi32>, vector<1x256xi32>, vector<1x256xi32>, vector<1x256xi32>, vector<1x256xi32>, vector<1x256xi32>, vector<1x256xi32>, vector<1x256xi32> -> vector<8x256xi32>
        %reduce_max3A_3033 = arith.constant dense<0xFF800000> : vector<8xf32>
        %reduce_max3A_3034 = vector.multi_reduction <maximumf>, %concatenate3A_3031, %reduce_max3A_3033 [1] : vector<8x256xf32> to vector<8xf32>
        %broadcast_in_dim3A_3035 = vector.shape_cast %reduce_max3A_3034 : vector<8xf32> to vector<8x1xf32>
        %reduce_max3A_3036 = arith.constant dense<0xFF800000> : vector<1xf32>
        %reduce_max3A_3037 = vector.multi_reduction <maximumf>, %broadcast_in_dim3A_3035, %reduce_max3A_3036 [0] : vector<8x1xf32> to vector<1xf32>
        %broadcast_in_dim3A_3038 = vector.shape_cast %reduce_max3A_3037 : vector<1xf32> to vector<1x1xf32>
        %eq3A_3039 = vector.broadcast %broadcast_in_dim3A_3038 : vector<1x1xf32> to vector<8x256xf32>
        %eq3A_3040 = arith.cmpf oeq, %concatenate3A_3031, %eq3A_3039 : vector<8x256xf32>
        %jit3A_3041 = arith.constant 524288 : i32
        %broadcast_in_dim3A_3042 = vector.broadcast %jit3A_3041 : i32 to vector<8x256xi32>
        %select_n3A_3043 = arith.select %eq3A_3040, %concatenate3A_3032, %broadcast_in_dim3A_3042 : vector<8x256xi1>, vector<8x256xi32>
        %reduce_min3A_3044 = arith.constant dense<2147483647> : vector<8xi32>
        %reduce_min3A_3045 = vector.multi_reduction <minsi>, %select_n3A_3043, %reduce_min3A_3044 [1] : vector<8x256xi32> to vector<8xi32>
        %broadcast_in_dim3A_3046 = vector.shape_cast %reduce_min3A_3045 : vector<8xi32> to vector<8x1xi32>
        %reduce_min3A_3047 = arith.constant dense<2147483647> : vector<1xi32>
        %reduce_min3A_3048 = vector.multi_reduction <minsi>, %broadcast_in_dim3A_3046, %reduce_min3A_3047 [0] : vector<8x1xi32> to vector<1xi32>
        %broadcast_in_dim3A_3049 = vector.shape_cast %reduce_min3A_3048 : vector<1xi32> to vector<1x1xi32>
        %eq3A_3050 = vector.broadcast %broadcast_in_dim3A_3049 : vector<1x1xi32> to vector<8x256xi32>
        %eq3A_3051 = arith.cmpi eq, %concatenate3A_3032, %eq3A_3050 : vector<8x256xi32>
        %jit3A_3052 = arith.constant 0xFF800000 : f32
        %broadcast_in_dim3A_3053 = vector.broadcast %jit3A_3052 : f32 to vector<8x256xf32>
        %select_n3A_3054 = arith.select %eq3A_3051, %broadcast_in_dim3A_3053, %concatenate3A_3031 : vector<8x256xi1>, vector<8x256xf32>
        %reduce_max3A_3055 = arith.constant dense<0xFF800000> : vector<8xf32>
        %reduce_max3A_3056 = vector.multi_reduction <maximumf>, %select_n3A_3054, %reduce_max3A_3055 [1] : vector<8x256xf32> to vector<8xf32>
        %broadcast_in_dim3A_3057 = vector.shape_cast %reduce_max3A_3056 : vector<8xf32> to vector<8x1xf32>
        %reduce_max3A_3058 = arith.constant dense<0xFF800000> : vector<1xf32>
        %reduce_max3A_3059 = vector.multi_reduction <maximumf>, %broadcast_in_dim3A_3057, %reduce_max3A_3058 [0] : vector<8x1xf32> to vector<1xf32>
        %broadcast_in_dim3A_3060 = vector.shape_cast %reduce_max3A_3059 : vector<1xf32> to vector<1x1xf32>
        %eq3A_3061 = vector.broadcast %broadcast_in_dim3A_3060 : vector<1x1xf32> to vector<8x256xf32>
        %eq3A_3062 = arith.cmpf oeq, %select_n3A_3054, %eq3A_3061 : vector<8x256xf32>
        %jit3A_3063 = arith.constant 524288 : i32
        %broadcast_in_dim3A_3064 = vector.broadcast %jit3A_3063 : i32 to vector<8x256xi32>
        %select_n3A_3065 = arith.select %eq3A_3062, %concatenate3A_3032, %broadcast_in_dim3A_3064 : vector<8x256xi1>, vector<8x256xi32>
        %reduce_min3A_3066 = arith.constant dense<2147483647> : vector<8xi32>
        %reduce_min3A_3067 = vector.multi_reduction <minsi>, %select_n3A_3065, %reduce_min3A_3066 [1] : vector<8x256xi32> to vector<8xi32>
        %broadcast_in_dim3A_3068 = vector.shape_cast %reduce_min3A_3067 : vector<8xi32> to vector<8x1xi32>
        %reduce_min3A_3069 = arith.constant dense<2147483647> : vector<1xi32>
        %reduce_min3A_3070 = vector.multi_reduction <minsi>, %broadcast_in_dim3A_3068, %reduce_min3A_3069 [0] : vector<8x1xi32> to vector<1xi32>
        %broadcast_in_dim3A_3071 = vector.shape_cast %reduce_min3A_3070 : vector<1xi32> to vector<1x1xi32>
        %eq3A_3072 = vector.broadcast %broadcast_in_dim3A_3071 : vector<1x1xi32> to vector<8x256xi32>
        %eq3A_3073 = arith.cmpi eq, %concatenate3A_3032, %eq3A_3072 : vector<8x256xi32>
        %jit3A_3074 = arith.constant 0xFF800000 : f32
        %broadcast_in_dim3A_3075 = vector.broadcast %jit3A_3074 : f32 to vector<8x256xf32>
        %select_n3A_3076 = arith.select %eq3A_3073, %broadcast_in_dim3A_3075, %select_n3A_3054 : vector<8x256xi1>, vector<8x256xf32>
        %reduce_max3A_3077 = arith.constant dense<0xFF800000> : vector<8xf32>
        %reduce_max3A_3078 = vector.multi_reduction <maximumf>, %select_n3A_3076, %reduce_max3A_3077 [1] : vector<8x256xf32> to vector<8xf32>
        %broadcast_in_dim3A_3079 = vector.shape_cast %reduce_max3A_3078 : vector<8xf32> to vector<8x1xf32>
        %reduce_max3A_3080 = arith.constant dense<0xFF800000> : vector<1xf32>
        %reduce_max3A_3081 = vector.multi_reduction <maximumf>, %broadcast_in_dim3A_3079, %reduce_max3A_3080 [0] : vector<8x1xf32> to vector<1xf32>
        %broadcast_in_dim3A_3082 = vector.shape_cast %reduce_max3A_3081 : vector<1xf32> to vector<1x1xf32>
        %eq3A_3083 = vector.broadcast %broadcast_in_dim3A_3082 : vector<1x1xf32> to vector<8x256xf32>
        %eq3A_3084 = arith.cmpf oeq, %select_n3A_3076, %eq3A_3083 : vector<8x256xf32>
        %jit3A_3085 = arith.constant 524288 : i32
        %broadcast_in_dim3A_3086 = vector.broadcast %jit3A_3085 : i32 to vector<8x256xi32>
        %select_n3A_3087 = arith.select %eq3A_3084, %concatenate3A_3032, %broadcast_in_dim3A_3086 : vector<8x256xi1>, vector<8x256xi32>
        %reduce_min3A_3088 = arith.constant dense<2147483647> : vector<8xi32>
        %reduce_min3A_3089 = vector.multi_reduction <minsi>, %select_n3A_3087, %reduce_min3A_3088 [1] : vector<8x256xi32> to vector<8xi32>
        %broadcast_in_dim3A_3090 = vector.shape_cast %reduce_min3A_3089 : vector<8xi32> to vector<8x1xi32>
        %reduce_min3A_3091 = arith.constant dense<2147483647> : vector<1xi32>
        %reduce_min3A_3092 = vector.multi_reduction <minsi>, %broadcast_in_dim3A_3090, %reduce_min3A_3091 [0] : vector<8x1xi32> to vector<1xi32>
        %broadcast_in_dim3A_3093 = vector.shape_cast %reduce_min3A_3092 : vector<1xi32> to vector<1x1xi32>
        %eq3A_3094 = vector.broadcast %broadcast_in_dim3A_3093 : vector<1x1xi32> to vector<8x256xi32>
        %eq3A_3095 = arith.cmpi eq, %concatenate3A_3032, %eq3A_3094 : vector<8x256xi32>
        %jit3A_3096 = arith.constant 0xFF800000 : f32
        %broadcast_in_dim3A_3097 = vector.broadcast %jit3A_3096 : f32 to vector<8x256xf32>
        %select_n3A_3098 = arith.select %eq3A_3095, %broadcast_in_dim3A_3097, %select_n3A_3076 : vector<8x256xi1>, vector<8x256xf32>
        %reduce_max3A_3099 = arith.constant dense<0xFF800000> : vector<8xf32>
        %reduce_max3A_3100 = vector.multi_reduction <maximumf>, %select_n3A_3098, %reduce_max3A_3099 [1] : vector<8x256xf32> to vector<8xf32>
        %broadcast_in_dim3A_3101 = vector.shape_cast %reduce_max3A_3100 : vector<8xf32> to vector<8x1xf32>
        %reduce_max3A_3102 = arith.constant dense<0xFF800000> : vector<1xf32>
        %reduce_max3A_3103 = vector.multi_reduction <maximumf>, %broadcast_in_dim3A_3101, %reduce_max3A_3102 [0] : vector<8x1xf32> to vector<1xf32>
        %broadcast_in_dim3A_3104 = vector.shape_cast %reduce_max3A_3103 : vector<1xf32> to vector<1x1xf32>
        %eq3A_3105 = vector.broadcast %broadcast_in_dim3A_3104 : vector<1x1xf32> to vector<8x256xf32>
        %eq3A_3106 = arith.cmpf oeq, %select_n3A_3098, %eq3A_3105 : vector<8x256xf32>
        %jit3A_3107 = arith.constant 524288 : i32
        %broadcast_in_dim3A_3108 = vector.broadcast %jit3A_3107 : i32 to vector<8x256xi32>
        %select_n3A_3109 = arith.select %eq3A_3106, %concatenate3A_3032, %broadcast_in_dim3A_3108 : vector<8x256xi1>, vector<8x256xi32>
        %reduce_min3A_3110 = arith.constant dense<2147483647> : vector<8xi32>
        %reduce_min3A_3111 = vector.multi_reduction <minsi>, %select_n3A_3109, %reduce_min3A_3110 [1] : vector<8x256xi32> to vector<8xi32>
        %broadcast_in_dim3A_3112 = vector.shape_cast %reduce_min3A_3111 : vector<8xi32> to vector<8x1xi32>
        %reduce_min3A_3113 = arith.constant dense<2147483647> : vector<1xi32>
        %reduce_min3A_3114 = vector.multi_reduction <minsi>, %broadcast_in_dim3A_3112, %reduce_min3A_3113 [0] : vector<8x1xi32> to vector<1xi32>
        %broadcast_in_dim3A_3115 = vector.shape_cast %reduce_min3A_3114 : vector<1xi32> to vector<1x1xi32>
        %eq3A_3116 = vector.broadcast %broadcast_in_dim3A_3115 : vector<1x1xi32> to vector<8x256xi32>
        %eq3A_3117 = arith.cmpi eq, %concatenate3A_3032, %eq3A_3116 : vector<8x256xi32>
        %jit3A_3118 = arith.constant 0xFF800000 : f32
        %broadcast_in_dim3A_3119 = vector.broadcast %jit3A_3118 : f32 to vector<8x256xf32>
        %select_n3A_3120 = arith.select %eq3A_3117, %broadcast_in_dim3A_3119, %select_n3A_3098 : vector<8x256xi1>, vector<8x256xf32>
        %reduce_max3A_3121 = arith.constant dense<0xFF800000> : vector<8xf32>
        %reduce_max3A_3122 = vector.multi_reduction <maximumf>, %select_n3A_3120, %reduce_max3A_3121 [1] : vector<8x256xf32> to vector<8xf32>
        %broadcast_in_dim3A_3123 = vector.shape_cast %reduce_max3A_3122 : vector<8xf32> to vector<8x1xf32>
        %reduce_max3A_3124 = arith.constant dense<0xFF800000> : vector<1xf32>
        %reduce_max3A_3125 = vector.multi_reduction <maximumf>, %broadcast_in_dim3A_3123, %reduce_max3A_3124 [0] : vector<8x1xf32> to vector<1xf32>
        %broadcast_in_dim3A_3126 = vector.shape_cast %reduce_max3A_3125 : vector<1xf32> to vector<1x1xf32>
        %eq3A_3127 = vector.broadcast %broadcast_in_dim3A_3126 : vector<1x1xf32> to vector<8x256xf32>
        %eq3A_3128 = arith.cmpf oeq, %select_n3A_3120, %eq3A_3127 : vector<8x256xf32>
        %jit3A_3129 = arith.constant 524288 : i32
        %broadcast_in_dim3A_3130 = vector.broadcast %jit3A_3129 : i32 to vector<8x256xi32>
        %select_n3A_3131 = arith.select %eq3A_3128, %concatenate3A_3032, %broadcast_in_dim3A_3130 : vector<8x256xi1>, vector<8x256xi32>
        %reduce_min3A_3132 = arith.constant dense<2147483647> : vector<8xi32>
        %reduce_min3A_3133 = vector.multi_reduction <minsi>, %select_n3A_3131, %reduce_min3A_3132 [1] : vector<8x256xi32> to vector<8xi32>
        %broadcast_in_dim3A_3134 = vector.shape_cast %reduce_min3A_3133 : vector<8xi32> to vector<8x1xi32>
        %reduce_min3A_3135 = arith.constant dense<2147483647> : vector<1xi32>
        %reduce_min3A_3136 = vector.multi_reduction <minsi>, %broadcast_in_dim3A_3134, %reduce_min3A_3135 [0] : vector<8x1xi32> to vector<1xi32>
        %broadcast_in_dim3A_3137 = vector.shape_cast %reduce_min3A_3136 : vector<1xi32> to vector<1x1xi32>
        %eq3A_3138 = vector.broadcast %broadcast_in_dim3A_3137 : vector<1x1xi32> to vector<8x256xi32>
        %eq3A_3139 = arith.cmpi eq, %concatenate3A_3032, %eq3A_3138 : vector<8x256xi32>
        %jit3A_3140 = arith.constant 0xFF800000 : f32
        %broadcast_in_dim3A_3141 = vector.broadcast %jit3A_3140 : f32 to vector<8x256xf32>
        %select_n3A_3142 = arith.select %eq3A_3139, %broadcast_in_dim3A_3141, %select_n3A_3120 : vector<8x256xi1>, vector<8x256xf32>
        %reduce_max3A_3143 = arith.constant dense<0xFF800000> : vector<8xf32>
        %reduce_max3A_3144 = vector.multi_reduction <maximumf>, %select_n3A_3142, %reduce_max3A_3143 [1] : vector<8x256xf32> to vector<8xf32>
        %broadcast_in_dim3A_3145 = vector.shape_cast %reduce_max3A_3144 : vector<8xf32> to vector<8x1xf32>
        %reduce_max3A_3146 = arith.constant dense<0xFF800000> : vector<1xf32>
        %reduce_max3A_3147 = vector.multi_reduction <maximumf>, %broadcast_in_dim3A_3145, %reduce_max3A_3146 [0] : vector<8x1xf32> to vector<1xf32>
        %broadcast_in_dim3A_3148 = vector.shape_cast %reduce_max3A_3147 : vector<1xf32> to vector<1x1xf32>
        %eq3A_3149 = vector.broadcast %broadcast_in_dim3A_3148 : vector<1x1xf32> to vector<8x256xf32>
        %eq3A_3150 = arith.cmpf oeq, %select_n3A_3142, %eq3A_3149 : vector<8x256xf32>
        %jit3A_3151 = arith.constant 524288 : i32
        %broadcast_in_dim3A_3152 = vector.broadcast %jit3A_3151 : i32 to vector<8x256xi32>
        %select_n3A_3153 = arith.select %eq3A_3150, %concatenate3A_3032, %broadcast_in_dim3A_3152 : vector<8x256xi1>, vector<8x256xi32>
        %reduce_min3A_3154 = arith.constant dense<2147483647> : vector<8xi32>
        %reduce_min3A_3155 = vector.multi_reduction <minsi>, %select_n3A_3153, %reduce_min3A_3154 [1] : vector<8x256xi32> to vector<8xi32>
        %broadcast_in_dim3A_3156 = vector.shape_cast %reduce_min3A_3155 : vector<8xi32> to vector<8x1xi32>
        %reduce_min3A_3157 = arith.constant dense<2147483647> : vector<1xi32>
        %reduce_min3A_3158 = vector.multi_reduction <minsi>, %broadcast_in_dim3A_3156, %reduce_min3A_3157 [0] : vector<8x1xi32> to vector<1xi32>
        %broadcast_in_dim3A_3159 = vector.shape_cast %reduce_min3A_3158 : vector<1xi32> to vector<1x1xi32>
        %eq3A_3160 = vector.broadcast %broadcast_in_dim3A_3159 : vector<1x1xi32> to vector<8x256xi32>
        %eq3A_3161 = arith.cmpi eq, %concatenate3A_3032, %eq3A_3160 : vector<8x256xi32>
        %jit3A_3162 = arith.constant 0xFF800000 : f32
        %broadcast_in_dim3A_3163 = vector.broadcast %jit3A_3162 : f32 to vector<8x256xf32>
        %select_n3A_3164 = arith.select %eq3A_3161, %broadcast_in_dim3A_3163, %select_n3A_3142 : vector<8x256xi1>, vector<8x256xf32>
        %reduce_max3A_3165 = arith.constant dense<0xFF800000> : vector<8xf32>
        %reduce_max3A_3166 = vector.multi_reduction <maximumf>, %select_n3A_3164, %reduce_max3A_3165 [1] : vector<8x256xf32> to vector<8xf32>
        %broadcast_in_dim3A_3167 = vector.shape_cast %reduce_max3A_3166 : vector<8xf32> to vector<8x1xf32>
        %reduce_max3A_3168 = arith.constant dense<0xFF800000> : vector<1xf32>
        %reduce_max3A_3169 = vector.multi_reduction <maximumf>, %broadcast_in_dim3A_3167, %reduce_max3A_3168 [0] : vector<8x1xf32> to vector<1xf32>
        %broadcast_in_dim3A_3170 = vector.shape_cast %reduce_max3A_3169 : vector<1xf32> to vector<1x1xf32>
        %eq3A_3171 = vector.broadcast %broadcast_in_dim3A_3170 : vector<1x1xf32> to vector<8x256xf32>
        %eq3A_3172 = arith.cmpf oeq, %select_n3A_3164, %eq3A_3171 : vector<8x256xf32>
        %jit3A_3173 = arith.constant 524288 : i32
        %broadcast_in_dim3A_3174 = vector.broadcast %jit3A_3173 : i32 to vector<8x256xi32>
        %select_n3A_3175 = arith.select %eq3A_3172, %concatenate3A_3032, %broadcast_in_dim3A_3174 : vector<8x256xi1>, vector<8x256xi32>
        %reduce_min3A_3176 = arith.constant dense<2147483647> : vector<8xi32>
        %reduce_min3A_3177 = vector.multi_reduction <minsi>, %select_n3A_3175, %reduce_min3A_3176 [1] : vector<8x256xi32> to vector<8xi32>
        %broadcast_in_dim3A_3178 = vector.shape_cast %reduce_min3A_3177 : vector<8xi32> to vector<8x1xi32>
        %reduce_min3A_3179 = arith.constant dense<2147483647> : vector<1xi32>
        %reduce_min3A_3180 = vector.multi_reduction <minsi>, %broadcast_in_dim3A_3178, %reduce_min3A_3179 [0] : vector<8x1xi32> to vector<1xi32>
        %broadcast_in_dim3A_3181 = vector.shape_cast %reduce_min3A_3180 : vector<1xi32> to vector<1x1xi32>
        %eq3A_3182 = vector.broadcast %broadcast_in_dim3A_3181 : vector<1x1xi32> to vector<8x256xi32>
        %eq3A_3183 = arith.cmpi eq, %concatenate3A_3032, %eq3A_3182 : vector<8x256xi32>
        %jit3A_3184 = arith.constant 0xFF800000 : f32
        %broadcast_in_dim3A_3185 = vector.broadcast %jit3A_3184 : f32 to vector<8x256xf32>
        %select_n3A_3186 = arith.select %eq3A_3183, %broadcast_in_dim3A_3185, %select_n3A_3164 : vector<8x256xi1>, vector<8x256xf32>
        %reduce_max3A_3187 = arith.constant dense<0xFF800000> : vector<8xf32>
        %reduce_max3A_3188 = vector.multi_reduction <maximumf>, %select_n3A_3186, %reduce_max3A_3187 [1] : vector<8x256xf32> to vector<8xf32>
        %broadcast_in_dim3A_3189 = vector.shape_cast %reduce_max3A_3188 : vector<8xf32> to vector<8x1xf32>
        %reduce_max3A_3190 = arith.constant dense<0xFF800000> : vector<1xf32>
        %reduce_max3A_3191 = vector.multi_reduction <maximumf>, %broadcast_in_dim3A_3189, %reduce_max3A_3190 [0] : vector<8x1xf32> to vector<1xf32>
        %broadcast_in_dim3A_3192 = vector.shape_cast %reduce_max3A_3191 : vector<1xf32> to vector<1x1xf32>
        %eq3A_3193 = vector.broadcast %broadcast_in_dim3A_3192 : vector<1x1xf32> to vector<8x256xf32>
        %eq3A_3194 = arith.cmpf oeq, %select_n3A_3186, %eq3A_3193 : vector<8x256xf32>
        %jit3A_3195 = arith.constant 524288 : i32
        %broadcast_in_dim3A_3196 = vector.broadcast %jit3A_3195 : i32 to vector<8x256xi32>
        %select_n3A_3197 = arith.select %eq3A_3194, %concatenate3A_3032, %broadcast_in_dim3A_3196 : vector<8x256xi1>, vector<8x256xi32>
        %reduce_min3A_3198 = arith.constant dense<2147483647> : vector<8xi32>
        %reduce_min3A_3199 = vector.multi_reduction <minsi>, %select_n3A_3197, %reduce_min3A_3198 [1] : vector<8x256xi32> to vector<8xi32>
        %broadcast_in_dim3A_3200 = vector.shape_cast %reduce_min3A_3199 : vector<8xi32> to vector<8x1xi32>
        %reduce_min3A_3201 = arith.constant dense<2147483647> : vector<1xi32>
        %reduce_min3A_3202 = vector.multi_reduction <minsi>, %broadcast_in_dim3A_3200, %reduce_min3A_3201 [0] : vector<8x1xi32> to vector<1xi32>
        %broadcast_in_dim3A_3203 = vector.shape_cast %reduce_min3A_3202 : vector<1xi32> to vector<1x1xi32>
        %reduce_sum3A_3204 = vector.shape_cast %broadcast_in_dim3A_3038 : vector<1x1xf32> to vector<1x1x1xf32>
        %reduce_sum3A_3205 = arith.constant dense<0.000000e+00> : vector<1xf32>
        %reduce_sum3A_3206 = vector.multi_reduction <add>, %reduce_sum3A_3204, %reduce_sum3A_3205 [1, 2] : vector<1x1x1xf32> to vector<1xf32>
        %reduce_sum3A_3207 = vector.shape_cast %reduce_sum3A_3206 : vector<1xf32> to vector<1x1x1xf32>
        %reduce_sum3A_3208 = vector.extract %reduce_sum3A_3207[0, 0, 0] : f32 from vector<1x1x1xf32>
        %reduce_sum3A_3209 = vector.shape_cast %broadcast_in_dim3A_3049 : vector<1x1xi32> to vector<1x1x1xi32>
        %reduce_sum3A_3210 = arith.constant dense<0> : vector<1xi32>
        %reduce_sum3A_3211 = vector.multi_reduction <add>, %reduce_sum3A_3209, %reduce_sum3A_3210 [1, 2] : vector<1x1x1xi32> to vector<1xi32>
        %reduce_sum3A_3212 = vector.shape_cast %reduce_sum3A_3211 : vector<1xi32> to vector<1x1x1xi32>
        %reduce_sum3A_3213 = vector.extract %reduce_sum3A_3212[0, 0, 0] : i32 from vector<1x1x1xi32>
        %jit3A_3214 = arith.constant 65536 : i32
        %div3A_3215 = arith.divsi %reduce_sum3A_3213, %jit3A_3214 : i32
        %sign3A_3216 = arith.constant 0 : i32
        %sign3A_3217 = arith.cmpi sgt, %reduce_sum3A_3213, %sign3A_3216 : i32
        %sign3A_3218 = arith.extui %sign3A_3217 : i1 to i32
        %sign3A_3219 = arith.constant 0 : i32
        %sign3A_3220 = arith.cmpi slt, %reduce_sum3A_3213, %sign3A_3219 : i32
        %sign3A_3221 = arith.extui %sign3A_3220 : i1 to i32
        %sign3A_3222 = arith.subi %sign3A_3218, %sign3A_3221 : i32
        %sign3A_3223 = arith.constant 0 : i32
        %sign3A_3224 = arith.cmpi sgt, %jit3A_3214, %sign3A_3223 : i32
        %sign3A_3225 = arith.extui %sign3A_3224 : i1 to i32
        %sign3A_3226 = arith.constant 0 : i32
        %sign3A_3227 = arith.cmpi slt, %jit3A_3214, %sign3A_3226 : i32
        %sign3A_3228 = arith.extui %sign3A_3227 : i1 to i32
        %sign3A_3229 = arith.subi %sign3A_3225, %sign3A_3228 : i32
        %ne3A_3230 = arith.cmpi ne, %sign3A_3222, %sign3A_3229 : i32
        %rem3A_3231 = arith.remsi %reduce_sum3A_3213, %jit3A_3214 : i32
        %ne3A_3232 = arith.constant 0 : i32
        %ne3A_3233 = arith.cmpi ne, %rem3A_3231, %ne3A_3232 : i32
        %and3A_3234 = arith.andi %ne3A_3230, %ne3A_3233 : i1
        %sub3A_3235 = arith.constant 1 : i32
        %sub3A_3236 = arith.subi %div3A_3215, %sub3A_3235 : i32
        %select_n3A_3237 = arith.select %and3A_3234, %sub3A_3236, %div3A_3215 : i32
        %jit3A_3238 = arith.constant 256 : i32
        %div3A_3239 = arith.divsi %reduce_sum3A_3213, %jit3A_3238 : i32
        %sign3A_3240 = arith.constant 0 : i32
        %sign3A_3241 = arith.cmpi sgt, %reduce_sum3A_3213, %sign3A_3240 : i32
        %sign3A_3242 = arith.extui %sign3A_3241 : i1 to i32
        %sign3A_3243 = arith.constant 0 : i32
        %sign3A_3244 = arith.cmpi slt, %reduce_sum3A_3213, %sign3A_3243 : i32
        %sign3A_3245 = arith.extui %sign3A_3244 : i1 to i32
        %sign3A_3246 = arith.subi %sign3A_3242, %sign3A_3245 : i32
        %sign3A_3247 = arith.constant 0 : i32
        %sign3A_3248 = arith.cmpi sgt, %jit3A_3238, %sign3A_3247 : i32
        %sign3A_3249 = arith.extui %sign3A_3248 : i1 to i32
        %sign3A_3250 = arith.constant 0 : i32
        %sign3A_3251 = arith.cmpi slt, %jit3A_3238, %sign3A_3250 : i32
        %sign3A_3252 = arith.extui %sign3A_3251 : i1 to i32
        %sign3A_3253 = arith.subi %sign3A_3249, %sign3A_3252 : i32
        %ne3A_3254 = arith.cmpi ne, %sign3A_3246, %sign3A_3253 : i32
        %rem3A_3255 = arith.remsi %reduce_sum3A_3213, %jit3A_3238 : i32
        %ne3A_3256 = arith.constant 0 : i32
        %ne3A_3257 = arith.cmpi ne, %rem3A_3255, %ne3A_3256 : i32
        %and3A_3258 = arith.andi %ne3A_3254, %ne3A_3257 : i1
        %sub3A_3259 = arith.constant 1 : i32
        %sub3A_3260 = arith.subi %div3A_3239, %sub3A_3259 : i32
        %select_n3A_3261 = arith.select %and3A_3258, %sub3A_3260, %div3A_3239 : i32
        %jit3A_3262 = arith.constant 256 : i32
        %eq3A_3263 = arith.constant 0 : i32
        %eq3A_3264 = arith.cmpi eq, %jit3A_3262, %eq3A_3263 : i32
        %jit3A_3265 = arith.constant 1 : i32
        %select_n3A_3266 = arith.select %eq3A_3264, %jit3A_3265, %jit3A_3262 : i32
        %rem3A_3267 = arith.remsi %select_n3A_3261, %select_n3A_3266 : i32
        %ne3A_3268 = arith.constant 0 : i32
        %ne3A_3269 = arith.cmpi ne, %rem3A_3267, %ne3A_3268 : i32
        %lt3A_3270 = arith.constant 0 : i32
        %lt3A_3271 = arith.cmpi slt, %rem3A_3267, %lt3A_3270 : i32
        %lt3A_3272 = arith.constant 0 : i32
        %lt3A_3273 = arith.cmpi slt, %select_n3A_3266, %lt3A_3272 : i32
        %ne3A_3274 = arith.xori %lt3A_3271, %lt3A_3273 : i1
        %and3A_3275 = arith.andi %ne3A_3274, %ne3A_3269 : i1
        %add3A_3276 = arith.addi %rem3A_3267, %select_n3A_3266 : i32
        %select_n3A_3277 = arith.select %and3A_3275, %add3A_3276, %rem3A_3267 : i32
        %jit3A_3278 = arith.constant 256 : i32
        %eq3A_3279 = arith.constant 0 : i32
        %eq3A_3280 = arith.cmpi eq, %jit3A_3278, %eq3A_3279 : i32
        %jit3A_3281 = arith.constant 1 : i32
        %select_n3A_3282 = arith.select %eq3A_3280, %jit3A_3281, %jit3A_3278 : i32
        %rem3A_3283 = arith.remsi %reduce_sum3A_3213, %select_n3A_3282 : i32
        %ne3A_3284 = arith.constant 0 : i32
        %ne3A_3285 = arith.cmpi ne, %rem3A_3283, %ne3A_3284 : i32
        %lt3A_3286 = arith.constant 0 : i32
        %lt3A_3287 = arith.cmpi slt, %rem3A_3283, %lt3A_3286 : i32
        %lt3A_3288 = arith.constant 0 : i32
        %lt3A_3289 = arith.cmpi slt, %select_n3A_3282, %lt3A_3288 : i32
        %ne3A_3290 = arith.xori %lt3A_3287, %lt3A_3289 : i1
        %and3A_3291 = arith.andi %ne3A_3290, %ne3A_3285 : i1
        %add3A_3292 = arith.addi %rem3A_3283, %select_n3A_3282 : i32
        %select_n3A_3293 = arith.select %and3A_3291, %add3A_3292, %rem3A_3283 : i32
        %reduce_sum3A_3294 = vector.shape_cast %broadcast_in_dim3A_3060 : vector<1x1xf32> to vector<1x1x1xf32>
        %reduce_sum3A_3295 = arith.constant dense<0.000000e+00> : vector<1xf32>
        %reduce_sum3A_3296 = vector.multi_reduction <add>, %reduce_sum3A_3294, %reduce_sum3A_3295 [1, 2] : vector<1x1x1xf32> to vector<1xf32>
        %reduce_sum3A_3297 = vector.shape_cast %reduce_sum3A_3296 : vector<1xf32> to vector<1x1x1xf32>
        %reduce_sum3A_3298 = vector.extract %reduce_sum3A_3297[0, 0, 0] : f32 from vector<1x1x1xf32>
        %reduce_sum3A_3299 = vector.shape_cast %broadcast_in_dim3A_3071 : vector<1x1xi32> to vector<1x1x1xi32>
        %reduce_sum3A_3300 = arith.constant dense<0> : vector<1xi32>
        %reduce_sum3A_3301 = vector.multi_reduction <add>, %reduce_sum3A_3299, %reduce_sum3A_3300 [1, 2] : vector<1x1x1xi32> to vector<1xi32>
        %reduce_sum3A_3302 = vector.shape_cast %reduce_sum3A_3301 : vector<1xi32> to vector<1x1x1xi32>
        %reduce_sum3A_3303 = vector.extract %reduce_sum3A_3302[0, 0, 0] : i32 from vector<1x1x1xi32>
        %jit3A_3304 = arith.constant 65536 : i32
        %div3A_3305 = arith.divsi %reduce_sum3A_3303, %jit3A_3304 : i32
        %sign3A_3306 = arith.constant 0 : i32
        %sign3A_3307 = arith.cmpi sgt, %reduce_sum3A_3303, %sign3A_3306 : i32
        %sign3A_3308 = arith.extui %sign3A_3307 : i1 to i32
        %sign3A_3309 = arith.constant 0 : i32
        %sign3A_3310 = arith.cmpi slt, %reduce_sum3A_3303, %sign3A_3309 : i32
        %sign3A_3311 = arith.extui %sign3A_3310 : i1 to i32
        %sign3A_3312 = arith.subi %sign3A_3308, %sign3A_3311 : i32
        %sign3A_3313 = arith.constant 0 : i32
        %sign3A_3314 = arith.cmpi sgt, %jit3A_3304, %sign3A_3313 : i32
        %sign3A_3315 = arith.extui %sign3A_3314 : i1 to i32
        %sign3A_3316 = arith.constant 0 : i32
        %sign3A_3317 = arith.cmpi slt, %jit3A_3304, %sign3A_3316 : i32
        %sign3A_3318 = arith.extui %sign3A_3317 : i1 to i32
        %sign3A_3319 = arith.subi %sign3A_3315, %sign3A_3318 : i32
        %ne3A_3320 = arith.cmpi ne, %sign3A_3312, %sign3A_3319 : i32
        %rem3A_3321 = arith.remsi %reduce_sum3A_3303, %jit3A_3304 : i32
        %ne3A_3322 = arith.constant 0 : i32
        %ne3A_3323 = arith.cmpi ne, %rem3A_3321, %ne3A_3322 : i32
        %and3A_3324 = arith.andi %ne3A_3320, %ne3A_3323 : i1
        %sub3A_3325 = arith.constant 1 : i32
        %sub3A_3326 = arith.subi %div3A_3305, %sub3A_3325 : i32
        %select_n3A_3327 = arith.select %and3A_3324, %sub3A_3326, %div3A_3305 : i32
        %jit3A_3328 = arith.constant 256 : i32
        %div3A_3329 = arith.divsi %reduce_sum3A_3303, %jit3A_3328 : i32
        %sign3A_3330 = arith.constant 0 : i32
        %sign3A_3331 = arith.cmpi sgt, %reduce_sum3A_3303, %sign3A_3330 : i32
        %sign3A_3332 = arith.extui %sign3A_3331 : i1 to i32
        %sign3A_3333 = arith.constant 0 : i32
        %sign3A_3334 = arith.cmpi slt, %reduce_sum3A_3303, %sign3A_3333 : i32
        %sign3A_3335 = arith.extui %sign3A_3334 : i1 to i32
        %sign3A_3336 = arith.subi %sign3A_3332, %sign3A_3335 : i32
        %sign3A_3337 = arith.constant 0 : i32
        %sign3A_3338 = arith.cmpi sgt, %jit3A_3328, %sign3A_3337 : i32
        %sign3A_3339 = arith.extui %sign3A_3338 : i1 to i32
        %sign3A_3340 = arith.constant 0 : i32
        %sign3A_3341 = arith.cmpi slt, %jit3A_3328, %sign3A_3340 : i32
        %sign3A_3342 = arith.extui %sign3A_3341 : i1 to i32
        %sign3A_3343 = arith.subi %sign3A_3339, %sign3A_3342 : i32
        %ne3A_3344 = arith.cmpi ne, %sign3A_3336, %sign3A_3343 : i32
        %rem3A_3345 = arith.remsi %reduce_sum3A_3303, %jit3A_3328 : i32
        %ne3A_3346 = arith.constant 0 : i32
        %ne3A_3347 = arith.cmpi ne, %rem3A_3345, %ne3A_3346 : i32
        %and3A_3348 = arith.andi %ne3A_3344, %ne3A_3347 : i1
        %sub3A_3349 = arith.constant 1 : i32
        %sub3A_3350 = arith.subi %div3A_3329, %sub3A_3349 : i32
        %select_n3A_3351 = arith.select %and3A_3348, %sub3A_3350, %div3A_3329 : i32
        %jit3A_3352 = arith.constant 256 : i32
        %eq3A_3353 = arith.constant 0 : i32
        %eq3A_3354 = arith.cmpi eq, %jit3A_3352, %eq3A_3353 : i32
        %jit3A_3355 = arith.constant 1 : i32
        %select_n3A_3356 = arith.select %eq3A_3354, %jit3A_3355, %jit3A_3352 : i32
        %rem3A_3357 = arith.remsi %select_n3A_3351, %select_n3A_3356 : i32
        %ne3A_3358 = arith.constant 0 : i32
        %ne3A_3359 = arith.cmpi ne, %rem3A_3357, %ne3A_3358 : i32
        %lt3A_3360 = arith.constant 0 : i32
        %lt3A_3361 = arith.cmpi slt, %rem3A_3357, %lt3A_3360 : i32
        %lt3A_3362 = arith.constant 0 : i32
        %lt3A_3363 = arith.cmpi slt, %select_n3A_3356, %lt3A_3362 : i32
        %ne3A_3364 = arith.xori %lt3A_3361, %lt3A_3363 : i1
        %and3A_3365 = arith.andi %ne3A_3364, %ne3A_3359 : i1
        %add3A_3366 = arith.addi %rem3A_3357, %select_n3A_3356 : i32
        %select_n3A_3367 = arith.select %and3A_3365, %add3A_3366, %rem3A_3357 : i32
        %jit3A_3368 = arith.constant 256 : i32
        %eq3A_3369 = arith.constant 0 : i32
        %eq3A_3370 = arith.cmpi eq, %jit3A_3368, %eq3A_3369 : i32
        %jit3A_3371 = arith.constant 1 : i32
        %select_n3A_3372 = arith.select %eq3A_3370, %jit3A_3371, %jit3A_3368 : i32
        %rem3A_3373 = arith.remsi %reduce_sum3A_3303, %select_n3A_3372 : i32
        %ne3A_3374 = arith.constant 0 : i32
        %ne3A_3375 = arith.cmpi ne, %rem3A_3373, %ne3A_3374 : i32
        %lt3A_3376 = arith.constant 0 : i32
        %lt3A_3377 = arith.cmpi slt, %rem3A_3373, %lt3A_3376 : i32
        %lt3A_3378 = arith.constant 0 : i32
        %lt3A_3379 = arith.cmpi slt, %select_n3A_3372, %lt3A_3378 : i32
        %ne3A_3380 = arith.xori %lt3A_3377, %lt3A_3379 : i1
        %and3A_3381 = arith.andi %ne3A_3380, %ne3A_3375 : i1
        %add3A_3382 = arith.addi %rem3A_3373, %select_n3A_3372 : i32
        %select_n3A_3383 = arith.select %and3A_3381, %add3A_3382, %rem3A_3373 : i32
        %reduce_sum3A_3384 = vector.shape_cast %broadcast_in_dim3A_3082 : vector<1x1xf32> to vector<1x1x1xf32>
        %reduce_sum3A_3385 = arith.constant dense<0.000000e+00> : vector<1xf32>
        %reduce_sum3A_3386 = vector.multi_reduction <add>, %reduce_sum3A_3384, %reduce_sum3A_3385 [1, 2] : vector<1x1x1xf32> to vector<1xf32>
        %reduce_sum3A_3387 = vector.shape_cast %reduce_sum3A_3386 : vector<1xf32> to vector<1x1x1xf32>
        %reduce_sum3A_3388 = vector.extract %reduce_sum3A_3387[0, 0, 0] : f32 from vector<1x1x1xf32>
        %reduce_sum3A_3389 = vector.shape_cast %broadcast_in_dim3A_3093 : vector<1x1xi32> to vector<1x1x1xi32>
        %reduce_sum3A_3390 = arith.constant dense<0> : vector<1xi32>
        %reduce_sum3A_3391 = vector.multi_reduction <add>, %reduce_sum3A_3389, %reduce_sum3A_3390 [1, 2] : vector<1x1x1xi32> to vector<1xi32>
        %reduce_sum3A_3392 = vector.shape_cast %reduce_sum3A_3391 : vector<1xi32> to vector<1x1x1xi32>
        %reduce_sum3A_3393 = vector.extract %reduce_sum3A_3392[0, 0, 0] : i32 from vector<1x1x1xi32>
        %jit3A_3394 = arith.constant 65536 : i32
        %div3A_3395 = arith.divsi %reduce_sum3A_3393, %jit3A_3394 : i32
        %sign3A_3396 = arith.constant 0 : i32
        %sign3A_3397 = arith.cmpi sgt, %reduce_sum3A_3393, %sign3A_3396 : i32
        %sign3A_3398 = arith.extui %sign3A_3397 : i1 to i32
        %sign3A_3399 = arith.constant 0 : i32
        %sign3A_3400 = arith.cmpi slt, %reduce_sum3A_3393, %sign3A_3399 : i32
        %sign3A_3401 = arith.extui %sign3A_3400 : i1 to i32
        %sign3A_3402 = arith.subi %sign3A_3398, %sign3A_3401 : i32
        %sign3A_3403 = arith.constant 0 : i32
        %sign3A_3404 = arith.cmpi sgt, %jit3A_3394, %sign3A_3403 : i32
        %sign3A_3405 = arith.extui %sign3A_3404 : i1 to i32
        %sign3A_3406 = arith.constant 0 : i32
        %sign3A_3407 = arith.cmpi slt, %jit3A_3394, %sign3A_3406 : i32
        %sign3A_3408 = arith.extui %sign3A_3407 : i1 to i32
        %sign3A_3409 = arith.subi %sign3A_3405, %sign3A_3408 : i32
        %ne3A_3410 = arith.cmpi ne, %sign3A_3402, %sign3A_3409 : i32
        %rem3A_3411 = arith.remsi %reduce_sum3A_3393, %jit3A_3394 : i32
        %ne3A_3412 = arith.constant 0 : i32
        %ne3A_3413 = arith.cmpi ne, %rem3A_3411, %ne3A_3412 : i32
        %and3A_3414 = arith.andi %ne3A_3410, %ne3A_3413 : i1
        %sub3A_3415 = arith.constant 1 : i32
        %sub3A_3416 = arith.subi %div3A_3395, %sub3A_3415 : i32
        %select_n3A_3417 = arith.select %and3A_3414, %sub3A_3416, %div3A_3395 : i32
        %jit3A_3418 = arith.constant 256 : i32
        %div3A_3419 = arith.divsi %reduce_sum3A_3393, %jit3A_3418 : i32
        %sign3A_3420 = arith.constant 0 : i32
        %sign3A_3421 = arith.cmpi sgt, %reduce_sum3A_3393, %sign3A_3420 : i32
        %sign3A_3422 = arith.extui %sign3A_3421 : i1 to i32
        %sign3A_3423 = arith.constant 0 : i32
        %sign3A_3424 = arith.cmpi slt, %reduce_sum3A_3393, %sign3A_3423 : i32
        %sign3A_3425 = arith.extui %sign3A_3424 : i1 to i32
        %sign3A_3426 = arith.subi %sign3A_3422, %sign3A_3425 : i32
        %sign3A_3427 = arith.constant 0 : i32
        %sign3A_3428 = arith.cmpi sgt, %jit3A_3418, %sign3A_3427 : i32
        %sign3A_3429 = arith.extui %sign3A_3428 : i1 to i32
        %sign3A_3430 = arith.constant 0 : i32
        %sign3A_3431 = arith.cmpi slt, %jit3A_3418, %sign3A_3430 : i32
        %sign3A_3432 = arith.extui %sign3A_3431 : i1 to i32
        %sign3A_3433 = arith.subi %sign3A_3429, %sign3A_3432 : i32
        %ne3A_3434 = arith.cmpi ne, %sign3A_3426, %sign3A_3433 : i32
        %rem3A_3435 = arith.remsi %reduce_sum3A_3393, %jit3A_3418 : i32
        %ne3A_3436 = arith.constant 0 : i32
        %ne3A_3437 = arith.cmpi ne, %rem3A_3435, %ne3A_3436 : i32
        %and3A_3438 = arith.andi %ne3A_3434, %ne3A_3437 : i1
        %sub3A_3439 = arith.constant 1 : i32
        %sub3A_3440 = arith.subi %div3A_3419, %sub3A_3439 : i32
        %select_n3A_3441 = arith.select %and3A_3438, %sub3A_3440, %div3A_3419 : i32
        %jit3A_3442 = arith.constant 256 : i32
        %eq3A_3443 = arith.constant 0 : i32
        %eq3A_3444 = arith.cmpi eq, %jit3A_3442, %eq3A_3443 : i32
        %jit3A_3445 = arith.constant 1 : i32
        %select_n3A_3446 = arith.select %eq3A_3444, %jit3A_3445, %jit3A_3442 : i32
        %rem3A_3447 = arith.remsi %select_n3A_3441, %select_n3A_3446 : i32
        %ne3A_3448 = arith.constant 0 : i32
        %ne3A_3449 = arith.cmpi ne, %rem3A_3447, %ne3A_3448 : i32
        %lt3A_3450 = arith.constant 0 : i32
        %lt3A_3451 = arith.cmpi slt, %rem3A_3447, %lt3A_3450 : i32
        %lt3A_3452 = arith.constant 0 : i32
        %lt3A_3453 = arith.cmpi slt, %select_n3A_3446, %lt3A_3452 : i32
        %ne3A_3454 = arith.xori %lt3A_3451, %lt3A_3453 : i1
        %and3A_3455 = arith.andi %ne3A_3454, %ne3A_3449 : i1
        %add3A_3456 = arith.addi %rem3A_3447, %select_n3A_3446 : i32
        %select_n3A_3457 = arith.select %and3A_3455, %add3A_3456, %rem3A_3447 : i32
        %jit3A_3458 = arith.constant 256 : i32
        %eq3A_3459 = arith.constant 0 : i32
        %eq3A_3460 = arith.cmpi eq, %jit3A_3458, %eq3A_3459 : i32
        %jit3A_3461 = arith.constant 1 : i32
        %select_n3A_3462 = arith.select %eq3A_3460, %jit3A_3461, %jit3A_3458 : i32
        %rem3A_3463 = arith.remsi %reduce_sum3A_3393, %select_n3A_3462 : i32
        %ne3A_3464 = arith.constant 0 : i32
        %ne3A_3465 = arith.cmpi ne, %rem3A_3463, %ne3A_3464 : i32
        %lt3A_3466 = arith.constant 0 : i32
        %lt3A_3467 = arith.cmpi slt, %rem3A_3463, %lt3A_3466 : i32
        %lt3A_3468 = arith.constant 0 : i32
        %lt3A_3469 = arith.cmpi slt, %select_n3A_3462, %lt3A_3468 : i32
        %ne3A_3470 = arith.xori %lt3A_3467, %lt3A_3469 : i1
        %and3A_3471 = arith.andi %ne3A_3470, %ne3A_3465 : i1
        %add3A_3472 = arith.addi %rem3A_3463, %select_n3A_3462 : i32
        %select_n3A_3473 = arith.select %and3A_3471, %add3A_3472, %rem3A_3463 : i32
        %reduce_sum3A_3474 = vector.shape_cast %broadcast_in_dim3A_3104 : vector<1x1xf32> to vector<1x1x1xf32>
        %reduce_sum3A_3475 = arith.constant dense<0.000000e+00> : vector<1xf32>
        %reduce_sum3A_3476 = vector.multi_reduction <add>, %reduce_sum3A_3474, %reduce_sum3A_3475 [1, 2] : vector<1x1x1xf32> to vector<1xf32>
        %reduce_sum3A_3477 = vector.shape_cast %reduce_sum3A_3476 : vector<1xf32> to vector<1x1x1xf32>
        %reduce_sum3A_3478 = vector.extract %reduce_sum3A_3477[0, 0, 0] : f32 from vector<1x1x1xf32>
        %reduce_sum3A_3479 = vector.shape_cast %broadcast_in_dim3A_3115 : vector<1x1xi32> to vector<1x1x1xi32>
        %reduce_sum3A_3480 = arith.constant dense<0> : vector<1xi32>
        %reduce_sum3A_3481 = vector.multi_reduction <add>, %reduce_sum3A_3479, %reduce_sum3A_3480 [1, 2] : vector<1x1x1xi32> to vector<1xi32>
        %reduce_sum3A_3482 = vector.shape_cast %reduce_sum3A_3481 : vector<1xi32> to vector<1x1x1xi32>
        %reduce_sum3A_3483 = vector.extract %reduce_sum3A_3482[0, 0, 0] : i32 from vector<1x1x1xi32>
        %jit3A_3484 = arith.constant 65536 : i32
        %div3A_3485 = arith.divsi %reduce_sum3A_3483, %jit3A_3484 : i32
        %sign3A_3486 = arith.constant 0 : i32
        %sign3A_3487 = arith.cmpi sgt, %reduce_sum3A_3483, %sign3A_3486 : i32
        %sign3A_3488 = arith.extui %sign3A_3487 : i1 to i32
        %sign3A_3489 = arith.constant 0 : i32
        %sign3A_3490 = arith.cmpi slt, %reduce_sum3A_3483, %sign3A_3489 : i32
        %sign3A_3491 = arith.extui %sign3A_3490 : i1 to i32
        %sign3A_3492 = arith.subi %sign3A_3488, %sign3A_3491 : i32
        %sign3A_3493 = arith.constant 0 : i32
        %sign3A_3494 = arith.cmpi sgt, %jit3A_3484, %sign3A_3493 : i32
        %sign3A_3495 = arith.extui %sign3A_3494 : i1 to i32
        %sign3A_3496 = arith.constant 0 : i32
        %sign3A_3497 = arith.cmpi slt, %jit3A_3484, %sign3A_3496 : i32
        %sign3A_3498 = arith.extui %sign3A_3497 : i1 to i32
        %sign3A_3499 = arith.subi %sign3A_3495, %sign3A_3498 : i32
        %ne3A_3500 = arith.cmpi ne, %sign3A_3492, %sign3A_3499 : i32
        %rem3A_3501 = arith.remsi %reduce_sum3A_3483, %jit3A_3484 : i32
        %ne3A_3502 = arith.constant 0 : i32
        %ne3A_3503 = arith.cmpi ne, %rem3A_3501, %ne3A_3502 : i32
        %and3A_3504 = arith.andi %ne3A_3500, %ne3A_3503 : i1
        %sub3A_3505 = arith.constant 1 : i32
        %sub3A_3506 = arith.subi %div3A_3485, %sub3A_3505 : i32
        %select_n3A_3507 = arith.select %and3A_3504, %sub3A_3506, %div3A_3485 : i32
        %jit3A_3508 = arith.constant 256 : i32
        %div3A_3509 = arith.divsi %reduce_sum3A_3483, %jit3A_3508 : i32
        %sign3A_3510 = arith.constant 0 : i32
        %sign3A_3511 = arith.cmpi sgt, %reduce_sum3A_3483, %sign3A_3510 : i32
        %sign3A_3512 = arith.extui %sign3A_3511 : i1 to i32
        %sign3A_3513 = arith.constant 0 : i32
        %sign3A_3514 = arith.cmpi slt, %reduce_sum3A_3483, %sign3A_3513 : i32
        %sign3A_3515 = arith.extui %sign3A_3514 : i1 to i32
        %sign3A_3516 = arith.subi %sign3A_3512, %sign3A_3515 : i32
        %sign3A_3517 = arith.constant 0 : i32
        %sign3A_3518 = arith.cmpi sgt, %jit3A_3508, %sign3A_3517 : i32
        %sign3A_3519 = arith.extui %sign3A_3518 : i1 to i32
        %sign3A_3520 = arith.constant 0 : i32
        %sign3A_3521 = arith.cmpi slt, %jit3A_3508, %sign3A_3520 : i32
        %sign3A_3522 = arith.extui %sign3A_3521 : i1 to i32
        %sign3A_3523 = arith.subi %sign3A_3519, %sign3A_3522 : i32
        %ne3A_3524 = arith.cmpi ne, %sign3A_3516, %sign3A_3523 : i32
        %rem3A_3525 = arith.remsi %reduce_sum3A_3483, %jit3A_3508 : i32
        %ne3A_3526 = arith.constant 0 : i32
        %ne3A_3527 = arith.cmpi ne, %rem3A_3525, %ne3A_3526 : i32
        %and3A_3528 = arith.andi %ne3A_3524, %ne3A_3527 : i1
        %sub3A_3529 = arith.constant 1 : i32
        %sub3A_3530 = arith.subi %div3A_3509, %sub3A_3529 : i32
        %select_n3A_3531 = arith.select %and3A_3528, %sub3A_3530, %div3A_3509 : i32
        %jit3A_3532 = arith.constant 256 : i32
        %eq3A_3533 = arith.constant 0 : i32
        %eq3A_3534 = arith.cmpi eq, %jit3A_3532, %eq3A_3533 : i32
        %jit3A_3535 = arith.constant 1 : i32
        %select_n3A_3536 = arith.select %eq3A_3534, %jit3A_3535, %jit3A_3532 : i32
        %rem3A_3537 = arith.remsi %select_n3A_3531, %select_n3A_3536 : i32
        %ne3A_3538 = arith.constant 0 : i32
        %ne3A_3539 = arith.cmpi ne, %rem3A_3537, %ne3A_3538 : i32
        %lt3A_3540 = arith.constant 0 : i32
        %lt3A_3541 = arith.cmpi slt, %rem3A_3537, %lt3A_3540 : i32
        %lt3A_3542 = arith.constant 0 : i32
        %lt3A_3543 = arith.cmpi slt, %select_n3A_3536, %lt3A_3542 : i32
        %ne3A_3544 = arith.xori %lt3A_3541, %lt3A_3543 : i1
        %and3A_3545 = arith.andi %ne3A_3544, %ne3A_3539 : i1
        %add3A_3546 = arith.addi %rem3A_3537, %select_n3A_3536 : i32
        %select_n3A_3547 = arith.select %and3A_3545, %add3A_3546, %rem3A_3537 : i32
        %jit3A_3548 = arith.constant 256 : i32
        %eq3A_3549 = arith.constant 0 : i32
        %eq3A_3550 = arith.cmpi eq, %jit3A_3548, %eq3A_3549 : i32
        %jit3A_3551 = arith.constant 1 : i32
        %select_n3A_3552 = arith.select %eq3A_3550, %jit3A_3551, %jit3A_3548 : i32
        %rem3A_3553 = arith.remsi %reduce_sum3A_3483, %select_n3A_3552 : i32
        %ne3A_3554 = arith.constant 0 : i32
        %ne3A_3555 = arith.cmpi ne, %rem3A_3553, %ne3A_3554 : i32
        %lt3A_3556 = arith.constant 0 : i32
        %lt3A_3557 = arith.cmpi slt, %rem3A_3553, %lt3A_3556 : i32
        %lt3A_3558 = arith.constant 0 : i32
        %lt3A_3559 = arith.cmpi slt, %select_n3A_3552, %lt3A_3558 : i32
        %ne3A_3560 = arith.xori %lt3A_3557, %lt3A_3559 : i1
        %and3A_3561 = arith.andi %ne3A_3560, %ne3A_3555 : i1
        %add3A_3562 = arith.addi %rem3A_3553, %select_n3A_3552 : i32
        %select_n3A_3563 = arith.select %and3A_3561, %add3A_3562, %rem3A_3553 : i32
        %reduce_sum3A_3564 = vector.shape_cast %broadcast_in_dim3A_3126 : vector<1x1xf32> to vector<1x1x1xf32>
        %reduce_sum3A_3565 = arith.constant dense<0.000000e+00> : vector<1xf32>
        %reduce_sum3A_3566 = vector.multi_reduction <add>, %reduce_sum3A_3564, %reduce_sum3A_3565 [1, 2] : vector<1x1x1xf32> to vector<1xf32>
        %reduce_sum3A_3567 = vector.shape_cast %reduce_sum3A_3566 : vector<1xf32> to vector<1x1x1xf32>
        %reduce_sum3A_3568 = vector.extract %reduce_sum3A_3567[0, 0, 0] : f32 from vector<1x1x1xf32>
        %reduce_sum3A_3569 = vector.shape_cast %broadcast_in_dim3A_3137 : vector<1x1xi32> to vector<1x1x1xi32>
        %reduce_sum3A_3570 = arith.constant dense<0> : vector<1xi32>
        %reduce_sum3A_3571 = vector.multi_reduction <add>, %reduce_sum3A_3569, %reduce_sum3A_3570 [1, 2] : vector<1x1x1xi32> to vector<1xi32>
        %reduce_sum3A_3572 = vector.shape_cast %reduce_sum3A_3571 : vector<1xi32> to vector<1x1x1xi32>
        %reduce_sum3A_3573 = vector.extract %reduce_sum3A_3572[0, 0, 0] : i32 from vector<1x1x1xi32>
        %jit3A_3574 = arith.constant 65536 : i32
        %div3A_3575 = arith.divsi %reduce_sum3A_3573, %jit3A_3574 : i32
        %sign3A_3576 = arith.constant 0 : i32
        %sign3A_3577 = arith.cmpi sgt, %reduce_sum3A_3573, %sign3A_3576 : i32
        %sign3A_3578 = arith.extui %sign3A_3577 : i1 to i32
        %sign3A_3579 = arith.constant 0 : i32
        %sign3A_3580 = arith.cmpi slt, %reduce_sum3A_3573, %sign3A_3579 : i32
        %sign3A_3581 = arith.extui %sign3A_3580 : i1 to i32
        %sign3A_3582 = arith.subi %sign3A_3578, %sign3A_3581 : i32
        %sign3A_3583 = arith.constant 0 : i32
        %sign3A_3584 = arith.cmpi sgt, %jit3A_3574, %sign3A_3583 : i32
        %sign3A_3585 = arith.extui %sign3A_3584 : i1 to i32
        %sign3A_3586 = arith.constant 0 : i32
        %sign3A_3587 = arith.cmpi slt, %jit3A_3574, %sign3A_3586 : i32
        %sign3A_3588 = arith.extui %sign3A_3587 : i1 to i32
        %sign3A_3589 = arith.subi %sign3A_3585, %sign3A_3588 : i32
        %ne3A_3590 = arith.cmpi ne, %sign3A_3582, %sign3A_3589 : i32
        %rem3A_3591 = arith.remsi %reduce_sum3A_3573, %jit3A_3574 : i32
        %ne3A_3592 = arith.constant 0 : i32
        %ne3A_3593 = arith.cmpi ne, %rem3A_3591, %ne3A_3592 : i32
        %and3A_3594 = arith.andi %ne3A_3590, %ne3A_3593 : i1
        %sub3A_3595 = arith.constant 1 : i32
        %sub3A_3596 = arith.subi %div3A_3575, %sub3A_3595 : i32
        %select_n3A_3597 = arith.select %and3A_3594, %sub3A_3596, %div3A_3575 : i32
        %jit3A_3598 = arith.constant 256 : i32
        %div3A_3599 = arith.divsi %reduce_sum3A_3573, %jit3A_3598 : i32
        %sign3A_3600 = arith.constant 0 : i32
        %sign3A_3601 = arith.cmpi sgt, %reduce_sum3A_3573, %sign3A_3600 : i32
        %sign3A_3602 = arith.extui %sign3A_3601 : i1 to i32
        %sign3A_3603 = arith.constant 0 : i32
        %sign3A_3604 = arith.cmpi slt, %reduce_sum3A_3573, %sign3A_3603 : i32
        %sign3A_3605 = arith.extui %sign3A_3604 : i1 to i32
        %sign3A_3606 = arith.subi %sign3A_3602, %sign3A_3605 : i32
        %sign3A_3607 = arith.constant 0 : i32
        %sign3A_3608 = arith.cmpi sgt, %jit3A_3598, %sign3A_3607 : i32
        %sign3A_3609 = arith.extui %sign3A_3608 : i1 to i32
        %sign3A_3610 = arith.constant 0 : i32
        %sign3A_3611 = arith.cmpi slt, %jit3A_3598, %sign3A_3610 : i32
        %sign3A_3612 = arith.extui %sign3A_3611 : i1 to i32
        %sign3A_3613 = arith.subi %sign3A_3609, %sign3A_3612 : i32
        %ne3A_3614 = arith.cmpi ne, %sign3A_3606, %sign3A_3613 : i32
        %rem3A_3615 = arith.remsi %reduce_sum3A_3573, %jit3A_3598 : i32
        %ne3A_3616 = arith.constant 0 : i32
        %ne3A_3617 = arith.cmpi ne, %rem3A_3615, %ne3A_3616 : i32
        %and3A_3618 = arith.andi %ne3A_3614, %ne3A_3617 : i1
        %sub3A_3619 = arith.constant 1 : i32
        %sub3A_3620 = arith.subi %div3A_3599, %sub3A_3619 : i32
        %select_n3A_3621 = arith.select %and3A_3618, %sub3A_3620, %div3A_3599 : i32
        %jit3A_3622 = arith.constant 256 : i32
        %eq3A_3623 = arith.constant 0 : i32
        %eq3A_3624 = arith.cmpi eq, %jit3A_3622, %eq3A_3623 : i32
        %jit3A_3625 = arith.constant 1 : i32
        %select_n3A_3626 = arith.select %eq3A_3624, %jit3A_3625, %jit3A_3622 : i32
        %rem3A_3627 = arith.remsi %select_n3A_3621, %select_n3A_3626 : i32
        %ne3A_3628 = arith.constant 0 : i32
        %ne3A_3629 = arith.cmpi ne, %rem3A_3627, %ne3A_3628 : i32
        %lt3A_3630 = arith.constant 0 : i32
        %lt3A_3631 = arith.cmpi slt, %rem3A_3627, %lt3A_3630 : i32
        %lt3A_3632 = arith.constant 0 : i32
        %lt3A_3633 = arith.cmpi slt, %select_n3A_3626, %lt3A_3632 : i32
        %ne3A_3634 = arith.xori %lt3A_3631, %lt3A_3633 : i1
        %and3A_3635 = arith.andi %ne3A_3634, %ne3A_3629 : i1
        %add3A_3636 = arith.addi %rem3A_3627, %select_n3A_3626 : i32
        %select_n3A_3637 = arith.select %and3A_3635, %add3A_3636, %rem3A_3627 : i32
        %jit3A_3638 = arith.constant 256 : i32
        %eq3A_3639 = arith.constant 0 : i32
        %eq3A_3640 = arith.cmpi eq, %jit3A_3638, %eq3A_3639 : i32
        %jit3A_3641 = arith.constant 1 : i32
        %select_n3A_3642 = arith.select %eq3A_3640, %jit3A_3641, %jit3A_3638 : i32
        %rem3A_3643 = arith.remsi %reduce_sum3A_3573, %select_n3A_3642 : i32
        %ne3A_3644 = arith.constant 0 : i32
        %ne3A_3645 = arith.cmpi ne, %rem3A_3643, %ne3A_3644 : i32
        %lt3A_3646 = arith.constant 0 : i32
        %lt3A_3647 = arith.cmpi slt, %rem3A_3643, %lt3A_3646 : i32
        %lt3A_3648 = arith.constant 0 : i32
        %lt3A_3649 = arith.cmpi slt, %select_n3A_3642, %lt3A_3648 : i32
        %ne3A_3650 = arith.xori %lt3A_3647, %lt3A_3649 : i1
        %and3A_3651 = arith.andi %ne3A_3650, %ne3A_3645 : i1
        %add3A_3652 = arith.addi %rem3A_3643, %select_n3A_3642 : i32
        %select_n3A_3653 = arith.select %and3A_3651, %add3A_3652, %rem3A_3643 : i32
        %reduce_sum3A_3654 = vector.shape_cast %broadcast_in_dim3A_3148 : vector<1x1xf32> to vector<1x1x1xf32>
        %reduce_sum3A_3655 = arith.constant dense<0.000000e+00> : vector<1xf32>
        %reduce_sum3A_3656 = vector.multi_reduction <add>, %reduce_sum3A_3654, %reduce_sum3A_3655 [1, 2] : vector<1x1x1xf32> to vector<1xf32>
        %reduce_sum3A_3657 = vector.shape_cast %reduce_sum3A_3656 : vector<1xf32> to vector<1x1x1xf32>
        %reduce_sum3A_3658 = vector.extract %reduce_sum3A_3657[0, 0, 0] : f32 from vector<1x1x1xf32>
        %reduce_sum3A_3659 = vector.shape_cast %broadcast_in_dim3A_3159 : vector<1x1xi32> to vector<1x1x1xi32>
        %reduce_sum3A_3660 = arith.constant dense<0> : vector<1xi32>
        %reduce_sum3A_3661 = vector.multi_reduction <add>, %reduce_sum3A_3659, %reduce_sum3A_3660 [1, 2] : vector<1x1x1xi32> to vector<1xi32>
        %reduce_sum3A_3662 = vector.shape_cast %reduce_sum3A_3661 : vector<1xi32> to vector<1x1x1xi32>
        %reduce_sum3A_3663 = vector.extract %reduce_sum3A_3662[0, 0, 0] : i32 from vector<1x1x1xi32>
        %jit3A_3664 = arith.constant 65536 : i32
        %div3A_3665 = arith.divsi %reduce_sum3A_3663, %jit3A_3664 : i32
        %sign3A_3666 = arith.constant 0 : i32
        %sign3A_3667 = arith.cmpi sgt, %reduce_sum3A_3663, %sign3A_3666 : i32
        %sign3A_3668 = arith.extui %sign3A_3667 : i1 to i32
        %sign3A_3669 = arith.constant 0 : i32
        %sign3A_3670 = arith.cmpi slt, %reduce_sum3A_3663, %sign3A_3669 : i32
        %sign3A_3671 = arith.extui %sign3A_3670 : i1 to i32
        %sign3A_3672 = arith.subi %sign3A_3668, %sign3A_3671 : i32
        %sign3A_3673 = arith.constant 0 : i32
        %sign3A_3674 = arith.cmpi sgt, %jit3A_3664, %sign3A_3673 : i32
        %sign3A_3675 = arith.extui %sign3A_3674 : i1 to i32
        %sign3A_3676 = arith.constant 0 : i32
        %sign3A_3677 = arith.cmpi slt, %jit3A_3664, %sign3A_3676 : i32
        %sign3A_3678 = arith.extui %sign3A_3677 : i1 to i32
        %sign3A_3679 = arith.subi %sign3A_3675, %sign3A_3678 : i32
        %ne3A_3680 = arith.cmpi ne, %sign3A_3672, %sign3A_3679 : i32
        %rem3A_3681 = arith.remsi %reduce_sum3A_3663, %jit3A_3664 : i32
        %ne3A_3682 = arith.constant 0 : i32
        %ne3A_3683 = arith.cmpi ne, %rem3A_3681, %ne3A_3682 : i32
        %and3A_3684 = arith.andi %ne3A_3680, %ne3A_3683 : i1
        %sub3A_3685 = arith.constant 1 : i32
        %sub3A_3686 = arith.subi %div3A_3665, %sub3A_3685 : i32
        %select_n3A_3687 = arith.select %and3A_3684, %sub3A_3686, %div3A_3665 : i32
        %jit3A_3688 = arith.constant 256 : i32
        %div3A_3689 = arith.divsi %reduce_sum3A_3663, %jit3A_3688 : i32
        %sign3A_3690 = arith.constant 0 : i32
        %sign3A_3691 = arith.cmpi sgt, %reduce_sum3A_3663, %sign3A_3690 : i32
        %sign3A_3692 = arith.extui %sign3A_3691 : i1 to i32
        %sign3A_3693 = arith.constant 0 : i32
        %sign3A_3694 = arith.cmpi slt, %reduce_sum3A_3663, %sign3A_3693 : i32
        %sign3A_3695 = arith.extui %sign3A_3694 : i1 to i32
        %sign3A_3696 = arith.subi %sign3A_3692, %sign3A_3695 : i32
        %sign3A_3697 = arith.constant 0 : i32
        %sign3A_3698 = arith.cmpi sgt, %jit3A_3688, %sign3A_3697 : i32
        %sign3A_3699 = arith.extui %sign3A_3698 : i1 to i32
        %sign3A_3700 = arith.constant 0 : i32
        %sign3A_3701 = arith.cmpi slt, %jit3A_3688, %sign3A_3700 : i32
        %sign3A_3702 = arith.extui %sign3A_3701 : i1 to i32
        %sign3A_3703 = arith.subi %sign3A_3699, %sign3A_3702 : i32
        %ne3A_3704 = arith.cmpi ne, %sign3A_3696, %sign3A_3703 : i32
        %rem3A_3705 = arith.remsi %reduce_sum3A_3663, %jit3A_3688 : i32
        %ne3A_3706 = arith.constant 0 : i32
        %ne3A_3707 = arith.cmpi ne, %rem3A_3705, %ne3A_3706 : i32
        %and3A_3708 = arith.andi %ne3A_3704, %ne3A_3707 : i1
        %sub3A_3709 = arith.constant 1 : i32
        %sub3A_3710 = arith.subi %div3A_3689, %sub3A_3709 : i32
        %select_n3A_3711 = arith.select %and3A_3708, %sub3A_3710, %div3A_3689 : i32
        %jit3A_3712 = arith.constant 256 : i32
        %eq3A_3713 = arith.constant 0 : i32
        %eq3A_3714 = arith.cmpi eq, %jit3A_3712, %eq3A_3713 : i32
        %jit3A_3715 = arith.constant 1 : i32
        %select_n3A_3716 = arith.select %eq3A_3714, %jit3A_3715, %jit3A_3712 : i32
        %rem3A_3717 = arith.remsi %select_n3A_3711, %select_n3A_3716 : i32
        %ne3A_3718 = arith.constant 0 : i32
        %ne3A_3719 = arith.cmpi ne, %rem3A_3717, %ne3A_3718 : i32
        %lt3A_3720 = arith.constant 0 : i32
        %lt3A_3721 = arith.cmpi slt, %rem3A_3717, %lt3A_3720 : i32
        %lt3A_3722 = arith.constant 0 : i32
        %lt3A_3723 = arith.cmpi slt, %select_n3A_3716, %lt3A_3722 : i32
        %ne3A_3724 = arith.xori %lt3A_3721, %lt3A_3723 : i1
        %and3A_3725 = arith.andi %ne3A_3724, %ne3A_3719 : i1
        %add3A_3726 = arith.addi %rem3A_3717, %select_n3A_3716 : i32
        %select_n3A_3727 = arith.select %and3A_3725, %add3A_3726, %rem3A_3717 : i32
        %jit3A_3728 = arith.constant 256 : i32
        %eq3A_3729 = arith.constant 0 : i32
        %eq3A_3730 = arith.cmpi eq, %jit3A_3728, %eq3A_3729 : i32
        %jit3A_3731 = arith.constant 1 : i32
        %select_n3A_3732 = arith.select %eq3A_3730, %jit3A_3731, %jit3A_3728 : i32
        %rem3A_3733 = arith.remsi %reduce_sum3A_3663, %select_n3A_3732 : i32
        %ne3A_3734 = arith.constant 0 : i32
        %ne3A_3735 = arith.cmpi ne, %rem3A_3733, %ne3A_3734 : i32
        %lt3A_3736 = arith.constant 0 : i32
        %lt3A_3737 = arith.cmpi slt, %rem3A_3733, %lt3A_3736 : i32
        %lt3A_3738 = arith.constant 0 : i32
        %lt3A_3739 = arith.cmpi slt, %select_n3A_3732, %lt3A_3738 : i32
        %ne3A_3740 = arith.xori %lt3A_3737, %lt3A_3739 : i1
        %and3A_3741 = arith.andi %ne3A_3740, %ne3A_3735 : i1
        %add3A_3742 = arith.addi %rem3A_3733, %select_n3A_3732 : i32
        %select_n3A_3743 = arith.select %and3A_3741, %add3A_3742, %rem3A_3733 : i32
        %reduce_sum3A_3744 = vector.shape_cast %broadcast_in_dim3A_3170 : vector<1x1xf32> to vector<1x1x1xf32>
        %reduce_sum3A_3745 = arith.constant dense<0.000000e+00> : vector<1xf32>
        %reduce_sum3A_3746 = vector.multi_reduction <add>, %reduce_sum3A_3744, %reduce_sum3A_3745 [1, 2] : vector<1x1x1xf32> to vector<1xf32>
        %reduce_sum3A_3747 = vector.shape_cast %reduce_sum3A_3746 : vector<1xf32> to vector<1x1x1xf32>
        %reduce_sum3A_3748 = vector.extract %reduce_sum3A_3747[0, 0, 0] : f32 from vector<1x1x1xf32>
        %reduce_sum3A_3749 = vector.shape_cast %broadcast_in_dim3A_3181 : vector<1x1xi32> to vector<1x1x1xi32>
        %reduce_sum3A_3750 = arith.constant dense<0> : vector<1xi32>
        %reduce_sum3A_3751 = vector.multi_reduction <add>, %reduce_sum3A_3749, %reduce_sum3A_3750 [1, 2] : vector<1x1x1xi32> to vector<1xi32>
        %reduce_sum3A_3752 = vector.shape_cast %reduce_sum3A_3751 : vector<1xi32> to vector<1x1x1xi32>
        %reduce_sum3A_3753 = vector.extract %reduce_sum3A_3752[0, 0, 0] : i32 from vector<1x1x1xi32>
        %jit3A_3754 = arith.constant 65536 : i32
        %div3A_3755 = arith.divsi %reduce_sum3A_3753, %jit3A_3754 : i32
        %sign3A_3756 = arith.constant 0 : i32
        %sign3A_3757 = arith.cmpi sgt, %reduce_sum3A_3753, %sign3A_3756 : i32
        %sign3A_3758 = arith.extui %sign3A_3757 : i1 to i32
        %sign3A_3759 = arith.constant 0 : i32
        %sign3A_3760 = arith.cmpi slt, %reduce_sum3A_3753, %sign3A_3759 : i32
        %sign3A_3761 = arith.extui %sign3A_3760 : i1 to i32
        %sign3A_3762 = arith.subi %sign3A_3758, %sign3A_3761 : i32
        %sign3A_3763 = arith.constant 0 : i32
        %sign3A_3764 = arith.cmpi sgt, %jit3A_3754, %sign3A_3763 : i32
        %sign3A_3765 = arith.extui %sign3A_3764 : i1 to i32
        %sign3A_3766 = arith.constant 0 : i32
        %sign3A_3767 = arith.cmpi slt, %jit3A_3754, %sign3A_3766 : i32
        %sign3A_3768 = arith.extui %sign3A_3767 : i1 to i32
        %sign3A_3769 = arith.subi %sign3A_3765, %sign3A_3768 : i32
        %ne3A_3770 = arith.cmpi ne, %sign3A_3762, %sign3A_3769 : i32
        %rem3A_3771 = arith.remsi %reduce_sum3A_3753, %jit3A_3754 : i32
        %ne3A_3772 = arith.constant 0 : i32
        %ne3A_3773 = arith.cmpi ne, %rem3A_3771, %ne3A_3772 : i32
        %and3A_3774 = arith.andi %ne3A_3770, %ne3A_3773 : i1
        %sub3A_3775 = arith.constant 1 : i32
        %sub3A_3776 = arith.subi %div3A_3755, %sub3A_3775 : i32
        %select_n3A_3777 = arith.select %and3A_3774, %sub3A_3776, %div3A_3755 : i32
        %jit3A_3778 = arith.constant 256 : i32
        %div3A_3779 = arith.divsi %reduce_sum3A_3753, %jit3A_3778 : i32
        %sign3A_3780 = arith.constant 0 : i32
        %sign3A_3781 = arith.cmpi sgt, %reduce_sum3A_3753, %sign3A_3780 : i32
        %sign3A_3782 = arith.extui %sign3A_3781 : i1 to i32
        %sign3A_3783 = arith.constant 0 : i32
        %sign3A_3784 = arith.cmpi slt, %reduce_sum3A_3753, %sign3A_3783 : i32
        %sign3A_3785 = arith.extui %sign3A_3784 : i1 to i32
        %sign3A_3786 = arith.subi %sign3A_3782, %sign3A_3785 : i32
        %sign3A_3787 = arith.constant 0 : i32
        %sign3A_3788 = arith.cmpi sgt, %jit3A_3778, %sign3A_3787 : i32
        %sign3A_3789 = arith.extui %sign3A_3788 : i1 to i32
        %sign3A_3790 = arith.constant 0 : i32
        %sign3A_3791 = arith.cmpi slt, %jit3A_3778, %sign3A_3790 : i32
        %sign3A_3792 = arith.extui %sign3A_3791 : i1 to i32
        %sign3A_3793 = arith.subi %sign3A_3789, %sign3A_3792 : i32
        %ne3A_3794 = arith.cmpi ne, %sign3A_3786, %sign3A_3793 : i32
        %rem3A_3795 = arith.remsi %reduce_sum3A_3753, %jit3A_3778 : i32
        %ne3A_3796 = arith.constant 0 : i32
        %ne3A_3797 = arith.cmpi ne, %rem3A_3795, %ne3A_3796 : i32
        %and3A_3798 = arith.andi %ne3A_3794, %ne3A_3797 : i1
        %sub3A_3799 = arith.constant 1 : i32
        %sub3A_3800 = arith.subi %div3A_3779, %sub3A_3799 : i32
        %select_n3A_3801 = arith.select %and3A_3798, %sub3A_3800, %div3A_3779 : i32
        %jit3A_3802 = arith.constant 256 : i32
        %eq3A_3803 = arith.constant 0 : i32
        %eq3A_3804 = arith.cmpi eq, %jit3A_3802, %eq3A_3803 : i32
        %jit3A_3805 = arith.constant 1 : i32
        %select_n3A_3806 = arith.select %eq3A_3804, %jit3A_3805, %jit3A_3802 : i32
        %rem3A_3807 = arith.remsi %select_n3A_3801, %select_n3A_3806 : i32
        %ne3A_3808 = arith.constant 0 : i32
        %ne3A_3809 = arith.cmpi ne, %rem3A_3807, %ne3A_3808 : i32
        %lt3A_3810 = arith.constant 0 : i32
        %lt3A_3811 = arith.cmpi slt, %rem3A_3807, %lt3A_3810 : i32
        %lt3A_3812 = arith.constant 0 : i32
        %lt3A_3813 = arith.cmpi slt, %select_n3A_3806, %lt3A_3812 : i32
        %ne3A_3814 = arith.xori %lt3A_3811, %lt3A_3813 : i1
        %and3A_3815 = arith.andi %ne3A_3814, %ne3A_3809 : i1
        %add3A_3816 = arith.addi %rem3A_3807, %select_n3A_3806 : i32
        %select_n3A_3817 = arith.select %and3A_3815, %add3A_3816, %rem3A_3807 : i32
        %jit3A_3818 = arith.constant 256 : i32
        %eq3A_3819 = arith.constant 0 : i32
        %eq3A_3820 = arith.cmpi eq, %jit3A_3818, %eq3A_3819 : i32
        %jit3A_3821 = arith.constant 1 : i32
        %select_n3A_3822 = arith.select %eq3A_3820, %jit3A_3821, %jit3A_3818 : i32
        %rem3A_3823 = arith.remsi %reduce_sum3A_3753, %select_n3A_3822 : i32
        %ne3A_3824 = arith.constant 0 : i32
        %ne3A_3825 = arith.cmpi ne, %rem3A_3823, %ne3A_3824 : i32
        %lt3A_3826 = arith.constant 0 : i32
        %lt3A_3827 = arith.cmpi slt, %rem3A_3823, %lt3A_3826 : i32
        %lt3A_3828 = arith.constant 0 : i32
        %lt3A_3829 = arith.cmpi slt, %select_n3A_3822, %lt3A_3828 : i32
        %ne3A_3830 = arith.xori %lt3A_3827, %lt3A_3829 : i1
        %and3A_3831 = arith.andi %ne3A_3830, %ne3A_3825 : i1
        %add3A_3832 = arith.addi %rem3A_3823, %select_n3A_3822 : i32
        %select_n3A_3833 = arith.select %and3A_3831, %add3A_3832, %rem3A_3823 : i32
        %reduce_sum3A_3834 = vector.shape_cast %broadcast_in_dim3A_3192 : vector<1x1xf32> to vector<1x1x1xf32>
        %reduce_sum3A_3835 = arith.constant dense<0.000000e+00> : vector<1xf32>
        %reduce_sum3A_3836 = vector.multi_reduction <add>, %reduce_sum3A_3834, %reduce_sum3A_3835 [1, 2] : vector<1x1x1xf32> to vector<1xf32>
        %reduce_sum3A_3837 = vector.shape_cast %reduce_sum3A_3836 : vector<1xf32> to vector<1x1x1xf32>
        %reduce_sum3A_3838 = vector.extract %reduce_sum3A_3837[0, 0, 0] : f32 from vector<1x1x1xf32>
        %reduce_sum3A_3839 = vector.shape_cast %broadcast_in_dim3A_3203 : vector<1x1xi32> to vector<1x1x1xi32>
        %reduce_sum3A_3840 = arith.constant dense<0> : vector<1xi32>
        %reduce_sum3A_3841 = vector.multi_reduction <add>, %reduce_sum3A_3839, %reduce_sum3A_3840 [1, 2] : vector<1x1x1xi32> to vector<1xi32>
        %reduce_sum3A_3842 = vector.shape_cast %reduce_sum3A_3841 : vector<1xi32> to vector<1x1x1xi32>
        %reduce_sum3A_3843 = vector.extract %reduce_sum3A_3842[0, 0, 0] : i32 from vector<1x1x1xi32>
        %jit3A_3844 = arith.constant 65536 : i32
        %div3A_3845 = arith.divsi %reduce_sum3A_3843, %jit3A_3844 : i32
        %sign3A_3846 = arith.constant 0 : i32
        %sign3A_3847 = arith.cmpi sgt, %reduce_sum3A_3843, %sign3A_3846 : i32
        %sign3A_3848 = arith.extui %sign3A_3847 : i1 to i32
        %sign3A_3849 = arith.constant 0 : i32
        %sign3A_3850 = arith.cmpi slt, %reduce_sum3A_3843, %sign3A_3849 : i32
        %sign3A_3851 = arith.extui %sign3A_3850 : i1 to i32
        %sign3A_3852 = arith.subi %sign3A_3848, %sign3A_3851 : i32
        %sign3A_3853 = arith.constant 0 : i32
        %sign3A_3854 = arith.cmpi sgt, %jit3A_3844, %sign3A_3853 : i32
        %sign3A_3855 = arith.extui %sign3A_3854 : i1 to i32
        %sign3A_3856 = arith.constant 0 : i32
        %sign3A_3857 = arith.cmpi slt, %jit3A_3844, %sign3A_3856 : i32
        %sign3A_3858 = arith.extui %sign3A_3857 : i1 to i32
        %sign3A_3859 = arith.subi %sign3A_3855, %sign3A_3858 : i32
        %ne3A_3860 = arith.cmpi ne, %sign3A_3852, %sign3A_3859 : i32
        %rem3A_3861 = arith.remsi %reduce_sum3A_3843, %jit3A_3844 : i32
        %ne3A_3862 = arith.constant 0 : i32
        %ne3A_3863 = arith.cmpi ne, %rem3A_3861, %ne3A_3862 : i32
        %and3A_3864 = arith.andi %ne3A_3860, %ne3A_3863 : i1
        %sub3A_3865 = arith.constant 1 : i32
        %sub3A_3866 = arith.subi %div3A_3845, %sub3A_3865 : i32
        %select_n3A_3867 = arith.select %and3A_3864, %sub3A_3866, %div3A_3845 : i32
        %jit3A_3868 = arith.constant 256 : i32
        %div3A_3869 = arith.divsi %reduce_sum3A_3843, %jit3A_3868 : i32
        %sign3A_3870 = arith.constant 0 : i32
        %sign3A_3871 = arith.cmpi sgt, %reduce_sum3A_3843, %sign3A_3870 : i32
        %sign3A_3872 = arith.extui %sign3A_3871 : i1 to i32
        %sign3A_3873 = arith.constant 0 : i32
        %sign3A_3874 = arith.cmpi slt, %reduce_sum3A_3843, %sign3A_3873 : i32
        %sign3A_3875 = arith.extui %sign3A_3874 : i1 to i32
        %sign3A_3876 = arith.subi %sign3A_3872, %sign3A_3875 : i32
        %sign3A_3877 = arith.constant 0 : i32
        %sign3A_3878 = arith.cmpi sgt, %jit3A_3868, %sign3A_3877 : i32
        %sign3A_3879 = arith.extui %sign3A_3878 : i1 to i32
        %sign3A_3880 = arith.constant 0 : i32
        %sign3A_3881 = arith.cmpi slt, %jit3A_3868, %sign3A_3880 : i32
        %sign3A_3882 = arith.extui %sign3A_3881 : i1 to i32
        %sign3A_3883 = arith.subi %sign3A_3879, %sign3A_3882 : i32
        %ne3A_3884 = arith.cmpi ne, %sign3A_3876, %sign3A_3883 : i32
        %rem3A_3885 = arith.remsi %reduce_sum3A_3843, %jit3A_3868 : i32
        %ne3A_3886 = arith.constant 0 : i32
        %ne3A_3887 = arith.cmpi ne, %rem3A_3885, %ne3A_3886 : i32
        %and3A_3888 = arith.andi %ne3A_3884, %ne3A_3887 : i1
        %sub3A_3889 = arith.constant 1 : i32
        %sub3A_3890 = arith.subi %div3A_3869, %sub3A_3889 : i32
        %select_n3A_3891 = arith.select %and3A_3888, %sub3A_3890, %div3A_3869 : i32
        %jit3A_3892 = arith.constant 256 : i32
        %eq3A_3893 = arith.constant 0 : i32
        %eq3A_3894 = arith.cmpi eq, %jit3A_3892, %eq3A_3893 : i32
        %jit3A_3895 = arith.constant 1 : i32
        %select_n3A_3896 = arith.select %eq3A_3894, %jit3A_3895, %jit3A_3892 : i32
        %rem3A_3897 = arith.remsi %select_n3A_3891, %select_n3A_3896 : i32
        %ne3A_3898 = arith.constant 0 : i32
        %ne3A_3899 = arith.cmpi ne, %rem3A_3897, %ne3A_3898 : i32
        %lt3A_3900 = arith.constant 0 : i32
        %lt3A_3901 = arith.cmpi slt, %rem3A_3897, %lt3A_3900 : i32
        %lt3A_3902 = arith.constant 0 : i32
        %lt3A_3903 = arith.cmpi slt, %select_n3A_3896, %lt3A_3902 : i32
        %ne3A_3904 = arith.xori %lt3A_3901, %lt3A_3903 : i1
        %and3A_3905 = arith.andi %ne3A_3904, %ne3A_3899 : i1
        %add3A_3906 = arith.addi %rem3A_3897, %select_n3A_3896 : i32
        %select_n3A_3907 = arith.select %and3A_3905, %add3A_3906, %rem3A_3897 : i32
        %jit3A_3908 = arith.constant 256 : i32
        %eq3A_3909 = arith.constant 0 : i32
        %eq3A_3910 = arith.cmpi eq, %jit3A_3908, %eq3A_3909 : i32
        %jit3A_3911 = arith.constant 1 : i32
        %select_n3A_3912 = arith.select %eq3A_3910, %jit3A_3911, %jit3A_3908 : i32
        %rem3A_3913 = arith.remsi %reduce_sum3A_3843, %select_n3A_3912 : i32
        %ne3A_3914 = arith.constant 0 : i32
        %ne3A_3915 = arith.cmpi ne, %rem3A_3913, %ne3A_3914 : i32
        %lt3A_3916 = arith.constant 0 : i32
        %lt3A_3917 = arith.cmpi slt, %rem3A_3913, %lt3A_3916 : i32
        %lt3A_3918 = arith.constant 0 : i32
        %lt3A_3919 = arith.cmpi slt, %select_n3A_3912, %lt3A_3918 : i32
        %ne3A_3920 = arith.xori %lt3A_3917, %lt3A_3919 : i1
        %and3A_3921 = arith.andi %ne3A_3920, %ne3A_3915 : i1
        %add3A_3922 = arith.addi %rem3A_3913, %select_n3A_3912 : i32
        %select_n3A_3923 = arith.select %and3A_3921, %add3A_3922, %rem3A_3913 : i32
        %broadcast_in_dim3A_3924 = arith.constant 0 : i32
        %broadcast_in_dim3A_3925 = vector.broadcast %broadcast_in_dim3A_3924 : i32 to vector<1x128xi32>
        %broadcast_in_dim3A_3926 = arith.constant 0 : i32
        %broadcast_in_dim3A_3927 = vector.broadcast %broadcast_in_dim3A_3926 : i32 to vector<1x128xi32>
        %broadcast_in_dim3A_3928 = arith.constant 0 : i32
        %broadcast_in_dim3A_3929 = vector.broadcast %broadcast_in_dim3A_3928 : i32 to vector<1x128xi32>
        %eq3A_3930 = arith.constant 0 : i32
        %eq3A_3931 = vector.broadcast %eq3A_3930 : i32 to vector<1x128xi32>
        %eq3A_3932 = arith.cmpi eq, %iota3A, %eq3A_3931 : vector<1x128xi32>
        %broadcast_in_dim3A_3933 = vector.broadcast %select_n3A_3237 : i32 to vector<1x128xi32>
        %select_n3A_3934 = arith.select %eq3A_3932, %broadcast_in_dim3A_3933, %broadcast_in_dim3A_3925 : vector<1x128xi1>, vector<1x128xi32>
        %eq3A_3935 = arith.constant 0 : i32
        %eq3A_3936 = vector.broadcast %eq3A_3935 : i32 to vector<1x128xi32>
        %eq3A_3937 = arith.cmpi eq, %iota3A, %eq3A_3936 : vector<1x128xi32>
        %broadcast_in_dim3A_3938 = vector.broadcast %select_n3A_3277 : i32 to vector<1x128xi32>
        %select_n3A_3939 = arith.select %eq3A_3937, %broadcast_in_dim3A_3938, %broadcast_in_dim3A_3927 : vector<1x128xi1>, vector<1x128xi32>
        %eq3A_3940 = arith.constant 0 : i32
        %eq3A_3941 = vector.broadcast %eq3A_3940 : i32 to vector<1x128xi32>
        %eq3A_3942 = arith.cmpi eq, %iota3A, %eq3A_3941 : vector<1x128xi32>
        %broadcast_in_dim3A_3943 = vector.broadcast %select_n3A_3293 : i32 to vector<1x128xi32>
        %select_n3A_3944 = arith.select %eq3A_3942, %broadcast_in_dim3A_3943, %broadcast_in_dim3A_3929 : vector<1x128xi1>, vector<1x128xi32>
        %eq3A_3945 = arith.constant 1 : i32
        %eq3A_3946 = vector.broadcast %eq3A_3945 : i32 to vector<1x128xi32>
        %eq3A_3947 = arith.cmpi eq, %iota3A, %eq3A_3946 : vector<1x128xi32>
        %broadcast_in_dim3A_3948 = vector.broadcast %select_n3A_3327 : i32 to vector<1x128xi32>
        %select_n3A_3949 = arith.select %eq3A_3947, %broadcast_in_dim3A_3948, %select_n3A_3934 : vector<1x128xi1>, vector<1x128xi32>
        %eq3A_3950 = arith.constant 1 : i32
        %eq3A_3951 = vector.broadcast %eq3A_3950 : i32 to vector<1x128xi32>
        %eq3A_3952 = arith.cmpi eq, %iota3A, %eq3A_3951 : vector<1x128xi32>
        %broadcast_in_dim3A_3953 = vector.broadcast %select_n3A_3367 : i32 to vector<1x128xi32>
        %select_n3A_3954 = arith.select %eq3A_3952, %broadcast_in_dim3A_3953, %select_n3A_3939 : vector<1x128xi1>, vector<1x128xi32>
        %eq3A_3955 = arith.constant 1 : i32
        %eq3A_3956 = vector.broadcast %eq3A_3955 : i32 to vector<1x128xi32>
        %eq3A_3957 = arith.cmpi eq, %iota3A, %eq3A_3956 : vector<1x128xi32>
        %broadcast_in_dim3A_3958 = vector.broadcast %select_n3A_3383 : i32 to vector<1x128xi32>
        %select_n3A_3959 = arith.select %eq3A_3957, %broadcast_in_dim3A_3958, %select_n3A_3944 : vector<1x128xi1>, vector<1x128xi32>
        %eq3A_3960 = arith.constant 2 : i32
        %eq3A_3961 = vector.broadcast %eq3A_3960 : i32 to vector<1x128xi32>
        %eq3A_3962 = arith.cmpi eq, %iota3A, %eq3A_3961 : vector<1x128xi32>
        %broadcast_in_dim3A_3963 = vector.broadcast %select_n3A_3417 : i32 to vector<1x128xi32>
        %select_n3A_3964 = arith.select %eq3A_3962, %broadcast_in_dim3A_3963, %select_n3A_3949 : vector<1x128xi1>, vector<1x128xi32>
        %eq3A_3965 = arith.constant 2 : i32
        %eq3A_3966 = vector.broadcast %eq3A_3965 : i32 to vector<1x128xi32>
        %eq3A_3967 = arith.cmpi eq, %iota3A, %eq3A_3966 : vector<1x128xi32>
        %broadcast_in_dim3A_3968 = vector.broadcast %select_n3A_3457 : i32 to vector<1x128xi32>
        %select_n3A_3969 = arith.select %eq3A_3967, %broadcast_in_dim3A_3968, %select_n3A_3954 : vector<1x128xi1>, vector<1x128xi32>
        %eq3A_3970 = arith.constant 2 : i32
        %eq3A_3971 = vector.broadcast %eq3A_3970 : i32 to vector<1x128xi32>
        %eq3A_3972 = arith.cmpi eq, %iota3A, %eq3A_3971 : vector<1x128xi32>
        %broadcast_in_dim3A_3973 = vector.broadcast %select_n3A_3473 : i32 to vector<1x128xi32>
        %select_n3A_3974 = arith.select %eq3A_3972, %broadcast_in_dim3A_3973, %select_n3A_3959 : vector<1x128xi1>, vector<1x128xi32>
        %eq3A_3975 = arith.constant 3 : i32
        %eq3A_3976 = vector.broadcast %eq3A_3975 : i32 to vector<1x128xi32>
        %eq3A_3977 = arith.cmpi eq, %iota3A, %eq3A_3976 : vector<1x128xi32>
        %broadcast_in_dim3A_3978 = vector.broadcast %select_n3A_3507 : i32 to vector<1x128xi32>
        %select_n3A_3979 = arith.select %eq3A_3977, %broadcast_in_dim3A_3978, %select_n3A_3964 : vector<1x128xi1>, vector<1x128xi32>
        %eq3A_3980 = arith.constant 3 : i32
        %eq3A_3981 = vector.broadcast %eq3A_3980 : i32 to vector<1x128xi32>
        %eq3A_3982 = arith.cmpi eq, %iota3A, %eq3A_3981 : vector<1x128xi32>
        %broadcast_in_dim3A_3983 = vector.broadcast %select_n3A_3547 : i32 to vector<1x128xi32>
        %select_n3A_3984 = arith.select %eq3A_3982, %broadcast_in_dim3A_3983, %select_n3A_3969 : vector<1x128xi1>, vector<1x128xi32>
        %eq3A_3985 = arith.constant 3 : i32
        %eq3A_3986 = vector.broadcast %eq3A_3985 : i32 to vector<1x128xi32>
        %eq3A_3987 = arith.cmpi eq, %iota3A, %eq3A_3986 : vector<1x128xi32>
        %broadcast_in_dim3A_3988 = vector.broadcast %select_n3A_3563 : i32 to vector<1x128xi32>
        %select_n3A_3989 = arith.select %eq3A_3987, %broadcast_in_dim3A_3988, %select_n3A_3974 : vector<1x128xi1>, vector<1x128xi32>
        %eq3A_3990 = arith.constant 4 : i32
        %eq3A_3991 = vector.broadcast %eq3A_3990 : i32 to vector<1x128xi32>
        %eq3A_3992 = arith.cmpi eq, %iota3A, %eq3A_3991 : vector<1x128xi32>
        %broadcast_in_dim3A_3993 = vector.broadcast %select_n3A_3597 : i32 to vector<1x128xi32>
        %select_n3A_3994 = arith.select %eq3A_3992, %broadcast_in_dim3A_3993, %select_n3A_3979 : vector<1x128xi1>, vector<1x128xi32>
        %eq3A_3995 = arith.constant 4 : i32
        %eq3A_3996 = vector.broadcast %eq3A_3995 : i32 to vector<1x128xi32>
        %eq3A_3997 = arith.cmpi eq, %iota3A, %eq3A_3996 : vector<1x128xi32>
        %broadcast_in_dim3A_3998 = vector.broadcast %select_n3A_3637 : i32 to vector<1x128xi32>
        %select_n3A_3999 = arith.select %eq3A_3997, %broadcast_in_dim3A_3998, %select_n3A_3984 : vector<1x128xi1>, vector<1x128xi32>
        %eq3A_4000 = arith.constant 4 : i32
        %eq3A_4001 = vector.broadcast %eq3A_4000 : i32 to vector<1x128xi32>
        %eq3A_4002 = arith.cmpi eq, %iota3A, %eq3A_4001 : vector<1x128xi32>
        %broadcast_in_dim3A_4003 = vector.broadcast %select_n3A_3653 : i32 to vector<1x128xi32>
        %select_n3A_4004 = arith.select %eq3A_4002, %broadcast_in_dim3A_4003, %select_n3A_3989 : vector<1x128xi1>, vector<1x128xi32>
        %eq3A_4005 = arith.constant 5 : i32
        %eq3A_4006 = vector.broadcast %eq3A_4005 : i32 to vector<1x128xi32>
        %eq3A_4007 = arith.cmpi eq, %iota3A, %eq3A_4006 : vector<1x128xi32>
        %broadcast_in_dim3A_4008 = vector.broadcast %select_n3A_3687 : i32 to vector<1x128xi32>
        %select_n3A_4009 = arith.select %eq3A_4007, %broadcast_in_dim3A_4008, %select_n3A_3994 : vector<1x128xi1>, vector<1x128xi32>
        %eq3A_4010 = arith.constant 5 : i32
        %eq3A_4011 = vector.broadcast %eq3A_4010 : i32 to vector<1x128xi32>
        %eq3A_4012 = arith.cmpi eq, %iota3A, %eq3A_4011 : vector<1x128xi32>
        %broadcast_in_dim3A_4013 = vector.broadcast %select_n3A_3727 : i32 to vector<1x128xi32>
        %select_n3A_4014 = arith.select %eq3A_4012, %broadcast_in_dim3A_4013, %select_n3A_3999 : vector<1x128xi1>, vector<1x128xi32>
        %eq3A_4015 = arith.constant 5 : i32
        %eq3A_4016 = vector.broadcast %eq3A_4015 : i32 to vector<1x128xi32>
        %eq3A_4017 = arith.cmpi eq, %iota3A, %eq3A_4016 : vector<1x128xi32>
        %broadcast_in_dim3A_4018 = vector.broadcast %select_n3A_3743 : i32 to vector<1x128xi32>
        %select_n3A_4019 = arith.select %eq3A_4017, %broadcast_in_dim3A_4018, %select_n3A_4004 : vector<1x128xi1>, vector<1x128xi32>
        %eq3A_4020 = arith.constant 6 : i32
        %eq3A_4021 = vector.broadcast %eq3A_4020 : i32 to vector<1x128xi32>
        %eq3A_4022 = arith.cmpi eq, %iota3A, %eq3A_4021 : vector<1x128xi32>
        %broadcast_in_dim3A_4023 = vector.broadcast %select_n3A_3777 : i32 to vector<1x128xi32>
        %select_n3A_4024 = arith.select %eq3A_4022, %broadcast_in_dim3A_4023, %select_n3A_4009 : vector<1x128xi1>, vector<1x128xi32>
        %eq3A_4025 = arith.constant 6 : i32
        %eq3A_4026 = vector.broadcast %eq3A_4025 : i32 to vector<1x128xi32>
        %eq3A_4027 = arith.cmpi eq, %iota3A, %eq3A_4026 : vector<1x128xi32>
        %broadcast_in_dim3A_4028 = vector.broadcast %select_n3A_3817 : i32 to vector<1x128xi32>
        %select_n3A_4029 = arith.select %eq3A_4027, %broadcast_in_dim3A_4028, %select_n3A_4014 : vector<1x128xi1>, vector<1x128xi32>
        %eq3A_4030 = arith.constant 6 : i32
        %eq3A_4031 = vector.broadcast %eq3A_4030 : i32 to vector<1x128xi32>
        %eq3A_4032 = arith.cmpi eq, %iota3A, %eq3A_4031 : vector<1x128xi32>
        %broadcast_in_dim3A_4033 = vector.broadcast %select_n3A_3833 : i32 to vector<1x128xi32>
        %select_n3A_4034 = arith.select %eq3A_4032, %broadcast_in_dim3A_4033, %select_n3A_4019 : vector<1x128xi1>, vector<1x128xi32>
        %eq3A_4035 = arith.constant 7 : i32
        %eq3A_4036 = vector.broadcast %eq3A_4035 : i32 to vector<1x128xi32>
        %eq3A_4037 = arith.cmpi eq, %iota3A, %eq3A_4036 : vector<1x128xi32>
        %broadcast_in_dim3A_4038 = vector.broadcast %select_n3A_3867 : i32 to vector<1x128xi32>
        %select_n3A_4039 = arith.select %eq3A_4037, %broadcast_in_dim3A_4038, %select_n3A_4024 : vector<1x128xi1>, vector<1x128xi32>
        %eq3A_4040 = arith.constant 7 : i32
        %eq3A_4041 = vector.broadcast %eq3A_4040 : i32 to vector<1x128xi32>
        %eq3A_4042 = arith.cmpi eq, %iota3A, %eq3A_4041 : vector<1x128xi32>
        %broadcast_in_dim3A_4043 = vector.broadcast %select_n3A_3907 : i32 to vector<1x128xi32>
        %select_n3A_4044 = arith.select %eq3A_4042, %broadcast_in_dim3A_4043, %select_n3A_4029 : vector<1x128xi1>, vector<1x128xi32>
        %eq3A_4045 = arith.constant 7 : i32
        %eq3A_4046 = vector.broadcast %eq3A_4045 : i32 to vector<1x128xi32>
        %eq3A_4047 = arith.cmpi eq, %iota3A, %eq3A_4046 : vector<1x128xi32>
        %broadcast_in_dim3A_4048 = vector.broadcast %select_n3A_3923 : i32 to vector<1x128xi32>
        %select_n3A_4049 = arith.select %eq3A_4047, %broadcast_in_dim3A_4048, %select_n3A_4034 : vector<1x128xi1>, vector<1x128xi32>
        %swap3A_4050 = arith.index_cast %arg0 : i32 to index
        %swap3A_4051 = arith.constant 0 : index
        %swap3A_4052 = vector.load %arg5[%swap3A_4050, %swap3A_4051] : memref<512x128xi32, #tpu.memory_space<vmem>>, vector<1x128xi32>
        tpu.vector_store %arg5[%swap3A_4050, %swap3A_4051], %select_n3A_4039 {strides = array<i32>} : memref<512x128xi32, #tpu.memory_space<vmem>>, vector<1x128xi32>,
        %swap3A_4053 = arith.index_cast %arg0 : i32 to index
        %swap3A_4054 = arith.constant 0 : index
        %swap3A_4055 = vector.load %arg6[%swap3A_4053, %swap3A_4054] : memref<512x128xi32, #tpu.memory_space<vmem>>, vector<1x128xi32>
        tpu.vector_store %arg6[%swap3A_4053, %swap3A_4054], %select_n3A_4044 {strides = array<i32>} : memref<512x128xi32, #tpu.memory_space<vmem>>, vector<1x128xi32>,
        %swap3A_4056 = arith.index_cast %arg0 : i32 to index
        %swap3A_4057 = arith.constant 0 : index
        %swap3A_4058 = vector.load %arg7[%swap3A_4056, %swap3A_4057] : memref<512x128xi32, #tpu.memory_space<vmem>>, vector<1x128xi32>
        tpu.vector_store %arg7[%swap3A_4056, %swap3A_4057], %select_n3A_4049 {strides = array<i32>} : memref<512x128xi32, #tpu.memory_space<vmem>>, vector<1x128xi32>,
        %swap3A_4059 = arith.constant 0 : index
        %swap3A_4060 = memref.load %arg8[%swap3A_4059] : memref<8xf32, #tpu.memory_space<smem>>
        memref.store %reduce_sum3A_3208, %arg8[%swap3A_4059] : memref<8xf32, #tpu.memory_space<smem>>
        %swap3A_4061 = arith.constant 0 : index
        %swap3A_4062 = memref.load %arg9[%swap3A_4061] : memref<8xi32, #tpu.memory_space<smem>>
        memref.store %select_n3A_3277, %arg9[%swap3A_4061] : memref<8xi32, #tpu.memory_space<smem>>
        %swap3A_4063 = arith.constant 0 : index
        %swap3A_4064 = memref.load %arg10[%swap3A_4063] : memref<8xi32, #tpu.memory_space<smem>>
        memref.store %select_n3A_3293, %arg10[%swap3A_4063] : memref<8xi32, #tpu.memory_space<smem>>
        %swap3A_4065 = arith.constant 1 : index
        %swap3A_4066 = memref.load %arg8[%swap3A_4065] : memref<8xf32, #tpu.memory_space<smem>>
        memref.store %reduce_sum3A_3298, %arg8[%swap3A_4065] : memref<8xf32, #tpu.memory_space<smem>>
        %swap3A_4067 = arith.constant 1 : index
        %swap3A_4068 = memref.load %arg9[%swap3A_4067] : memref<8xi32, #tpu.memory_space<smem>>
        memref.store %select_n3A_3367, %arg9[%swap3A_4067] : memref<8xi32, #tpu.memory_space<smem>>
        %swap3A_4069 = arith.constant 1 : index
        %swap3A_4070 = memref.load %arg10[%swap3A_4069] : memref<8xi32, #tpu.memory_space<smem>>
        memref.store %select_n3A_3383, %arg10[%swap3A_4069] : memref<8xi32, #tpu.memory_space<smem>>
        %swap3A_4071 = arith.constant 2 : index
        %swap3A_4072 = memref.load %arg8[%swap3A_4071] : memref<8xf32, #tpu.memory_space<smem>>
        memref.store %reduce_sum3A_3388, %arg8[%swap3A_4071] : memref<8xf32, #tpu.memory_space<smem>>
        %swap3A_4073 = arith.constant 2 : index
        %swap3A_4074 = memref.load %arg9[%swap3A_4073] : memref<8xi32, #tpu.memory_space<smem>>
        memref.store %select_n3A_3457, %arg9[%swap3A_4073] : memref<8xi32, #tpu.memory_space<smem>>
        %swap3A_4075 = arith.constant 2 : index
        %swap3A_4076 = memref.load %arg10[%swap3A_4075] : memref<8xi32, #tpu.memory_space<smem>>
        memref.store %select_n3A_3473, %arg10[%swap3A_4075] : memref<8xi32, #tpu.memory_space<smem>>
        %swap3A_4077 = arith.constant 3 : index
        %swap3A_4078 = memref.load %arg8[%swap3A_4077] : memref<8xf32, #tpu.memory_space<smem>>
        memref.store %reduce_sum3A_3478, %arg8[%swap3A_4077] : memref<8xf32, #tpu.memory_space<smem>>
        %swap3A_4079 = arith.constant 3 : index
        %swap3A_4080 = memref.load %arg9[%swap3A_4079] : memref<8xi32, #tpu.memory_space<smem>>
        memref.store %select_n3A_3547, %arg9[%swap3A_4079] : memref<8xi32, #tpu.memory_space<smem>>
        %swap3A_4081 = arith.constant 3 : index
        %swap3A_4082 = memref.load %arg10[%swap3A_4081] : memref<8xi32, #tpu.memory_space<smem>>
        memref.store %select_n3A_3563, %arg10[%swap3A_4081] : memref<8xi32, #tpu.memory_space<smem>>
        %swap3A_4083 = arith.constant 4 : index
        %swap3A_4084 = memref.load %arg8[%swap3A_4083] : memref<8xf32, #tpu.memory_space<smem>>
        memref.store %reduce_sum3A_3568, %arg8[%swap3A_4083] : memref<8xf32, #tpu.memory_space<smem>>
        %swap3A_4085 = arith.constant 4 : index
        %swap3A_4086 = memref.load %arg9[%swap3A_4085] : memref<8xi32, #tpu.memory_space<smem>>
        memref.store %select_n3A_3637, %arg9[%swap3A_4085] : memref<8xi32, #tpu.memory_space<smem>>
        %swap3A_4087 = arith.constant 4 : index
        %swap3A_4088 = memref.load %arg10[%swap3A_4087] : memref<8xi32, #tpu.memory_space<smem>>
        memref.store %select_n3A_3653, %arg10[%swap3A_4087] : memref<8xi32, #tpu.memory_space<smem>>
        %swap3A_4089 = arith.constant 5 : index
        %swap3A_4090 = memref.load %arg8[%swap3A_4089] : memref<8xf32, #tpu.memory_space<smem>>
        memref.store %reduce_sum3A_3658, %arg8[%swap3A_4089] : memref<8xf32, #tpu.memory_space<smem>>
        %swap3A_4091 = arith.constant 5 : index
        %swap3A_4092 = memref.load %arg9[%swap3A_4091] : memref<8xi32, #tpu.memory_space<smem>>
        memref.store %select_n3A_3727, %arg9[%swap3A_4091] : memref<8xi32, #tpu.memory_space<smem>>
        %swap3A_4093 = arith.constant 5 : index
        %swap3A_4094 = memref.load %arg10[%swap3A_4093] : memref<8xi32, #tpu.memory_space<smem>>
        memref.store %select_n3A_3743, %arg10[%swap3A_4093] : memref<8xi32, #tpu.memory_space<smem>>
        %swap3A_4095 = arith.constant 6 : index
        %swap3A_4096 = memref.load %arg8[%swap3A_4095] : memref<8xf32, #tpu.memory_space<smem>>
        memref.store %reduce_sum3A_3748, %arg8[%swap3A_4095] : memref<8xf32, #tpu.memory_space<smem>>
        %swap3A_4097 = arith.constant 6 : index
        %swap3A_4098 = memref.load %arg9[%swap3A_4097] : memref<8xi32, #tpu.memory_space<smem>>
        memref.store %select_n3A_3817, %arg9[%swap3A_4097] : memref<8xi32, #tpu.memory_space<smem>>
        %swap3A_4099 = arith.constant 6 : index
        %swap3A_4100 = memref.load %arg10[%swap3A_4099] : memref<8xi32, #tpu.memory_space<smem>>
        memref.store %select_n3A_3833, %arg10[%swap3A_4099] : memref<8xi32, #tpu.memory_space<smem>>
        %swap3A_4101 = arith.constant 7 : index
        %swap3A_4102 = memref.load %arg8[%swap3A_4101] : memref<8xf32, #tpu.memory_space<smem>>
        memref.store %reduce_sum3A_3838, %arg8[%swap3A_4101] : memref<8xf32, #tpu.memory_space<smem>>
        %swap3A_4103 = arith.constant 7 : index
        %swap3A_4104 = memref.load %arg9[%swap3A_4103] : memref<8xi32, #tpu.memory_space<smem>>
        memref.store %select_n3A_3907, %arg9[%swap3A_4103] : memref<8xi32, #tpu.memory_space<smem>>
        %swap3A_4105 = arith.constant 7 : index
        %swap3A_4106 = memref.load %arg10[%swap3A_4105] : memref<8xi32, #tpu.memory_space<smem>>
        memref.store %select_n3A_3923, %arg10[%swap3A_4105] : memref<8xi32, #tpu.memory_space<smem>>
      } else {
      }
    } else {
    }
    return
  }
  func.func @transform_0(%arg0: i32, %arg1: memref<512xi32, #tpu.memory_space<smem>>) -> (i32, i32) {
    %c0_i32 = arith.constant 0 : i32
    %c0_i32_0 = arith.constant 0 : i32
    %c0_i32_1 = arith.constant 0 : i32
    return %c0_i32, %c0_i32_0 : i32, i32
  }
  func.func @transform_1(%arg0: i32, %arg1: memref<512xi32, #tpu.memory_space<smem>>) -> (i32, i32) {
    %c0_i32 = arith.constant 0 : i32
    %c0_i32_0 = arith.constant 0 : i32
    %c0_i32_1 = arith.constant 0 : i32
    return %c0_i32, %c0_i32_0 : i32, i32
  }
  func.func @transform_2(%arg0: i32, %arg1: memref<512xi32, #tpu.memory_space<smem>>) -> (i32, i32, i32) {
    %get3A = arith.index_cast %arg0 : i32 to index
    %get3A_0 = memref.load %arg1[%get3A] : memref<512xi32, #tpu.memory_space<smem>>
    %c0_i32 = arith.constant 0 : i32
    %c0_i32_1 = arith.constant 0 : i32
    %c0_i32_2 = arith.constant 0 : i32
    return %get3A_0, %c0_i32, %c0_i32_1 : i32, i32, i32
  }
  func.func @transform_3(%arg0: i32, %arg1: memref<512xi32, #tpu.memory_space<smem>>) -> (i32, i32) {
    %c0_i32 = arith.constant 0 : i32
    %c0_i32_0 = arith.constant 0 : i32
    %c0_i32_1 = arith.constant 0 : i32
    return %c0_i32, %c0_i32_0 : i32, i32
  }
  func.func @transform_4(%arg0: i32, %arg1: memref<512xi32, #tpu.memory_space<smem>>) -> (i32, i32) {
    %c0_i32 = arith.constant 0 : i32
    %c0_i32_0 = arith.constant 0 : i32
    %c0_i32_1 = arith.constant 0 : i32
    return %c0_i32, %c0_i32_0 : i32, i32
  }
  func.func @transform_5(%arg0: i32, %arg1: memref<512xi32, #tpu.memory_space<smem>>) -> (i32, i32) {
    %c0_i32 = arith.constant 0 : i32
    %c0_i32_0 = arith.constant 0 : i32
    %c0_i32_1 = arith.constant 0 : i32
    return %c0_i32, %c0_i32_0 : i32, i32
  }
}

</mosaic_0001>

<sc_bundles>
// kernel: kernel.6.cloned.1.call-start
scs
__scs_entry_jumppad:
0x0: {  	(pc) =	sbr.rel $0x88, $3  }
0x1: {  	(tag) =	ssettag $0x0;
	lr =	simm.s32 $0x1  }
0x2: {  	[smem:$0x3F9A] =	sst lr;
	_ =	strace $0xD0000000  }
0x3: {  	_ = 	snop  }
0x4: {  	_ = 	snop  }
0x5: {  	_ = 	snop  }
0x6: {  	_ = 	snop  }
0x7: {  	_ = 	snop  }
__scs_overlays_trampoline_lowered:
0x8: {  	[smem:$0x3FA9] =	sst s0  }
0x9: {  	[smem:$0x3FAA] =	sst s1  }
0xa: {  	[smem:$0x3FAB] =	sst s2  }
0xb: {  	[smem:$0x3FAC] =	sst s3  }
0xc: {  	[smem:$0x3FAD] =	sst s4  }
0xd: {  	[smem:$0x3FAE] =	sst s5  }
0xe: {  	[smem:$0x3FAF] =	sst s6  }
0xf: {  	[smem:$0x3FB0] =	sst s7  }
0x10: {  	[smem:$0x3FB1] =	sst s8  }
0x11: {  	[smem:$0x3FB2] =	sst s9;
	s0 =	simm.s32 @!p0 $0x0  }
0x12: {  	s1 =	sld [smem:$0x3F98];
	s0 =	simm.s32 @p0 $0x1  }
0x13: {  	[smem:$0x3FB3] =	sst s0;
	s0 =	simm.s32 @!p1 $0x0  }
0x14: {  	s2 =	sld [smem:$0x3F97];
	s0 =	simm.s32 @p1 $0x1  }
0x15: {  	[smem:$0x3FB4] =	sst s0;
	s0 =	simm.s32 @!p2 $0x0  }
0x16: {  	s3 =	sld [smem:$0x3FDB];
	s0 =	simm.s32 @p2 $0x1  }
0x17: {  	s4 =	simm.s32 $0x1BF5;
	[smem:$0x3FB6] =	sst s0  }
0x18: {  	s0 =	sld [smem:$0x3F99];
	_ =	swait.ge [sflag:s4], $0x0  }
0x19: {  	s7 =	sld [smem:$0x3F9A]  }
0x1a: {  	s8 =	sadd.s32 $0xFFFFE003, lr  }
0x1b: {  	s9 =	sadd.s32 $0xFFFFFEF7, lr;
	s5 =	simm.s32 $0xFFFFFFFF;
	p2 =	slt.u32 s8, $0xFFFFF086  }
0x1c: {  	p1 =	slt.u32 s9, $0xF7A;
	s5 =	simm.s32 @!p2 $0x0  }
0x1d: {  	s5 =	simm.s32 @p1 $0x1;
	p0 =	seq.s32 s7, s2  }
0x1e: {  	s7 =	smul.u32 @!p0 $0xF7A, s2;
	p2 =	seq.s32 @!p0 s5, $0x0  }
0x1f: {  	s9 =	smul.u32 $0xF7A, s1;
	s8 =	simm.s32 @!p0 $0x1BF5;
	p2 =	por !p2, p0  }
0x20: {  	[sflag:s8] =	ssyncset.s32 @!p0 $0xFFFFF086;
	s6 =	sadd.s32 @!p0 s3, s7;
	s7 =	simm.s32 @!p0 $0x108  }
0x21: {  	s3 =	sadd.s32 s3, s9;
	s6 =	sadd.s32 @!p0 $0x88, s6;
	s7 =	simm.s32 @p2 $0x1082  }
0x22: {  	[simem:s7], [sflag:s8] =	dma.local @!p0 [hbm:s6], $0xF7A  }
0x23: {  	s9 =	sor.u32 $0xD0000000, s2;
	s6 =	simm.s32 $0x108;
	_ =	swait.ge @!p0 [sflag:s8], $0x0  }
0x24: {  	s3 =	sadd.s32 $0x88, s3;
	s6 =	simm.s32 @!p1 $0x1082;
	[sflag:s4] =	ssyncset.s32 $0xFFFFF086  }
0x25: {  	[simem:s6], [sflag:s4] =	dma.local [hbm:s3], $0xF7A  }
0x26: {  	[smem:$0x3F9A] =	sst s1;
	(tag) =	ssettag s2;
	_ =	strace s9  }
0x27: {  	s1 =	sld [smem:$0x3FAA]  }
0x28: {  	s2 =	sld [smem:$0x3FAB]  }
0x29: {  	s4 =	sld [smem:$0x3FAD]  }
0x2a: {  	p0 =	seq.s32 s5, $0x0;
	s5 =	sld [smem:$0x3FAE]  }
0x2b: {  	s6 =	sld [smem:$0x3FAF]  }
0x2c: {  	s7 =	sld [smem:$0x3FB0]  }
0x2d: {  	s3 =	simm.s32 $0x108;
	s8 =	sld [smem:$0x3FB1]  }
0x2e: {  	s3 =	simm.s32 @!p0 $0x1082;
	s9 =	sld [smem:$0x3FB2]  }
0x2f: {  	lr =	sadd.s32 s0, s3;
	s0 =	sld [smem:$0x3FA9]  }
0x30: {  	s3 =	sld [smem:$0x3FAC]  }
0x31: {  	[smem:$0x3FB5] =	sst s10  }
0x32: {  	s10 =	sld [smem:$0x3FB3];
	_ =	sdelay $0x3  }
0x33: {  	p0 =	seq.s32 s10, $0x1;
	s10 =	sld [smem:$0x3FB5];
	_ =	sdelay $0x3  }
0x34: {  	[smem:$0x3FB5] =	sst s10  }
0x35: {  	s10 =	sld [smem:$0x3FB4];
	_ =	sdelay $0x3  }
0x36: {  	p1 =	seq.s32 s10, $0x1;
	s10 =	sld [smem:$0x3FB5];
	_ =	sdelay $0x3  }
0x37: {  	[smem:$0x3FB5] =	sst s10  }
0x38: {  	s10 =	sld [smem:$0x3FB6]  }
0x39: {  	_ = 	snop;
	(pc) =	sbr.ind lr, $3  }
0x3a: {  	_ = 	snop  }
0x3b: {  	_ = 	snop  }
0x3c: {  	p2 =	seq.s32 s10, $0x1;
	s10 =	sld [smem:$0x3FB5]  }
0x3d: {  	_ =	shalt  }
0x3e: {  	_ =	shalt  }
0x3f: {  	_ =	shalt  }
0x40: {  	_ =	shalt  }
0x41: {  	_ =	shalt  }
0x42: {  	_ =	shalt  }
0x43: {  	_ =	shalt  }
0x44: {  	_ =	shalt  }
0x45: {  	_ =	shalt  }
0x46: {  	_ =	shalt  }
0x47: {  	_ =	shalt  }
0x48: {  	_ =	shalt  }
0x49: {  	_ =	shalt  }
0x4a: {  	_ =	shalt  }
0x4b: {  	_ =	shalt  }
0x4c: {  	_ =	shalt  }
0x4d: {  	_ =	shalt  }
0x4e: {  	_ =	shalt  }
0x4f: {  	_ =	shalt  }
0x50: {  	_ =	shalt  }
0x51: {  	_ =	shalt  }
0x52: {  	_ =	shalt  }
0x53: {  	_ =	shalt  }
0x54: {  	_ =	shalt  }
0x55: {  	_ =	shalt  }
0x56: {  	_ =	shalt  }
0x57: {  	_ =	shalt  }
0x58: {  	_ =	shalt  }
0x59: {  	_ =	shalt  }
0x5a: {  	_ =	shalt  }
0x5b: {  	_ =	shalt  }
0x5c: {  	_ =	shalt  }
0x5d: {  	_ =	shalt  }
0x5e: {  	_ =	shalt  }
0x5f: {  	_ =	shalt  }
0x60: {  	_ =	shalt  }
0x61: {  	_ =	shalt  }
0x62: {  	_ =	shalt  }
0x63: {  	_ =	shalt  }
0x64: {  	_ =	shalt  }
0x65: {  	_ =	shalt  }
0x66: {  	_ =	shalt  }
0x67: {  	_ =	shalt  }
0x68: {  	_ =	shalt  }
0x69: {  	_ =	shalt  }
0x6a: {  	_ =	shalt  }
0x6b: {  	_ =	shalt  }
0x6c: {  	_ =	shalt  }
0x6d: {  	_ =	shalt  }
0x6e: {  	_ =	shalt  }
0x6f: {  	_ =	shalt  }
0x70: {  	_ =	shalt  }
0x71: {  	_ =	shalt  }
0x72: {  	_ =	shalt  }
0x73: {  	_ =	shalt  }
0x74: {  	_ =	shalt  }
0x75: {  	_ =	shalt  }
0x76: {  	_ =	shalt  }
0x77: {  	_ =	shalt  }
0x78: {  	_ =	shalt  }
0x79: {  	_ =	shalt  }
0x7a: {  	_ =	shalt  }
0x7b: {  	_ =	shalt  }
0x7c: {  	_ =	shalt  }
0x7d: {  	_ =	shalt  }
0x7e: {  	_ =	shalt  }
0x7f: {  	_ =	shalt  }
0x80: {  	_ =	shalt  }
0x81: {  	_ =	shalt  }
0x82: {  	_ =	shalt  }
0x83: {  	_ =	shalt  }
0x84: {  	_ =	shalt  }
0x85: {  	_ =	shalt  }
0x86: {  	_ =	shalt  }
0x87: {  	_ =	shalt  }
.Lfunc_end0:
.L_simem_size_0:
called_computation_lowered:
.L_overlay_start_0:
0x88: {  	s2 =	sld [smem:$0x3FD9]  }
0x89: {  	s3 =	sld [smem:$0x3FFE];
	_ =	sdelay $0x1  }
0x8a: {  	s1 =	srdreg.scid  }
0x8b: {  	s0 =	sand.u32 $0x1, s1  }
0x8c: {  	s14 =	sshll.u32 s0, $0xA;
	s2 =	sadd.s32 s3, s2  }
0x8d: {  	s2 =	sadd.s32 s2, s14  }
0x8e: {  	[smem:$0x3FC1] =	sst s2  }
0x8f: {  	_ = 	snop  }
0x90: {  	s2 =	sld [smem:$0x3FD0];
	_ =	sdelay $0x2  }
0x91: {  	s15 =	simm.s32 $0xA;
	s4 =	simm.s32 $0x10  }
0x92: {  	[smem:s4], [sflag:s15] =	dma.local [hbm:s2], $0x1  }
0x93: {  	_ =	swait.eq [sflag:s15], $0x1  }
0x94: {  	[sflag:s15] =	ssyncset.done $0x0  }
0x95: {  	s16 =	sld [smem:$0x10];
	[sflag:s15] =	ssyncadd.s32 $0xFFFFFFFF  }
0x96: {  	s17 =	sld [smem:$0x11];
	(tm) =	ssettm $0x1  }
0x97: {  	s18 =	sld [smem:$0x3FFB];
	_ =	sdelay $0x3  }
0x98: {  	_ =	strace s18  }
0x99: {  	s4 =	sld [smem:$0x3FFC];
	_ =	sdelay $0x3  }
0x9a: {  	_ =	strace s4  }
0x9b: {  	s4 =	sld [smem:$0x3FFD];
	_ =	sdelay $0x3  }
0x9c: {  	_ =	strace s4  }
0x9d: {  	_ =	strace $0x8FFFFFFF  }
0x9e: {  	s19 =	sld [smem:$0x3FDB];
	_ =	sdelay $0x1  }
0x9f: {  	s5 =	simm.s32 $_scs_section_size  }
0xa0: {  	s6 =	simm.s32 $_size__tile_overlayer_lowered;
	s7 =	simm.s32 $_tile_overlayer_lowered  }
0xa1: {  	s22 =	simm.s32 $0x1BFF;
	s21 =	sshll.u32 s7, $0x1;
	s4 =	sadd.s32 s5, s19  }
0xa2: {  	s8 =	simm.s32 $0x0;
	s20 =	sshll.u32 s6, $0x1;
	s6 =	sadd.s32 s21, s4  }
0xa3: {  	[timem:s8], [sflag:s22] =	dma.local [hbm:s6], s20  }
0xa4: {  	_ =	swait.ge [sflag:s22], s20  }
0xa5: {  	s5 =	ssub.s32 $0x0, s20;
	[sflag:s22] =	ssyncset.done $0x0  }
0xa6: {  	[sflag:s22] =	ssyncadd.s32 s5;
	_ =	sdelay $0x1  }
0xa7: {  	s23 =	simm.s32 $0x1B8B  }
0xa8: {  	_ =	swait.ge [sflag:s23], $0x1  }
0xa9: {  	[sflag:s23] =	ssyncset.done $0x0  }
0xaa: {  	s25 =	simm.s32 $0x1B8E;
	s24 =	sld [smem:$0x3FFE];
	[sflag:s23] =	ssyncadd.s32 $0xFFFFFFFF  }
0xab: {  	s26 =	simm.s32 $execute0_lowered;
	[smem:$0x3FD2] =	sst s25  }
0xac: {  	s6 =	sshll.u32 s26, $0x1;
	_ =	strace $0x80000046;
	[dreg:$0x1] =	wrdreg $0xFFFFFFFF  }
0xad: {  	s28 =	simm.s32 $_size_execute0_lowered;
	s4 =	sadd.s32 s4, s6;
	[dreg:$0x0] =	wrdreg $0x0  }
0xae: {  	s6 =	sshll.u32 s28, $0x1;
	[dreg:$0x2] =	wrdreg s4  }
0xaf: {  	[dreg:$0x3] =	wrdreg s6  }
0xb0: {  	[dreg:$0x4] =	wrdreg $0xC0  }
0xb1: {  	_ =	task [dreg:s8], $0x5FFFF  }
0xb2: {  	[dreg:$0x1] =	wrdreg $0xFFFFFFFF  }
0xb3: {  	[dreg:$0x0] =	wrdreg $0x60  }
0xb4: {  	[dreg:$0x2] =	wrdreg s24  }
0xb5: {  	[dreg:$0x3] =	wrdreg s17  }
0xb6: {  	[dreg:$0x4] =	wrdreg s16  }
0xb7: {  	[dreg:$0x5] =	wrdreg $0x9  }
0xb8: {  	_ =	task.clear_ibuf [dreg:s8], $0x6FFFF;
	_ =	strace $0x90000046  }
0xb9: {  	s29 =	simm.s32 $0x9;
	_ =	strace $0x80000048  }
0xba: {  	_ =	swait.ge [sflag:s29], $0x1  }
0xbb: {  	[sflag:s29] =	ssyncadd.s32 $0xFFFFFFFF  }
0xbc: {  	_ =	strace $0x90000048  }
0xbd: {  	_ =	sfence  }
0xbe: {  	s30 =	sld [smem:$0x0];
	_ =	sdelay $0x2  }
0xbf: {  	s31 =	sshll.u32 s1, $0xD;
	s1 =	sshrl.u32 s1, $0x2  }
0xc0: {  	s3 =	sand.u32 $0x4000, s31;
	s1 =	sadd.s32 s1, s30  }
0xc1: {  	s0 =	sor.u32 s3, s0;
	s1 =	sshll.u32 s1, $0x11  }
0xc2: {  	s0 =	sor.u32 s1, s0  }
0xc3: {  	s0 =	sadd.s32 $0x8F2B, s0  }
0xc4: {  	[sflag:s0] =	ssyncadd.remote.s32 $0x1  }
0xc5: {  	_ =	sfence.sel $0xFFFF  }
0xc6: {  	[dreg:$0x0] =	wrdreg $0xFFFFFFFF;
	(pc) =	sbr.abs _section_cstart, $3  }
0xc7: {  	[dreg:$0x1] =	wrdreg $0xFFFFFFFF  }
0xc8: {  	_ =	task.clear_ibuf [dreg:s8], $0x2FFFF;
	_ =	strace $0x9FFFFFFF  }
0xc9: {  	(tm) =	ssettm $0x7FFFFFFF  }
tec
execute0_lowered:
.L_overlay_start_1:
0x0: {  	(tag) =	ssettag $0x1  }
0x1: {  	s0 =	srdreg.scid  }
0x2: {  	s4 =	sand.u32 $0x1, s0;
	s0 =	stileid.u32  }
0x3: {  	s5 =	sshll.u32 s0, $0x1;
	s7 =	ssub.s32 $0x0, s4  }
0x4: {  	p0 =	sne.s32 s5, s7  }
.Ltmp0:
0x5: {  	_ = 	snop;
	(pc) =	sbr.rel @p0 .LBB2_5-.Ltmp0, $4  }
0x6: {  	s6 =	rddreg [dreg:$0x0]  }
0x7: {  	s2 =	rddreg [dreg:$0x1]  }
0x8: {  	s3 =	rddreg [dreg:$0x2]  }
0x9: {  	s1 =	rddreg [dreg:$0x3];
	_ =	strace $0x80000047  }
0xa: {  	v0 =	vimm.s32 $0x76543210  }
0xb: {  	s7 =	ssub.s32 $0x2, s4;
	s4 =	sadd.s32 $0x1200, s6;
	v0 =	vunpack.c.l.s4.s8 v0  }
0xc: {  	s5 =	sadd.s32 $0x1400, s6;
	s6 =	sadd.s32 $0x1600, s6;
	s9 =	simm.s32 $0x1  }
0xd: {  	s10 =	simm.s32 $0x1080;
	s11 =	simm.s32 $0x2100;
	s8 =	sshrl.u32 s7, $0x1;
	v0 =	vunpack.c.0.s8.s32 v0  }
0xe: {  	vm0 =	vcmask $0x2300;
	s12 =	simm.s32 $0x3180;
	s13 =	simm.s32 $0x5180;
	s7 =	ssub.s32 s7, s8  }
0xf: {  	s14 =	simm.s32 $0x0;
	s8 =	simm.s32 $0x0;
	s7 =	smax.u32 s7, $0x1;
	v0 =	vnsel vm0, $0x0, v0;
	vm0 =	vmmov $0xff  }
.LBB2_2:
0x10: {  	[tilespmem:s8], [sflag:$0x1] =	stream.linear.gather [hbm4b:s4+s8], $0x1000, $0x38;
	[tilespmem:$0x7180] =	vst v63  }
0x11: {  	_ =	swait.ge [sflag:s9], $0x1000  }
0x12: {  	[sflag:s9] =	ssyncset.done $0x0  }
0x13: {  	[sflag:s9] =	ssyncadd.s32 $0xFFFFF000  }
0x14: {  	[tilespmem:s10], [sflag:$0x1] =	stream.linear.gather [hbm4b:s5+s8], $0x1000, $0x38;
	[tilespmem:$0x7180] =	vst v63  }
0x15: {  	_ =	swait.ge [sflag:s9], $0x1000  }
0x16: {  	[sflag:s9] =	ssyncset.done $0x0  }
0x17: {  	[sflag:s9] =	ssyncadd.s32 $0xFFFFF000  }
0x18: {  	[tilespmem:s11], [sflag:$0x1] =	stream.linear.gather [hbm4b:s6+s8], $0x1000, $0x38;
	[tilespmem:$0x7180] =	vst v63  }
0x19: {  	_ =	swait.ge [sflag:s9], $0x1000  }
0x1a: {  	[sflag:s9] =	ssyncset.done $0x0  }
0x1b: {  	s17 =	simm.s32 $0x2078;
	[sflag:s9] =	ssyncadd.s32 $0xFFFFF000  }
0x1c: {  	s19 =	simm.s32 $0x30F8;
	v1 =	vld [tilespmem:s17+$0x0]  }
0x1d: {  	v2 =	vld [tilespmem:s19+$0x0];
	_ =	sdelay $0x2  }
0x1e: {  	s18 =	simm.s32 $0xFF8;
	v3 =	vand.u32 $0xF, v0  }
0x1f: {  	v4 =	vld [tilespmem:s18+$0x0];
	v1 =	vperm.xlane v1, v3  }
0x20: {  	s15 =	simm.s32 $0x5170;
	v2 =	vperm.xlane v2, v3  }
0x21: {  	s16 =	simm.s32 $0x7170;
	[tilespmem:s15+$0x0] =	vst v1  }
0x22: {  	[tilespmem:s16+$0x0] =	vst v2  }
0x23: {  	v1 =	vld [tilespmem:s17+$0xFFFFFFF8]  }
0x24: {  	v2 =	vperm.xlane v4, v3;
	v3 =	vld [tilespmem:s19+$0xFFFFFFF8];
	_ =	sdelay $0x1  }
0x25: {  	v2 =	vnsel vm0, $0x0, v2  }
0x26: {  	v2 =	vand.u32 $0xF, v2  }
0x27: {  	v4 =	vld [tilespmem:s18+$0xFFFFFFF8];
	v1 =	vperm.xlane v1, v2  }
0x28: {  	v3 =	vperm.xlane v3, v2  }
0x29: {  	[tilespmem:s15+$0xFFFFFFF0] =	vst v1  }
0x2a: {  	[tilespmem:s16+$0xFFFFFFF0] =	vst v3  }
0x2b: {  	v1 =	vld [tilespmem:s17+$0xFFFFFFF0]  }
0x2c: {  	v2 =	vperm.xlane v4, v2;
	v3 =	vld [tilespmem:s19+$0xFFFFFFF0];
	_ =	sdelay $0x1  }
0x2d: {  	v2 =	vnsel vm0, $0x0, v2  }
0x2e: {  	v2 =	vand.u32 $0xF, v2  }
0x2f: {  	v4 =	vld [tilespmem:s18+$0xFFFFFFF0];
	v1 =	vperm.xlane v1, v2  }
0x30: {  	v3 =	vperm.xlane v3, v2  }
0x31: {  	[tilespmem:s15+$0xFFFFFFE0] =	vst v1  }
0x32: {  	[tilespmem:s16+$0xFFFFFFE0] =	vst v3  }
0x33: {  	v1 =	vld [tilespmem:s17+$0xFFFFFFE8]  }
0x34: {  	v2 =	vperm.xlane v4, v2;
	v3 =	vld [tilespmem:s19+$0xFFFFFFE8];
	_ =	sdelay $0x1  }
0x35: {  	v2 =	vnsel vm0, $0x0, v2  }
0x36: {  	v2 =	vand.u32 $0xF, v2  }
0x37: {  	v4 =	vld [tilespmem:s18+$0xFFFFFFE8];
	v1 =	vperm.xlane v1, v2  }
0x38: {  	v3 =	vperm.xlane v3, v2  }
0x39: {  	[tilespmem:s15+$0xFFFFFFD0] =	vst v1  }
0x3a: {  	[tilespmem:s16+$0xFFFFFFD0] =	vst v3  }
0x3b: {  	v1 =	vld [tilespmem:s17+$0xFFFFFFE0]  }
0x3c: {  	v2 =	vperm.xlane v4, v2;
	v3 =	vld [tilespmem:s19+$0xFFFFFFE0];
	_ =	sdelay $0x1  }
0x3d: {  	v2 =	vnsel vm0, $0x0, v2  }
0x3e: {  	v2 =	vand.u32 $0xF, v2  }
0x3f: {  	v4 =	vld [tilespmem:s18+$0xFFFFFFE0];
	v1 =	vperm.xlane v1, v2  }
0x40: {  	v3 =	vperm.xlane v3, v2  }
0x41: {  	[tilespmem:s15+$0xFFFFFFC0] =	vst v1  }
0x42: {  	[tilespmem:s16+$0xFFFFFFC0] =	vst v3  }
0x43: {  	v1 =	vld [tilespmem:s17+$0xFFFFFFD8]  }
0x44: {  	v2 =	vperm.xlane v4, v2;
	v3 =	vld [tilespmem:s19+$0xFFFFFFD8];
	_ =	sdelay $0x1  }
0x45: {  	v2 =	vnsel vm0, $0x0, v2  }
0x46: {  	v2 =	vand.u32 $0xF, v2  }
0x47: {  	v4 =	vld [tilespmem:s18+$0xFFFFFFD8];
	v1 =	vperm.xlane v1, v2  }
0x48: {  	v3 =	vperm.xlane v3, v2  }
0x49: {  	[tilespmem:s15+$0xFFFFFFB0] =	vst v1  }
0x4a: {  	[tilespmem:s16+$0xFFFFFFB0] =	vst v3  }
0x4b: {  	v1 =	vld [tilespmem:s17+$0xFFFFFFD0]  }
0x4c: {  	v2 =	vperm.xlane v4, v2;
	v3 =	vld [tilespmem:s19+$0xFFFFFFD0];
	_ =	sdelay $0x1  }
0x4d: {  	v2 =	vnsel vm0, $0x0, v2  }
0x4e: {  	v2 =	vand.u32 $0xF, v2  }
0x4f: {  	v1 =	vperm.xlane v1, v2  }
0x50: {  	v4 =	vld [tilespmem:s18+$0xFFFFFFD0];
	v3 =	vperm.xlane v3, v2  }
0x51: {  	[tilespmem:s15+$0xFFFFFFA0] =	vst v1  }
0x52: {  	[tilespmem:s16+$0xFFFFFFA0] =	vst v3  }
0x53: {  	v1 =	vld [tilespmem:s19+$0xFFFFFFC8]  }
0x54: {  	v3 =	vld [tilespmem:s17+$0xFFFFFFC8]  }
0x55: {  	v2 =	vperm.xlane v4, v2;
	v4 =	vld [tilespmem:s18+$0xFFFFFFC8];
	_ =	sdelay $0x1  }
0x56: {  	v2 =	vnsel vm0, $0x0, v2  }
0x57: {  	v5 =	vand.u32 $0xF, v2  }
0x58: {  	s20 =	simm.s32 $0xFB8;
	s21 =	simm.s32 $0x7170;
	v2 =	vperm.xlane v3, v5  }
0x59: {  	s17 =	simm.s32 $0x0;
	s18 =	simm.s32 $0x2038;
	s19 =	simm.s32 $0x30B8;
	v1 =	vperm.xlane v1, v5;
	v3 =	vperm.xlane v4, v5  }
.LBB2_3:
0x5a: {  	s17 =	sadd.s32 $0x8, s17;
	[tilespmem:s15+$0xFFFFFF90] =	vst v2;
	s15 =	sadd.s32 $0xFFFFFF80, s15;
	s16 =	sadd.s32 $0xFFFFFF80, s16  }
0x5b: {  	p0 =	slt.u32 s17, $0x1F8;
	[tilespmem:s21+$0xFFFFFF90] =	vst v1;
	v1 =	vnsel vm0, $0x0, v3;
	s21 =	smov.u32 s16  }
0x5c: {  	v2 =	vld [tilespmem:s18+$0x0]  }
0x5d: {  	v3 =	vld [tilespmem:s19+$0x0];
	_ =	sdelay $0x2  }
0x5e: {  	v1 =	vand.u32 $0xF, v1  }
0x5f: {  	v4 =	vld [tilespmem:s20+$0x0];
	v2 =	vperm.xlane v2, v1  }
0x60: {  	v3 =	vperm.xlane v3, v1  }
0x61: {  	[tilespmem:s15+$0x0] =	vst v2  }
0x62: {  	[tilespmem:s16+$0x0] =	vst v3  }
0x63: {  	v2 =	vld [tilespmem:s18+$0xFFFFFFF8]  }
0x64: {  	v1 =	vperm.xlane v4, v1;
	v3 =	vld [tilespmem:s19+$0xFFFFFFF8];
	_ =	sdelay $0x1  }
0x65: {  	v1 =	vnsel vm0, $0x0, v1  }
0x66: {  	v1 =	vand.u32 $0xF, v1  }
0x67: {  	v4 =	vld [tilespmem:s20+$0xFFFFFFF8];
	v2 =	vperm.xlane v2, v1  }
0x68: {  	v3 =	vperm.xlane v3, v1  }
0x69: {  	[tilespmem:s15+$0xFFFFFFF0] =	vst v2  }
0x6a: {  	[tilespmem:s16+$0xFFFFFFF0] =	vst v3  }
0x6b: {  	v2 =	vld [tilespmem:s18+$0xFFFFFFF0]  }
0x6c: {  	v1 =	vperm.xlane v4, v1;
	v3 =	vld [tilespmem:s19+$0xFFFFFFF0];
	_ =	sdelay $0x1  }
0x6d: {  	v1 =	vnsel vm0, $0x0, v1  }
0x6e: {  	v1 =	vand.u32 $0xF, v1  }
0x6f: {  	v4 =	vld [tilespmem:s20+$0xFFFFFFF0];
	v2 =	vperm.xlane v2, v1  }
0x70: {  	v3 =	vperm.xlane v3, v1  }
0x71: {  	[tilespmem:s15+$0xFFFFFFE0] =	vst v2  }
0x72: {  	[tilespmem:s16+$0xFFFFFFE0] =	vst v3  }
0x73: {  	v2 =	vld [tilespmem:s18+$0xFFFFFFE8]  }
0x74: {  	v1 =	vperm.xlane v4, v1;
	v3 =	vld [tilespmem:s19+$0xFFFFFFE8];
	_ =	sdelay $0x1  }
0x75: {  	v1 =	vnsel vm0, $0x0, v1  }
0x76: {  	v1 =	vand.u32 $0xF, v1  }
0x77: {  	v4 =	vld [tilespmem:s20+$0xFFFFFFE8];
	v2 =	vperm.xlane v2, v1  }
0x78: {  	v3 =	vperm.xlane v3, v1  }
0x79: {  	[tilespmem:s15+$0xFFFFFFD0] =	vst v2  }
0x7a: {  	[tilespmem:s16+$0xFFFFFFD0] =	vst v3  }
0x7b: {  	v2 =	vld [tilespmem:s18+$0xFFFFFFE0]  }
0x7c: {  	v1 =	vperm.xlane v4, v1;
	v3 =	vld [tilespmem:s19+$0xFFFFFFE0];
	_ =	sdelay $0x1  }
0x7d: {  	v1 =	vnsel vm0, $0x0, v1  }
0x7e: {  	v1 =	vand.u32 $0xF, v1  }
0x7f: {  	v4 =	vld [tilespmem:s20+$0xFFFFFFE0];
	v2 =	vperm.xlane v2, v1  }
0x80: {  	v3 =	vperm.xlane v3, v1  }
0x81: {  	[tilespmem:s15+$0xFFFFFFC0] =	vst v2  }
0x82: {  	[tilespmem:s16+$0xFFFFFFC0] =	vst v3  }
0x83: {  	v2 =	vld [tilespmem:s18+$0xFFFFFFD8]  }
0x84: {  	v1 =	vperm.xlane v4, v1;
	v3 =	vld [tilespmem:s19+$0xFFFFFFD8]  }
0x85: {  	v4 =	vld [tilespmem:s20+$0xFFFFFFD8]  }
0x86: {  	v1 =	vnsel vm0, $0x0, v1  }
0x87: {  	v1 =	vand.u32 $0xF, v1  }
0x88: {  	v2 =	vperm.xlane v2, v1  }
0x89: {  	v3 =	vperm.xlane v3, v1  }
0x8a: {  	[tilespmem:s15+$0xFFFFFFB0] =	vst v2;
	v1 =	vperm.xlane v4, v1  }
0x8b: {  	[tilespmem:s16+$0xFFFFFFB0] =	vst v3  }
0x8c: {  	v1 =	vnsel vm0, $0x0, v1;
	v2 =	vld [tilespmem:s18+$0xFFFFFFD0]  }
0x8d: {  	v3 =	vld [tilespmem:s19+$0xFFFFFFD0]  }
0x8e: {  	v4 =	vld [tilespmem:s20+$0xFFFFFFD0];
	_ =	sdelay $0x1  }
0x8f: {  	v1 =	vand.u32 $0xF, v1  }
0x90: {  	v2 =	vperm.xlane v2, v1  }
0x91: {  	v3 =	vperm.xlane v3, v1  }
0x92: {  	[tilespmem:s15+$0xFFFFFFA0] =	vst v2;
	v1 =	vperm.xlane v4, v1  }
0x93: {  	[tilespmem:s16+$0xFFFFFFA0] =	vst v3  }
0x94: {  	v1 =	vnsel vm0, $0x0, v1;
	v3 =	vld [tilespmem:s19+$0xFFFFFFC8]  }
0x95: {  	v2 =	vld [tilespmem:s18+$0xFFFFFFC8]  }
0x96: {  	v4 =	vld [tilespmem:s20+$0xFFFFFFC8]  }
.Ltmp1:
0x97: {  	(pc) =	sbr.rel @p0 .LBB2_3-.Ltmp1, $4  }
0x98: {  	_ = 	snop  }
0x99: {  	v5 =	vand.u32 $0xF, v1  }
0x9a: {  	v2 =	vperm.xlane v2, v5  }
0x9b: {  	s19 =	sadd.s32 $0xFFFFFFC0, s19;
	s18 =	sadd.s32 $0xFFFFFFC0, s18;
	s20 =	sadd.s32 $0xFFFFFFC0, s20;
	v1 =	vperm.xlane v3, v5;
	v3 =	vperm.xlane v4, v5  }
0x9c: {  	[tilespmem:s15+$0xFFFFFF90] =	vst v2  }
0x9d: {  	[tilespmem:s21+$0xFFFFFF90] =	vst v1  }
0x9e: {  	[hbm4b:s2+s8] =	stream.linear.scatter [tilespmem:s12], [sflag:$0x1], $0x2000, $0x38;
	[tilespmem:$0x7180] =	vst v63  }
0x9f: {  	s14 =	sadd.s32 $0x1, s14;
	_ =	swait.ge [sflag:s9], $0x2000  }
0xa0: {  	p0 =	sne.s32 s14, s7;
	[sflag:s9] =	ssyncset.done $0x0  }
.Ltmp2:
0xa1: {  	[sflag:s9] =	ssyncadd.s32 $0xFFFFE000;
	(pc) =	sbr.rel @p0 .LBB2_2-.Ltmp2, $4  }
0xa2: {  	[hbm4b:s3+s8] =	stream.linear.scatter [tilespmem:s13], [sflag:$0x1], $0x2000, $0x38;
	[tilespmem:$0x7180] =	vst v63  }
0xa3: {  	_ =	swait.ge [sflag:s9], $0x2000  }
0xa4: {  	[sflag:s9] =	ssyncset.done $0x0  }
0xa5: {  	[sflag:s9] =	ssyncadd.s32 $0xFFFFE000  }
.LBB2_5:
0xa6: {  	_ =	sfence.sel $0x180000  }
0xa7: {  	[bflag:$0x0] =	sbarrier.arrive $0xFFFF  }
0xa8: {  	p0 =	sne.s32 s0, $0x0;
	_ =	strace $0x90000047  }
0xa9: {  	s0 =	sadd.s32 @!p0 $0x100000, s1;
	[bflag:$0x2] =	sbarrier.arrive $0xFFFF  }
0xaa: {  	[sflag:s0] =	ssyncadd.tile.s32 @!p0 $0x1;
	_ =	shalt  }
.Lfunc_end2:
_tile_overlayer_lowered:
.L_overlay_start_2:
0xab: {  	(tag) =	ssettag $0x2  }
0xac: {  	s0 =	rddreg [dreg:$0x0];
	s2 =	stileid.u32  }
0xad: {  	s1 =	rddreg [dreg:$0x1];
	p0 =	sne.s32 s2, $0x0  }
0xae: {  	s3 =	rddreg [dreg:$0x2];
	[bflag:$0x3] =	sbarrier.arrive $0xFFFF;
	s2 =	simm.s32 @!p0 $0x1C01  }
0xaf: {  	[timem:s3], [sflag:s2] =	dma.local @!p0 [hbm:s0], s1  }
0xb0: {  	s0 =	simm.s32 @!p0 $0x1  }
0xb1: {  	_ =	swait.ge @!p0 [sflag:s0], s1  }
0xb2: {  	s1 =	ssub.s32 @!p0 $0x0, s1;
	[sflag:s0] =	ssyncset.done @!p0 $0x0  }
0xb3: {  	[sflag:s0] =	ssyncadd.s32 @!p0 s1  }
0xb4: {  	[bflag:$0x3] =	sbarrier.arrive $0xFFFF  }
0xb5: {  	_ =	shalt  }

// kernel: kernel.9.cloned.1.call-start
scs
__scs_entry_jumppad:
0x0: {  	(pc) =	sbr.rel $0x88, $3  }
0x1: {  	(tag) =	ssettag $0x0;
	lr =	simm.s32 $0x1  }
0x2: {  	[smem:$0x3F9A] =	sst lr;
	_ =	strace $0xD0000000  }
0x3: {  	_ = 	snop  }
0x4: {  	_ = 	snop  }
0x5: {  	_ = 	snop  }
0x6: {  	_ = 	snop  }
0x7: {  	_ = 	snop  }
__scs_overlays_trampoline_lowered:
0x8: {  	[smem:$0x3FA9] =	sst s0  }
0x9: {  	[smem:$0x3FAA] =	sst s1  }
0xa: {  	[smem:$0x3FAB] =	sst s2  }
0xb: {  	[smem:$0x3FAC] =	sst s3  }
0xc: {  	[smem:$0x3FAD] =	sst s4  }
0xd: {  	[smem:$0x3FAE] =	sst s5  }
0xe: {  	[smem:$0x3FAF] =	sst s6  }
0xf: {  	[smem:$0x3FB0] =	sst s7  }
0x10: {  	[smem:$0x3FB1] =	sst s8  }
0x11: {  	[smem:$0x3FB2] =	sst s9;
	s0 =	simm.s32 @!p0 $0x0  }
0x12: {  	s1 =	sld [smem:$0x3F98];
	s0 =	simm.s32 @p0 $0x1  }
0x13: {  	[smem:$0x3FB3] =	sst s0;
	s0 =	simm.s32 @!p1 $0x0  }
0x14: {  	s2 =	sld [smem:$0x3F97];
	s0 =	simm.s32 @p1 $0x1  }
0x15: {  	[smem:$0x3FB4] =	sst s0;
	s0 =	simm.s32 @!p2 $0x0  }
0x16: {  	s3 =	sld [smem:$0x3FDB];
	s0 =	simm.s32 @p2 $0x1  }
0x17: {  	s4 =	simm.s32 $0x1BF5;
	[smem:$0x3FB6] =	sst s0  }
0x18: {  	s0 =	sld [smem:$0x3F99];
	_ =	swait.ge [sflag:s4], $0x0  }
0x19: {  	s7 =	sld [smem:$0x3F9A]  }
0x1a: {  	s8 =	sadd.s32 $0xFFFFE003, lr  }
0x1b: {  	s9 =	sadd.s32 $0xFFFFFEF7, lr;
	s5 =	simm.s32 $0xFFFFFFFF;
	p2 =	slt.u32 s8, $0xFFFFF086  }
0x1c: {  	p1 =	slt.u32 s9, $0xF7A;
	s5 =	simm.s32 @!p2 $0x0  }
0x1d: {  	s5 =	simm.s32 @p1 $0x1;
	p0 =	seq.s32 s7, s2  }
0x1e: {  	s7 =	smul.u32 @!p0 $0xF7A, s2;
	p2 =	seq.s32 @!p0 s5, $0x0  }
0x1f: {  	s9 =	smul.u32 $0xF7A, s1;
	s8 =	simm.s32 @!p0 $0x1BF5;
	p2 =	por !p2, p0  }
0x20: {  	[sflag:s8] =	ssyncset.s32 @!p0 $0xFFFFF086;
	s6 =	sadd.s32 @!p0 s3, s7;
	s7 =	simm.s32 @!p0 $0x108  }
0x21: {  	s3 =	sadd.s32 s3, s9;
	s6 =	sadd.s32 @!p0 $0x88, s6;
	s7 =	simm.s32 @p2 $0x1082  }
0x22: {  	[simem:s7], [sflag:s8] =	dma.local @!p0 [hbm:s6], $0xF7A  }
0x23: {  	s9 =	sor.u32 $0xD0000000, s2;
	s6 =	simm.s32 $0x108;
	_ =	swait.ge @!p0 [sflag:s8], $0x0  }
0x24: {  	s3 =	sadd.s32 $0x88, s3;
	s6 =	simm.s32 @!p1 $0x1082;
	[sflag:s4] =	ssyncset.s32 $0xFFFFF086  }
0x25: {  	[simem:s6], [sflag:s4] =	dma.local [hbm:s3], $0xF7A  }
0x26: {  	[smem:$0x3F9A] =	sst s1;
	(tag) =	ssettag s2;
	_ =	strace s9  }
0x27: {  	s1 =	sld [smem:$0x3FAA]  }
0x28: {  	s2 =	sld [smem:$0x3FAB]  }
0x29: {  	s4 =	sld [smem:$0x3FAD]  }
0x2a: {  	p0 =	seq.s32 s5, $0x0;
	s5 =	sld [smem:$0x3FAE]  }
0x2b: {  	s6 =	sld [smem:$0x3FAF]  }
0x2c: {  	s7 =	sld [smem:$0x3FB0]  }
0x2d: {  	s3 =	simm.s32 $0x108;
	s8 =	sld [smem:$0x3FB1]  }
0x2e: {  	s3 =	simm.s32 @!p0 $0x1082;
	s9 =	sld [smem:$0x3FB2]  }
0x2f: {  	lr =	sadd.s32 s0, s3;
	s0 =	sld [smem:$0x3FA9]  }
0x30: {  	s3 =	sld [smem:$0x3FAC]  }
0x31: {  	[smem:$0x3FB5] =	sst s10  }
0x32: {  	s10 =	sld [smem:$0x3FB3];
	_ =	sdelay $0x3  }
0x33: {  	p0 =	seq.s32 s10, $0x1;
	s10 =	sld [smem:$0x3FB5];
	_ =	sdelay $0x3  }
0x34: {  	[smem:$0x3FB5] =	sst s10  }
0x35: {  	s10 =	sld [smem:$0x3FB4];
	_ =	sdelay $0x3  }
0x36: {  	p1 =	seq.s32 s10, $0x1;
	s10 =	sld [smem:$0x3FB5];
	_ =	sdelay $0x3  }
0x37: {  	[smem:$0x3FB5] =	sst s10  }
0x38: {  	s10 =	sld [smem:$0x3FB6]  }
0x39: {  	_ = 	snop;
	(pc) =	sbr.ind lr, $3  }
0x3a: {  	_ = 	snop  }
0x3b: {  	_ = 	snop  }
0x3c: {  	p2 =	seq.s32 s10, $0x1;
	s10 =	sld [smem:$0x3FB5]  }
0x3d: {  	_ =	shalt  }
0x3e: {  	_ =	shalt  }
0x3f: {  	_ =	shalt  }
0x40: {  	_ =	shalt  }
0x41: {  	_ =	shalt  }
0x42: {  	_ =	shalt  }
0x43: {  	_ =	shalt  }
0x44: {  	_ =	shalt  }
0x45: {  	_ =	shalt  }
0x46: {  	_ =	shalt  }
0x47: {  	_ =	shalt  }
0x48: {  	_ =	shalt  }
0x49: {  	_ =	shalt  }
0x4a: {  	_ =	shalt  }
0x4b: {  	_ =	shalt  }
0x4c: {  	_ =	shalt  }
0x4d: {  	_ =	shalt  }
0x4e: {  	_ =	shalt  }
0x4f: {  	_ =	shalt  }
0x50: {  	_ =	shalt  }
0x51: {  	_ =	shalt  }
0x52: {  	_ =	shalt  }
0x53: {  	_ =	shalt  }
0x54: {  	_ =	shalt  }
0x55: {  	_ =	shalt  }
0x56: {  	_ =	shalt  }
0x57: {  	_ =	shalt  }
0x58: {  	_ =	shalt  }
0x59: {  	_ =	shalt  }
0x5a: {  	_ =	shalt  }
0x5b: {  	_ =	shalt  }
0x5c: {  	_ =	shalt  }
0x5d: {  	_ =	shalt  }
0x5e: {  	_ =	shalt  }
0x5f: {  	_ =	shalt  }
0x60: {  	_ =	shalt  }
0x61: {  	_ =	shalt  }
0x62: {  	_ =	shalt  }
0x63: {  	_ =	shalt  }
0x64: {  	_ =	shalt  }
0x65: {  	_ =	shalt  }
0x66: {  	_ =	shalt  }
0x67: {  	_ =	shalt  }
0x68: {  	_ =	shalt  }
0x69: {  	_ =	shalt  }
0x6a: {  	_ =	shalt  }
0x6b: {  	_ =	shalt  }
0x6c: {  	_ =	shalt  }
0x6d: {  	_ =	shalt  }
0x6e: {  	_ =	shalt  }
0x6f: {  	_ =	shalt  }
0x70: {  	_ =	shalt  }
0x71: {  	_ =	shalt  }
0x72: {  	_ =	shalt  }
0x73: {  	_ =	shalt  }
0x74: {  	_ =	shalt  }
0x75: {  	_ =	shalt  }
0x76: {  	_ =	shalt  }
0x77: {  	_ =	shalt  }
0x78: {  	_ =	shalt  }
0x79: {  	_ =	shalt  }
0x7a: {  	_ =	shalt  }
0x7b: {  	_ =	shalt  }
0x7c: {  	_ =	shalt  }
0x7d: {  	_ =	shalt  }
0x7e: {  	_ =	shalt  }
0x7f: {  	_ =	shalt  }
0x80: {  	_ =	shalt  }
0x81: {  	_ =	shalt  }
0x82: {  	_ =	shalt  }
0x83: {  	_ =	shalt  }
0x84: {  	_ =	shalt  }
0x85: {  	_ =	shalt  }
0x86: {  	_ =	shalt  }
0x87: {  	_ =	shalt  }
.Lfunc_end0:
.L_simem_size_0:
called_computation.1_lowered:
.L_overlay_start_0:
0x88: {  	s2 =	sld [smem:$0x3FD9]  }
0x89: {  	s3 =	sld [smem:$0x3FFE];
	_ =	sdelay $0x1  }
0x8a: {  	s1 =	srdreg.scid  }
0x8b: {  	s0 =	sand.u32 $0x1, s1  }
0x8c: {  	s14 =	sshll.u32 s0, $0xA;
	s2 =	sadd.s32 s3, s2  }
0x8d: {  	s2 =	sadd.s32 s2, s14  }
0x8e: {  	[smem:$0x3FC1] =	sst s2  }
0x8f: {  	_ = 	snop  }
0x90: {  	s2 =	sld [smem:$0x3FD0];
	_ =	sdelay $0x2  }
0x91: {  	s4 =	simm.s32 $0xA;
	s5 =	simm.s32 $0x10;
	s15 =	sld [smem:$0x3FC3]  }
0x92: {  	[smem:s5], [sflag:s4] =	dma.local [hbm:s2], $0x1  }
0x93: {  	_ =	swait.eq [sflag:s4], $0x1  }
0x94: {  	[sflag:s4] =	ssyncset.done $0x0  }
0x95: {  	[sflag:s4] =	ssyncadd.s32 $0xFFFFFFFF  }
0x96: {  	s16 =	sld [smem:$0x11];
	(tm) =	ssettm $0x1  }
0x97: {  	s17 =	sld [smem:$0x3FFB];
	_ =	sdelay $0x3  }
0x98: {  	_ =	strace s17  }
0x99: {  	s4 =	sld [smem:$0x3FFC];
	_ =	sdelay $0x3  }
0x9a: {  	_ =	strace s4  }
0x9b: {  	s4 =	sld [smem:$0x3FFD];
	_ =	sdelay $0x3  }
0x9c: {  	_ =	strace s4  }
0x9d: {  	_ =	strace $0x8FFFFFFF  }
0x9e: {  	s18 =	sld [smem:$0x3FDB];
	_ =	sdelay $0x1  }
0x9f: {  	s19 =	simm.s32 $_scs_section_size  }
0xa0: {  	s6 =	simm.s32 $_size__tile_overlayer_lowered;
	s7 =	simm.s32 $_tile_overlayer_lowered  }
0xa1: {  	s22 =	simm.s32 $0x1BFF;
	s21 =	sshll.u32 s7, $0x1;
	s4 =	sadd.s32 s19, s18  }
0xa2: {  	s8 =	simm.s32 $0x0;
	s20 =	sshll.u32 s6, $0x1;
	s6 =	sadd.s32 s21, s4  }
0xa3: {  	[timem:s8], [sflag:s22] =	dma.local [hbm:s6], s20  }
0xa4: {  	_ =	swait.ge [sflag:s22], s20  }
0xa5: {  	s5 =	ssub.s32 $0x0, s20;
	[sflag:s22] =	ssyncset.done $0x0  }
0xa6: {  	[sflag:s22] =	ssyncadd.s32 s5;
	_ =	sdelay $0x1  }
0xa7: {  	s23 =	simm.s32 $0x1B8B  }
0xa8: {  	_ =	swait.ge [sflag:s23], $0x1  }
0xa9: {  	[sflag:s23] =	ssyncset.done $0x0  }
0xaa: {  	s25 =	simm.s32 $0x1B8E;
	s24 =	sld [smem:$0x3FFE];
	[sflag:s23] =	ssyncadd.s32 $0xFFFFFFFF  }
0xab: {  	s26 =	simm.s32 $execute0_lowered;
	[smem:$0x3FD2] =	sst s25  }
0xac: {  	s6 =	sshll.u32 s26, $0x1;
	_ =	strace $0x80000049;
	[dreg:$0x1] =	wrdreg $0xFFFFFFFF  }
0xad: {  	s28 =	simm.s32 $_size_execute0_lowered;
	s4 =	sadd.s32 s4, s6;
	[dreg:$0x0] =	wrdreg $0x0  }
0xae: {  	s6 =	sshll.u32 s28, $0x1;
	[dreg:$0x2] =	wrdreg s4  }
0xaf: {  	[dreg:$0x3] =	wrdreg s6  }
0xb0: {  	[dreg:$0x4] =	wrdreg $0xC0  }
0xb1: {  	_ =	task [dreg:s8], $0x5FFFF  }
0xb2: {  	[dreg:$0x1] =	wrdreg $0xFFFFFFFF  }
0xb3: {  	[dreg:$0x0] =	wrdreg $0x60  }
0xb4: {  	[dreg:$0x2] =	wrdreg s16  }
0xb5: {  	[dreg:$0x3] =	wrdreg s15  }
0xb6: {  	[dreg:$0x4] =	wrdreg s24  }
0xb7: {  	[dreg:$0x5] =	wrdreg $0x9  }
0xb8: {  	_ =	task.clear_ibuf [dreg:s8], $0x6FFFF;
	_ =	strace $0x90000049  }
0xb9: {  	s29 =	simm.s32 $0x9;
	_ =	strace $0x8000004B  }
0xba: {  	_ =	swait.ge [sflag:s29], $0x1  }
0xbb: {  	[sflag:s29] =	ssyncadd.s32 $0xFFFFFFFF  }
0xbc: {  	_ =	strace $0x9000004B  }
0xbd: {  	_ =	sfence  }
0xbe: {  	s30 =	sld [smem:$0x0];
	_ =	sdelay $0x2  }
0xbf: {  	s31 =	sshll.u32 s1, $0xD;
	s1 =	sshrl.u32 s1, $0x2  }
0xc0: {  	s3 =	sand.u32 $0x4000, s31;
	s1 =	sadd.s32 s1, s30  }
0xc1: {  	s0 =	sor.u32 s3, s0;
	s1 =	sshll.u32 s1, $0x11  }
0xc2: {  	s0 =	sor.u32 s1, s0  }
0xc3: {  	s0 =	sadd.s32 $0x8F2B, s0  }
0xc4: {  	[sflag:s0] =	ssyncadd.remote.s32 $0x1  }
0xc5: {  	_ =	sfence.sel $0xFFFF  }
0xc6: {  	[dreg:$0x0] =	wrdreg $0xFFFFFFFF;
	(pc) =	sbr.abs _section_cstart, $3  }
0xc7: {  	[dreg:$0x1] =	wrdreg $0xFFFFFFFF  }
0xc8: {  	_ =	task.clear_ibuf [dreg:s8], $0x2FFFF;
	_ =	strace $0x9FFFFFFF  }
0xc9: {  	(tm) =	ssettm $0x7FFFFFFF  }
tec
execute0_lowered:
.L_overlay_start_1:
0x0: {  	(tag) =	ssettag $0x1  }
0x1: {  	s4 =	rddreg [dreg:$0x0];
	s1 =	srdreg.scid  }
0x2: {  	s2 =	rddreg [dreg:$0x1];
	s0 =	stileid.u32  }
0x3: {  	s8 =	rddreg [dreg:$0x2];
	s3 =	simm.s32 $0x0;
	s6 =	sand.u32 $0x1, s1  }
0x4: {  	s5 =	sshll.u32 s0, $0x9;
	s1 =	rddreg [dreg:$0x3];
	s7 =	sshll.u32 s6, $0x8  }
0x5: {  	[smem:$0x7FF] =	sst s3;
	s9 =	sor.u32 s7, s5  }
0x6: {  	_ =	strace $0x8000004A;
	s10 =	ssub.s32 $0x2, s6;
	s5 =	sshrl.u32 s9, $0x3  }
0x7: {  	s6 =	simm.s32 $0x100;
	s5 =	sadd.s32 s4, s5;
	s4 =	simm.s32 $0x2  }
0x8: {  	[tilespmem:s3], [sflag:$0x2] =	stream.linear.gather [hbm4b:s5+s3], $0x100, $0x38;
	[tilespmem:$0x8100] =	vst v63  }
0x9: {  	s7 =	simm.s32 $0x1;
	s11 =	sshrl.u32 s10, $0x1;
	_ =	swait.ge [sflag:s4], $0x100  }
0xa: {  	s9 =	sshll.u32 s9, $0x4;
	s31 =	ssub.s32 s10, s11;
	[sflag:s4] =	ssyncset.done $0x0  }
0xb: {  	s8 =	sadd.s32 s9, s8;
	s9 =	smax.u32 s31, $0x1;
	[sflag:s4] =	ssyncadd.s32 $0xFFFFFF00  }
0xc: {  	[tilespmem:s6], [sflag:$0x1] =	stream.indirect.gather [hbm4b:s2+s6], $0x80, s3, s6, $0xb8;
	[tilespmem:$0x8100] =	vst v63  }
0xd: {  	p0 =	sne.s32 s9, $0x1;
	_ =	swait.ge [sflag:s7], $0x8000  }
.Ltmp0:
0xe: {  	[sflag:s7] =	ssyncset.done $0x0;
	(pc) =	sbr.rel @!p0 .LBB2_2-.Ltmp0, $4  }
0xf: {  	s8 =	sadd.s32 $0x1200, s8;
	[sflag:s7] =	ssyncadd.s32 $0xFFFF8000  }
0x10: {  	[hbm4b:s8+s3] =	stream.linear.scatter [tilespmem:s6], [sflag:$0x2], $0x8000, $0x38;
	[tilespmem:$0x8100] =	vst v63  }
0x11: {  	_ =	swait.ge [sflag:s4], $0x8000  }
0x12: {  	s9 =	sadd.s32 $0xFFFFFFFF, s9;
	[sflag:s4] =	ssyncset.done $0x0  }
.LBB2_1:
0x13: {  	p0 =	sne.s32 s9, $0x1;
	s9 =	sadd.s32 $0xFFFFFFFF, s9;
	[sflag:s4] =	ssyncadd.s32 $0xFFFF8000  }
0x14: {  	[tilespmem:s3], [sflag:$0x2] =	stream.linear.gather [hbm4b:s5+s3], $0x100, $0x38;
	[tilespmem:$0x8100] =	vst v63  }
0x15: {  	_ =	swait.ge [sflag:s4], $0x100  }
0x16: {  	[sflag:s4] =	ssyncset.done $0x0  }
0x17: {  	[sflag:s4] =	ssyncadd.s32 $0xFFFFFF00  }
0x18: {  	[tilespmem:s6], [sflag:$0x1] =	stream.indirect.gather [hbm4b:s2+s6], $0x80, s3, s6, $0xb8;
	[tilespmem:$0x8100] =	vst v63  }
0x19: {  	_ =	swait.ge [sflag:s7], $0x8000  }
.Ltmp1:
0x1a: {  	[sflag:s7] =	ssyncset.done $0x0;
	(pc) =	sbr.rel @p0 .LBB2_1-.Ltmp1, $4  }
0x1b: {  	[sflag:s7] =	ssyncadd.s32 $0xFFFF8000  }
0x1c: {  	[hbm4b:s8+s3] =	stream.linear.scatter [tilespmem:s6], [sflag:$0x2], $0x8000, $0x38;
	[tilespmem:$0x8100] =	vst v63  }
0x1d: {  	_ =	swait.ge [sflag:s4], $0x8000  }
0x1e: {  	[sflag:s4] =	ssyncset.done $0x0  }
.LBB2_2:
0x1f: {  	[sflag:s4] =	ssyncadd.s32 $0xFFFF8000  }
0x20: {  	_ =	sfence.sel $0x180000  }
0x21: {  	[bflag:$0x0] =	sbarrier.arrive $0xFFFF  }
0x22: {  	p0 =	sne.s32 s0, $0x0;
	_ =	strace $0x9000004A  }
0x23: {  	s0 =	sadd.s32 @!p0 $0x100000, s1;
	[bflag:$0x2] =	sbarrier.arrive $0xFFFF  }
0x24: {  	[sflag:s0] =	ssyncadd.tile.s32 @!p0 $0x1;
	_ =	shalt  }
.Lfunc_end2:
_tile_overlayer_lowered:
.L_overlay_start_2:
0x25: {  	(tag) =	ssettag $0x2  }
0x26: {  	s0 =	rddreg [dreg:$0x0];
	s2 =	stileid.u32  }
0x27: {  	s1 =	rddreg [dreg:$0x1];
	p0 =	sne.s32 s2, $0x0  }
0x28: {  	s3 =	rddreg [dreg:$0x2];
	[bflag:$0x3] =	sbarrier.arrive $0xFFFF;
	s2 =	simm.s32 @!p0 $0x1C02  }
0x29: {  	[timem:s3], [sflag:s2] =	dma.local @!p0 [hbm:s0], s1  }
0x2a: {  	s0 =	simm.s32 @!p0 $0x2  }
0x2b: {  	_ =	swait.ge @!p0 [sflag:s0], s1  }
0x2c: {  	s1 =	ssub.s32 @!p0 $0x0, s1;
	[sflag:s0] =	ssyncset.done @!p0 $0x0  }
0x2d: {  	[sflag:s0] =	ssyncadd.s32 @!p0 s1  }
0x2e: {  	[bflag:$0x3] =	sbarrier.arrive $0xFFFF  }
0x2f: {  	_ =	shalt  }

</sc_bundles>
